<compile_context>
chip_gen: v7x
topology: tpu7x:2x2x1
jax: 0.10.2.dev20260603
libtpu: 0.0.44.dev20260713+nightly
codegen_flags: <defaults>
</compile_context>

<pallas_src>
import functools

import jax
import jax.numpy as jnp
from jax import lax
from jax.experimental import pallas as pl
from jax.experimental.pallas import tpu as pltpu
from jax.experimental.pallas import tpu_sc as plsc

F32 = jnp.float32
NC, NS = 2, 16
NW = NC * NS
BLK = 128
DD = 16

N_S, E_S = 2000, 32000
N_L, E_L = 10000, 320000
NP_S, NP_L = 2048, 10112
KS = 8
KL = 80
NB = 4
K0L, K1L = 80, 80

@functools.lru_cache(maxsize=None)
def _mesh():
    return plsc.VectorSubcoreMesh(core_axis_name="c", subcore_axis_name="s")


def _pad_idx(idx, fill, K, B):
    n = NW * K * B
    idx = idx.astype(jnp.int32)
    pad = jnp.full((n - idx.shape[0],), fill, jnp.int32)
    return jnp.concatenate([idx, pad]).reshape(NW, K, B)


def _pad_idx_split(idx, fill, K0, K1, B):
    kmax = max(K0, K1)
    nA, nB = NS * K0 * B, NS * K1 * B
    idx = idx.astype(jnp.int32)
    pad = jnp.full((nA + nB - idx.shape[0],), fill, jnp.int32)
    idxp = jnp.concatenate([idx, pad])
    a = idxp[:nA].reshape(NS, K0, B)
    b = idxp[nA:].reshape(NS, K1, B)
    a = jnp.pad(a, ((0, 0), (0, kmax - K0), (0, 0)), constant_values=fill)
    b = jnp.pad(b, ((0, 0), (0, kmax - K1), (0, 0)), constant_values=fill)
    return jnp.concatenate([a, b], axis=0)



@functools.lru_cache(maxsize=None)
def _sc_gather_multi(specs):
    n_ops = len(specs)
    nbs = [(2 if D >= 256 else NB) if K % NB == 0 else 1 for (_, D, K, _) in specs]
    out_type = [jax.ShapeDtypeStruct((NW * K * B, D), F32) for (_, D, K, B) in specs]
    scratch = [pltpu.VMEM_SHARED((N, D), F32) for (N, D, K, B) in specs]
    for nb, (_, D, K, B) in zip(nbs, specs):
        scratch += [pltpu.VMEM((K, B), jnp.int32)]
        scratch += [pltpu.VMEM((B, D), F32) for _ in range(nb)]
        scratch += [pltpu.SemaphoreType.DMA for _ in range(2 * nb)]

    def body(*refs):
        ins = refs[:2 * n_ops]
        outs = refs[2 * n_ops:3 * n_ops]
        tabs = refs[3 * n_ops:4 * n_ops]
        scr = list(refs[4 * n_ops:])
        cid = lax.axis_index("c")
        sid = lax.axis_index("s")
        wid = cid * NS + sid
        for i, (N, D, K, B) in enumerate(specs):
            st = N // NS
            slt = pl.ds(sid * st, st)
            pltpu.sync_copy(ins[2 * i].at[slt], tabs[i].at[slt])
        plsc.subcore_barrier()
        p = 0
        for i, (nb, (_, D, K, B)) in enumerate(zip(nbs, specs)):
            idx_h = ins[2 * i + 1]
            tab = tabs[i]
            out_h = outs[i]
            idx_v = scr[p]
            rows = scr[p + 1:p + 1 + nb]
            gsem = scr[p + 1 + nb:p + 1 + 2 * nb]
            osem = scr[p + 1 + 2 * nb:p + 1 + 3 * nb]
            p += 1 + 3 * nb
            pltpu.sync_copy(idx_h.at[wid], idx_v)
            G = K // nb
            for b in range(nb):
                pltpu.async_copy(tab.at[idx_v.at[b]], rows[b], gsem[b])

            def outer(g, _, tab=tab, out_h=out_h, idx_v=idx_v,
                      rows=rows, gsem=gsem, osem=osem, nb=nb, G=G, K=K, B=B):
                for b in range(nb):
                    blk = g * nb + b
                    pltpu.make_async_copy(tab.at[idx_v.at[0]], rows[b],
                                          gsem[b]).wait()
                    pltpu.async_copy(rows[b],
                                     out_h.at[pl.ds((wid * K + blk) * B, B)],
                                     osem[b])
                for b in range(nb):
                    pltpu.make_async_copy(rows[b], out_h.at[pl.ds(0, B)],
                                          osem[b]).wait()

                    @pl.when(g + 1 < G)
                    def _issue(b=b, g=g):
                        pltpu.async_copy(tab.at[idx_v.at[(g + 1) * nb + b]],
                                         rows[b], gsem[b])
                return 0

            lax.fori_loop(0, G, outer, 0)

    return pl.kernel(body, out_type=out_type, mesh=_mesh(), scratch_types=scratch,
                     compiler_params=pltpu.CompilerParams(use_tc_tiling_on_sc=False))


@functools.lru_cache(maxsize=None)
def _sc_segsum(D, NP, K0, K1):
    K = max(K0, K1)
    nb = 2
    out_type = jax.ShapeDtypeStruct((NC, NP, D), F32)
    stripe = NP // NS
    scratch = ([pltpu.VMEM((K, BLK), jnp.int32), pltpu.VMEM((K, BLK), jnp.int32),
                pltpu.VMEM_SHARED((NP, D), F32),
                pltpu.VMEM_SHARED((NP, D), F32)]
               + [pltpu.VMEM((BLK, D), F32) for _ in range(nb)]
               + [pltpu.SemaphoreType.DMA for _ in range(2 * nb)])

    def body(table_h, src_h, dst_h, zero_h, out_h, sidx, didx, acc, tab, *ring):
        rows = ring[:nb]
        gsem = ring[nb:2 * nb]
        ssem = ring[2 * nb:3 * nb]
        cid = lax.axis_index("c")
        sid = lax.axis_index("s")
        wid = cid * NS + sid
        sl = pl.ds(sid * stripe, stripe)
        pltpu.sync_copy(zero_h.at[sl], acc.at[sl])
        pltpu.sync_copy(table_h.at[sl], tab.at[sl])
        pltpu.sync_copy(src_h.at[wid], sidx)
        pltpu.sync_copy(dst_h.at[wid], didx)
        plsc.subcore_barrier()

        G = jnp.where(cid == 0, K0 // nb, K1 // nb)

        def outer(g, _):
            for b in range(nb):
                pltpu.async_copy(tab.at[sidx.at[g * nb + b]], rows[b], gsem[b])
            for b in range(nb):
                pltpu.make_async_copy(tab.at[sidx.at[0]], rows[b], gsem[b]).wait()
            for b in range(nb):
                pltpu.async_copy(rows[b], acc.at[didx.at[g * nb + b]], ssem[b], add=True)
            for b in range(nb):
                pltpu.make_async_copy(rows[b], acc.at[didx.at[0]], ssem[b]).wait()
            return 0

        lax.fori_loop(0, G, outer, 0)
        plsc.subcore_barrier()
        pltpu.sync_copy(acc.at[sl], out_h.at[cid, sl])

    return pl.kernel(body, out_type=out_type, mesh=_mesh(), scratch_types=scratch,
                     compiler_params=pltpu.CompilerParams(use_tc_tiling_on_sc=False))


@functools.lru_cache(maxsize=None)
def _sc_scatter_add(D, NP, K):
    out_type = jax.ShapeDtypeStruct((NC, NP, D), F32)
    stripe = NP // NS
    nb = 2 if D >= 256 else NB
    scratch = ([pltpu.VMEM((K, BLK), jnp.int32),
                pltpu.VMEM_SHARED((NP, D), F32)]
               + [pltpu.VMEM((BLK, D), F32) for _ in range(nb)]
               + [pltpu.SemaphoreType.DMA for _ in range(2 * nb)])

    def body(vals_h, dst_h, zero_h, out_h, didx, acc, *ring):
        NB = nb
        rows = ring[:NB]
        gsem = ring[NB:2 * NB]
        ssem = ring[2 * NB:3 * NB]
        cid = lax.axis_index("c")
        sid = lax.axis_index("s")
        wid = cid * NS + sid
        sl = pl.ds(sid * stripe, stripe)
        pltpu.sync_copy(zero_h.at[sl], acc.at[sl])
        pltpu.sync_copy(dst_h.at[wid], didx)
        plsc.subcore_barrier()

        G = K // NB

        def load(blk, b):
            pltpu.async_copy(vals_h.at[pl.ds((wid * K + blk) * BLK, BLK)],
                             rows[b], gsem[b])

        for b in range(NB):
            load(b, b)

        def outer(g, _):
            for b in range(NB):
                blk = g * NB + b
                pltpu.make_async_copy(vals_h.at[pl.ds(0, BLK)], rows[b], gsem[b]).wait()
                pltpu.async_copy(rows[b], acc.at[didx.at[blk]], ssem[b], add=True)
            for b in range(NB):
                pltpu.make_async_copy(rows[b], acc.at[didx.at[0]], ssem[b]).wait()

                @pl.when(g + 1 < G)
                def _issue(b=b, g=g):
                    load((g + 1) * NB + b, b)
            return 0

        lax.fori_loop(0, G, outer, 0)
        plsc.subcore_barrier()
        pltpu.sync_copy(acc.at[sl], out_h.at[cid, sl])

    return pl.kernel(body, out_type=out_type, mesh=_mesh(), scratch_types=scratch,
                     compiler_params=pltpu.CompilerParams(use_tc_tiling_on_sc=False))


@functools.lru_cache(maxsize=None)
def _sc_gat_msg(H, Dh, NP, K, B):
    Do = Dh + 16
    out_type = jax.ShapeDtypeStruct((NC, NP, Do), F32)
    stripe = NP // NS
    scratch = [pltpu.VMEM((K, B), jnp.int32), pltpu.VMEM((K, B), jnp.int32),
               pltpu.VMEM_SHARED((NP, 16), F32), pltpu.VMEM_SHARED((NP, 16), F32),
               pltpu.VMEM_SHARED((NP, Dh), F32),
               pltpu.VMEM_SHARED((NP, Do), F32),
               pltpu.VMEM((B, 16), F32), pltpu.VMEM((B, 16), F32),
               pltpu.VMEM((B, Dh), F32), pltpu.VMEM((B, Do), F32),
               pltpu.SemaphoreType.DMA, pltpu.SemaphoreType.DMA,
               pltpu.SemaphoreType.DMA, pltpu.SemaphoreType.DMA]

    def body(cl_h, cr_h, htab_h, src_h, dst_h, zero_h, out_h,
             sidx, didx, clt, crt, ht, acc, clr, crr, hb, rows, s1, s2, s3, s4):
        cid = lax.axis_index("c")
        sid = lax.axis_index("s")
        wid = cid * NS + sid
        sl = pl.ds(sid * stripe, stripe)
        pltpu.sync_copy(zero_h.at[sl], acc.at[sl])
        pltpu.sync_copy(cl_h.at[sl], clt.at[sl])
        pltpu.sync_copy(cr_h.at[sl], crt.at[sl])
        pltpu.sync_copy(htab_h.at[sl], ht.at[sl])
        pltpu.sync_copy(src_h.at[wid], sidx)
        pltpu.sync_copy(dst_h.at[wid], didx)
        plsc.subcore_barrier()

        def block(j, _):
            pltpu.async_copy(clt.at[sidx.at[j]], clr, s1)
            pltpu.async_copy(crt.at[didx.at[j]], crr, s2)
            pltpu.async_copy(ht.at[sidx.at[j]], hb, s3)
            pltpu.make_async_copy(clt.at[sidx.at[0]], clr, s1).wait()
            pltpu.make_async_copy(crt.at[didx.at[0]], crr, s2).wait()
            pltpu.make_async_copy(ht.at[sidx.at[0]], hb, s3).wait()

            @plsc.parallel_loop(0, B, 1, unroll=4)
            def edge(e):
                x = clr[e] + crr[e]
                w = jnp.exp(jnp.where(x >= 0, x, 0.2 * x))
                rows[e, pl.ds(Dh, 16)] = w
                for h in range(H):
                    sv = jnp.full((16,), w[h], F32)
                    for c in range(4):
                        base = h * 64 + c * 16
                        rows[e, pl.ds(base, 16)] = hb[e, pl.ds(base, 16)] * sv
            pltpu.async_copy(rows, acc.at[didx.at[j]], s4, add=True)
            pltpu.make_async_copy(rows, acc.at[didx.at[0]], s4).wait()
            return 0

        lax.fori_loop(0, K, block, 0)
        plsc.subcore_barrier()
        pltpu.sync_copy(acc.at[sl], out_h.at[cid, sl])

    return pl.kernel(body, out_type=out_type, mesh=_mesh(), scratch_types=scratch,
                     compiler_params=pltpu.CompilerParams(use_tc_tiling_on_sc=False))


@functools.lru_cache(maxsize=None)
def _sc_degree(NP, K):
    out_type = jax.ShapeDtypeStruct((NC, 2, NP, DD), F32)
    stripe = NP // NS
    scratch = ([pltpu.VMEM((K, BLK), jnp.int32), pltpu.VMEM((K, BLK), jnp.int32),
                pltpu.VMEM((BLK, DD), F32),
                pltpu.VMEM_SHARED((NP, DD), F32),
                pltpu.VMEM_SHARED((NP, DD), F32)]
               + [pltpu.SemaphoreType.DMA for _ in range(2 * NB)])

    def body(src_h, dst_h, ones_h, zero_h, out_h, sidx, didx, ones_v,
             acc_s, acc_d, *sems):
        ssem = sems[:NB]
        dsem = sems[NB:2 * NB]
        cid = lax.axis_index("c")
        sid = lax.axis_index("s")
        wid = cid * NS + sid
        sl = pl.ds(sid * stripe, stripe)
        pltpu.sync_copy(zero_h.at[sl], acc_s.at[sl])
        pltpu.sync_copy(zero_h.at[sl], acc_d.at[sl])
        pltpu.sync_copy(ones_h, ones_v)
        pltpu.sync_copy(src_h.at[wid], sidx)
        pltpu.sync_copy(dst_h.at[wid], didx)
        plsc.subcore_barrier()

        G = K // NB

        def outer(g, _):
            for b in range(NB):
                blk = g * NB + b

                @pl.when(g > 0)
                def _drain(b=b):
                    pltpu.make_async_copy(ones_v, acc_s.at[sidx.at[0]], ssem[b]).wait()
                    pltpu.make_async_copy(ones_v, acc_d.at[didx.at[0]], dsem[b]).wait()

                pltpu.async_copy(ones_v, acc_s.at[sidx.at[blk]], ssem[b], add=True)
                pltpu.async_copy(ones_v, acc_d.at[didx.at[blk]], dsem[b], add=True)
            return 0

        lax.fori_loop(0, G, outer, 0)
        for b in range(NB):
            pltpu.make_async_copy(ones_v, acc_s.at[sidx.at[0]], ssem[b]).wait()
            pltpu.make_async_copy(ones_v, acc_d.at[didx.at[0]], dsem[b]).wait()
        plsc.subcore_barrier()
        pltpu.sync_copy(acc_s.at[sl], out_h.at[cid, 0, sl])
        pltpu.sync_copy(acc_d.at[sl], out_h.at[cid, 1, sl])

    return pl.kernel(body, out_type=out_type, mesh=_mesh(), scratch_types=scratch,
                     compiler_params=pltpu.CompilerParams(use_tc_tiling_on_sc=False))



def _leaky(x):
    return jnp.where(x >= 0, x, 0.2 * x)


def _pad_store(ref, val, n):
    ref[pl.ds(0, n), :] = val
    ref[pl.ds(n, ref.shape[0] - n), :] = jnp.zeros(
        (ref.shape[0] - n, ref.shape[1]), F32)


def _tc1a(x, W1, ACL, ACR):
    def body(x_r, w_r, acl_r, acr_r, h_r, cl_r, cr_r):
        h = jnp.dot(x_r[...], w_r[...], preferred_element_type=F32)
        _pad_store(h_r, h, N_S)
        _pad_store(cl_r, jnp.dot(h, acl_r[...], preferred_element_type=F32), N_S)
        _pad_store(cr_r, jnp.dot(h, acr_r[...], preferred_element_type=F32), N_S)

    return pl.pallas_call(
        body,
        out_shape=[jax.ShapeDtypeStruct((NP_S, 256), F32),
                   jax.ShapeDtypeStruct((NP_S, 16), F32),
                   jax.ShapeDtypeStruct((NP_S, 16), F32)],
    )(x, W1, ACL, ACR)


def _tc1b(x, Wg1, degp):
    def body(x_r, w_r, d_r, h_r, din_r, dsrc_r):
        d = d_r[...]
        dout = jnp.maximum(d[:, 0:1] + d[:, 1:2], 1.0)
        din = jnp.maximum(d[:, 2:3] + d[:, 3:4], 1.0)
        dsrc = lax.rsqrt(dout)
        dinv = lax.rsqrt(din)
        h = jnp.dot(x_r[...], w_r[...], preferred_element_type=F32)
        _pad_store(h_r, h * dsrc, N_L)
        din_r[...] = jnp.broadcast_to(dinv, (N_L, 64))
        dsrc_r[...] = jnp.broadcast_to(dsrc, (N_L, 64))

    return pl.pallas_call(
        body,
        out_shape=[jax.ShapeDtypeStruct((NP_L, 64), F32),
                   jax.ShapeDtypeStruct((N_L, 64), F32),
                   jax.ShapeDtypeStruct((N_L, 64), F32)],
    )(x, Wg1, degp)


def _tc2(S1, dinB, dsrcB, bg1, Wg2):
    def body(s_r, di_r, ds_r, bias_r, w_r, o_r):
        s = s_r[0, pl.ds(0, N_L), :] + s_r[1, pl.ds(0, N_L), :]
        g = jax.nn.relu(s * di_r[...] + bias_r[...])
        _pad_store(o_r, jnp.dot(g, w_r[...], preferred_element_type=F32) * ds_r[...],
                   N_L)

    return pl.pallas_call(
        body, out_shape=jax.ShapeDtypeStruct((NP_L, 64), F32),
    )(S1, dinB, dsrcB, bg1, Wg2)


def _tc3(S2, dinB, bg2):
    def body(s_r, di_r, bias_r, o_r):
        s = s_r[0, pl.ds(0, N_L), :] + s_r[1, pl.ds(0, N_L), :]
        _pad_store(o_r, s * di_r[...] + bias_r[...], N_L)

    return pl.pallas_call(
        body, out_shape=jax.ShapeDtypeStruct((NP_L, 64), F32),
    )(S2, dinB, bg2)


def _tc_edge(a_src, a_dst, h_rows, rep, p16, heads):
    Ep, Dh = h_rows.shape
    Do = Dh + 16
    EB = 4096
    grid = (Ep // EB,)

    def body(as_r, ad_r, h_r, rep_r, p_r, o_r):
        w = jnp.exp(_leaky(as_r[:, 0:heads] + ad_r[:, 4:4 + heads]))
        wb = jnp.dot(w, rep_r[...], preferred_element_type=F32)
        wp = jnp.dot(w, p_r[...], preferred_element_type=F32)
        o_r[...] = jnp.concatenate([h_r[...] * wb, wp], axis=1)

    return pl.pallas_call(
        body,
        grid=grid,
        in_specs=[pl.BlockSpec((EB, 16), lambda i: (i, 0)),
                  pl.BlockSpec((EB, 16), lambda i: (i, 0)),
                  pl.BlockSpec((EB, Dh), lambda i: (i, 0)),
                  pl.BlockSpec((heads, Dh), lambda i: (0, 0)),
                  pl.BlockSpec((heads, 16), lambda i: (0, 0))],
        out_specs=pl.BlockSpec((EB, Do), lambda i: (i, 0)),
        out_shape=jax.ShapeDtypeStruct((Ep, Do), F32),
    )(a_src, a_dst, h_rows, rep, p16)


def _tc5(Sm1, rep1, W2, ACL2, ACR2):
    def body(s_r, rep_r, w_r, acl_r, acr_r, h2_r, cl_r, cr_r):
        s = s_r[0, pl.ds(0, N_S), :] + s_r[1, pl.ds(0, N_S), :]
        den = jnp.dot(s[:, 256:260], rep_r[...], preferred_element_type=F32)
        gat1 = jax.nn.relu(s[:, 0:256] / (den + 1e-9))
        h2 = jnp.dot(gat1, w_r[...], preferred_element_type=F32)
        _pad_store(h2_r, h2, N_S)
        _pad_store(cl_r, jnp.dot(h2, acl_r[...], preferred_element_type=F32), N_S)
        _pad_store(cr_r, jnp.dot(h2, acr_r[...], preferred_element_type=F32), N_S)

    return pl.pallas_call(
        body,
        out_shape=[jax.ShapeDtypeStruct((NP_S, 64), F32),
                   jax.ShapeDtypeStruct((NP_S, 16), F32),
                   jax.ShapeDtypeStruct((NP_S, 16), F32)],
    )(Sm1, rep1, W2, ACL2, ACR2)


def _tc7(Sm2, tl, Wc, bc):
    def body(s_r, t_r, w_r, bias_r, o_r):
        s = s_r[0, pl.ds(0, N_S), :] + s_r[1, pl.ds(0, N_S), :]
        gat2 = jax.nn.relu(s[:, 0:64] / (s[:, 64:65] + 1e-9))
        embs = jnp.concatenate([gat2, t_r[pl.ds(0, N_S), :]], axis=1)
        o_r[...] = jnp.dot(embs, w_r[...], preferred_element_type=F32) + bias_r[...]

    return pl.pallas_call(
        body, out_shape=jax.ShapeDtypeStruct((N_S, 32), F32),
    )(Sm2, tl, Wc, bc)



def kernel(small_batch_embs, small_edge_index, token_idx_batch, large_embs,
           large_edge_index, W_gat1, al1, ar1, W_gat2, al2, ar2, Wg1, bg1,
           Wg2, bg2, Wc, bc):
    src_s, dst_s = small_edge_index[0], small_edge_index[1]
    src_l, dst_l = large_edge_index[0], large_edge_index[1]

    src_s_g = _pad_idx(src_s, 0, KS, BLK)
    dst_s_g = _pad_idx(dst_s, 0, KS, BLK)
    dst_s_s = _pad_idx(dst_s, N_S, KS, BLK)
    src_l_g = _pad_idx_split(src_l, 0, K0L, K1L, BLK)
    src_l_s = _pad_idx(src_l, N_L, KL, BLK)
    dst_l_s = _pad_idx(dst_l, N_L, KL, BLK)
    dst_l_sp = _pad_idx_split(dst_l, N_L, K0L, K1L, BLK)
    tok = _pad_idx(token_idx_batch, 0, 1, 64)

    zeros_dd = jnp.zeros((NP_L, DD), F32)
    ones_dd = jnp.ones((BLK, DD), F32)
    zeros_l64 = jnp.zeros((NP_L, 64), F32)
    zeros_s272 = jnp.zeros((NP_S, 272), F32)
    zeros_s80 = jnp.zeros((NP_S, 80), F32)

    degp = _sc_degree(NP_L, KL)(src_l_s, dst_l_s, ones_dd, zeros_dd)
    degp4 = jnp.stack([degp[0, 0, :N_L, 0], degp[1, 0, :N_L, 0],
                       degp[0, 1, :N_L, 0], degp[1, 1, :N_L, 0]], axis=1)

    hL1s, dinB, dsrcB = _tc1b(large_embs, Wg1, degp4)
    S1 = _sc_segsum(64, NP_L, K0L, K1L)(hL1s, src_l_g, dst_l_sp, zeros_l64)
    g1s = _tc2(S1, dinB, dsrcB, bg1.reshape(1, 64), Wg2)
    S2 = _sc_segsum(64, NP_L, K0L, K1L)(g1s, src_l_g, dst_l_sp, zeros_l64)
    g2 = _tc3(S2, dinB, bg2.reshape(1, 64))

    eye4 = jnp.eye(4, dtype=F32)
    AL1 = (eye4[:, None, :] * al1[:, :, None]).reshape(256, 4)
    AR1 = (eye4[:, None, :] * ar1[:, :, None]).reshape(256, 4)
    ACL1 = jnp.concatenate([AL1, jnp.zeros((256, 12), F32)], axis=1)
    ACR1 = jnp.concatenate([AR1, jnp.zeros((256, 12), F32)], axis=1)
    h1, CL1, CR1 = _tc1a(small_batch_embs, W_gat1, ACL1, ACR1)
    REP1 = jnp.repeat(eye4, 64, axis=1)
    src_s_g64 = _pad_idx(src_s, 0, 2 * KS, 64)
    dst_s_s64 = _pad_idx(dst_s, N_S, 2 * KS, 64)
    Sm1 = _sc_gat_msg(4, 256, NP_S, 2 * KS, 64)(CL1, CR1, h1, src_s_g64,
                                                dst_s_s64, zeros_s272)

    ACL2 = jnp.concatenate([al2.reshape(64, 1), jnp.zeros((64, 15), F32)], axis=1)
    ACR2 = jnp.concatenate([ar2.reshape(64, 1), jnp.zeros((64, 15), F32)], axis=1)
    h2, CL2, CR2 = _tc5(Sm1, REP1, W_gat2, ACL2, ACR2)
    Sm2 = _sc_gat_msg(1, 64, NP_S, KS, BLK)(CL2, CR2, h2, src_s_g, dst_s_s,
                                            zeros_s80)

    tl = _sc_gather_multi(((NP_L, 64, 1, 64),))(g2, tok)[0]
    return _tc7(Sm2, tl, Wc, bc.reshape(1, 32))

# --- scband reference (transcript-rebuilt; emitter-appended) ---
"""Pipeline reference for scband-gnn-combined-74869869904655 (READ-ONLY COPY).

The authoritative reference and input builder live on the scoring server;
editing this copy changes nothing except your own understanding.
"""

import jax, jax.numpy as jnp
import numpy as np

N_SMALL = 2000
E_SMALL = 32000
N_LARGE = 10000
E_LARGE = 320000
IN_DIM = 128
HID = 64
HEADS = 4
OUT_DIM = 64
NUM_CLASSES = 32


def setup_inputs(seed: int = 0) -> dict:
    key = jax.random.key(seed)
    ks = jax.random.split(key, 18)
    inp = {}
    inp["small_batch_embs"] = jax.random.normal(ks[0], (N_SMALL, IN_DIM), dtype=jnp.float32)
    inp["small_edge_index"] = jax.random.randint(ks[1], (2, E_SMALL), 0, N_SMALL)
    inp["token_idx_batch"] = jax.random.randint(ks[2], (N_SMALL,), 0, N_LARGE)
    inp["large_embs"] = jax.random.normal(ks[3], (N_LARGE, IN_DIM), dtype=jnp.float32)
    inp["large_edge_index"] = jax.random.randint(ks[4], (2, E_LARGE), 0, N_LARGE)
    inp["W_gat1"] = jax.random.normal(ks[5], (IN_DIM, HEADS * HID), dtype=jnp.float32) / np.sqrt(IN_DIM)
    inp["al1"] = jax.random.normal(ks[6], (HEADS, HID), dtype=jnp.float32) * 0.1
    inp["ar1"] = jax.random.normal(ks[7], (HEADS, HID), dtype=jnp.float32) * 0.1
    inp["W_gat2"] = jax.random.normal(ks[8], (HEADS * HID, OUT_DIM), dtype=jnp.float32) / np.sqrt(HEADS * HID)
    inp["al2"] = jax.random.normal(ks[9], (1, OUT_DIM), dtype=jnp.float32) * 0.1
    inp["ar2"] = jax.random.normal(ks[10], (1, OUT_DIM), dtype=jnp.float32) * 0.1
    inp["Wg1"] = jax.random.normal(ks[11], (IN_DIM, HID), dtype=jnp.float32) / np.sqrt(IN_DIM)
    inp["bg1"] = jnp.zeros((HID,), dtype=jnp.float32)
    inp["Wg2"] = jax.random.normal(ks[12], (HID, OUT_DIM), dtype=jnp.float32) / np.sqrt(HID)
    inp["bg2"] = jnp.zeros((OUT_DIM,), dtype=jnp.float32)
    inp["Wc"] = jax.random.normal(ks[13], (2 * OUT_DIM, NUM_CLASSES), dtype=jnp.float32) / np.sqrt(2 * OUT_DIM)
    inp["bc"] = jnp.zeros((NUM_CLASSES,), dtype=jnp.float32)
    return inp


def _gat_conv(x, edge_index, W, a_l, a_r, num_nodes, heads, out_dim):
    src = edge_index[0]
    dst = edge_index[1]
    h = (x @ W).reshape(-1, heads, out_dim)
    el = jnp.sum(h * a_l[None, :, :], axis=-1)
    er = jnp.sum(h * a_r[None, :, :], axis=-1)
    e = jax.nn.leaky_relu(el[src] + er[dst], negative_slope=0.2)
    e_max = jax.ops.segment_max(e, dst, num_segments=num_nodes)
    e_max = jnp.where(jnp.isfinite(e_max), e_max, 0.0)
    e_exp = jnp.exp(e - e_max[dst])
    denom = jax.ops.segment_sum(e_exp, dst, num_segments=num_nodes)
    alpha = e_exp / (denom[dst] + 1e-9)
    msg = h[src] * alpha[:, :, None]
    return jax.ops.segment_sum(msg, dst, num_segments=num_nodes)


def _graph_conv(x, edge_index, W, b, num_nodes):
    src = edge_index[0]
    dst = edge_index[1]
    ones = jnp.ones((src.shape[0],), dtype=jnp.float32)
    deg_out = jnp.clip(jax.ops.segment_sum(ones, src, num_segments=num_nodes), 1.0)
    deg_in = jnp.clip(jax.ops.segment_sum(ones, dst, num_segments=num_nodes), 1.0)
    h = x @ W
    m = h[src] * (deg_out ** -0.5)[src][:, None]
    agg = jax.ops.segment_sum(m, dst, num_segments=num_nodes)
    return agg * (deg_in ** -0.5)[:, None] + b


def reference(small_batch_embs, small_edge_index, token_idx_batch, large_embs, large_edge_index, W_gat1, al1, ar1, W_gat2, al2, ar2, Wg1, bg1, Wg2, bg2, Wc, bc):
    # Instance_Graphs_GAT branch
    h = jax.nn.relu(_gat_conv(small_batch_embs, small_edge_index, W_gat1, al1, ar1, N_SMALL, HEADS, HID))
    h = h.reshape(-1, HEADS * HID)
    h = jax.nn.relu(_gat_conv(h, small_edge_index, W_gat2, al2, ar2, N_SMALL, 1, OUT_DIM))
    token_embs_small = h.reshape(-1, OUT_DIM)
    # Token_Graph_GCN branch
    g = _graph_conv(large_embs, large_edge_index, Wg1, bg1, N_LARGE)
    g = jax.nn.relu(g)
    g = _graph_conv(g, large_edge_index, Wg2, bg2, N_LARGE)
    token_embs_large = g[token_idx_batch]
    # combine == 'concat' (feature-dim so classify(2*out_dim) is consistent)
    embs = jnp.concatenate([token_embs_small, token_embs_large], axis=-1)
    return embs @ Wc + bc

if __name__ == "__main__":
    import jax
    _d = setup_inputs()
    print(jax.jit(kernel)(*tuple(_d.values())))

</pallas_src>

<mosaic_0001>
#map = affine_map<(d0, d1) -> (0, 0, 0)>
#map1 = affine_map<(d0, d1) -> (0, 0)>
#map2 = affine_map<(d0, d1) -> (0, 0, 0, 0)>
module attributes {stable_mosaic.version = 14 : i64} {
  func.func @body(%arg0: i32, %arg1: i32, %arg2: memref<32x80x128xi32, #tpu.memory_space<hbm>>, %arg3: memref<32x80x128xi32, #tpu.memory_space<hbm>>, %arg4: memref<128x16xf32, #tpu.memory_space<hbm>>, %arg5: memref<10112x16xf32, #tpu.memory_space<hbm>>, %arg6: memref<2x2x10112x16xf32, #tpu.memory_space<hbm>>, %arg7: memref<80x128xi32, #tpu.memory_space<vmem>>, %arg8: memref<80x128xi32, #tpu.memory_space<vmem>>, %arg9: memref<128x16xf32, #tpu.memory_space<vmem>>, %arg10: memref<10112x16xf32, #tpu.memory_space<vmem_shared>>, %arg11: memref<10112x16xf32, #tpu.memory_space<vmem_shared>>, %arg12: memref<!tpu.dma_semaphore, #tpu.memory_space<semaphore_mem>>, %arg13: memref<!tpu.dma_semaphore, #tpu.memory_space<semaphore_mem>>, %arg14: memref<!tpu.dma_semaphore, #tpu.memory_space<semaphore_mem>>, %arg15: memref<!tpu.dma_semaphore, #tpu.memory_space<semaphore_mem>>, %arg16: memref<!tpu.dma_semaphore, #tpu.memory_space<semaphore_mem>>, %arg17: memref<!tpu.dma_semaphore, #tpu.memory_space<semaphore_mem>>, %arg18: memref<!tpu.dma_semaphore, #tpu.memory_space<semaphore_mem>>, %arg19: memref<!tpu.dma_semaphore, #tpu.memory_space<semaphore_mem>>) attributes {dimension_semantics = [#tpu.dimension_semantics<core_parallel>, #tpu.dimension_semantics<subcore_parallel>], iteration_bounds = array<i64: 2, 16>, scalar_prefetch = 0 : i64, scratch_operands = 13 : i64, tpu.core_type = #tpu.core_type<sc_vector_subcore>, window_params = [{transform_indices = #map}, {transform_indices = #map}, {transform_indices = #map1}, {transform_indices = #map1}, {transform_indices = #map2}]} {
    %mul3A = arith.constant 16 : i32
    %mul3A_0 = arith.muli %arg0, %mul3A : i32
    %add3A = arith.addi %mul3A_0, %arg1 : i32
    %mul3A_1 = arith.constant 632 : i32
    %mul3A_2 = arith.muli %arg1, %mul3A_1 : i32
    "tpu.region"() ({
      %run_scoped3A_66 = tpu.sem_alloc : memref<!tpu.dma_semaphore, #tpu.memory_space<semaphore_mem>>
      %dma_start3A = arith.constant 0 : i32
      %dma_start3A_67 = tpu.memref_slice %arg10[%mul3A_2, %dma_start3A] : memref<10112x16xf32, #tpu.memory_space<vmem_shared>> -> memref<632x16xf32, #tpu.memory_space<vmem_shared>>
      %dma_start3A_68 = arith.constant 0 : i32
      %dma_start3A_69 = tpu.memref_slice %arg5[%mul3A_2, %dma_start3A_68] : memref<10112x16xf32, #tpu.memory_space<hbm>> -> memref<632x16xf32, #tpu.memory_space<hbm>>
      tpu.enqueue_dma source(%dma_start3A_69 : memref<632x16xf32, #tpu.memory_space<hbm>>) target(%dma_start3A_67 : memref<632x16xf32, #tpu.memory_space<vmem_shared>>) target_semaphore(%run_scoped3A_66 : memref<!tpu.dma_semaphore, #tpu.memory_space<semaphore_mem>>)
      %dma_wait3A_70 = arith.constant 0 : i32
      %dma_wait3A_71 = tpu.memref_slice %arg10[%mul3A_2, %dma_wait3A_70] : memref<10112x16xf32, #tpu.memory_space<vmem_shared>> -> memref<632x16xf32, #tpu.memory_space<vmem_shared>>
      %dma_wait3A_72 = arith.constant 0 : i32
      %dma_wait3A_73 = tpu.memref_slice %arg5[%mul3A_2, %dma_wait3A_72] : memref<10112x16xf32, #tpu.memory_space<hbm>> -> memref<632x16xf32, #tpu.memory_space<hbm>>
      tpu.wait_dma2 semaphore(%run_scoped3A_66 : memref<!tpu.dma_semaphore, #tpu.memory_space<semaphore_mem>>) src(%dma_wait3A_73 : memref<632x16xf32, #tpu.memory_space<hbm>>) dst(%dma_wait3A_71 : memref<632x16xf32, #tpu.memory_space<vmem_shared>>)
      tpu.yield
    }) : () -> ()
    "tpu.region"() ({
      %run_scoped3A_66 = tpu.sem_alloc : memref<!tpu.dma_semaphore, #tpu.memory_space<semaphore_mem>>
      %dma_start3A = arith.constant 0 : i32
      %dma_start3A_67 = tpu.memref_slice %arg11[%mul3A_2, %dma_start3A] : memref<10112x16xf32, #tpu.memory_space<vmem_shared>> -> memref<632x16xf32, #tpu.memory_space<vmem_shared>>
      %dma_start3A_68 = arith.constant 0 : i32
      %dma_start3A_69 = tpu.memref_slice %arg5[%mul3A_2, %dma_start3A_68] : memref<10112x16xf32, #tpu.memory_space<hbm>> -> memref<632x16xf32, #tpu.memory_space<hbm>>
      tpu.enqueue_dma source(%dma_start3A_69 : memref<632x16xf32, #tpu.memory_space<hbm>>) target(%dma_start3A_67 : memref<632x16xf32, #tpu.memory_space<vmem_shared>>) target_semaphore(%run_scoped3A_66 : memref<!tpu.dma_semaphore, #tpu.memory_space<semaphore_mem>>)
      %dma_wait3A_70 = arith.constant 0 : i32
      %dma_wait3A_71 = tpu.memref_slice %arg11[%mul3A_2, %dma_wait3A_70] : memref<10112x16xf32, #tpu.memory_space<vmem_shared>> -> memref<632x16xf32, #tpu.memory_space<vmem_shared>>
      %dma_wait3A_72 = arith.constant 0 : i32
      %dma_wait3A_73 = tpu.memref_slice %arg5[%mul3A_2, %dma_wait3A_72] : memref<10112x16xf32, #tpu.memory_space<hbm>> -> memref<632x16xf32, #tpu.memory_space<hbm>>
      tpu.wait_dma2 semaphore(%run_scoped3A_66 : memref<!tpu.dma_semaphore, #tpu.memory_space<semaphore_mem>>) src(%dma_wait3A_73 : memref<632x16xf32, #tpu.memory_space<hbm>>) dst(%dma_wait3A_71 : memref<632x16xf32, #tpu.memory_space<vmem_shared>>)
      tpu.yield
    }) : () -> ()
    "tpu.region"() ({
      %run_scoped3A_66 = tpu.sem_alloc : memref<!tpu.dma_semaphore, #tpu.memory_space<semaphore_mem>>
      tpu.enqueue_dma source(%arg4 : memref<128x16xf32, #tpu.memory_space<hbm>>) target(%arg9 : memref<128x16xf32, #tpu.memory_space<vmem>>) target_semaphore(%run_scoped3A_66 : memref<!tpu.dma_semaphore, #tpu.memory_space<semaphore_mem>>)
      tpu.wait_dma2 semaphore(%run_scoped3A_66 : memref<!tpu.dma_semaphore, #tpu.memory_space<semaphore_mem>>) src(%arg4 : memref<128x16xf32, #tpu.memory_space<hbm>>) dst(%arg9 : memref<128x16xf32, #tpu.memory_space<vmem>>)
      tpu.yield
    }) : () -> ()
    "tpu.region"() ({
      %run_scoped3A_66 = tpu.sem_alloc : memref<!tpu.dma_semaphore, #tpu.memory_space<semaphore_mem>>
      %dma_start3A = arith.constant 0 : i32
      %dma_start3A_67 = arith.constant 0 : i32
      %dma_start3A_68 = tpu.memref_slice %arg2[%add3A, %dma_start3A, %dma_start3A_67] : memref<32x80x128xi32, #tpu.memory_space<hbm>> -> memref<1x80x128xi32, #tpu.memory_space<hbm>>
      %dma_start3A_69 = tpu.memref_squeeze %dma_start3A_68 : memref<1x80x128xi32, #tpu.memory_space<hbm>> -> memref<80x128xi32, #tpu.memory_space<hbm>>
      %dma_start3A_70 = arith.constant 0 : i32
      %dma_start3A_71 = arith.constant 0 : i32
      %dma_start3A_72 = tpu.memref_slice %arg2[%add3A, %dma_start3A_70, %dma_start3A_71] : memref<32x80x128xi32, #tpu.memory_space<hbm>> -> memref<1x80x128xi32, #tpu.memory_space<hbm>>
      %dma_start3A_73 = tpu.memref_squeeze %dma_start3A_72 : memref<1x80x128xi32, #tpu.memory_space<hbm>> -> memref<80x128xi32, #tpu.memory_space<hbm>>
      tpu.enqueue_dma source(%dma_start3A_73 : memref<80x128xi32, #tpu.memory_space<hbm>>) target(%arg7 : memref<80x128xi32, #tpu.memory_space<vmem>>) target_semaphore(%run_scoped3A_66 : memref<!tpu.dma_semaphore, #tpu.memory_space<semaphore_mem>>)
      %dma_wait3A_74 = arith.constant 0 : i32
      %dma_wait3A_75 = arith.constant 0 : i32
      %dma_wait3A_76 = tpu.memref_slice %arg2[%add3A, %dma_wait3A_74, %dma_wait3A_75] : memref<32x80x128xi32, #tpu.memory_space<hbm>> -> memref<1x80x128xi32, #tpu.memory_space<hbm>>
      %dma_wait3A_77 = tpu.memref_squeeze %dma_wait3A_76 : memref<1x80x128xi32, #tpu.memory_space<hbm>> -> memref<80x128xi32, #tpu.memory_space<hbm>>
      %dma_wait3A_78 = arith.constant 0 : i32
      %dma_wait3A_79 = arith.constant 0 : i32
      %dma_wait3A_80 = tpu.memref_slice %arg2[%add3A, %dma_wait3A_78, %dma_wait3A_79] : memref<32x80x128xi32, #tpu.memory_space<hbm>> -> memref<1x80x128xi32, #tpu.memory_space<hbm>>
      %dma_wait3A_81 = tpu.memref_squeeze %dma_wait3A_80 : memref<1x80x128xi32, #tpu.memory_space<hbm>> -> memref<80x128xi32, #tpu.memory_space<hbm>>
      tpu.wait_dma2 semaphore(%run_scoped3A_66 : memref<!tpu.dma_semaphore, #tpu.memory_space<semaphore_mem>>) src(%dma_wait3A_81 : memref<80x128xi32, #tpu.memory_space<hbm>>) dst(%arg7 : memref<80x128xi32, #tpu.memory_space<vmem>>)
      tpu.yield
    }) : () -> ()
    "tpu.region"() ({
      %run_scoped3A_66 = tpu.sem_alloc : memref<!tpu.dma_semaphore, #tpu.memory_space<semaphore_mem>>
      %dma_start3A = arith.constant 0 : i32
      %dma_start3A_67 = arith.constant 0 : i32
      %dma_start3A_68 = tpu.memref_slice %arg3[%add3A, %dma_start3A, %dma_start3A_67] : memref<32x80x128xi32, #tpu.memory_space<hbm>> -> memref<1x80x128xi32, #tpu.memory_space<hbm>>
      %dma_start3A_69 = tpu.memref_squeeze %dma_start3A_68 : memref<1x80x128xi32, #tpu.memory_space<hbm>> -> memref<80x128xi32, #tpu.memory_space<hbm>>
      %dma_start3A_70 = arith.constant 0 : i32
      %dma_start3A_71 = arith.constant 0 : i32
      %dma_start3A_72 = tpu.memref_slice %arg3[%add3A, %dma_start3A_70, %dma_start3A_71] : memref<32x80x128xi32, #tpu.memory_space<hbm>> -> memref<1x80x128xi32, #tpu.memory_space<hbm>>
      %dma_start3A_73 = tpu.memref_squeeze %dma_start3A_72 : memref<1x80x128xi32, #tpu.memory_space<hbm>> -> memref<80x128xi32, #tpu.memory_space<hbm>>
      tpu.enqueue_dma source(%dma_start3A_73 : memref<80x128xi32, #tpu.memory_space<hbm>>) target(%arg8 : memref<80x128xi32, #tpu.memory_space<vmem>>) target_semaphore(%run_scoped3A_66 : memref<!tpu.dma_semaphore, #tpu.memory_space<semaphore_mem>>)
      %dma_wait3A_74 = arith.constant 0 : i32
      %dma_wait3A_75 = arith.constant 0 : i32
      %dma_wait3A_76 = tpu.memref_slice %arg3[%add3A, %dma_wait3A_74, %dma_wait3A_75] : memref<32x80x128xi32, #tpu.memory_space<hbm>> -> memref<1x80x128xi32, #tpu.memory_space<hbm>>
      %dma_wait3A_77 = tpu.memref_squeeze %dma_wait3A_76 : memref<1x80x128xi32, #tpu.memory_space<hbm>> -> memref<80x128xi32, #tpu.memory_space<hbm>>
      %dma_wait3A_78 = arith.constant 0 : i32
      %dma_wait3A_79 = arith.constant 0 : i32
      %dma_wait3A_80 = tpu.memref_slice %arg3[%add3A, %dma_wait3A_78, %dma_wait3A_79] : memref<32x80x128xi32, #tpu.memory_space<hbm>> -> memref<1x80x128xi32, #tpu.memory_space<hbm>>
      %dma_wait3A_81 = tpu.memref_squeeze %dma_wait3A_80 : memref<1x80x128xi32, #tpu.memory_space<hbm>> -> memref<80x128xi32, #tpu.memory_space<hbm>>
      tpu.wait_dma2 semaphore(%run_scoped3A_66 : memref<!tpu.dma_semaphore, #tpu.memory_space<semaphore_mem>>) src(%dma_wait3A_81 : memref<80x128xi32, #tpu.memory_space<hbm>>) dst(%arg8 : memref<80x128xi32, #tpu.memory_space<vmem>>)
      tpu.yield
    }) : () -> ()
    %barrier3A = arith.constant 0 : index
    tpu.barrier barrier_id(%barrier3A)
    %scan3A = arith.constant 0 : i32
    %scan3A_3 = arith.constant 0 : i32
    %scan3A_4 = arith.constant 20 : i32
    %scan3A_5 = arith.addi %scan3A_3, %scan3A_4 : i32
    %scan3A_6 = arith.constant 1 : i32
    %scan3A_7 = scf.for %scan3A_66 = %scan3A_3 to %scan3A_5 step %scan3A_6 iter_args(%scan3A_67 = %scan3A) -> (i32)  : i32 {
      %mul3A_68 = arith.constant 4 : i32
      %mul3A_69 = arith.muli %scan3A_66, %mul3A_68 : i32
      %add3A_70 = arith.constant 0 : i32
      %add3A_71 = arith.addi %mul3A_69, %add3A_70 : i32
      %gt3A = arith.constant 0 : i32
      %gt3A_72 = arith.cmpi sgt, %scan3A_66, %gt3A : i32
      %convert_element_type3A = arith.extui %gt3A_72 : i1 to i32
      %cond3A = arith.constant 0 : i32
      %cond3A_73 = arith.cmpi ne, %convert_element_type3A, %cond3A : i32
      scf.if %cond3A_73 {
        %dma_wait3A_149 = arith.constant 0 : i32
        %dma_wait3A_150 = arith.constant 0 : i32
        %dma_wait3A_151 = tpu.memref_slice %arg7[%dma_wait3A_149, %dma_wait3A_150] : memref<80x128xi32, #tpu.memory_space<vmem>> -> memref<1x128xi32, #tpu.memory_space<vmem>>
        %dma_wait3A_152 = tpu.memref_squeeze %dma_wait3A_151 : memref<1x128xi32, #tpu.memory_space<vmem>> -> memref<128xi32, #tpu.memory_space<vmem>>
        %dma_wait3A_153 = arith.constant 0 : i32
        %dma_wait3A_154 = arith.constant 0 : i32
        %dma_wait3A_155 = tpu.memref_slice %arg10[%dma_wait3A_153, %dma_wait3A_154] : memref<10112x16xf32, #tpu.memory_space<vmem_shared>> -> memref<10112x16xf32, #tpu.memory_space<vmem_shared>>
        tpu.wait_indirect_dma semaphore(%arg12 : memref<!tpu.dma_semaphore, #tpu.memory_space<semaphore_mem>>) src(%arg9 : memref<128x16xf32, #tpu.memory_space<vmem>>) dst(%dma_wait3A_155 : memref<10112x16xf32, #tpu.memory_space<vmem_shared>>)
        %dma_wait3A_156 = arith.constant 0 : i32
        %dma_wait3A_157 = arith.constant 0 : i32
        %dma_wait3A_158 = tpu.memref_slice %arg8[%dma_wait3A_156, %dma_wait3A_157] : memref<80x128xi32, #tpu.memory_space<vmem>> -> memref<1x128xi32, #tpu.memory_space<vmem>>
        %dma_wait3A_159 = tpu.memref_squeeze %dma_wait3A_158 : memref<1x128xi32, #tpu.memory_space<vmem>> -> memref<128xi32, #tpu.memory_space<vmem>>
        %dma_wait3A_160 = arith.constant 0 : i32
        %dma_wait3A_161 = arith.constant 0 : i32
        %dma_wait3A_162 = tpu.memref_slice %arg11[%dma_wait3A_160, %dma_wait3A_161] : memref<10112x16xf32, #tpu.memory_space<vmem_shared>> -> memref<10112x16xf32, #tpu.memory_space<vmem_shared>>
        tpu.wait_indirect_dma semaphore(%arg16 : memref<!tpu.dma_semaphore, #tpu.memory_space<semaphore_mem>>) src(%arg9 : memref<128x16xf32, #tpu.memory_space<vmem>>) dst(%dma_wait3A_162 : memref<10112x16xf32, #tpu.memory_space<vmem_shared>>)
      } else {
      }
      %dma_start3A = arith.constant 0 : i32
      %dma_start3A_74 = tpu.memref_slice %arg7[%add3A_71, %dma_start3A] : memref<80x128xi32, #tpu.memory_space<vmem>> -> memref<1x128xi32, #tpu.memory_space<vmem>>
      %dma_start3A_75 = tpu.memref_squeeze %dma_start3A_74 : memref<1x128xi32, #tpu.memory_space<vmem>> -> memref<128xi32, #tpu.memory_space<vmem>>
      %dma_start3A_76 = arith.constant 0 : i32
      %dma_start3A_77 = arith.constant 0 : i32
      %dma_start3A_78 = tpu.memref_slice %arg10[%dma_start3A_76, %dma_start3A_77] : memref<10112x16xf32, #tpu.memory_space<vmem_shared>> -> memref<10112x16xf32, #tpu.memory_space<vmem_shared>>
      tpu.enqueue_indirect_dma source(%arg9 : memref<128x16xf32, #tpu.memory_space<vmem>>) target(%dma_start3A_78 : memref<10112x16xf32, #tpu.memory_space<vmem_shared>>) offsets(%dma_start3A_75 : memref<128xi32, #tpu.memory_space<vmem>>) semaphore(%arg12 : memref<!tpu.dma_semaphore, #tpu.memory_space<semaphore_mem>>) {add = true}
      %dma_start3A_79 = arith.constant 0 : i32
      %dma_start3A_80 = tpu.memref_slice %arg8[%add3A_71, %dma_start3A_79] : memref<80x128xi32, #tpu.memory_space<vmem>> -> memref<1x128xi32, #tpu.memory_space<vmem>>
      %dma_start3A_81 = tpu.memref_squeeze %dma_start3A_80 : memref<1x128xi32, #tpu.memory_space<vmem>> -> memref<128xi32, #tpu.memory_space<vmem>>
      %dma_start3A_82 = arith.constant 0 : i32
      %dma_start3A_83 = arith.constant 0 : i32
      %dma_start3A_84 = tpu.memref_slice %arg11[%dma_start3A_82, %dma_start3A_83] : memref<10112x16xf32, #tpu.memory_space<vmem_shared>> -> memref<10112x16xf32, #tpu.memory_space<vmem_shared>>
      tpu.enqueue_indirect_dma source(%arg9 : memref<128x16xf32, #tpu.memory_space<vmem>>) target(%dma_start3A_84 : memref<10112x16xf32, #tpu.memory_space<vmem_shared>>) offsets(%dma_start3A_81 : memref<128xi32, #tpu.memory_space<vmem>>) semaphore(%arg16 : memref<!tpu.dma_semaphore, #tpu.memory_space<semaphore_mem>>) {add = true}
      %mul3A_85 = arith.constant 4 : i32
      %mul3A_86 = arith.muli %scan3A_66, %mul3A_85 : i32
      %add3A_87 = arith.constant 1 : i32
      %add3A_88 = arith.addi %mul3A_86, %add3A_87 : i32
      %gt3A_89 = arith.constant 0 : i32
      %gt3A_90 = arith.cmpi sgt, %scan3A_66, %gt3A_89 : i32
      %convert_element_type3A_91 = arith.extui %gt3A_90 : i1 to i32
      %cond3A_92 = arith.constant 0 : i32
      %cond3A_93 = arith.cmpi ne, %convert_element_type3A_91, %cond3A_92 : i32
      scf.if %cond3A_93 {
        %dma_wait3A_149 = arith.constant 0 : i32
        %dma_wait3A_150 = arith.constant 0 : i32
        %dma_wait3A_151 = tpu.memref_slice %arg7[%dma_wait3A_149, %dma_wait3A_150] : memref<80x128xi32, #tpu.memory_space<vmem>> -> memref<1x128xi32, #tpu.memory_space<vmem>>
        %dma_wait3A_152 = tpu.memref_squeeze %dma_wait3A_151 : memref<1x128xi32, #tpu.memory_space<vmem>> -> memref<128xi32, #tpu.memory_space<vmem>>
        %dma_wait3A_153 = arith.constant 0 : i32
        %dma_wait3A_154 = arith.constant 0 : i32
        %dma_wait3A_155 = tpu.memref_slice %arg10[%dma_wait3A_153, %dma_wait3A_154] : memref<10112x16xf32, #tpu.memory_space<vmem_shared>> -> memref<10112x16xf32, #tpu.memory_space<vmem_shared>>
        tpu.wait_indirect_dma semaphore(%arg13 : memref<!tpu.dma_semaphore, #tpu.memory_space<semaphore_mem>>) src(%arg9 : memref<128x16xf32, #tpu.memory_space<vmem>>) dst(%dma_wait3A_155 : memref<10112x16xf32, #tpu.memory_space<vmem_shared>>)
        %dma_wait3A_156 = arith.constant 0 : i32
        %dma_wait3A_157 = arith.constant 0 : i32
        %dma_wait3A_158 = tpu.memref_slice %arg8[%dma_wait3A_156, %dma_wait3A_157] : memref<80x128xi32, #tpu.memory_space<vmem>> -> memref<1x128xi32, #tpu.memory_space<vmem>>
        %dma_wait3A_159 = tpu.memref_squeeze %dma_wait3A_158 : memref<1x128xi32, #tpu.memory_space<vmem>> -> memref<128xi32, #tpu.memory_space<vmem>>
        %dma_wait3A_160 = arith.constant 0 : i32
        %dma_wait3A_161 = arith.constant 0 : i32
        %dma_wait3A_162 = tpu.memref_slice %arg11[%dma_wait3A_160, %dma_wait3A_161] : memref<10112x16xf32, #tpu.memory_space<vmem_shared>> -> memref<10112x16xf32, #tpu.memory_space<vmem_shared>>
        tpu.wait_indirect_dma semaphore(%arg17 : memref<!tpu.dma_semaphore, #tpu.memory_space<semaphore_mem>>) src(%arg9 : memref<128x16xf32, #tpu.memory_space<vmem>>) dst(%dma_wait3A_162 : memref<10112x16xf32, #tpu.memory_space<vmem_shared>>)
      } else {
      }
      %dma_start3A_94 = arith.constant 0 : i32
      %dma_start3A_95 = tpu.memref_slice %arg7[%add3A_88, %dma_start3A_94] : memref<80x128xi32, #tpu.memory_space<vmem>> -> memref<1x128xi32, #tpu.memory_space<vmem>>
      %dma_start3A_96 = tpu.memref_squeeze %dma_start3A_95 : memref<1x128xi32, #tpu.memory_space<vmem>> -> memref<128xi32, #tpu.memory_space<vmem>>
      %dma_start3A_97 = arith.constant 0 : i32
      %dma_start3A_98 = arith.constant 0 : i32
      %dma_start3A_99 = tpu.memref_slice %arg10[%dma_start3A_97, %dma_start3A_98] : memref<10112x16xf32, #tpu.memory_space<vmem_shared>> -> memref<10112x16xf32, #tpu.memory_space<vmem_shared>>
      tpu.enqueue_indirect_dma source(%arg9 : memref<128x16xf32, #tpu.memory_space<vmem>>) target(%dma_start3A_99 : memref<10112x16xf32, #tpu.memory_space<vmem_shared>>) offsets(%dma_start3A_96 : memref<128xi32, #tpu.memory_space<vmem>>) semaphore(%arg13 : memref<!tpu.dma_semaphore, #tpu.memory_space<semaphore_mem>>) {add = true}
      %dma_start3A_100 = arith.constant 0 : i32
      %dma_start3A_101 = tpu.memref_slice %arg8[%add3A_88, %dma_start3A_100] : memref<80x128xi32, #tpu.memory_space<vmem>> -> memref<1x128xi32, #tpu.memory_space<vmem>>
      %dma_start3A_102 = tpu.memref_squeeze %dma_start3A_101 : memref<1x128xi32, #tpu.memory_space<vmem>> -> memref<128xi32, #tpu.memory_space<vmem>>
      %dma_start3A_103 = arith.constant 0 : i32
      %dma_start3A_104 = arith.constant 0 : i32
      %dma_start3A_105 = tpu.memref_slice %arg11[%dma_start3A_103, %dma_start3A_104] : memref<10112x16xf32, #tpu.memory_space<vmem_shared>> -> memref<10112x16xf32, #tpu.memory_space<vmem_shared>>
      tpu.enqueue_indirect_dma source(%arg9 : memref<128x16xf32, #tpu.memory_space<vmem>>) target(%dma_start3A_105 : memref<10112x16xf32, #tpu.memory_space<vmem_shared>>) offsets(%dma_start3A_102 : memref<128xi32, #tpu.memory_space<vmem>>) semaphore(%arg17 : memref<!tpu.dma_semaphore, #tpu.memory_space<semaphore_mem>>) {add = true}
      %mul3A_106 = arith.constant 4 : i32
      %mul3A_107 = arith.muli %scan3A_66, %mul3A_106 : i32
      %add3A_108 = arith.constant 2 : i32
      %add3A_109 = arith.addi %mul3A_107, %add3A_108 : i32
      %gt3A_110 = arith.constant 0 : i32
      %gt3A_111 = arith.cmpi sgt, %scan3A_66, %gt3A_110 : i32
      %convert_element_type3A_112 = arith.extui %gt3A_111 : i1 to i32
      %cond3A_113 = arith.constant 0 : i32
      %cond3A_114 = arith.cmpi ne, %convert_element_type3A_112, %cond3A_113 : i32
      scf.if %cond3A_114 {
        %dma_wait3A_149 = arith.constant 0 : i32
        %dma_wait3A_150 = arith.constant 0 : i32
        %dma_wait3A_151 = tpu.memref_slice %arg7[%dma_wait3A_149, %dma_wait3A_150] : memref<80x128xi32, #tpu.memory_space<vmem>> -> memref<1x128xi32, #tpu.memory_space<vmem>>
        %dma_wait3A_152 = tpu.memref_squeeze %dma_wait3A_151 : memref<1x128xi32, #tpu.memory_space<vmem>> -> memref<128xi32, #tpu.memory_space<vmem>>
        %dma_wait3A_153 = arith.constant 0 : i32
        %dma_wait3A_154 = arith.constant 0 : i32
        %dma_wait3A_155 = tpu.memref_slice %arg10[%dma_wait3A_153, %dma_wait3A_154] : memref<10112x16xf32, #tpu.memory_space<vmem_shared>> -> memref<10112x16xf32, #tpu.memory_space<vmem_shared>>
        tpu.wait_indirect_dma semaphore(%arg14 : memref<!tpu.dma_semaphore, #tpu.memory_space<semaphore_mem>>) src(%arg9 : memref<128x16xf32, #tpu.memory_space<vmem>>) dst(%dma_wait3A_155 : memref<10112x16xf32, #tpu.memory_space<vmem_shared>>)
        %dma_wait3A_156 = arith.constant 0 : i32
        %dma_wait3A_157 = arith.constant 0 : i32
        %dma_wait3A_158 = tpu.memref_slice %arg8[%dma_wait3A_156, %dma_wait3A_157] : memref<80x128xi32, #tpu.memory_space<vmem>> -> memref<1x128xi32, #tpu.memory_space<vmem>>
        %dma_wait3A_159 = tpu.memref_squeeze %dma_wait3A_158 : memref<1x128xi32, #tpu.memory_space<vmem>> -> memref<128xi32, #tpu.memory_space<vmem>>
        %dma_wait3A_160 = arith.constant 0 : i32
        %dma_wait3A_161 = arith.constant 0 : i32
        %dma_wait3A_162 = tpu.memref_slice %arg11[%dma_wait3A_160, %dma_wait3A_161] : memref<10112x16xf32, #tpu.memory_space<vmem_shared>> -> memref<10112x16xf32, #tpu.memory_space<vmem_shared>>
        tpu.wait_indirect_dma semaphore(%arg18 : memref<!tpu.dma_semaphore, #tpu.memory_space<semaphore_mem>>) src(%arg9 : memref<128x16xf32, #tpu.memory_space<vmem>>) dst(%dma_wait3A_162 : memref<10112x16xf32, #tpu.memory_space<vmem_shared>>)
      } else {
      }
      %dma_start3A_115 = arith.constant 0 : i32
      %dma_start3A_116 = tpu.memref_slice %arg7[%add3A_109, %dma_start3A_115] : memref<80x128xi32, #tpu.memory_space<vmem>> -> memref<1x128xi32, #tpu.memory_space<vmem>>
      %dma_start3A_117 = tpu.memref_squeeze %dma_start3A_116 : memref<1x128xi32, #tpu.memory_space<vmem>> -> memref<128xi32, #tpu.memory_space<vmem>>
      %dma_start3A_118 = arith.constant 0 : i32
      %dma_start3A_119 = arith.constant 0 : i32
      %dma_start3A_120 = tpu.memref_slice %arg10[%dma_start3A_118, %dma_start3A_119] : memref<10112x16xf32, #tpu.memory_space<vmem_shared>> -> memref<10112x16xf32, #tpu.memory_space<vmem_shared>>
      tpu.enqueue_indirect_dma source(%arg9 : memref<128x16xf32, #tpu.memory_space<vmem>>) target(%dma_start3A_120 : memref<10112x16xf32, #tpu.memory_space<vmem_shared>>) offsets(%dma_start3A_117 : memref<128xi32, #tpu.memory_space<vmem>>) semaphore(%arg14 : memref<!tpu.dma_semaphore, #tpu.memory_space<semaphore_mem>>) {add = true}
      %dma_start3A_121 = arith.constant 0 : i32
      %dma_start3A_122 = tpu.memref_slice %arg8[%add3A_109, %dma_start3A_121] : memref<80x128xi32, #tpu.memory_space<vmem>> -> memref<1x128xi32, #tpu.memory_space<vmem>>
      %dma_start3A_123 = tpu.memref_squeeze %dma_start3A_122 : memref<1x128xi32, #tpu.memory_space<vmem>> -> memref<128xi32, #tpu.memory_space<vmem>>
      %dma_start3A_124 = arith.constant 0 : i32
      %dma_start3A_125 = arith.constant 0 : i32
      %dma_start3A_126 = tpu.memref_slice %arg11[%dma_start3A_124, %dma_start3A_125] : memref<10112x16xf32, #tpu.memory_space<vmem_shared>> -> memref<10112x16xf32, #tpu.memory_space<vmem_shared>>
      tpu.enqueue_indirect_dma source(%arg9 : memref<128x16xf32, #tpu.memory_space<vmem>>) target(%dma_start3A_126 : memref<10112x16xf32, #tpu.memory_space<vmem_shared>>) offsets(%dma_start3A_123 : memref<128xi32, #tpu.memory_space<vmem>>) semaphore(%arg18 : memref<!tpu.dma_semaphore, #tpu.memory_space<semaphore_mem>>) {add = true}
      %mul3A_127 = arith.constant 4 : i32
      %mul3A_128 = arith.muli %scan3A_66, %mul3A_127 : i32
      %add3A_129 = arith.constant 3 : i32
      %add3A_130 = arith.addi %mul3A_128, %add3A_129 : i32
      %gt3A_131 = arith.constant 0 : i32
      %gt3A_132 = arith.cmpi sgt, %scan3A_66, %gt3A_131 : i32
      %convert_element_type3A_133 = arith.extui %gt3A_132 : i1 to i32
      %cond3A_134 = arith.constant 0 : i32
      %cond3A_135 = arith.cmpi ne, %convert_element_type3A_133, %cond3A_134 : i32
      scf.if %cond3A_135 {
        %dma_wait3A_149 = arith.constant 0 : i32
        %dma_wait3A_150 = arith.constant 0 : i32
        %dma_wait3A_151 = tpu.memref_slice %arg7[%dma_wait3A_149, %dma_wait3A_150] : memref<80x128xi32, #tpu.memory_space<vmem>> -> memref<1x128xi32, #tpu.memory_space<vmem>>
        %dma_wait3A_152 = tpu.memref_squeeze %dma_wait3A_151 : memref<1x128xi32, #tpu.memory_space<vmem>> -> memref<128xi32, #tpu.memory_space<vmem>>
        %dma_wait3A_153 = arith.constant 0 : i32
        %dma_wait3A_154 = arith.constant 0 : i32
        %dma_wait3A_155 = tpu.memref_slice %arg10[%dma_wait3A_153, %dma_wait3A_154] : memref<10112x16xf32, #tpu.memory_space<vmem_shared>> -> memref<10112x16xf32, #tpu.memory_space<vmem_shared>>
        tpu.wait_indirect_dma semaphore(%arg15 : memref<!tpu.dma_semaphore, #tpu.memory_space<semaphore_mem>>) src(%arg9 : memref<128x16xf32, #tpu.memory_space<vmem>>) dst(%dma_wait3A_155 : memref<10112x16xf32, #tpu.memory_space<vmem_shared>>)
        %dma_wait3A_156 = arith.constant 0 : i32
        %dma_wait3A_157 = arith.constant 0 : i32
        %dma_wait3A_158 = tpu.memref_slice %arg8[%dma_wait3A_156, %dma_wait3A_157] : memref<80x128xi32, #tpu.memory_space<vmem>> -> memref<1x128xi32, #tpu.memory_space<vmem>>
        %dma_wait3A_159 = tpu.memref_squeeze %dma_wait3A_158 : memref<1x128xi32, #tpu.memory_space<vmem>> -> memref<128xi32, #tpu.memory_space<vmem>>
        %dma_wait3A_160 = arith.constant 0 : i32
        %dma_wait3A_161 = arith.constant 0 : i32
        %dma_wait3A_162 = tpu.memref_slice %arg11[%dma_wait3A_160, %dma_wait3A_161] : memref<10112x16xf32, #tpu.memory_space<vmem_shared>> -> memref<10112x16xf32, #tpu.memory_space<vmem_shared>>
        tpu.wait_indirect_dma semaphore(%arg19 : memref<!tpu.dma_semaphore, #tpu.memory_space<semaphore_mem>>) src(%arg9 : memref<128x16xf32, #tpu.memory_space<vmem>>) dst(%dma_wait3A_162 : memref<10112x16xf32, #tpu.memory_space<vmem_shared>>)
      } else {
      }
      %dma_start3A_136 = arith.constant 0 : i32
      %dma_start3A_137 = tpu.memref_slice %arg7[%add3A_130, %dma_start3A_136] : memref<80x128xi32, #tpu.memory_space<vmem>> -> memref<1x128xi32, #tpu.memory_space<vmem>>
      %dma_start3A_138 = tpu.memref_squeeze %dma_start3A_137 : memref<1x128xi32, #tpu.memory_space<vmem>> -> memref<128xi32, #tpu.memory_space<vmem>>
      %dma_start3A_139 = arith.constant 0 : i32
      %dma_start3A_140 = arith.constant 0 : i32
      %dma_start3A_141 = tpu.memref_slice %arg10[%dma_start3A_139, %dma_start3A_140] : memref<10112x16xf32, #tpu.memory_space<vmem_shared>> -> memref<10112x16xf32, #tpu.memory_space<vmem_shared>>
      tpu.enqueue_indirect_dma source(%arg9 : memref<128x16xf32, #tpu.memory_space<vmem>>) target(%dma_start3A_141 : memref<10112x16xf32, #tpu.memory_space<vmem_shared>>) offsets(%dma_start3A_138 : memref<128xi32, #tpu.memory_space<vmem>>) semaphore(%arg15 : memref<!tpu.dma_semaphore, #tpu.memory_space<semaphore_mem>>) {add = true}
      %dma_start3A_142 = arith.constant 0 : i32
      %dma_start3A_143 = tpu.memref_slice %arg8[%add3A_130, %dma_start3A_142] : memref<80x128xi32, #tpu.memory_space<vmem>> -> memref<1x128xi32, #tpu.memory_space<vmem>>
      %dma_start3A_144 = tpu.memref_squeeze %dma_start3A_143 : memref<1x128xi32, #tpu.memory_space<vmem>> -> memref<128xi32, #tpu.memory_space<vmem>>
      %dma_start3A_145 = arith.constant 0 : i32
      %dma_start3A_146 = arith.constant 0 : i32
      %dma_start3A_147 = tpu.memref_slice %arg11[%dma_start3A_145, %dma_start3A_146] : memref<10112x16xf32, #tpu.memory_space<vmem_shared>> -> memref<10112x16xf32, #tpu.memory_space<vmem_shared>>
      tpu.enqueue_indirect_dma source(%arg9 : memref<128x16xf32, #tpu.memory_space<vmem>>) target(%dma_start3A_147 : memref<10112x16xf32, #tpu.memory_space<vmem_shared>>) offsets(%dma_start3A_144 : memref<128xi32, #tpu.memory_space<vmem>>) semaphore(%arg19 : memref<!tpu.dma_semaphore, #tpu.memory_space<semaphore_mem>>) {add = true}
      %scan3A_148 = arith.constant 0 : i32
      scf.yield %scan3A_148 : i32
    }
    %scan3A_8 = arith.constant 20 : i32
    %dma_wait3A = arith.constant 0 : i32
    %dma_wait3A_9 = arith.constant 0 : i32
    %dma_wait3A_10 = tpu.memref_slice %arg7[%dma_wait3A, %dma_wait3A_9] : memref<80x128xi32, #tpu.memory_space<vmem>> -> memref<1x128xi32, #tpu.memory_space<vmem>>
    %dma_wait3A_11 = tpu.memref_squeeze %dma_wait3A_10 : memref<1x128xi32, #tpu.memory_space<vmem>> -> memref<128xi32, #tpu.memory_space<vmem>>
    %dma_wait3A_12 = arith.constant 0 : i32
    %dma_wait3A_13 = arith.constant 0 : i32
    %dma_wait3A_14 = tpu.memref_slice %arg10[%dma_wait3A_12, %dma_wait3A_13] : memref<10112x16xf32, #tpu.memory_space<vmem_shared>> -> memref<10112x16xf32, #tpu.memory_space<vmem_shared>>
    tpu.wait_indirect_dma semaphore(%arg12 : memref<!tpu.dma_semaphore, #tpu.memory_space<semaphore_mem>>) src(%arg9 : memref<128x16xf32, #tpu.memory_space<vmem>>) dst(%dma_wait3A_14 : memref<10112x16xf32, #tpu.memory_space<vmem_shared>>)
    %dma_wait3A_15 = arith.constant 0 : i32
    %dma_wait3A_16 = arith.constant 0 : i32
    %dma_wait3A_17 = tpu.memref_slice %arg8[%dma_wait3A_15, %dma_wait3A_16] : memref<80x128xi32, #tpu.memory_space<vmem>> -> memref<1x128xi32, #tpu.memory_space<vmem>>
    %dma_wait3A_18 = tpu.memref_squeeze %dma_wait3A_17 : memref<1x128xi32, #tpu.memory_space<vmem>> -> memref<128xi32, #tpu.memory_space<vmem>>
    %dma_wait3A_19 = arith.constant 0 : i32
    %dma_wait3A_20 = arith.constant 0 : i32
    %dma_wait3A_21 = tpu.memref_slice %arg11[%dma_wait3A_19, %dma_wait3A_20] : memref<10112x16xf32, #tpu.memory_space<vmem_shared>> -> memref<10112x16xf32, #tpu.memory_space<vmem_shared>>
    tpu.wait_indirect_dma semaphore(%arg16 : memref<!tpu.dma_semaphore, #tpu.memory_space<semaphore_mem>>) src(%arg9 : memref<128x16xf32, #tpu.memory_space<vmem>>) dst(%dma_wait3A_21 : memref<10112x16xf32, #tpu.memory_space<vmem_shared>>)
    %dma_wait3A_22 = arith.constant 0 : i32
    %dma_wait3A_23 = arith.constant 0 : i32
    %dma_wait3A_24 = tpu.memref_slice %arg7[%dma_wait3A_22, %dma_wait3A_23] : memref<80x128xi32, #tpu.memory_space<vmem>> -> memref<1x128xi32, #tpu.memory_space<vmem>>
    %dma_wait3A_25 = tpu.memref_squeeze %dma_wait3A_24 : memref<1x128xi32, #tpu.memory_space<vmem>> -> memref<128xi32, #tpu.memory_space<vmem>>
    %dma_wait3A_26 = arith.constant 0 : i32
    %dma_wait3A_27 = arith.constant 0 : i32
    %dma_wait3A_28 = tpu.memref_slice %arg10[%dma_wait3A_26, %dma_wait3A_27] : memref<10112x16xf32, #tpu.memory_space<vmem_shared>> -> memref<10112x16xf32, #tpu.memory_space<vmem_shared>>
    tpu.wait_indirect_dma semaphore(%arg13 : memref<!tpu.dma_semaphore, #tpu.memory_space<semaphore_mem>>) src(%arg9 : memref<128x16xf32, #tpu.memory_space<vmem>>) dst(%dma_wait3A_28 : memref<10112x16xf32, #tpu.memory_space<vmem_shared>>)
    %dma_wait3A_29 = arith.constant 0 : i32
    %dma_wait3A_30 = arith.constant 0 : i32
    %dma_wait3A_31 = tpu.memref_slice %arg8[%dma_wait3A_29, %dma_wait3A_30] : memref<80x128xi32, #tpu.memory_space<vmem>> -> memref<1x128xi32, #tpu.memory_space<vmem>>
    %dma_wait3A_32 = tpu.memref_squeeze %dma_wait3A_31 : memref<1x128xi32, #tpu.memory_space<vmem>> -> memref<128xi32, #tpu.memory_space<vmem>>
    %dma_wait3A_33 = arith.constant 0 : i32
    %dma_wait3A_34 = arith.constant 0 : i32
    %dma_wait3A_35 = tpu.memref_slice %arg11[%dma_wait3A_33, %dma_wait3A_34] : memref<10112x16xf32, #tpu.memory_space<vmem_shared>> -> memref<10112x16xf32, #tpu.memory_space<vmem_shared>>
    tpu.wait_indirect_dma semaphore(%arg17 : memref<!tpu.dma_semaphore, #tpu.memory_space<semaphore_mem>>) src(%arg9 : memref<128x16xf32, #tpu.memory_space<vmem>>) dst(%dma_wait3A_35 : memref<10112x16xf32, #tpu.memory_space<vmem_shared>>)
    %dma_wait3A_36 = arith.constant 0 : i32
    %dma_wait3A_37 = arith.constant 0 : i32
    %dma_wait3A_38 = tpu.memref_slice %arg7[%dma_wait3A_36, %dma_wait3A_37] : memref<80x128xi32, #tpu.memory_space<vmem>> -> memref<1x128xi32, #tpu.memory_space<vmem>>
    %dma_wait3A_39 = tpu.memref_squeeze %dma_wait3A_38 : memref<1x128xi32, #tpu.memory_space<vmem>> -> memref<128xi32, #tpu.memory_space<vmem>>
    %dma_wait3A_40 = arith.constant 0 : i32
    %dma_wait3A_41 = arith.constant 0 : i32
    %dma_wait3A_42 = tpu.memref_slice %arg10[%dma_wait3A_40, %dma_wait3A_41] : memref<10112x16xf32, #tpu.memory_space<vmem_shared>> -> memref<10112x16xf32, #tpu.memory_space<vmem_shared>>
    tpu.wait_indirect_dma semaphore(%arg14 : memref<!tpu.dma_semaphore, #tpu.memory_space<semaphore_mem>>) src(%arg9 : memref<128x16xf32, #tpu.memory_space<vmem>>) dst(%dma_wait3A_42 : memref<10112x16xf32, #tpu.memory_space<vmem_shared>>)
    %dma_wait3A_43 = arith.constant 0 : i32
    %dma_wait3A_44 = arith.constant 0 : i32
    %dma_wait3A_45 = tpu.memref_slice %arg8[%dma_wait3A_43, %dma_wait3A_44] : memref<80x128xi32, #tpu.memory_space<vmem>> -> memref<1x128xi32, #tpu.memory_space<vmem>>
    %dma_wait3A_46 = tpu.memref_squeeze %dma_wait3A_45 : memref<1x128xi32, #tpu.memory_space<vmem>> -> memref<128xi32, #tpu.memory_space<vmem>>
    %dma_wait3A_47 = arith.constant 0 : i32
    %dma_wait3A_48 = arith.constant 0 : i32
    %dma_wait3A_49 = tpu.memref_slice %arg11[%dma_wait3A_47, %dma_wait3A_48] : memref<10112x16xf32, #tpu.memory_space<vmem_shared>> -> memref<10112x16xf32, #tpu.memory_space<vmem_shared>>
    tpu.wait_indirect_dma semaphore(%arg18 : memref<!tpu.dma_semaphore, #tpu.memory_space<semaphore_mem>>) src(%arg9 : memref<128x16xf32, #tpu.memory_space<vmem>>) dst(%dma_wait3A_49 : memref<10112x16xf32, #tpu.memory_space<vmem_shared>>)
    %dma_wait3A_50 = arith.constant 0 : i32
    %dma_wait3A_51 = arith.constant 0 : i32
    %dma_wait3A_52 = tpu.memref_slice %arg7[%dma_wait3A_50, %dma_wait3A_51] : memref<80x128xi32, #tpu.memory_space<vmem>> -> memref<1x128xi32, #tpu.memory_space<vmem>>
    %dma_wait3A_53 = tpu.memref_squeeze %dma_wait3A_52 : memref<1x128xi32, #tpu.memory_space<vmem>> -> memref<128xi32, #tpu.memory_space<vmem>>
    %dma_wait3A_54 = arith.constant 0 : i32
    %dma_wait3A_55 = arith.constant 0 : i32
    %dma_wait3A_56 = tpu.memref_slice %arg10[%dma_wait3A_54, %dma_wait3A_55] : memref<10112x16xf32, #tpu.memory_space<vmem_shared>> -> memref<10112x16xf32, #tpu.memory_space<vmem_shared>>
    tpu.wait_indirect_dma semaphore(%arg15 : memref<!tpu.dma_semaphore, #tpu.memory_space<semaphore_mem>>) src(%arg9 : memref<128x16xf32, #tpu.memory_space<vmem>>) dst(%dma_wait3A_56 : memref<10112x16xf32, #tpu.memory_space<vmem_shared>>)
    %dma_wait3A_57 = arith.constant 0 : i32
    %dma_wait3A_58 = arith.constant 0 : i32
    %dma_wait3A_59 = tpu.memref_slice %arg8[%dma_wait3A_57, %dma_wait3A_58] : memref<80x128xi32, #tpu.memory_space<vmem>> -> memref<1x128xi32, #tpu.memory_space<vmem>>
    %dma_wait3A_60 = tpu.memref_squeeze %dma_wait3A_59 : memref<1x128xi32, #tpu.memory_space<vmem>> -> memref<128xi32, #tpu.memory_space<vmem>>
    %dma_wait3A_61 = arith.constant 0 : i32
    %dma_wait3A_62 = arith.constant 0 : i32
    %dma_wait3A_63 = tpu.memref_slice %arg11[%dma_wait3A_61, %dma_wait3A_62] : memref<10112x16xf32, #tpu.memory_space<vmem_shared>> -> memref<10112x16xf32, #tpu.memory_space<vmem_shared>>
    tpu.wait_indirect_dma semaphore(%arg19 : memref<!tpu.dma_semaphore, #tpu.memory_space<semaphore_mem>>) src(%arg9 : memref<128x16xf32, #tpu.memory_space<vmem>>) dst(%dma_wait3A_63 : memref<10112x16xf32, #tpu.memory_space<vmem_shared>>)
    %barrier3A_64 = arith.constant 0 : index
    tpu.barrier barrier_id(%barrier3A_64)
    %run_scoped3A = arith.constant 0 : i32
    "tpu.region"() ({
      %run_scoped3A_66 = tpu.sem_alloc : memref<!tpu.dma_semaphore, #tpu.memory_space<semaphore_mem>>
      %dma_start3A = arith.constant 0 : i32
      %dma_start3A_67 = tpu.memref_slice %arg6[%arg0, %run_scoped3A, %mul3A_2, %dma_start3A] : memref<2x2x10112x16xf32, #tpu.memory_space<hbm>> -> memref<1x1x632x16xf32, #tpu.memory_space<hbm>>
      %dma_start3A_68 = tpu.memref_squeeze %dma_start3A_67 : memref<1x1x632x16xf32, #tpu.memory_space<hbm>> -> memref<632x16xf32, #tpu.memory_space<hbm>>
      %dma_start3A_69 = arith.constant 0 : i32
      %dma_start3A_70 = tpu.memref_slice %arg10[%mul3A_2, %dma_start3A_69] : memref<10112x16xf32, #tpu.memory_space<vmem_shared>> -> memref<632x16xf32, #tpu.memory_space<vmem_shared>>
      tpu.enqueue_dma source(%dma_start3A_70 : memref<632x16xf32, #tpu.memory_space<vmem_shared>>) target(%dma_start3A_68 : memref<632x16xf32, #tpu.memory_space<hbm>>) target_semaphore(%run_scoped3A_66 : memref<!tpu.dma_semaphore, #tpu.memory_space<semaphore_mem>>)
      %dma_wait3A_71 = arith.constant 0 : i32
      %dma_wait3A_72 = tpu.memref_slice %arg6[%arg0, %run_scoped3A, %mul3A_2, %dma_wait3A_71] : memref<2x2x10112x16xf32, #tpu.memory_space<hbm>> -> memref<1x1x632x16xf32, #tpu.memory_space<hbm>>
      %dma_wait3A_73 = tpu.memref_squeeze %dma_wait3A_72 : memref<1x1x632x16xf32, #tpu.memory_space<hbm>> -> memref<632x16xf32, #tpu.memory_space<hbm>>
      %dma_wait3A_74 = arith.constant 0 : i32
      %dma_wait3A_75 = tpu.memref_slice %arg10[%mul3A_2, %dma_wait3A_74] : memref<10112x16xf32, #tpu.memory_space<vmem_shared>> -> memref<632x16xf32, #tpu.memory_space<vmem_shared>>
      tpu.wait_dma2 semaphore(%run_scoped3A_66 : memref<!tpu.dma_semaphore, #tpu.memory_space<semaphore_mem>>) src(%dma_wait3A_75 : memref<632x16xf32, #tpu.memory_space<vmem_shared>>) dst(%dma_wait3A_73 : memref<632x16xf32, #tpu.memory_space<hbm>>)
      tpu.yield
    }) : () -> ()
    %run_scoped3A_65 = arith.constant 1 : i32
    "tpu.region"() ({
      %run_scoped3A_66 = tpu.sem_alloc : memref<!tpu.dma_semaphore, #tpu.memory_space<semaphore_mem>>
      %dma_start3A = arith.constant 0 : i32
      %dma_start3A_67 = tpu.memref_slice %arg6[%arg0, %run_scoped3A_65, %mul3A_2, %dma_start3A] : memref<2x2x10112x16xf32, #tpu.memory_space<hbm>> -> memref<1x1x632x16xf32, #tpu.memory_space<hbm>>
      %dma_start3A_68 = tpu.memref_squeeze %dma_start3A_67 : memref<1x1x632x16xf32, #tpu.memory_space<hbm>> -> memref<632x16xf32, #tpu.memory_space<hbm>>
      %dma_start3A_69 = arith.constant 0 : i32
      %dma_start3A_70 = tpu.memref_slice %arg11[%mul3A_2, %dma_start3A_69] : memref<10112x16xf32, #tpu.memory_space<vmem_shared>> -> memref<632x16xf32, #tpu.memory_space<vmem_shared>>
      tpu.enqueue_dma source(%dma_start3A_70 : memref<632x16xf32, #tpu.memory_space<vmem_shared>>) target(%dma_start3A_68 : memref<632x16xf32, #tpu.memory_space<hbm>>) target_semaphore(%run_scoped3A_66 : memref<!tpu.dma_semaphore, #tpu.memory_space<semaphore_mem>>)
      %dma_wait3A_71 = arith.constant 0 : i32
      %dma_wait3A_72 = tpu.memref_slice %arg6[%arg0, %run_scoped3A_65, %mul3A_2, %dma_wait3A_71] : memref<2x2x10112x16xf32, #tpu.memory_space<hbm>> -> memref<1x1x632x16xf32, #tpu.memory_space<hbm>>
      %dma_wait3A_73 = tpu.memref_squeeze %dma_wait3A_72 : memref<1x1x632x16xf32, #tpu.memory_space<hbm>> -> memref<632x16xf32, #tpu.memory_space<hbm>>
      %dma_wait3A_74 = arith.constant 0 : i32
      %dma_wait3A_75 = tpu.memref_slice %arg11[%mul3A_2, %dma_wait3A_74] : memref<10112x16xf32, #tpu.memory_space<vmem_shared>> -> memref<632x16xf32, #tpu.memory_space<vmem_shared>>
      tpu.wait_dma2 semaphore(%run_scoped3A_66 : memref<!tpu.dma_semaphore, #tpu.memory_space<semaphore_mem>>) src(%dma_wait3A_75 : memref<632x16xf32, #tpu.memory_space<vmem_shared>>) dst(%dma_wait3A_73 : memref<632x16xf32, #tpu.memory_space<hbm>>)
      tpu.yield
    }) : () -> ()
    return
  }
}

#map = affine_map<(d0, d1) -> (0, 0)>
#map1 = affine_map<(d0, d1) -> (0, 0, 0)>
module attributes {stable_mosaic.version = 14 : i64} {
  func.func @body(%arg0: i32, %arg1: i32, %arg2: memref<2048x16xf32, #tpu.memory_space<hbm>>, %arg3: memref<2048x16xf32, #tpu.memory_space<hbm>>, %arg4: memref<2048x256xf32, #tpu.memory_space<hbm>>, %arg5: memref<32x16x64xi32, #tpu.memory_space<hbm>>, %arg6: memref<32x16x64xi32, #tpu.memory_space<hbm>>, %arg7: memref<2048x272xf32, #tpu.memory_space<hbm>>, %arg8: memref<2x2048x272xf32, #tpu.memory_space<hbm>>, %arg9: memref<16x64xi32, #tpu.memory_space<vmem>>, %arg10: memref<16x64xi32, #tpu.memory_space<vmem>>, %arg11: memref<2048x16xf32, #tpu.memory_space<vmem_shared>>, %arg12: memref<2048x16xf32, #tpu.memory_space<vmem_shared>>, %arg13: memref<2048x256xf32, #tpu.memory_space<vmem_shared>>, %arg14: memref<2048x272xf32, #tpu.memory_space<vmem_shared>>, %arg15: memref<64x16xf32, #tpu.memory_space<vmem>>, %arg16: memref<64x16xf32, #tpu.memory_space<vmem>>, %arg17: memref<64x256xf32, #tpu.memory_space<vmem>>, %arg18: memref<64x272xf32, #tpu.memory_space<vmem>>, %arg19: memref<!tpu.dma_semaphore, #tpu.memory_space<semaphore_mem>>, %arg20: memref<!tpu.dma_semaphore, #tpu.memory_space<semaphore_mem>>, %arg21: memref<!tpu.dma_semaphore, #tpu.memory_space<semaphore_mem>>, %arg22: memref<!tpu.dma_semaphore, #tpu.memory_space<semaphore_mem>>) attributes {dimension_semantics = [#tpu.dimension_semantics<core_parallel>, #tpu.dimension_semantics<subcore_parallel>], iteration_bounds = array<i64: 2, 16>, scalar_prefetch = 0 : i64, scratch_operands = 14 : i64, tpu.core_type = #tpu.core_type<sc_vector_subcore>, window_params = [{transform_indices = #map}, {transform_indices = #map}, {transform_indices = #map}, {transform_indices = #map1}, {transform_indices = #map1}, {transform_indices = #map}, {transform_indices = #map1}]} {
    %mul3A = arith.constant 16 : i32
    %mul3A_0 = arith.muli %arg0, %mul3A : i32
    %add3A = arith.addi %mul3A_0, %arg1 : i32
    %mul3A_1 = arith.constant 128 : i32
    %mul3A_2 = arith.muli %arg1, %mul3A_1 : i32
    "tpu.region"() ({
      %run_scoped3A = tpu.sem_alloc : memref<!tpu.dma_semaphore, #tpu.memory_space<semaphore_mem>>
      %dma_start3A = arith.constant 0 : i32
      %dma_start3A_10 = tpu.memref_slice %arg14[%mul3A_2, %dma_start3A] : memref<2048x272xf32, #tpu.memory_space<vmem_shared>> -> memref<128x272xf32, #tpu.memory_space<vmem_shared>>
      %dma_start3A_11 = arith.constant 0 : i32
      %dma_start3A_12 = tpu.memref_slice %arg7[%mul3A_2, %dma_start3A_11] : memref<2048x272xf32, #tpu.memory_space<hbm>> -> memref<128x272xf32, #tpu.memory_space<hbm>>
      tpu.enqueue_dma source(%dma_start3A_12 : memref<128x272xf32, #tpu.memory_space<hbm>>) target(%dma_start3A_10 : memref<128x272xf32, #tpu.memory_space<vmem_shared>>) target_semaphore(%run_scoped3A : memref<!tpu.dma_semaphore, #tpu.memory_space<semaphore_mem>>)
      %dma_wait3A = arith.constant 0 : i32
      %dma_wait3A_13 = tpu.memref_slice %arg14[%mul3A_2, %dma_wait3A] : memref<2048x272xf32, #tpu.memory_space<vmem_shared>> -> memref<128x272xf32, #tpu.memory_space<vmem_shared>>
      %dma_wait3A_14 = arith.constant 0 : i32
      %dma_wait3A_15 = tpu.memref_slice %arg7[%mul3A_2, %dma_wait3A_14] : memref<2048x272xf32, #tpu.memory_space<hbm>> -> memref<128x272xf32, #tpu.memory_space<hbm>>
      tpu.wait_dma2 semaphore(%run_scoped3A : memref<!tpu.dma_semaphore, #tpu.memory_space<semaphore_mem>>) src(%dma_wait3A_15 : memref<128x272xf32, #tpu.memory_space<hbm>>) dst(%dma_wait3A_13 : memref<128x272xf32, #tpu.memory_space<vmem_shared>>)
      tpu.yield
    }) : () -> ()
    "tpu.region"() ({
      %run_scoped3A = tpu.sem_alloc : memref<!tpu.dma_semaphore, #tpu.memory_space<semaphore_mem>>
      %dma_start3A = arith.constant 0 : i32
      %dma_start3A_10 = tpu.memref_slice %arg11[%mul3A_2, %dma_start3A] : memref<2048x16xf32, #tpu.memory_space<vmem_shared>> -> memref<128x16xf32, #tpu.memory_space<vmem_shared>>
      %dma_start3A_11 = arith.constant 0 : i32
      %dma_start3A_12 = tpu.memref_slice %arg2[%mul3A_2, %dma_start3A_11] : memref<2048x16xf32, #tpu.memory_space<hbm>> -> memref<128x16xf32, #tpu.memory_space<hbm>>
      tpu.enqueue_dma source(%dma_start3A_12 : memref<128x16xf32, #tpu.memory_space<hbm>>) target(%dma_start3A_10 : memref<128x16xf32, #tpu.memory_space<vmem_shared>>) target_semaphore(%run_scoped3A : memref<!tpu.dma_semaphore, #tpu.memory_space<semaphore_mem>>)
      %dma_wait3A = arith.constant 0 : i32
      %dma_wait3A_13 = tpu.memref_slice %arg11[%mul3A_2, %dma_wait3A] : memref<2048x16xf32, #tpu.memory_space<vmem_shared>> -> memref<128x16xf32, #tpu.memory_space<vmem_shared>>
      %dma_wait3A_14 = arith.constant 0 : i32
      %dma_wait3A_15 = tpu.memref_slice %arg2[%mul3A_2, %dma_wait3A_14] : memref<2048x16xf32, #tpu.memory_space<hbm>> -> memref<128x16xf32, #tpu.memory_space<hbm>>
      tpu.wait_dma2 semaphore(%run_scoped3A : memref<!tpu.dma_semaphore, #tpu.memory_space<semaphore_mem>>) src(%dma_wait3A_15 : memref<128x16xf32, #tpu.memory_space<hbm>>) dst(%dma_wait3A_13 : memref<128x16xf32, #tpu.memory_space<vmem_shared>>)
      tpu.yield
    }) : () -> ()
    "tpu.region"() ({
      %run_scoped3A = tpu.sem_alloc : memref<!tpu.dma_semaphore, #tpu.memory_space<semaphore_mem>>
      %dma_start3A = arith.constant 0 : i32
      %dma_start3A_10 = tpu.memref_slice %arg12[%mul3A_2, %dma_start3A] : memref<2048x16xf32, #tpu.memory_space<vmem_shared>> -> memref<128x16xf32, #tpu.memory_space<vmem_shared>>
      %dma_start3A_11 = arith.constant 0 : i32
      %dma_start3A_12 = tpu.memref_slice %arg3[%mul3A_2, %dma_start3A_11] : memref<2048x16xf32, #tpu.memory_space<hbm>> -> memref<128x16xf32, #tpu.memory_space<hbm>>
      tpu.enqueue_dma source(%dma_start3A_12 : memref<128x16xf32, #tpu.memory_space<hbm>>) target(%dma_start3A_10 : memref<128x16xf32, #tpu.memory_space<vmem_shared>>) target_semaphore(%run_scoped3A : memref<!tpu.dma_semaphore, #tpu.memory_space<semaphore_mem>>)
      %dma_wait3A = arith.constant 0 : i32
      %dma_wait3A_13 = tpu.memref_slice %arg12[%mul3A_2, %dma_wait3A] : memref<2048x16xf32, #tpu.memory_space<vmem_shared>> -> memref<128x16xf32, #tpu.memory_space<vmem_shared>>
      %dma_wait3A_14 = arith.constant 0 : i32
      %dma_wait3A_15 = tpu.memref_slice %arg3[%mul3A_2, %dma_wait3A_14] : memref<2048x16xf32, #tpu.memory_space<hbm>> -> memref<128x16xf32, #tpu.memory_space<hbm>>
      tpu.wait_dma2 semaphore(%run_scoped3A : memref<!tpu.dma_semaphore, #tpu.memory_space<semaphore_mem>>) src(%dma_wait3A_15 : memref<128x16xf32, #tpu.memory_space<hbm>>) dst(%dma_wait3A_13 : memref<128x16xf32, #tpu.memory_space<vmem_shared>>)
      tpu.yield
    }) : () -> ()
    "tpu.region"() ({
      %run_scoped3A = tpu.sem_alloc : memref<!tpu.dma_semaphore, #tpu.memory_space<semaphore_mem>>
      %dma_start3A = arith.constant 0 : i32
      %dma_start3A_10 = tpu.memref_slice %arg13[%mul3A_2, %dma_start3A] : memref<2048x256xf32, #tpu.memory_space<vmem_shared>> -> memref<128x256xf32, #tpu.memory_space<vmem_shared>>
      %dma_start3A_11 = arith.constant 0 : i32
      %dma_start3A_12 = tpu.memref_slice %arg4[%mul3A_2, %dma_start3A_11] : memref<2048x256xf32, #tpu.memory_space<hbm>> -> memref<128x256xf32, #tpu.memory_space<hbm>>
      tpu.enqueue_dma source(%dma_start3A_12 : memref<128x256xf32, #tpu.memory_space<hbm>>) target(%dma_start3A_10 : memref<128x256xf32, #tpu.memory_space<vmem_shared>>) target_semaphore(%run_scoped3A : memref<!tpu.dma_semaphore, #tpu.memory_space<semaphore_mem>>)
      %dma_wait3A = arith.constant 0 : i32
      %dma_wait3A_13 = tpu.memref_slice %arg13[%mul3A_2, %dma_wait3A] : memref<2048x256xf32, #tpu.memory_space<vmem_shared>> -> memref<128x256xf32, #tpu.memory_space<vmem_shared>>
      %dma_wait3A_14 = arith.constant 0 : i32
      %dma_wait3A_15 = tpu.memref_slice %arg4[%mul3A_2, %dma_wait3A_14] : memref<2048x256xf32, #tpu.memory_space<hbm>> -> memref<128x256xf32, #tpu.memory_space<hbm>>
      tpu.wait_dma2 semaphore(%run_scoped3A : memref<!tpu.dma_semaphore, #tpu.memory_space<semaphore_mem>>) src(%dma_wait3A_15 : memref<128x256xf32, #tpu.memory_space<hbm>>) dst(%dma_wait3A_13 : memref<128x256xf32, #tpu.memory_space<vmem_shared>>)
      tpu.yield
    }) : () -> ()
    "tpu.region"() ({
      %run_scoped3A = tpu.sem_alloc : memref<!tpu.dma_semaphore, #tpu.memory_space<semaphore_mem>>
      %dma_start3A = arith.constant 0 : i32
      %dma_start3A_10 = arith.constant 0 : i32
      %dma_start3A_11 = tpu.memref_slice %arg5[%add3A, %dma_start3A, %dma_start3A_10] : memref<32x16x64xi32, #tpu.memory_space<hbm>> -> memref<1x16x64xi32, #tpu.memory_space<hbm>>
      %dma_start3A_12 = tpu.memref_squeeze %dma_start3A_11 : memref<1x16x64xi32, #tpu.memory_space<hbm>> -> memref<16x64xi32, #tpu.memory_space<hbm>>
      %dma_start3A_13 = arith.constant 0 : i32
      %dma_start3A_14 = arith.constant 0 : i32
      %dma_start3A_15 = tpu.memref_slice %arg5[%add3A, %dma_start3A_13, %dma_start3A_14] : memref<32x16x64xi32, #tpu.memory_space<hbm>> -> memref<1x16x64xi32, #tpu.memory_space<hbm>>
      %dma_start3A_16 = tpu.memref_squeeze %dma_start3A_15 : memref<1x16x64xi32, #tpu.memory_space<hbm>> -> memref<16x64xi32, #tpu.memory_space<hbm>>
      tpu.enqueue_dma source(%dma_start3A_16 : memref<16x64xi32, #tpu.memory_space<hbm>>) target(%arg9 : memref<16x64xi32, #tpu.memory_space<vmem>>) target_semaphore(%run_scoped3A : memref<!tpu.dma_semaphore, #tpu.memory_space<semaphore_mem>>)
      %dma_wait3A = arith.constant 0 : i32
      %dma_wait3A_17 = arith.constant 0 : i32
      %dma_wait3A_18 = tpu.memref_slice %arg5[%add3A, %dma_wait3A, %dma_wait3A_17] : memref<32x16x64xi32, #tpu.memory_space<hbm>> -> memref<1x16x64xi32, #tpu.memory_space<hbm>>
      %dma_wait3A_19 = tpu.memref_squeeze %dma_wait3A_18 : memref<1x16x64xi32, #tpu.memory_space<hbm>> -> memref<16x64xi32, #tpu.memory_space<hbm>>
      %dma_wait3A_20 = arith.constant 0 : i32
      %dma_wait3A_21 = arith.constant 0 : i32
      %dma_wait3A_22 = tpu.memref_slice %arg5[%add3A, %dma_wait3A_20, %dma_wait3A_21] : memref<32x16x64xi32, #tpu.memory_space<hbm>> -> memref<1x16x64xi32, #tpu.memory_space<hbm>>
      %dma_wait3A_23 = tpu.memref_squeeze %dma_wait3A_22 : memref<1x16x64xi32, #tpu.memory_space<hbm>> -> memref<16x64xi32, #tpu.memory_space<hbm>>
      tpu.wait_dma2 semaphore(%run_scoped3A : memref<!tpu.dma_semaphore, #tpu.memory_space<semaphore_mem>>) src(%dma_wait3A_23 : memref<16x64xi32, #tpu.memory_space<hbm>>) dst(%arg9 : memref<16x64xi32, #tpu.memory_space<vmem>>)
      tpu.yield
    }) : () -> ()
    "tpu.region"() ({
      %run_scoped3A = tpu.sem_alloc : memref<!tpu.dma_semaphore, #tpu.memory_space<semaphore_mem>>
      %dma_start3A = arith.constant 0 : i32
      %dma_start3A_10 = arith.constant 0 : i32
      %dma_start3A_11 = tpu.memref_slice %arg6[%add3A, %dma_start3A, %dma_start3A_10] : memref<32x16x64xi32, #tpu.memory_space<hbm>> -> memref<1x16x64xi32, #tpu.memory_space<hbm>>
      %dma_start3A_12 = tpu.memref_squeeze %dma_start3A_11 : memref<1x16x64xi32, #tpu.memory_space<hbm>> -> memref<16x64xi32, #tpu.memory_space<hbm>>
      %dma_start3A_13 = arith.constant 0 : i32
      %dma_start3A_14 = arith.constant 0 : i32
      %dma_start3A_15 = tpu.memref_slice %arg6[%add3A, %dma_start3A_13, %dma_start3A_14] : memref<32x16x64xi32, #tpu.memory_space<hbm>> -> memref<1x16x64xi32, #tpu.memory_space<hbm>>
      %dma_start3A_16 = tpu.memref_squeeze %dma_start3A_15 : memref<1x16x64xi32, #tpu.memory_space<hbm>> -> memref<16x64xi32, #tpu.memory_space<hbm>>
      tpu.enqueue_dma source(%dma_start3A_16 : memref<16x64xi32, #tpu.memory_space<hbm>>) target(%arg10 : memref<16x64xi32, #tpu.memory_space<vmem>>) target_semaphore(%run_scoped3A : memref<!tpu.dma_semaphore, #tpu.memory_space<semaphore_mem>>)
      %dma_wait3A = arith.constant 0 : i32
      %dma_wait3A_17 = arith.constant 0 : i32
      %dma_wait3A_18 = tpu.memref_slice %arg6[%add3A, %dma_wait3A, %dma_wait3A_17] : memref<32x16x64xi32, #tpu.memory_space<hbm>> -> memref<1x16x64xi32, #tpu.memory_space<hbm>>
      %dma_wait3A_19 = tpu.memref_squeeze %dma_wait3A_18 : memref<1x16x64xi32, #tpu.memory_space<hbm>> -> memref<16x64xi32, #tpu.memory_space<hbm>>
      %dma_wait3A_20 = arith.constant 0 : i32
      %dma_wait3A_21 = arith.constant 0 : i32
      %dma_wait3A_22 = tpu.memref_slice %arg6[%add3A, %dma_wait3A_20, %dma_wait3A_21] : memref<32x16x64xi32, #tpu.memory_space<hbm>> -> memref<1x16x64xi32, #tpu.memory_space<hbm>>
      %dma_wait3A_23 = tpu.memref_squeeze %dma_wait3A_22 : memref<1x16x64xi32, #tpu.memory_space<hbm>> -> memref<16x64xi32, #tpu.memory_space<hbm>>
      tpu.wait_dma2 semaphore(%run_scoped3A : memref<!tpu.dma_semaphore, #tpu.memory_space<semaphore_mem>>) src(%dma_wait3A_23 : memref<16x64xi32, #tpu.memory_space<hbm>>) dst(%arg10 : memref<16x64xi32, #tpu.memory_space<vmem>>)
      tpu.yield
    }) : () -> ()
    %barrier3A = arith.constant 0 : index
    tpu.barrier barrier_id(%barrier3A)
    %scan3A = arith.constant 0 : i32
    %scan3A_3 = arith.constant 0 : i32
    %scan3A_4 = arith.constant 16 : i32
    %scan3A_5 = arith.addi %scan3A_3, %scan3A_4 : i32
    %scan3A_6 = arith.constant 1 : i32
    %scan3A_7 = scf.for %scan3A_10 = %scan3A_3 to %scan3A_5 step %scan3A_6 iter_args(%scan3A_11 = %scan3A) -> (i32)  : i32 {
      %dma_start3A = arith.constant 0 : i32
      %dma_start3A_12 = tpu.memref_slice %arg9[%scan3A_10, %dma_start3A] : memref<16x64xi32, #tpu.memory_space<vmem>> -> memref<1x64xi32, #tpu.memory_space<vmem>>
      %dma_start3A_13 = tpu.memref_squeeze %dma_start3A_12 : memref<1x64xi32, #tpu.memory_space<vmem>> -> memref<64xi32, #tpu.memory_space<vmem>>
      %dma_start3A_14 = arith.constant 0 : i32
      %dma_start3A_15 = arith.constant 0 : i32
      %dma_start3A_16 = tpu.memref_slice %arg11[%dma_start3A_14, %dma_start3A_15] : memref<2048x16xf32, #tpu.memory_space<vmem_shared>> -> memref<2048x16xf32, #tpu.memory_space<vmem_shared>>
      tpu.enqueue_indirect_dma source(%dma_start3A_16 : memref<2048x16xf32, #tpu.memory_space<vmem_shared>>) target(%arg15 : memref<64x16xf32, #tpu.memory_space<vmem>>) offsets(%dma_start3A_13 : memref<64xi32, #tpu.memory_space<vmem>>) semaphore(%arg19 : memref<!tpu.dma_semaphore, #tpu.memory_space<semaphore_mem>>)
      %dma_start3A_17 = arith.constant 0 : i32
      %dma_start3A_18 = tpu.memref_slice %arg10[%scan3A_10, %dma_start3A_17] : memref<16x64xi32, #tpu.memory_space<vmem>> -> memref<1x64xi32, #tpu.memory_space<vmem>>
      %dma_start3A_19 = tpu.memref_squeeze %dma_start3A_18 : memref<1x64xi32, #tpu.memory_space<vmem>> -> memref<64xi32, #tpu.memory_space<vmem>>
      %dma_start3A_20 = arith.constant 0 : i32
      %dma_start3A_21 = arith.constant 0 : i32
      %dma_start3A_22 = tpu.memref_slice %arg12[%dma_start3A_20, %dma_start3A_21] : memref<2048x16xf32, #tpu.memory_space<vmem_shared>> -> memref<2048x16xf32, #tpu.memory_space<vmem_shared>>
      tpu.enqueue_indirect_dma source(%dma_start3A_22 : memref<2048x16xf32, #tpu.memory_space<vmem_shared>>) target(%arg16 : memref<64x16xf32, #tpu.memory_space<vmem>>) offsets(%dma_start3A_19 : memref<64xi32, #tpu.memory_space<vmem>>) semaphore(%arg20 : memref<!tpu.dma_semaphore, #tpu.memory_space<semaphore_mem>>)
      %dma_start3A_23 = arith.constant 0 : i32
      %dma_start3A_24 = tpu.memref_slice %arg9[%scan3A_10, %dma_start3A_23] : memref<16x64xi32, #tpu.memory_space<vmem>> -> memref<1x64xi32, #tpu.memory_space<vmem>>
      %dma_start3A_25 = tpu.memref_squeeze %dma_start3A_24 : memref<1x64xi32, #tpu.memory_space<vmem>> -> memref<64xi32, #tpu.memory_space<vmem>>
      %dma_start3A_26 = arith.constant 0 : i32
      %dma_start3A_27 = arith.constant 0 : i32
      %dma_start3A_28 = tpu.memref_slice %arg13[%dma_start3A_26, %dma_start3A_27] : memref<2048x256xf32, #tpu.memory_space<vmem_shared>> -> memref<2048x256xf32, #tpu.memory_space<vmem_shared>>
      tpu.enqueue_indirect_dma source(%dma_start3A_28 : memref<2048x256xf32, #tpu.memory_space<vmem_shared>>) target(%arg17 : memref<64x256xf32, #tpu.memory_space<vmem>>) offsets(%dma_start3A_25 : memref<64xi32, #tpu.memory_space<vmem>>) semaphore(%arg21 : memref<!tpu.dma_semaphore, #tpu.memory_space<semaphore_mem>>)
      %dma_wait3A = arith.constant 0 : i32
      %dma_wait3A_29 = arith.constant 0 : i32
      %dma_wait3A_30 = tpu.memref_slice %arg9[%dma_wait3A, %dma_wait3A_29] : memref<16x64xi32, #tpu.memory_space<vmem>> -> memref<1x64xi32, #tpu.memory_space<vmem>>
      %dma_wait3A_31 = tpu.memref_squeeze %dma_wait3A_30 : memref<1x64xi32, #tpu.memory_space<vmem>> -> memref<64xi32, #tpu.memory_space<vmem>>
      %dma_wait3A_32 = arith.constant 0 : i32
      %dma_wait3A_33 = arith.constant 0 : i32
      %dma_wait3A_34 = tpu.memref_slice %arg11[%dma_wait3A_32, %dma_wait3A_33] : memref<2048x16xf32, #tpu.memory_space<vmem_shared>> -> memref<2048x16xf32, #tpu.memory_space<vmem_shared>>
      tpu.wait_indirect_dma semaphore(%arg19 : memref<!tpu.dma_semaphore, #tpu.memory_space<semaphore_mem>>) src(%dma_wait3A_34 : memref<2048x16xf32, #tpu.memory_space<vmem_shared>>) dst(%arg15 : memref<64x16xf32, #tpu.memory_space<vmem>>)
      %dma_wait3A_35 = arith.constant 0 : i32
      %dma_wait3A_36 = arith.constant 0 : i32
      %dma_wait3A_37 = tpu.memref_slice %arg10[%dma_wait3A_35, %dma_wait3A_36] : memref<16x64xi32, #tpu.memory_space<vmem>> -> memref<1x64xi32, #tpu.memory_space<vmem>>
      %dma_wait3A_38 = tpu.memref_squeeze %dma_wait3A_37 : memref<1x64xi32, #tpu.memory_space<vmem>> -> memref<64xi32, #tpu.memory_space<vmem>>
      %dma_wait3A_39 = arith.constant 0 : i32
      %dma_wait3A_40 = arith.constant 0 : i32
      %dma_wait3A_41 = tpu.memref_slice %arg12[%dma_wait3A_39, %dma_wait3A_40] : memref<2048x16xf32, #tpu.memory_space<vmem_shared>> -> memref<2048x16xf32, #tpu.memory_space<vmem_shared>>
      tpu.wait_indirect_dma semaphore(%arg20 : memref<!tpu.dma_semaphore, #tpu.memory_space<semaphore_mem>>) src(%dma_wait3A_41 : memref<2048x16xf32, #tpu.memory_space<vmem_shared>>) dst(%arg16 : memref<64x16xf32, #tpu.memory_space<vmem>>)
      %dma_wait3A_42 = arith.constant 0 : i32
      %dma_wait3A_43 = arith.constant 0 : i32
      %dma_wait3A_44 = tpu.memref_slice %arg9[%dma_wait3A_42, %dma_wait3A_43] : memref<16x64xi32, #tpu.memory_space<vmem>> -> memref<1x64xi32, #tpu.memory_space<vmem>>
      %dma_wait3A_45 = tpu.memref_squeeze %dma_wait3A_44 : memref<1x64xi32, #tpu.memory_space<vmem>> -> memref<64xi32, #tpu.memory_space<vmem>>
      %dma_wait3A_46 = arith.constant 0 : i32
      %dma_wait3A_47 = arith.constant 0 : i32
      %dma_wait3A_48 = tpu.memref_slice %arg13[%dma_wait3A_46, %dma_wait3A_47] : memref<2048x256xf32, #tpu.memory_space<vmem_shared>> -> memref<2048x256xf32, #tpu.memory_space<vmem_shared>>
      tpu.wait_indirect_dma semaphore(%arg21 : memref<!tpu.dma_semaphore, #tpu.memory_space<semaphore_mem>>) src(%dma_wait3A_48 : memref<2048x256xf32, #tpu.memory_space<vmem_shared>>) dst(%arg17 : memref<64x256xf32, #tpu.memory_space<vmem>>)
      %parallel_loop3A = arith.constant 0 : i32
      %parallel_loop3A_49 = arith.constant 64 : i32
      %parallel_loop3A_50 = arith.constant 1 : i32
      scf.for %parallel_loop3A_65 = %parallel_loop3A to %parallel_loop3A_49 step %parallel_loop3A_50  : i32 {
        %parallel_loop3A_66 = arith.index_cast %parallel_loop3A_65 : i32 to index
        %parallel_loop3A_67 = arith.constant 0 : index
        %parallel_loop3A_68 = tpu.vector_load %arg15[%parallel_loop3A_66, %parallel_loop3A_67] {strides = array<i32>} : memref<64x16xf32, #tpu.memory_space<vmem>>, vector<1x16xf32>,
        %parallel_loop3A_69 = vector.shape_cast %parallel_loop3A_68 : vector<1x16xf32> to vector<16xf32>
        %parallel_loop3A_70 = arith.index_cast %parallel_loop3A_65 : i32 to index
        %parallel_loop3A_71 = arith.constant 0 : index
        %parallel_loop3A_72 = tpu.vector_load %arg16[%parallel_loop3A_70, %parallel_loop3A_71] {strides = array<i32>} : memref<64x16xf32, #tpu.memory_space<vmem>>, vector<1x16xf32>,
        %parallel_loop3A_73 = vector.shape_cast %parallel_loop3A_72 : vector<1x16xf32> to vector<16xf32>
        %parallel_loop3A_74 = arith.addf %parallel_loop3A_69, %parallel_loop3A_73 : vector<16xf32>
        %parallel_loop3A_75 = arith.constant 0.000000e+00 : f32
        %parallel_loop3A_76 = vector.broadcast %parallel_loop3A_75 : f32 to vector<16xf32>
        %parallel_loop3A_77 = arith.cmpf oge, %parallel_loop3A_74, %parallel_loop3A_76 : vector<16xf32>
        %parallel_loop3A_78 = arith.constant 2.000000e-01 : f32
        %parallel_loop3A_79 = vector.broadcast %parallel_loop3A_78 : f32 to vector<16xf32>
        %parallel_loop3A_80 = arith.mulf %parallel_loop3A_79, %parallel_loop3A_74 : vector<16xf32>
        %parallel_loop3A_81 = arith.select %parallel_loop3A_77, %parallel_loop3A_74, %parallel_loop3A_80 : vector<16xi1>, vector<16xf32>
        %parallel_loop3A_82 = math.exp %parallel_loop3A_81 : vector<16xf32>
        %parallel_loop3A_83 = arith.index_cast %parallel_loop3A_65 : i32 to index
        %parallel_loop3A_84 = arith.constant 256 : index
        %parallel_loop3A_85 = tpu.vector_load %arg18[%parallel_loop3A_83, %parallel_loop3A_84] {strides = array<i32>} : memref<64x272xf32, #tpu.memory_space<vmem>>, vector<1x16xf32>,
        %parallel_loop3A_86 = vector.shape_cast %parallel_loop3A_85 : vector<1x16xf32> to vector<16xf32>
        %parallel_loop3A_87 = vector.shape_cast %parallel_loop3A_82 : vector<16xf32> to vector<1x16xf32>
        tpu.vector_store %arg18[%parallel_loop3A_83, %parallel_loop3A_84], %parallel_loop3A_87 {strides = array<i32>} : memref<64x272xf32, #tpu.memory_space<vmem>>, vector<1x16xf32>,
        %parallel_loop3A_88 = vector.extract_strided_slice %parallel_loop3A_82 {offsets = [0], sizes = [1], strides = [1]} : vector<16xf32> to vector<1xf32>
        %parallel_loop3A_89 = vector.extract %parallel_loop3A_88[0] : f32 from vector<1xf32>
        %parallel_loop3A_90 = vector.broadcast %parallel_loop3A_89 : f32 to vector<16xf32>
        %parallel_loop3A_91 = arith.index_cast %parallel_loop3A_65 : i32 to index
        %parallel_loop3A_92 = arith.constant 0 : index
        %parallel_loop3A_93 = tpu.vector_load %arg17[%parallel_loop3A_91, %parallel_loop3A_92] {strides = array<i32>} : memref<64x256xf32, #tpu.memory_space<vmem>>, vector<1x16xf32>,
        %parallel_loop3A_94 = vector.shape_cast %parallel_loop3A_93 : vector<1x16xf32> to vector<16xf32>
        %parallel_loop3A_95 = arith.mulf %parallel_loop3A_94, %parallel_loop3A_90 : vector<16xf32>
        %parallel_loop3A_96 = arith.index_cast %parallel_loop3A_65 : i32 to index
        %parallel_loop3A_97 = arith.constant 0 : index
        %parallel_loop3A_98 = tpu.vector_load %arg18[%parallel_loop3A_96, %parallel_loop3A_97] {strides = array<i32>} : memref<64x272xf32, #tpu.memory_space<vmem>>, vector<1x16xf32>,
        %parallel_loop3A_99 = vector.shape_cast %parallel_loop3A_98 : vector<1x16xf32> to vector<16xf32>
        %parallel_loop3A_100 = vector.shape_cast %parallel_loop3A_95 : vector<16xf32> to vector<1x16xf32>
        tpu.vector_store %arg18[%parallel_loop3A_96, %parallel_loop3A_97], %parallel_loop3A_100 {strides = array<i32>} : memref<64x272xf32, #tpu.memory_space<vmem>>, vector<1x16xf32>,
        %parallel_loop3A_101 = arith.index_cast %parallel_loop3A_65 : i32 to index
        %parallel_loop3A_102 = arith.constant 16 : index
        %parallel_loop3A_103 = tpu.vector_load %arg17[%parallel_loop3A_101, %parallel_loop3A_102] {strides = array<i32>} : memref<64x256xf32, #tpu.memory_space<vmem>>, vector<1x16xf32>,
        %parallel_loop3A_104 = vector.shape_cast %parallel_loop3A_103 : vector<1x16xf32> to vector<16xf32>
        %parallel_loop3A_105 = arith.mulf %parallel_loop3A_104, %parallel_loop3A_90 : vector<16xf32>
        %parallel_loop3A_106 = arith.index_cast %parallel_loop3A_65 : i32 to index
        %parallel_loop3A_107 = arith.constant 16 : index
        %parallel_loop3A_108 = tpu.vector_load %arg18[%parallel_loop3A_106, %parallel_loop3A_107] {strides = array<i32>} : memref<64x272xf32, #tpu.memory_space<vmem>>, vector<1x16xf32>,
        %parallel_loop3A_109 = vector.shape_cast %parallel_loop3A_108 : vector<1x16xf32> to vector<16xf32>
        %parallel_loop3A_110 = vector.shape_cast %parallel_loop3A_105 : vector<16xf32> to vector<1x16xf32>
        tpu.vector_store %arg18[%parallel_loop3A_106, %parallel_loop3A_107], %parallel_loop3A_110 {strides = array<i32>} : memref<64x272xf32, #tpu.memory_space<vmem>>, vector<1x16xf32>,
        %parallel_loop3A_111 = arith.index_cast %parallel_loop3A_65 : i32 to index
        %parallel_loop3A_112 = arith.constant 32 : index
        %parallel_loop3A_113 = tpu.vector_load %arg17[%parallel_loop3A_111, %parallel_loop3A_112] {strides = array<i32>} : memref<64x256xf32, #tpu.memory_space<vmem>>, vector<1x16xf32>,
        %parallel_loop3A_114 = vector.shape_cast %parallel_loop3A_113 : vector<1x16xf32> to vector<16xf32>
        %parallel_loop3A_115 = arith.mulf %parallel_loop3A_114, %parallel_loop3A_90 : vector<16xf32>
        %parallel_loop3A_116 = arith.index_cast %parallel_loop3A_65 : i32 to index
        %parallel_loop3A_117 = arith.constant 32 : index
        %parallel_loop3A_118 = tpu.vector_load %arg18[%parallel_loop3A_116, %parallel_loop3A_117] {strides = array<i32>} : memref<64x272xf32, #tpu.memory_space<vmem>>, vector<1x16xf32>,
        %parallel_loop3A_119 = vector.shape_cast %parallel_loop3A_118 : vector<1x16xf32> to vector<16xf32>
        %parallel_loop3A_120 = vector.shape_cast %parallel_loop3A_115 : vector<16xf32> to vector<1x16xf32>
        tpu.vector_store %arg18[%parallel_loop3A_116, %parallel_loop3A_117], %parallel_loop3A_120 {strides = array<i32>} : memref<64x272xf32, #tpu.memory_space<vmem>>, vector<1x16xf32>,
        %parallel_loop3A_121 = arith.index_cast %parallel_loop3A_65 : i32 to index
        %parallel_loop3A_122 = arith.constant 48 : index
        %parallel_loop3A_123 = tpu.vector_load %arg17[%parallel_loop3A_121, %parallel_loop3A_122] {strides = array<i32>} : memref<64x256xf32, #tpu.memory_space<vmem>>, vector<1x16xf32>,
        %parallel_loop3A_124 = vector.shape_cast %parallel_loop3A_123 : vector<1x16xf32> to vector<16xf32>
        %parallel_loop3A_125 = arith.mulf %parallel_loop3A_124, %parallel_loop3A_90 : vector<16xf32>
        %parallel_loop3A_126 = arith.index_cast %parallel_loop3A_65 : i32 to index
        %parallel_loop3A_127 = arith.constant 48 : index
        %parallel_loop3A_128 = tpu.vector_load %arg18[%parallel_loop3A_126, %parallel_loop3A_127] {strides = array<i32>} : memref<64x272xf32, #tpu.memory_space<vmem>>, vector<1x16xf32>,
        %parallel_loop3A_129 = vector.shape_cast %parallel_loop3A_128 : vector<1x16xf32> to vector<16xf32>
        %parallel_loop3A_130 = vector.shape_cast %parallel_loop3A_125 : vector<16xf32> to vector<1x16xf32>
        tpu.vector_store %arg18[%parallel_loop3A_126, %parallel_loop3A_127], %parallel_loop3A_130 {strides = array<i32>} : memref<64x272xf32, #tpu.memory_space<vmem>>, vector<1x16xf32>,
        %parallel_loop3A_131 = vector.extract_strided_slice %parallel_loop3A_82 {offsets = [1], sizes = [1], strides = [1]} : vector<16xf32> to vector<1xf32>
        %parallel_loop3A_132 = vector.extract %parallel_loop3A_131[0] : f32 from vector<1xf32>
        %parallel_loop3A_133 = vector.broadcast %parallel_loop3A_132 : f32 to vector<16xf32>
        %parallel_loop3A_134 = arith.index_cast %parallel_loop3A_65 : i32 to index
        %parallel_loop3A_135 = arith.constant 64 : index
        %parallel_loop3A_136 = tpu.vector_load %arg17[%parallel_loop3A_134, %parallel_loop3A_135] {strides = array<i32>} : memref<64x256xf32, #tpu.memory_space<vmem>>, vector<1x16xf32>,
        %parallel_loop3A_137 = vector.shape_cast %parallel_loop3A_136 : vector<1x16xf32> to vector<16xf32>
        %parallel_loop3A_138 = arith.mulf %parallel_loop3A_137, %parallel_loop3A_133 : vector<16xf32>
        %parallel_loop3A_139 = arith.index_cast %parallel_loop3A_65 : i32 to index
        %parallel_loop3A_140 = arith.constant 64 : index
        %parallel_loop3A_141 = tpu.vector_load %arg18[%parallel_loop3A_139, %parallel_loop3A_140] {strides = array<i32>} : memref<64x272xf32, #tpu.memory_space<vmem>>, vector<1x16xf32>,
        %parallel_loop3A_142 = vector.shape_cast %parallel_loop3A_141 : vector<1x16xf32> to vector<16xf32>
        %parallel_loop3A_143 = vector.shape_cast %parallel_loop3A_138 : vector<16xf32> to vector<1x16xf32>
        tpu.vector_store %arg18[%parallel_loop3A_139, %parallel_loop3A_140], %parallel_loop3A_143 {strides = array<i32>} : memref<64x272xf32, #tpu.memory_space<vmem>>, vector<1x16xf32>,
        %parallel_loop3A_144 = arith.index_cast %parallel_loop3A_65 : i32 to index
        %parallel_loop3A_145 = arith.constant 80 : index
        %parallel_loop3A_146 = tpu.vector_load %arg17[%parallel_loop3A_144, %parallel_loop3A_145] {strides = array<i32>} : memref<64x256xf32, #tpu.memory_space<vmem>>, vector<1x16xf32>,
        %parallel_loop3A_147 = vector.shape_cast %parallel_loop3A_146 : vector<1x16xf32> to vector<16xf32>
        %parallel_loop3A_148 = arith.mulf %parallel_loop3A_147, %parallel_loop3A_133 : vector<16xf32>
        %parallel_loop3A_149 = arith.index_cast %parallel_loop3A_65 : i32 to index
        %parallel_loop3A_150 = arith.constant 80 : index
        %parallel_loop3A_151 = tpu.vector_load %arg18[%parallel_loop3A_149, %parallel_loop3A_150] {strides = array<i32>} : memref<64x272xf32, #tpu.memory_space<vmem>>, vector<1x16xf32>,
        %parallel_loop3A_152 = vector.shape_cast %parallel_loop3A_151 : vector<1x16xf32> to vector<16xf32>
        %parallel_loop3A_153 = vector.shape_cast %parallel_loop3A_148 : vector<16xf32> to vector<1x16xf32>
        tpu.vector_store %arg18[%parallel_loop3A_149, %parallel_loop3A_150], %parallel_loop3A_153 {strides = array<i32>} : memref<64x272xf32, #tpu.memory_space<vmem>>, vector<1x16xf32>,
        %parallel_loop3A_154 = arith.index_cast %parallel_loop3A_65 : i32 to index
        %parallel_loop3A_155 = arith.constant 96 : index
        %parallel_loop3A_156 = tpu.vector_load %arg17[%parallel_loop3A_154, %parallel_loop3A_155] {strides = array<i32>} : memref<64x256xf32, #tpu.memory_space<vmem>>, vector<1x16xf32>,
        %parallel_loop3A_157 = vector.shape_cast %parallel_loop3A_156 : vector<1x16xf32> to vector<16xf32>
        %parallel_loop3A_158 = arith.mulf %parallel_loop3A_157, %parallel_loop3A_133 : vector<16xf32>
        %parallel_loop3A_159 = arith.index_cast %parallel_loop3A_65 : i32 to index
        %parallel_loop3A_160 = arith.constant 96 : index
        %parallel_loop3A_161 = tpu.vector_load %arg18[%parallel_loop3A_159, %parallel_loop3A_160] {strides = array<i32>} : memref<64x272xf32, #tpu.memory_space<vmem>>, vector<1x16xf32>,
        %parallel_loop3A_162 = vector.shape_cast %parallel_loop3A_161 : vector<1x16xf32> to vector<16xf32>
        %parallel_loop3A_163 = vector.shape_cast %parallel_loop3A_158 : vector<16xf32> to vector<1x16xf32>
        tpu.vector_store %arg18[%parallel_loop3A_159, %parallel_loop3A_160], %parallel_loop3A_163 {strides = array<i32>} : memref<64x272xf32, #tpu.memory_space<vmem>>, vector<1x16xf32>,
        %parallel_loop3A_164 = arith.index_cast %parallel_loop3A_65 : i32 to index
        %parallel_loop3A_165 = arith.constant 112 : index
        %parallel_loop3A_166 = tpu.vector_load %arg17[%parallel_loop3A_164, %parallel_loop3A_165] {strides = array<i32>} : memref<64x256xf32, #tpu.memory_space<vmem>>, vector<1x16xf32>,
        %parallel_loop3A_167 = vector.shape_cast %parallel_loop3A_166 : vector<1x16xf32> to vector<16xf32>
        %parallel_loop3A_168 = arith.mulf %parallel_loop3A_167, %parallel_loop3A_133 : vector<16xf32>
        %parallel_loop3A_169 = arith.index_cast %parallel_loop3A_65 : i32 to index
        %parallel_loop3A_170 = arith.constant 112 : index
        %parallel_loop3A_171 = tpu.vector_load %arg18[%parallel_loop3A_169, %parallel_loop3A_170] {strides = array<i32>} : memref<64x272xf32, #tpu.memory_space<vmem>>, vector<1x16xf32>,
        %parallel_loop3A_172 = vector.shape_cast %parallel_loop3A_171 : vector<1x16xf32> to vector<16xf32>
        %parallel_loop3A_173 = vector.shape_cast %parallel_loop3A_168 : vector<16xf32> to vector<1x16xf32>
        tpu.vector_store %arg18[%parallel_loop3A_169, %parallel_loop3A_170], %parallel_loop3A_173 {strides = array<i32>} : memref<64x272xf32, #tpu.memory_space<vmem>>, vector<1x16xf32>,
        %parallel_loop3A_174 = vector.extract_strided_slice %parallel_loop3A_82 {offsets = [2], sizes = [1], strides = [1]} : vector<16xf32> to vector<1xf32>
        %parallel_loop3A_175 = vector.extract %parallel_loop3A_174[0] : f32 from vector<1xf32>
        %parallel_loop3A_176 = vector.broadcast %parallel_loop3A_175 : f32 to vector<16xf32>
        %parallel_loop3A_177 = arith.index_cast %parallel_loop3A_65 : i32 to index
        %parallel_loop3A_178 = arith.constant 128 : index
        %parallel_loop3A_179 = tpu.vector_load %arg17[%parallel_loop3A_177, %parallel_loop3A_178] {strides = array<i32>} : memref<64x256xf32, #tpu.memory_space<vmem>>, vector<1x16xf32>,
        %parallel_loop3A_180 = vector.shape_cast %parallel_loop3A_179 : vector<1x16xf32> to vector<16xf32>
        %parallel_loop3A_181 = arith.mulf %parallel_loop3A_180, %parallel_loop3A_176 : vector<16xf32>
        %parallel_loop3A_182 = arith.index_cast %parallel_loop3A_65 : i32 to index
        %parallel_loop3A_183 = arith.constant 128 : index
        %parallel_loop3A_184 = tpu.vector_load %arg18[%parallel_loop3A_182, %parallel_loop3A_183] {strides = array<i32>} : memref<64x272xf32, #tpu.memory_space<vmem>>, vector<1x16xf32>,
        %parallel_loop3A_185 = vector.shape_cast %parallel_loop3A_184 : vector<1x16xf32> to vector<16xf32>
        %parallel_loop3A_186 = vector.shape_cast %parallel_loop3A_181 : vector<16xf32> to vector<1x16xf32>
        tpu.vector_store %arg18[%parallel_loop3A_182, %parallel_loop3A_183], %parallel_loop3A_186 {strides = array<i32>} : memref<64x272xf32, #tpu.memory_space<vmem>>, vector<1x16xf32>,
        %parallel_loop3A_187 = arith.index_cast %parallel_loop3A_65 : i32 to index
        %parallel_loop3A_188 = arith.constant 144 : index
        %parallel_loop3A_189 = tpu.vector_load %arg17[%parallel_loop3A_187, %parallel_loop3A_188] {strides = array<i32>} : memref<64x256xf32, #tpu.memory_space<vmem>>, vector<1x16xf32>,
        %parallel_loop3A_190 = vector.shape_cast %parallel_loop3A_189 : vector<1x16xf32> to vector<16xf32>
        %parallel_loop3A_191 = arith.mulf %parallel_loop3A_190, %parallel_loop3A_176 : vector<16xf32>
        %parallel_loop3A_192 = arith.index_cast %parallel_loop3A_65 : i32 to index
        %parallel_loop3A_193 = arith.constant 144 : index
        %parallel_loop3A_194 = tpu.vector_load %arg18[%parallel_loop3A_192, %parallel_loop3A_193] {strides = array<i32>} : memref<64x272xf32, #tpu.memory_space<vmem>>, vector<1x16xf32>,
        %parallel_loop3A_195 = vector.shape_cast %parallel_loop3A_194 : vector<1x16xf32> to vector<16xf32>
        %parallel_loop3A_196 = vector.shape_cast %parallel_loop3A_191 : vector<16xf32> to vector<1x16xf32>
        tpu.vector_store %arg18[%parallel_loop3A_192, %parallel_loop3A_193], %parallel_loop3A_196 {strides = array<i32>} : memref<64x272xf32, #tpu.memory_space<vmem>>, vector<1x16xf32>,
        %parallel_loop3A_197 = arith.index_cast %parallel_loop3A_65 : i32 to index
        %parallel_loop3A_198 = arith.constant 160 : index
        %parallel_loop3A_199 = tpu.vector_load %arg17[%parallel_loop3A_197, %parallel_loop3A_198] {strides = array<i32>} : memref<64x256xf32, #tpu.memory_space<vmem>>, vector<1x16xf32>,
        %parallel_loop3A_200 = vector.shape_cast %parallel_loop3A_199 : vector<1x16xf32> to vector<16xf32>
        %parallel_loop3A_201 = arith.mulf %parallel_loop3A_200, %parallel_loop3A_176 : vector<16xf32>
        %parallel_loop3A_202 = arith.index_cast %parallel_loop3A_65 : i32 to index
        %parallel_loop3A_203 = arith.constant 160 : index
        %parallel_loop3A_204 = tpu.vector_load %arg18[%parallel_loop3A_202, %parallel_loop3A_203] {strides = array<i32>} : memref<64x272xf32, #tpu.memory_space<vmem>>, vector<1x16xf32>,
        %parallel_loop3A_205 = vector.shape_cast %parallel_loop3A_204 : vector<1x16xf32> to vector<16xf32>
        %parallel_loop3A_206 = vector.shape_cast %parallel_loop3A_201 : vector<16xf32> to vector<1x16xf32>
        tpu.vector_store %arg18[%parallel_loop3A_202, %parallel_loop3A_203], %parallel_loop3A_206 {strides = array<i32>} : memref<64x272xf32, #tpu.memory_space<vmem>>, vector<1x16xf32>,
        %parallel_loop3A_207 = arith.index_cast %parallel_loop3A_65 : i32 to index
        %parallel_loop3A_208 = arith.constant 176 : index
        %parallel_loop3A_209 = tpu.vector_load %arg17[%parallel_loop3A_207, %parallel_loop3A_208] {strides = array<i32>} : memref<64x256xf32, #tpu.memory_space<vmem>>, vector<1x16xf32>,
        %parallel_loop3A_210 = vector.shape_cast %parallel_loop3A_209 : vector<1x16xf32> to vector<16xf32>
        %parallel_loop3A_211 = arith.mulf %parallel_loop3A_210, %parallel_loop3A_176 : vector<16xf32>
        %parallel_loop3A_212 = arith.index_cast %parallel_loop3A_65 : i32 to index
        %parallel_loop3A_213 = arith.constant 176 : index
        %parallel_loop3A_214 = tpu.vector_load %arg18[%parallel_loop3A_212, %parallel_loop3A_213] {strides = array<i32>} : memref<64x272xf32, #tpu.memory_space<vmem>>, vector<1x16xf32>,
        %parallel_loop3A_215 = vector.shape_cast %parallel_loop3A_214 : vector<1x16xf32> to vector<16xf32>
        %parallel_loop3A_216 = vector.shape_cast %parallel_loop3A_211 : vector<16xf32> to vector<1x16xf32>
        tpu.vector_store %arg18[%parallel_loop3A_212, %parallel_loop3A_213], %parallel_loop3A_216 {strides = array<i32>} : memref<64x272xf32, #tpu.memory_space<vmem>>, vector<1x16xf32>,
        %parallel_loop3A_217 = vector.extract_strided_slice %parallel_loop3A_82 {offsets = [3], sizes = [1], strides = [1]} : vector<16xf32> to vector<1xf32>
        %parallel_loop3A_218 = vector.extract %parallel_loop3A_217[0] : f32 from vector<1xf32>
        %parallel_loop3A_219 = vector.broadcast %parallel_loop3A_218 : f32 to vector<16xf32>
        %parallel_loop3A_220 = arith.index_cast %parallel_loop3A_65 : i32 to index
        %parallel_loop3A_221 = arith.constant 192 : index
        %parallel_loop3A_222 = tpu.vector_load %arg17[%parallel_loop3A_220, %parallel_loop3A_221] {strides = array<i32>} : memref<64x256xf32, #tpu.memory_space<vmem>>, vector<1x16xf32>,
        %parallel_loop3A_223 = vector.shape_cast %parallel_loop3A_222 : vector<1x16xf32> to vector<16xf32>
        %parallel_loop3A_224 = arith.mulf %parallel_loop3A_223, %parallel_loop3A_219 : vector<16xf32>
        %parallel_loop3A_225 = arith.index_cast %parallel_loop3A_65 : i32 to index
        %parallel_loop3A_226 = arith.constant 192 : index
        %parallel_loop3A_227 = tpu.vector_load %arg18[%parallel_loop3A_225, %parallel_loop3A_226] {strides = array<i32>} : memref<64x272xf32, #tpu.memory_space<vmem>>, vector<1x16xf32>,
        %parallel_loop3A_228 = vector.shape_cast %parallel_loop3A_227 : vector<1x16xf32> to vector<16xf32>
        %parallel_loop3A_229 = vector.shape_cast %parallel_loop3A_224 : vector<16xf32> to vector<1x16xf32>
        tpu.vector_store %arg18[%parallel_loop3A_225, %parallel_loop3A_226], %parallel_loop3A_229 {strides = array<i32>} : memref<64x272xf32, #tpu.memory_space<vmem>>, vector<1x16xf32>,
        %parallel_loop3A_230 = arith.index_cast %parallel_loop3A_65 : i32 to index
        %parallel_loop3A_231 = arith.constant 208 : index
        %parallel_loop3A_232 = tpu.vector_load %arg17[%parallel_loop3A_230, %parallel_loop3A_231] {strides = array<i32>} : memref<64x256xf32, #tpu.memory_space<vmem>>, vector<1x16xf32>,
        %parallel_loop3A_233 = vector.shape_cast %parallel_loop3A_232 : vector<1x16xf32> to vector<16xf32>
        %parallel_loop3A_234 = arith.mulf %parallel_loop3A_233, %parallel_loop3A_219 : vector<16xf32>
        %parallel_loop3A_235 = arith.index_cast %parallel_loop3A_65 : i32 to index
        %parallel_loop3A_236 = arith.constant 208 : index
        %parallel_loop3A_237 = tpu.vector_load %arg18[%parallel_loop3A_235, %parallel_loop3A_236] {strides = array<i32>} : memref<64x272xf32, #tpu.memory_space<vmem>>, vector<1x16xf32>,
        %parallel_loop3A_238 = vector.shape_cast %parallel_loop3A_237 : vector<1x16xf32> to vector<16xf32>
        %parallel_loop3A_239 = vector.shape_cast %parallel_loop3A_234 : vector<16xf32> to vector<1x16xf32>
        tpu.vector_store %arg18[%parallel_loop3A_235, %parallel_loop3A_236], %parallel_loop3A_239 {strides = array<i32>} : memref<64x272xf32, #tpu.memory_space<vmem>>, vector<1x16xf32>,
        %parallel_loop3A_240 = arith.index_cast %parallel_loop3A_65 : i32 to index
        %parallel_loop3A_241 = arith.constant 224 : index
        %parallel_loop3A_242 = tpu.vector_load %arg17[%parallel_loop3A_240, %parallel_loop3A_241] {strides = array<i32>} : memref<64x256xf32, #tpu.memory_space<vmem>>, vector<1x16xf32>,
        %parallel_loop3A_243 = vector.shape_cast %parallel_loop3A_242 : vector<1x16xf32> to vector<16xf32>
        %parallel_loop3A_244 = arith.mulf %parallel_loop3A_243, %parallel_loop3A_219 : vector<16xf32>
        %parallel_loop3A_245 = arith.index_cast %parallel_loop3A_65 : i32 to index
        %parallel_loop3A_246 = arith.constant 224 : index
        %parallel_loop3A_247 = tpu.vector_load %arg18[%parallel_loop3A_245, %parallel_loop3A_246] {strides = array<i32>} : memref<64x272xf32, #tpu.memory_space<vmem>>, vector<1x16xf32>,
        %parallel_loop3A_248 = vector.shape_cast %parallel_loop3A_247 : vector<1x16xf32> to vector<16xf32>
        %parallel_loop3A_249 = vector.shape_cast %parallel_loop3A_244 : vector<16xf32> to vector<1x16xf32>
        tpu.vector_store %arg18[%parallel_loop3A_245, %parallel_loop3A_246], %parallel_loop3A_249 {strides = array<i32>} : memref<64x272xf32, #tpu.memory_space<vmem>>, vector<1x16xf32>,
        %parallel_loop3A_250 = arith.index_cast %parallel_loop3A_65 : i32 to index
        %parallel_loop3A_251 = arith.constant 240 : index
        %parallel_loop3A_252 = tpu.vector_load %arg17[%parallel_loop3A_250, %parallel_loop3A_251] {strides = array<i32>} : memref<64x256xf32, #tpu.memory_space<vmem>>, vector<1x16xf32>,
        %parallel_loop3A_253 = vector.shape_cast %parallel_loop3A_252 : vector<1x16xf32> to vector<16xf32>
        %parallel_loop3A_254 = arith.mulf %parallel_loop3A_253, %parallel_loop3A_219 : vector<16xf32>
        %parallel_loop3A_255 = arith.index_cast %parallel_loop3A_65 : i32 to index
        %parallel_loop3A_256 = arith.constant 240 : index
        %parallel_loop3A_257 = tpu.vector_load %arg18[%parallel_loop3A_255, %parallel_loop3A_256] {strides = array<i32>} : memref<64x272xf32, #tpu.memory_space<vmem>>, vector<1x16xf32>,
        %parallel_loop3A_258 = vector.shape_cast %parallel_loop3A_257 : vector<1x16xf32> to vector<16xf32>
        %parallel_loop3A_259 = vector.shape_cast %parallel_loop3A_254 : vector<16xf32> to vector<1x16xf32>
        tpu.vector_store %arg18[%parallel_loop3A_255, %parallel_loop3A_256], %parallel_loop3A_259 {strides = array<i32>} : memref<64x272xf32, #tpu.memory_space<vmem>>, vector<1x16xf32>,
      } {sc.loop_unroll_factor = 4 : i64, sc.parallel_access}
      %dma_start3A_51 = arith.constant 0 : i32
      %dma_start3A_52 = tpu.memref_slice %arg10[%scan3A_10, %dma_start3A_51] : memref<16x64xi32, #tpu.memory_space<vmem>> -> memref<1x64xi32, #tpu.memory_space<vmem>>
      %dma_start3A_53 = tpu.memref_squeeze %dma_start3A_52 : memref<1x64xi32, #tpu.memory_space<vmem>> -> memref<64xi32, #tpu.memory_space<vmem>>
      %dma_start3A_54 = arith.constant 0 : i32
      %dma_start3A_55 = arith.constant 0 : i32
      %dma_start3A_56 = tpu.memref_slice %arg14[%dma_start3A_54, %dma_start3A_55] : memref<2048x272xf32, #tpu.memory_space<vmem_shared>> -> memref<2048x272xf32, #tpu.memory_space<vmem_shared>>
      tpu.enqueue_indirect_dma source(%arg18 : memref<64x272xf32, #tpu.memory_space<vmem>>) target(%dma_start3A_56 : memref<2048x272xf32, #tpu.memory_space<vmem_shared>>) offsets(%dma_start3A_53 : memref<64xi32, #tpu.memory_space<vmem>>) semaphore(%arg22 : memref<!tpu.dma_semaphore, #tpu.memory_space<semaphore_mem>>) {add = true}
      %dma_wait3A_57 = arith.constant 0 : i32
      %dma_wait3A_58 = arith.constant 0 : i32
      %dma_wait3A_59 = tpu.memref_slice %arg10[%dma_wait3A_57, %dma_wait3A_58] : memref<16x64xi32, #tpu.memory_space<vmem>> -> memref<1x64xi32, #tpu.memory_space<vmem>>
      %dma_wait3A_60 = tpu.memref_squeeze %dma_wait3A_59 : memref<1x64xi32, #tpu.memory_space<vmem>> -> memref<64xi32, #tpu.memory_space<vmem>>
      %dma_wait3A_61 = arith.constant 0 : i32
      %dma_wait3A_62 = arith.constant 0 : i32
      %dma_wait3A_63 = tpu.memref_slice %arg14[%dma_wait3A_61, %dma_wait3A_62] : memref<2048x272xf32, #tpu.memory_space<vmem_shared>> -> memref<2048x272xf32, #tpu.memory_space<vmem_shared>>
      tpu.wait_indirect_dma semaphore(%arg22 : memref<!tpu.dma_semaphore, #tpu.memory_space<semaphore_mem>>) src(%arg18 : memref<64x272xf32, #tpu.memory_space<vmem>>) dst(%dma_wait3A_63 : memref<2048x272xf32, #tpu.memory_space<vmem_shared>>)
      %scan3A_64 = arith.constant 0 : i32
      scf.yield %scan3A_64 : i32
    }
    %scan3A_8 = arith.constant 16 : i32
    %barrier3A_9 = arith.constant 0 : index
    tpu.barrier barrier_id(%barrier3A_9)
    "tpu.region"() ({
      %run_scoped3A = tpu.sem_alloc : memref<!tpu.dma_semaphore, #tpu.memory_space<semaphore_mem>>
      %dma_start3A = arith.constant 0 : i32
      %dma_start3A_10 = tpu.memref_slice %arg8[%arg0, %mul3A_2, %dma_start3A] : memref<2x2048x272xf32, #tpu.memory_space<hbm>> -> memref<1x128x272xf32, #tpu.memory_space<hbm>>
      %dma_start3A_11 = tpu.memref_squeeze %dma_start3A_10 : memref<1x128x272xf32, #tpu.memory_space<hbm>> -> memref<128x272xf32, #tpu.memory_space<hbm>>
      %dma_start3A_12 = arith.constant 0 : i32
      %dma_start3A_13 = tpu.memref_slice %arg14[%mul3A_2, %dma_start3A_12] : memref<2048x272xf32, #tpu.memory_space<vmem_shared>> -> memref<128x272xf32, #tpu.memory_space<vmem_shared>>
      tpu.enqueue_dma source(%dma_start3A_13 : memref<128x272xf32, #tpu.memory_space<vmem_shared>>) target(%dma_start3A_11 : memref<128x272xf32, #tpu.memory_space<hbm>>) target_semaphore(%run_scoped3A : memref<!tpu.dma_semaphore, #tpu.memory_space<semaphore_mem>>)
      %dma_wait3A = arith.constant 0 : i32
      %dma_wait3A_14 = tpu.memref_slice %arg8[%arg0, %mul3A_2, %dma_wait3A] : memref<2x2048x272xf32, #tpu.memory_space<hbm>> -> memref<1x128x272xf32, #tpu.memory_space<hbm>>
      %dma_wait3A_15 = tpu.memref_squeeze %dma_wait3A_14 : memref<1x128x272xf32, #tpu.memory_space<hbm>> -> memref<128x272xf32, #tpu.memory_space<hbm>>
      %dma_wait3A_16 = arith.constant 0 : i32
      %dma_wait3A_17 = tpu.memref_slice %arg14[%mul3A_2, %dma_wait3A_16] : memref<2048x272xf32, #tpu.memory_space<vmem_shared>> -> memref<128x272xf32, #tpu.memory_space<vmem_shared>>
      tpu.wait_dma2 semaphore(%run_scoped3A : memref<!tpu.dma_semaphore, #tpu.memory_space<semaphore_mem>>) src(%dma_wait3A_17 : memref<128x272xf32, #tpu.memory_space<vmem_shared>>) dst(%dma_wait3A_15 : memref<128x272xf32, #tpu.memory_space<hbm>>)
      tpu.yield
    }) : () -> ()
    return
  }
}

#map = affine_map<(d0, d1) -> (0, 0)>
#map1 = affine_map<(d0, d1) -> (0, 0, 0)>
module attributes {stable_mosaic.version = 14 : i64} {
  func.func @body(%arg0: i32, %arg1: i32, %arg2: memref<10112x64xf32, #tpu.memory_space<hbm>>, %arg3: memref<32x80x128xi32, #tpu.memory_space<hbm>>, %arg4: memref<32x80x128xi32, #tpu.memory_space<hbm>>, %arg5: memref<10112x64xf32, #tpu.memory_space<hbm>>, %arg6: memref<2x10112x64xf32, #tpu.memory_space<hbm>>, %arg7: memref<80x128xi32, #tpu.memory_space<vmem>>, %arg8: memref<80x128xi32, #tpu.memory_space<vmem>>, %arg9: memref<10112x64xf32, #tpu.memory_space<vmem_shared>>, %arg10: memref<10112x64xf32, #tpu.memory_space<vmem_shared>>, %arg11: memref<128x64xf32, #tpu.memory_space<vmem>>, %arg12: memref<128x64xf32, #tpu.memory_space<vmem>>, %arg13: memref<!tpu.dma_semaphore, #tpu.memory_space<semaphore_mem>>, %arg14: memref<!tpu.dma_semaphore, #tpu.memory_space<semaphore_mem>>, %arg15: memref<!tpu.dma_semaphore, #tpu.memory_space<semaphore_mem>>, %arg16: memref<!tpu.dma_semaphore, #tpu.memory_space<semaphore_mem>>) attributes {dimension_semantics = [#tpu.dimension_semantics<core_parallel>, #tpu.dimension_semantics<subcore_parallel>], iteration_bounds = array<i64: 2, 16>, scalar_prefetch = 0 : i64, scratch_operands = 10 : i64, tpu.core_type = #tpu.core_type<sc_vector_subcore>, window_params = [{transform_indices = #map}, {transform_indices = #map1}, {transform_indices = #map1}, {transform_indices = #map}, {transform_indices = #map1}]} {
    %mul3A = arith.constant 16 : i32
    %mul3A_0 = arith.muli %arg0, %mul3A : i32
    %add3A = arith.addi %mul3A_0, %arg1 : i32
    %mul3A_1 = arith.constant 632 : i32
    %mul3A_2 = arith.muli %arg1, %mul3A_1 : i32
    "tpu.region"() ({
      %run_scoped3A = tpu.sem_alloc : memref<!tpu.dma_semaphore, #tpu.memory_space<semaphore_mem>>
      %dma_start3A = arith.constant 0 : i32
      %dma_start3A_17 = tpu.memref_slice %arg9[%mul3A_2, %dma_start3A] : memref<10112x64xf32, #tpu.memory_space<vmem_shared>> -> memref<632x64xf32, #tpu.memory_space<vmem_shared>>
      %dma_start3A_18 = arith.constant 0 : i32
      %dma_start3A_19 = tpu.memref_slice %arg5[%mul3A_2, %dma_start3A_18] : memref<10112x64xf32, #tpu.memory_space<hbm>> -> memref<632x64xf32, #tpu.memory_space<hbm>>
      tpu.enqueue_dma source(%dma_start3A_19 : memref<632x64xf32, #tpu.memory_space<hbm>>) target(%dma_start3A_17 : memref<632x64xf32, #tpu.memory_space<vmem_shared>>) target_semaphore(%run_scoped3A : memref<!tpu.dma_semaphore, #tpu.memory_space<semaphore_mem>>)
      %dma_wait3A = arith.constant 0 : i32
      %dma_wait3A_20 = tpu.memref_slice %arg9[%mul3A_2, %dma_wait3A] : memref<10112x64xf32, #tpu.memory_space<vmem_shared>> -> memref<632x64xf32, #tpu.memory_space<vmem_shared>>
      %dma_wait3A_21 = arith.constant 0 : i32
      %dma_wait3A_22 = tpu.memref_slice %arg5[%mul3A_2, %dma_wait3A_21] : memref<10112x64xf32, #tpu.memory_space<hbm>> -> memref<632x64xf32, #tpu.memory_space<hbm>>
      tpu.wait_dma2 semaphore(%run_scoped3A : memref<!tpu.dma_semaphore, #tpu.memory_space<semaphore_mem>>) src(%dma_wait3A_22 : memref<632x64xf32, #tpu.memory_space<hbm>>) dst(%dma_wait3A_20 : memref<632x64xf32, #tpu.memory_space<vmem_shared>>)
      tpu.yield
    }) : () -> ()
    "tpu.region"() ({
      %run_scoped3A = tpu.sem_alloc : memref<!tpu.dma_semaphore, #tpu.memory_space<semaphore_mem>>
      %dma_start3A = arith.constant 0 : i32
      %dma_start3A_17 = tpu.memref_slice %arg10[%mul3A_2, %dma_start3A] : memref<10112x64xf32, #tpu.memory_space<vmem_shared>> -> memref<632x64xf32, #tpu.memory_space<vmem_shared>>
      %dma_start3A_18 = arith.constant 0 : i32
      %dma_start3A_19 = tpu.memref_slice %arg2[%mul3A_2, %dma_start3A_18] : memref<10112x64xf32, #tpu.memory_space<hbm>> -> memref<632x64xf32, #tpu.memory_space<hbm>>
      tpu.enqueue_dma source(%dma_start3A_19 : memref<632x64xf32, #tpu.memory_space<hbm>>) target(%dma_start3A_17 : memref<632x64xf32, #tpu.memory_space<vmem_shared>>) target_semaphore(%run_scoped3A : memref<!tpu.dma_semaphore, #tpu.memory_space<semaphore_mem>>)
      %dma_wait3A = arith.constant 0 : i32
      %dma_wait3A_20 = tpu.memref_slice %arg10[%mul3A_2, %dma_wait3A] : memref<10112x64xf32, #tpu.memory_space<vmem_shared>> -> memref<632x64xf32, #tpu.memory_space<vmem_shared>>
      %dma_wait3A_21 = arith.constant 0 : i32
      %dma_wait3A_22 = tpu.memref_slice %arg2[%mul3A_2, %dma_wait3A_21] : memref<10112x64xf32, #tpu.memory_space<hbm>> -> memref<632x64xf32, #tpu.memory_space<hbm>>
      tpu.wait_dma2 semaphore(%run_scoped3A : memref<!tpu.dma_semaphore, #tpu.memory_space<semaphore_mem>>) src(%dma_wait3A_22 : memref<632x64xf32, #tpu.memory_space<hbm>>) dst(%dma_wait3A_20 : memref<632x64xf32, #tpu.memory_space<vmem_shared>>)
      tpu.yield
    }) : () -> ()
    "tpu.region"() ({
      %run_scoped3A = tpu.sem_alloc : memref<!tpu.dma_semaphore, #tpu.memory_space<semaphore_mem>>
      %dma_start3A = arith.constant 0 : i32
      %dma_start3A_17 = arith.constant 0 : i32
      %dma_start3A_18 = tpu.memref_slice %arg3[%add3A, %dma_start3A, %dma_start3A_17] : memref<32x80x128xi32, #tpu.memory_space<hbm>> -> memref<1x80x128xi32, #tpu.memory_space<hbm>>
      %dma_start3A_19 = tpu.memref_squeeze %dma_start3A_18 : memref<1x80x128xi32, #tpu.memory_space<hbm>> -> memref<80x128xi32, #tpu.memory_space<hbm>>
      %dma_start3A_20 = arith.constant 0 : i32
      %dma_start3A_21 = arith.constant 0 : i32
      %dma_start3A_22 = tpu.memref_slice %arg3[%add3A, %dma_start3A_20, %dma_start3A_21] : memref<32x80x128xi32, #tpu.memory_space<hbm>> -> memref<1x80x128xi32, #tpu.memory_space<hbm>>
      %dma_start3A_23 = tpu.memref_squeeze %dma_start3A_22 : memref<1x80x128xi32, #tpu.memory_space<hbm>> -> memref<80x128xi32, #tpu.memory_space<hbm>>
      tpu.enqueue_dma source(%dma_start3A_23 : memref<80x128xi32, #tpu.memory_space<hbm>>) target(%arg7 : memref<80x128xi32, #tpu.memory_space<vmem>>) target_semaphore(%run_scoped3A : memref<!tpu.dma_semaphore, #tpu.memory_space<semaphore_mem>>)
      %dma_wait3A = arith.constant 0 : i32
      %dma_wait3A_24 = arith.constant 0 : i32
      %dma_wait3A_25 = tpu.memref_slice %arg3[%add3A, %dma_wait3A, %dma_wait3A_24] : memref<32x80x128xi32, #tpu.memory_space<hbm>> -> memref<1x80x128xi32, #tpu.memory_space<hbm>>
      %dma_wait3A_26 = tpu.memref_squeeze %dma_wait3A_25 : memref<1x80x128xi32, #tpu.memory_space<hbm>> -> memref<80x128xi32, #tpu.memory_space<hbm>>
      %dma_wait3A_27 = arith.constant 0 : i32
      %dma_wait3A_28 = arith.constant 0 : i32
      %dma_wait3A_29 = tpu.memref_slice %arg3[%add3A, %dma_wait3A_27, %dma_wait3A_28] : memref<32x80x128xi32, #tpu.memory_space<hbm>> -> memref<1x80x128xi32, #tpu.memory_space<hbm>>
      %dma_wait3A_30 = tpu.memref_squeeze %dma_wait3A_29 : memref<1x80x128xi32, #tpu.memory_space<hbm>> -> memref<80x128xi32, #tpu.memory_space<hbm>>
      tpu.wait_dma2 semaphore(%run_scoped3A : memref<!tpu.dma_semaphore, #tpu.memory_space<semaphore_mem>>) src(%dma_wait3A_30 : memref<80x128xi32, #tpu.memory_space<hbm>>) dst(%arg7 : memref<80x128xi32, #tpu.memory_space<vmem>>)
      tpu.yield
    }) : () -> ()
    "tpu.region"() ({
      %run_scoped3A = tpu.sem_alloc : memref<!tpu.dma_semaphore, #tpu.memory_space<semaphore_mem>>
      %dma_start3A = arith.constant 0 : i32
      %dma_start3A_17 = arith.constant 0 : i32
      %dma_start3A_18 = tpu.memref_slice %arg4[%add3A, %dma_start3A, %dma_start3A_17] : memref<32x80x128xi32, #tpu.memory_space<hbm>> -> memref<1x80x128xi32, #tpu.memory_space<hbm>>
      %dma_start3A_19 = tpu.memref_squeeze %dma_start3A_18 : memref<1x80x128xi32, #tpu.memory_space<hbm>> -> memref<80x128xi32, #tpu.memory_space<hbm>>
      %dma_start3A_20 = arith.constant 0 : i32
      %dma_start3A_21 = arith.constant 0 : i32
      %dma_start3A_22 = tpu.memref_slice %arg4[%add3A, %dma_start3A_20, %dma_start3A_21] : memref<32x80x128xi32, #tpu.memory_space<hbm>> -> memref<1x80x128xi32, #tpu.memory_space<hbm>>
      %dma_start3A_23 = tpu.memref_squeeze %dma_start3A_22 : memref<1x80x128xi32, #tpu.memory_space<hbm>> -> memref<80x128xi32, #tpu.memory_space<hbm>>
      tpu.enqueue_dma source(%dma_start3A_23 : memref<80x128xi32, #tpu.memory_space<hbm>>) target(%arg8 : memref<80x128xi32, #tpu.memory_space<vmem>>) target_semaphore(%run_scoped3A : memref<!tpu.dma_semaphore, #tpu.memory_space<semaphore_mem>>)
      %dma_wait3A = arith.constant 0 : i32
      %dma_wait3A_24 = arith.constant 0 : i32
      %dma_wait3A_25 = tpu.memref_slice %arg4[%add3A, %dma_wait3A, %dma_wait3A_24] : memref<32x80x128xi32, #tpu.memory_space<hbm>> -> memref<1x80x128xi32, #tpu.memory_space<hbm>>
      %dma_wait3A_26 = tpu.memref_squeeze %dma_wait3A_25 : memref<1x80x128xi32, #tpu.memory_space<hbm>> -> memref<80x128xi32, #tpu.memory_space<hbm>>
      %dma_wait3A_27 = arith.constant 0 : i32
      %dma_wait3A_28 = arith.constant 0 : i32
      %dma_wait3A_29 = tpu.memref_slice %arg4[%add3A, %dma_wait3A_27, %dma_wait3A_28] : memref<32x80x128xi32, #tpu.memory_space<hbm>> -> memref<1x80x128xi32, #tpu.memory_space<hbm>>
      %dma_wait3A_30 = tpu.memref_squeeze %dma_wait3A_29 : memref<1x80x128xi32, #tpu.memory_space<hbm>> -> memref<80x128xi32, #tpu.memory_space<hbm>>
      tpu.wait_dma2 semaphore(%run_scoped3A : memref<!tpu.dma_semaphore, #tpu.memory_space<semaphore_mem>>) src(%dma_wait3A_30 : memref<80x128xi32, #tpu.memory_space<hbm>>) dst(%arg8 : memref<80x128xi32, #tpu.memory_space<vmem>>)
      tpu.yield
    }) : () -> ()
    %barrier3A = arith.constant 0 : index
    tpu.barrier barrier_id(%barrier3A)
    %eq3A = arith.constant 0 : i32
    %eq3A_3 = arith.cmpi eq, %arg0, %eq3A : i32
    %jit3A = arith.constant 40 : i32
    %jit3A_4 = arith.constant 40 : i32
    %select_n3A = arith.select %eq3A_3, %jit3A, %jit3A_4 : i32
    %while3A = arith.constant 0 : i32
    %while3A_5 = arith.constant 0 : i32
    %while3A_6 = arith.subi %select_n3A, %while3A : i32
    %while3A_7 = arith.addi %while3A, %while3A_6 : i32
    %while3A_8 = arith.constant 1 : i32
    %while3A_9 = arith.divsi %while3A_6, %while3A_8 : i32
    %while3A_10 = arith.muli %while3A_9, %while3A_8 : i32
    %while3A_11 = arith.addi %while3A, %while3A_10 : i32
    %while3A_12 = arith.constant 1 : i32
    %while3A_13 = scf.for %while3A_17 = %while3A to %while3A_11 step %while3A_12 iter_args(%while3A_18 = %while3A_5) -> (i32)  : i32 {
      %mul3A_19 = arith.constant 2 : i32
      %mul3A_20 = arith.muli %while3A_17, %mul3A_19 : i32
      %add3A_21 = arith.constant 0 : i32
      %add3A_22 = arith.addi %mul3A_20, %add3A_21 : i32
      %dma_start3A = arith.constant 0 : i32
      %dma_start3A_23 = tpu.memref_slice %arg7[%add3A_22, %dma_start3A] : memref<80x128xi32, #tpu.memory_space<vmem>> -> memref<1x128xi32, #tpu.memory_space<vmem>>
      %dma_start3A_24 = tpu.memref_squeeze %dma_start3A_23 : memref<1x128xi32, #tpu.memory_space<vmem>> -> memref<128xi32, #tpu.memory_space<vmem>>
      %dma_start3A_25 = arith.constant 0 : i32
      %dma_start3A_26 = arith.constant 0 : i32
      %dma_start3A_27 = tpu.memref_slice %arg10[%dma_start3A_25, %dma_start3A_26] : memref<10112x64xf32, #tpu.memory_space<vmem_shared>> -> memref<10112x64xf32, #tpu.memory_space<vmem_shared>>
      tpu.enqueue_indirect_dma source(%dma_start3A_27 : memref<10112x64xf32, #tpu.memory_space<vmem_shared>>) target(%arg11 : memref<128x64xf32, #tpu.memory_space<vmem>>) offsets(%dma_start3A_24 : memref<128xi32, #tpu.memory_space<vmem>>) semaphore(%arg13 : memref<!tpu.dma_semaphore, #tpu.memory_space<semaphore_mem>>)
      %mul3A_28 = arith.constant 2 : i32
      %mul3A_29 = arith.muli %while3A_17, %mul3A_28 : i32
      %add3A_30 = arith.constant 1 : i32
      %add3A_31 = arith.addi %mul3A_29, %add3A_30 : i32
      %dma_start3A_32 = arith.constant 0 : i32
      %dma_start3A_33 = tpu.memref_slice %arg7[%add3A_31, %dma_start3A_32] : memref<80x128xi32, #tpu.memory_space<vmem>> -> memref<1x128xi32, #tpu.memory_space<vmem>>
      %dma_start3A_34 = tpu.memref_squeeze %dma_start3A_33 : memref<1x128xi32, #tpu.memory_space<vmem>> -> memref<128xi32, #tpu.memory_space<vmem>>
      %dma_start3A_35 = arith.constant 0 : i32
      %dma_start3A_36 = arith.constant 0 : i32
      %dma_start3A_37 = tpu.memref_slice %arg10[%dma_start3A_35, %dma_start3A_36] : memref<10112x64xf32, #tpu.memory_space<vmem_shared>> -> memref<10112x64xf32, #tpu.memory_space<vmem_shared>>
      tpu.enqueue_indirect_dma source(%dma_start3A_37 : memref<10112x64xf32, #tpu.memory_space<vmem_shared>>) target(%arg12 : memref<128x64xf32, #tpu.memory_space<vmem>>) offsets(%dma_start3A_34 : memref<128xi32, #tpu.memory_space<vmem>>) semaphore(%arg14 : memref<!tpu.dma_semaphore, #tpu.memory_space<semaphore_mem>>)
      %dma_wait3A = arith.constant 0 : i32
      %dma_wait3A_38 = arith.constant 0 : i32
      %dma_wait3A_39 = tpu.memref_slice %arg7[%dma_wait3A, %dma_wait3A_38] : memref<80x128xi32, #tpu.memory_space<vmem>> -> memref<1x128xi32, #tpu.memory_space<vmem>>
      %dma_wait3A_40 = tpu.memref_squeeze %dma_wait3A_39 : memref<1x128xi32, #tpu.memory_space<vmem>> -> memref<128xi32, #tpu.memory_space<vmem>>
      %dma_wait3A_41 = arith.constant 0 : i32
      %dma_wait3A_42 = arith.constant 0 : i32
      %dma_wait3A_43 = tpu.memref_slice %arg10[%dma_wait3A_41, %dma_wait3A_42] : memref<10112x64xf32, #tpu.memory_space<vmem_shared>> -> memref<10112x64xf32, #tpu.memory_space<vmem_shared>>
      tpu.wait_indirect_dma semaphore(%arg13 : memref<!tpu.dma_semaphore, #tpu.memory_space<semaphore_mem>>) src(%dma_wait3A_43 : memref<10112x64xf32, #tpu.memory_space<vmem_shared>>) dst(%arg11 : memref<128x64xf32, #tpu.memory_space<vmem>>)
      %dma_wait3A_44 = arith.constant 0 : i32
      %dma_wait3A_45 = arith.constant 0 : i32
      %dma_wait3A_46 = tpu.memref_slice %arg7[%dma_wait3A_44, %dma_wait3A_45] : memref<80x128xi32, #tpu.memory_space<vmem>> -> memref<1x128xi32, #tpu.memory_space<vmem>>
      %dma_wait3A_47 = tpu.memref_squeeze %dma_wait3A_46 : memref<1x128xi32, #tpu.memory_space<vmem>> -> memref<128xi32, #tpu.memory_space<vmem>>
      %dma_wait3A_48 = arith.constant 0 : i32
      %dma_wait3A_49 = arith.constant 0 : i32
      %dma_wait3A_50 = tpu.memref_slice %arg10[%dma_wait3A_48, %dma_wait3A_49] : memref<10112x64xf32, #tpu.memory_space<vmem_shared>> -> memref<10112x64xf32, #tpu.memory_space<vmem_shared>>
      tpu.wait_indirect_dma semaphore(%arg14 : memref<!tpu.dma_semaphore, #tpu.memory_space<semaphore_mem>>) src(%dma_wait3A_50 : memref<10112x64xf32, #tpu.memory_space<vmem_shared>>) dst(%arg12 : memref<128x64xf32, #tpu.memory_space<vmem>>)
      %mul3A_51 = arith.constant 2 : i32
      %mul3A_52 = arith.muli %while3A_17, %mul3A_51 : i32
      %add3A_53 = arith.constant 0 : i32
      %add3A_54 = arith.addi %mul3A_52, %add3A_53 : i32
      %dma_start3A_55 = arith.constant 0 : i32
      %dma_start3A_56 = tpu.memref_slice %arg8[%add3A_54, %dma_start3A_55] : memref<80x128xi32, #tpu.memory_space<vmem>> -> memref<1x128xi32, #tpu.memory_space<vmem>>
      %dma_start3A_57 = tpu.memref_squeeze %dma_start3A_56 : memref<1x128xi32, #tpu.memory_space<vmem>> -> memref<128xi32, #tpu.memory_space<vmem>>
      %dma_start3A_58 = arith.constant 0 : i32
      %dma_start3A_59 = arith.constant 0 : i32
      %dma_start3A_60 = tpu.memref_slice %arg9[%dma_start3A_58, %dma_start3A_59] : memref<10112x64xf32, #tpu.memory_space<vmem_shared>> -> memref<10112x64xf32, #tpu.memory_space<vmem_shared>>
      tpu.enqueue_indirect_dma source(%arg11 : memref<128x64xf32, #tpu.memory_space<vmem>>) target(%dma_start3A_60 : memref<10112x64xf32, #tpu.memory_space<vmem_shared>>) offsets(%dma_start3A_57 : memref<128xi32, #tpu.memory_space<vmem>>) semaphore(%arg15 : memref<!tpu.dma_semaphore, #tpu.memory_space<semaphore_mem>>) {add = true}
      %mul3A_61 = arith.constant 2 : i32
      %mul3A_62 = arith.muli %while3A_17, %mul3A_61 : i32
      %add3A_63 = arith.constant 1 : i32
      %add3A_64 = arith.addi %mul3A_62, %add3A_63 : i32
      %dma_start3A_65 = arith.constant 0 : i32
      %dma_start3A_66 = tpu.memref_slice %arg8[%add3A_64, %dma_start3A_65] : memref<80x128xi32, #tpu.memory_space<vmem>> -> memref<1x128xi32, #tpu.memory_space<vmem>>
      %dma_start3A_67 = tpu.memref_squeeze %dma_start3A_66 : memref<1x128xi32, #tpu.memory_space<vmem>> -> memref<128xi32, #tpu.memory_space<vmem>>
      %dma_start3A_68 = arith.constant 0 : i32
      %dma_start3A_69 = arith.constant 0 : i32
      %dma_start3A_70 = tpu.memref_slice %arg9[%dma_start3A_68, %dma_start3A_69] : memref<10112x64xf32, #tpu.memory_space<vmem_shared>> -> memref<10112x64xf32, #tpu.memory_space<vmem_shared>>
      tpu.enqueue_indirect_dma source(%arg12 : memref<128x64xf32, #tpu.memory_space<vmem>>) target(%dma_start3A_70 : memref<10112x64xf32, #tpu.memory_space<vmem_shared>>) offsets(%dma_start3A_67 : memref<128xi32, #tpu.memory_space<vmem>>) semaphore(%arg16 : memref<!tpu.dma_semaphore, #tpu.memory_space<semaphore_mem>>) {add = true}
      %dma_wait3A_71 = arith.constant 0 : i32
      %dma_wait3A_72 = arith.constant 0 : i32
      %dma_wait3A_73 = tpu.memref_slice %arg8[%dma_wait3A_71, %dma_wait3A_72] : memref<80x128xi32, #tpu.memory_space<vmem>> -> memref<1x128xi32, #tpu.memory_space<vmem>>
      %dma_wait3A_74 = tpu.memref_squeeze %dma_wait3A_73 : memref<1x128xi32, #tpu.memory_space<vmem>> -> memref<128xi32, #tpu.memory_space<vmem>>
      %dma_wait3A_75 = arith.constant 0 : i32
      %dma_wait3A_76 = arith.constant 0 : i32
      %dma_wait3A_77 = tpu.memref_slice %arg9[%dma_wait3A_75, %dma_wait3A_76] : memref<10112x64xf32, #tpu.memory_space<vmem_shared>> -> memref<10112x64xf32, #tpu.memory_space<vmem_shared>>
      tpu.wait_indirect_dma semaphore(%arg15 : memref<!tpu.dma_semaphore, #tpu.memory_space<semaphore_mem>>) src(%arg11 : memref<128x64xf32, #tpu.memory_space<vmem>>) dst(%dma_wait3A_77 : memref<10112x64xf32, #tpu.memory_space<vmem_shared>>)
      %dma_wait3A_78 = arith.constant 0 : i32
      %dma_wait3A_79 = arith.constant 0 : i32
      %dma_wait3A_80 = tpu.memref_slice %arg8[%dma_wait3A_78, %dma_wait3A_79] : memref<80x128xi32, #tpu.memory_space<vmem>> -> memref<1x128xi32, #tpu.memory_space<vmem>>
      %dma_wait3A_81 = tpu.memref_squeeze %dma_wait3A_80 : memref<1x128xi32, #tpu.memory_space<vmem>> -> memref<128xi32, #tpu.memory_space<vmem>>
      %dma_wait3A_82 = arith.constant 0 : i32
      %dma_wait3A_83 = arith.constant 0 : i32
      %dma_wait3A_84 = tpu.memref_slice %arg9[%dma_wait3A_82, %dma_wait3A_83] : memref<10112x64xf32, #tpu.memory_space<vmem_shared>> -> memref<10112x64xf32, #tpu.memory_space<vmem_shared>>
      tpu.wait_indirect_dma semaphore(%arg16 : memref<!tpu.dma_semaphore, #tpu.memory_space<semaphore_mem>>) src(%arg12 : memref<128x64xf32, #tpu.memory_space<vmem>>) dst(%dma_wait3A_84 : memref<10112x64xf32, #tpu.memory_space<vmem_shared>>)
      %while3A_85 = arith.constant 0 : i32
      scf.yield %while3A_85 : i32
    }
    %while3A_14 = arith.constant 1 : i32
    %while3A_15 = scf.for %while3A_17 = %while3A_11 to %while3A_7 step %while3A_14 iter_args(%while3A_18 = %while3A_13) -> (i32)  : i32 {
      %mul3A_19 = arith.constant 2 : i32
      %mul3A_20 = arith.muli %while3A_17, %mul3A_19 : i32
      %add3A_21 = arith.constant 0 : i32
      %add3A_22 = arith.addi %mul3A_20, %add3A_21 : i32
      %dma_start3A = arith.constant 0 : i32
      %dma_start3A_23 = tpu.memref_slice %arg7[%add3A_22, %dma_start3A] : memref<80x128xi32, #tpu.memory_space<vmem>> -> memref<1x128xi32, #tpu.memory_space<vmem>>
      %dma_start3A_24 = tpu.memref_squeeze %dma_start3A_23 : memref<1x128xi32, #tpu.memory_space<vmem>> -> memref<128xi32, #tpu.memory_space<vmem>>
      %dma_start3A_25 = arith.constant 0 : i32
      %dma_start3A_26 = arith.constant 0 : i32
      %dma_start3A_27 = tpu.memref_slice %arg10[%dma_start3A_25, %dma_start3A_26] : memref<10112x64xf32, #tpu.memory_space<vmem_shared>> -> memref<10112x64xf32, #tpu.memory_space<vmem_shared>>
      tpu.enqueue_indirect_dma source(%dma_start3A_27 : memref<10112x64xf32, #tpu.memory_space<vmem_shared>>) target(%arg11 : memref<128x64xf32, #tpu.memory_space<vmem>>) offsets(%dma_start3A_24 : memref<128xi32, #tpu.memory_space<vmem>>) semaphore(%arg13 : memref<!tpu.dma_semaphore, #tpu.memory_space<semaphore_mem>>)
      %mul3A_28 = arith.constant 2 : i32
      %mul3A_29 = arith.muli %while3A_17, %mul3A_28 : i32
      %add3A_30 = arith.constant 1 : i32
      %add3A_31 = arith.addi %mul3A_29, %add3A_30 : i32
      %dma_start3A_32 = arith.constant 0 : i32
      %dma_start3A_33 = tpu.memref_slice %arg7[%add3A_31, %dma_start3A_32] : memref<80x128xi32, #tpu.memory_space<vmem>> -> memref<1x128xi32, #tpu.memory_space<vmem>>
      %dma_start3A_34 = tpu.memref_squeeze %dma_start3A_33 : memref<1x128xi32, #tpu.memory_space<vmem>> -> memref<128xi32, #tpu.memory_space<vmem>>
      %dma_start3A_35 = arith.constant 0 : i32
      %dma_start3A_36 = arith.constant 0 : i32
      %dma_start3A_37 = tpu.memref_slice %arg10[%dma_start3A_35, %dma_start3A_36] : memref<10112x64xf32, #tpu.memory_space<vmem_shared>> -> memref<10112x64xf32, #tpu.memory_space<vmem_shared>>
      tpu.enqueue_indirect_dma source(%dma_start3A_37 : memref<10112x64xf32, #tpu.memory_space<vmem_shared>>) target(%arg12 : memref<128x64xf32, #tpu.memory_space<vmem>>) offsets(%dma_start3A_34 : memref<128xi32, #tpu.memory_space<vmem>>) semaphore(%arg14 : memref<!tpu.dma_semaphore, #tpu.memory_space<semaphore_mem>>)
      %dma_wait3A = arith.constant 0 : i32
      %dma_wait3A_38 = arith.constant 0 : i32
      %dma_wait3A_39 = tpu.memref_slice %arg7[%dma_wait3A, %dma_wait3A_38] : memref<80x128xi32, #tpu.memory_space<vmem>> -> memref<1x128xi32, #tpu.memory_space<vmem>>
      %dma_wait3A_40 = tpu.memref_squeeze %dma_wait3A_39 : memref<1x128xi32, #tpu.memory_space<vmem>> -> memref<128xi32, #tpu.memory_space<vmem>>
      %dma_wait3A_41 = arith.constant 0 : i32
      %dma_wait3A_42 = arith.constant 0 : i32
      %dma_wait3A_43 = tpu.memref_slice %arg10[%dma_wait3A_41, %dma_wait3A_42] : memref<10112x64xf32, #tpu.memory_space<vmem_shared>> -> memref<10112x64xf32, #tpu.memory_space<vmem_shared>>
      tpu.wait_indirect_dma semaphore(%arg13 : memref<!tpu.dma_semaphore, #tpu.memory_space<semaphore_mem>>) src(%dma_wait3A_43 : memref<10112x64xf32, #tpu.memory_space<vmem_shared>>) dst(%arg11 : memref<128x64xf32, #tpu.memory_space<vmem>>)
      %dma_wait3A_44 = arith.constant 0 : i32
      %dma_wait3A_45 = arith.constant 0 : i32
      %dma_wait3A_46 = tpu.memref_slice %arg7[%dma_wait3A_44, %dma_wait3A_45] : memref<80x128xi32, #tpu.memory_space<vmem>> -> memref<1x128xi32, #tpu.memory_space<vmem>>
      %dma_wait3A_47 = tpu.memref_squeeze %dma_wait3A_46 : memref<1x128xi32, #tpu.memory_space<vmem>> -> memref<128xi32, #tpu.memory_space<vmem>>
      %dma_wait3A_48 = arith.constant 0 : i32
      %dma_wait3A_49 = arith.constant 0 : i32
      %dma_wait3A_50 = tpu.memref_slice %arg10[%dma_wait3A_48, %dma_wait3A_49] : memref<10112x64xf32, #tpu.memory_space<vmem_shared>> -> memref<10112x64xf32, #tpu.memory_space<vmem_shared>>
      tpu.wait_indirect_dma semaphore(%arg14 : memref<!tpu.dma_semaphore, #tpu.memory_space<semaphore_mem>>) src(%dma_wait3A_50 : memref<10112x64xf32, #tpu.memory_space<vmem_shared>>) dst(%arg12 : memref<128x64xf32, #tpu.memory_space<vmem>>)
      %mul3A_51 = arith.constant 2 : i32
      %mul3A_52 = arith.muli %while3A_17, %mul3A_51 : i32
      %add3A_53 = arith.constant 0 : i32
      %add3A_54 = arith.addi %mul3A_52, %add3A_53 : i32
      %dma_start3A_55 = arith.constant 0 : i32
      %dma_start3A_56 = tpu.memref_slice %arg8[%add3A_54, %dma_start3A_55] : memref<80x128xi32, #tpu.memory_space<vmem>> -> memref<1x128xi32, #tpu.memory_space<vmem>>
      %dma_start3A_57 = tpu.memref_squeeze %dma_start3A_56 : memref<1x128xi32, #tpu.memory_space<vmem>> -> memref<128xi32, #tpu.memory_space<vmem>>
      %dma_start3A_58 = arith.constant 0 : i32
      %dma_start3A_59 = arith.constant 0 : i32
      %dma_start3A_60 = tpu.memref_slice %arg9[%dma_start3A_58, %dma_start3A_59] : memref<10112x64xf32, #tpu.memory_space<vmem_shared>> -> memref<10112x64xf32, #tpu.memory_space<vmem_shared>>
      tpu.enqueue_indirect_dma source(%arg11 : memref<128x64xf32, #tpu.memory_space<vmem>>) target(%dma_start3A_60 : memref<10112x64xf32, #tpu.memory_space<vmem_shared>>) offsets(%dma_start3A_57 : memref<128xi32, #tpu.memory_space<vmem>>) semaphore(%arg15 : memref<!tpu.dma_semaphore, #tpu.memory_space<semaphore_mem>>) {add = true}
      %mul3A_61 = arith.constant 2 : i32
      %mul3A_62 = arith.muli %while3A_17, %mul3A_61 : i32
      %add3A_63 = arith.constant 1 : i32
      %add3A_64 = arith.addi %mul3A_62, %add3A_63 : i32
      %dma_start3A_65 = arith.constant 0 : i32
      %dma_start3A_66 = tpu.memref_slice %arg8[%add3A_64, %dma_start3A_65] : memref<80x128xi32, #tpu.memory_space<vmem>> -> memref<1x128xi32, #tpu.memory_space<vmem>>
      %dma_start3A_67 = tpu.memref_squeeze %dma_start3A_66 : memref<1x128xi32, #tpu.memory_space<vmem>> -> memref<128xi32, #tpu.memory_space<vmem>>
      %dma_start3A_68 = arith.constant 0 : i32
      %dma_start3A_69 = arith.constant 0 : i32
      %dma_start3A_70 = tpu.memref_slice %arg9[%dma_start3A_68, %dma_start3A_69] : memref<10112x64xf32, #tpu.memory_space<vmem_shared>> -> memref<10112x64xf32, #tpu.memory_space<vmem_shared>>
      tpu.enqueue_indirect_dma source(%arg12 : memref<128x64xf32, #tpu.memory_space<vmem>>) target(%dma_start3A_70 : memref<10112x64xf32, #tpu.memory_space<vmem_shared>>) offsets(%dma_start3A_67 : memref<128xi32, #tpu.memory_space<vmem>>) semaphore(%arg16 : memref<!tpu.dma_semaphore, #tpu.memory_space<semaphore_mem>>) {add = true}
      %dma_wait3A_71 = arith.constant 0 : i32
      %dma_wait3A_72 = arith.constant 0 : i32
      %dma_wait3A_73 = tpu.memref_slice %arg8[%dma_wait3A_71, %dma_wait3A_72] : memref<80x128xi32, #tpu.memory_space<vmem>> -> memref<1x128xi32, #tpu.memory_space<vmem>>
      %dma_wait3A_74 = tpu.memref_squeeze %dma_wait3A_73 : memref<1x128xi32, #tpu.memory_space<vmem>> -> memref<128xi32, #tpu.memory_space<vmem>>
      %dma_wait3A_75 = arith.constant 0 : i32
      %dma_wait3A_76 = arith.constant 0 : i32
      %dma_wait3A_77 = tpu.memref_slice %arg9[%dma_wait3A_75, %dma_wait3A_76] : memref<10112x64xf32, #tpu.memory_space<vmem_shared>> -> memref<10112x64xf32, #tpu.memory_space<vmem_shared>>
      tpu.wait_indirect_dma semaphore(%arg15 : memref<!tpu.dma_semaphore, #tpu.memory_space<semaphore_mem>>) src(%arg11 : memref<128x64xf32, #tpu.memory_space<vmem>>) dst(%dma_wait3A_77 : memref<10112x64xf32, #tpu.memory_space<vmem_shared>>)
      %dma_wait3A_78 = arith.constant 0 : i32
      %dma_wait3A_79 = arith.constant 0 : i32
      %dma_wait3A_80 = tpu.memref_slice %arg8[%dma_wait3A_78, %dma_wait3A_79] : memref<80x128xi32, #tpu.memory_space<vmem>> -> memref<1x128xi32, #tpu.memory_space<vmem>>
      %dma_wait3A_81 = tpu.memref_squeeze %dma_wait3A_80 : memref<1x128xi32, #tpu.memory_space<vmem>> -> memref<128xi32, #tpu.memory_space<vmem>>
      %dma_wait3A_82 = arith.constant 0 : i32
      %dma_wait3A_83 = arith.constant 0 : i32
      %dma_wait3A_84 = tpu.memref_slice %arg9[%dma_wait3A_82, %dma_wait3A_83] : memref<10112x64xf32, #tpu.memory_space<vmem_shared>> -> memref<10112x64xf32, #tpu.memory_space<vmem_shared>>
      tpu.wait_indirect_dma semaphore(%arg16 : memref<!tpu.dma_semaphore, #tpu.memory_space<semaphore_mem>>) src(%arg12 : memref<128x64xf32, #tpu.memory_space<vmem>>) dst(%dma_wait3A_84 : memref<10112x64xf32, #tpu.memory_space<vmem_shared>>)
      %while3A_85 = arith.constant 0 : i32
      scf.yield %while3A_85 : i32
    }
    %barrier3A_16 = arith.constant 0 : index
    tpu.barrier barrier_id(%barrier3A_16)
    "tpu.region"() ({
      %run_scoped3A = tpu.sem_alloc : memref<!tpu.dma_semaphore, #tpu.memory_space<semaphore_mem>>
      %dma_start3A = arith.constant 0 : i32
      %dma_start3A_17 = tpu.memref_slice %arg6[%arg0, %mul3A_2, %dma_start3A] : memref<2x10112x64xf32, #tpu.memory_space<hbm>> -> memref<1x632x64xf32, #tpu.memory_space<hbm>>
      %dma_start3A_18 = tpu.memref_squeeze %dma_start3A_17 : memref<1x632x64xf32, #tpu.memory_space<hbm>> -> memref<632x64xf32, #tpu.memory_space<hbm>>
      %dma_start3A_19 = arith.constant 0 : i32
      %dma_start3A_20 = tpu.memref_slice %arg9[%mul3A_2, %dma_start3A_19] : memref<10112x64xf32, #tpu.memory_space<vmem_shared>> -> memref<632x64xf32, #tpu.memory_space<vmem_shared>>
      tpu.enqueue_dma source(%dma_start3A_20 : memref<632x64xf32, #tpu.memory_space<vmem_shared>>) target(%dma_start3A_18 : memref<632x64xf32, #tpu.memory_space<hbm>>) target_semaphore(%run_scoped3A : memref<!tpu.dma_semaphore, #tpu.memory_space<semaphore_mem>>)
      %dma_wait3A = arith.constant 0 : i32
      %dma_wait3A_21 = tpu.memref_slice %arg6[%arg0, %mul3A_2, %dma_wait3A] : memref<2x10112x64xf32, #tpu.memory_space<hbm>> -> memref<1x632x64xf32, #tpu.memory_space<hbm>>
      %dma_wait3A_22 = tpu.memref_squeeze %dma_wait3A_21 : memref<1x632x64xf32, #tpu.memory_space<hbm>> -> memref<632x64xf32, #tpu.memory_space<hbm>>
      %dma_wait3A_23 = arith.constant 0 : i32
      %dma_wait3A_24 = tpu.memref_slice %arg9[%mul3A_2, %dma_wait3A_23] : memref<10112x64xf32, #tpu.memory_space<vmem_shared>> -> memref<632x64xf32, #tpu.memory_space<vmem_shared>>
      tpu.wait_dma2 semaphore(%run_scoped3A : memref<!tpu.dma_semaphore, #tpu.memory_space<semaphore_mem>>) src(%dma_wait3A_24 : memref<632x64xf32, #tpu.memory_space<vmem_shared>>) dst(%dma_wait3A_22 : memref<632x64xf32, #tpu.memory_space<hbm>>)
      tpu.yield
    }) : () -> ()
    return
  }
}

#map = affine_map<(d0, d1) -> (0, 0)>
#map1 = affine_map<(d0, d1) -> (0, 0, 0)>
module attributes {stable_mosaic.version = 14 : i64} {
  func.func @body(%arg0: i32, %arg1: i32, %arg2: memref<10112x64xf32, #tpu.memory_space<hbm>>, %arg3: memref<32x80x128xi32, #tpu.memory_space<hbm>>, %arg4: memref<32x80x128xi32, #tpu.memory_space<hbm>>, %arg5: memref<10112x64xf32, #tpu.memory_space<hbm>>, %arg6: memref<2x10112x64xf32, #tpu.memory_space<hbm>>, %arg7: memref<80x128xi32, #tpu.memory_space<vmem>>, %arg8: memref<80x128xi32, #tpu.memory_space<vmem>>, %arg9: memref<10112x64xf32, #tpu.memory_space<vmem_shared>>, %arg10: memref<10112x64xf32, #tpu.memory_space<vmem_shared>>, %arg11: memref<128x64xf32, #tpu.memory_space<vmem>>, %arg12: memref<128x64xf32, #tpu.memory_space<vmem>>, %arg13: memref<!tpu.dma_semaphore, #tpu.memory_space<semaphore_mem>>, %arg14: memref<!tpu.dma_semaphore, #tpu.memory_space<semaphore_mem>>, %arg15: memref<!tpu.dma_semaphore, #tpu.memory_space<semaphore_mem>>, %arg16: memref<!tpu.dma_semaphore, #tpu.memory_space<semaphore_mem>>) attributes {dimension_semantics = [#tpu.dimension_semantics<core_parallel>, #tpu.dimension_semantics<subcore_parallel>], iteration_bounds = array<i64: 2, 16>, scalar_prefetch = 0 : i64, scratch_operands = 10 : i64, tpu.core_type = #tpu.core_type<sc_vector_subcore>, window_params = [{transform_indices = #map}, {transform_indices = #map1}, {transform_indices = #map1}, {transform_indices = #map}, {transform_indices = #map1}]} {
    %mul3A = arith.constant 16 : i32
    %mul3A_0 = arith.muli %arg0, %mul3A : i32
    %add3A = arith.addi %mul3A_0, %arg1 : i32
    %mul3A_1 = arith.constant 632 : i32
    %mul3A_2 = arith.muli %arg1, %mul3A_1 : i32
    "tpu.region"() ({
      %run_scoped3A = tpu.sem_alloc : memref<!tpu.dma_semaphore, #tpu.memory_space<semaphore_mem>>
      %dma_start3A = arith.constant 0 : i32
      %dma_start3A_17 = tpu.memref_slice %arg9[%mul3A_2, %dma_start3A] : memref<10112x64xf32, #tpu.memory_space<vmem_shared>> -> memref<632x64xf32, #tpu.memory_space<vmem_shared>>
      %dma_start3A_18 = arith.constant 0 : i32
      %dma_start3A_19 = tpu.memref_slice %arg5[%mul3A_2, %dma_start3A_18] : memref<10112x64xf32, #tpu.memory_space<hbm>> -> memref<632x64xf32, #tpu.memory_space<hbm>>
      tpu.enqueue_dma source(%dma_start3A_19 : memref<632x64xf32, #tpu.memory_space<hbm>>) target(%dma_start3A_17 : memref<632x64xf32, #tpu.memory_space<vmem_shared>>) target_semaphore(%run_scoped3A : memref<!tpu.dma_semaphore, #tpu.memory_space<semaphore_mem>>)
      %dma_wait3A = arith.constant 0 : i32
      %dma_wait3A_20 = tpu.memref_slice %arg9[%mul3A_2, %dma_wait3A] : memref<10112x64xf32, #tpu.memory_space<vmem_shared>> -> memref<632x64xf32, #tpu.memory_space<vmem_shared>>
      %dma_wait3A_21 = arith.constant 0 : i32
      %dma_wait3A_22 = tpu.memref_slice %arg5[%mul3A_2, %dma_wait3A_21] : memref<10112x64xf32, #tpu.memory_space<hbm>> -> memref<632x64xf32, #tpu.memory_space<hbm>>
      tpu.wait_dma2 semaphore(%run_scoped3A : memref<!tpu.dma_semaphore, #tpu.memory_space<semaphore_mem>>) src(%dma_wait3A_22 : memref<632x64xf32, #tpu.memory_space<hbm>>) dst(%dma_wait3A_20 : memref<632x64xf32, #tpu.memory_space<vmem_shared>>)
      tpu.yield
    }) : () -> ()
    "tpu.region"() ({
      %run_scoped3A = tpu.sem_alloc : memref<!tpu.dma_semaphore, #tpu.memory_space<semaphore_mem>>
      %dma_start3A = arith.constant 0 : i32
      %dma_start3A_17 = tpu.memref_slice %arg10[%mul3A_2, %dma_start3A] : memref<10112x64xf32, #tpu.memory_space<vmem_shared>> -> memref<632x64xf32, #tpu.memory_space<vmem_shared>>
      %dma_start3A_18 = arith.constant 0 : i32
      %dma_start3A_19 = tpu.memref_slice %arg2[%mul3A_2, %dma_start3A_18] : memref<10112x64xf32, #tpu.memory_space<hbm>> -> memref<632x64xf32, #tpu.memory_space<hbm>>
      tpu.enqueue_dma source(%dma_start3A_19 : memref<632x64xf32, #tpu.memory_space<hbm>>) target(%dma_start3A_17 : memref<632x64xf32, #tpu.memory_space<vmem_shared>>) target_semaphore(%run_scoped3A : memref<!tpu.dma_semaphore, #tpu.memory_space<semaphore_mem>>)
      %dma_wait3A = arith.constant 0 : i32
      %dma_wait3A_20 = tpu.memref_slice %arg10[%mul3A_2, %dma_wait3A] : memref<10112x64xf32, #tpu.memory_space<vmem_shared>> -> memref<632x64xf32, #tpu.memory_space<vmem_shared>>
      %dma_wait3A_21 = arith.constant 0 : i32
      %dma_wait3A_22 = tpu.memref_slice %arg2[%mul3A_2, %dma_wait3A_21] : memref<10112x64xf32, #tpu.memory_space<hbm>> -> memref<632x64xf32, #tpu.memory_space<hbm>>
      tpu.wait_dma2 semaphore(%run_scoped3A : memref<!tpu.dma_semaphore, #tpu.memory_space<semaphore_mem>>) src(%dma_wait3A_22 : memref<632x64xf32, #tpu.memory_space<hbm>>) dst(%dma_wait3A_20 : memref<632x64xf32, #tpu.memory_space<vmem_shared>>)
      tpu.yield
    }) : () -> ()
    "tpu.region"() ({
      %run_scoped3A = tpu.sem_alloc : memref<!tpu.dma_semaphore, #tpu.memory_space<semaphore_mem>>
      %dma_start3A = arith.constant 0 : i32
      %dma_start3A_17 = arith.constant 0 : i32
      %dma_start3A_18 = tpu.memref_slice %arg3[%add3A, %dma_start3A, %dma_start3A_17] : memref<32x80x128xi32, #tpu.memory_space<hbm>> -> memref<1x80x128xi32, #tpu.memory_space<hbm>>
      %dma_start3A_19 = tpu.memref_squeeze %dma_start3A_18 : memref<1x80x128xi32, #tpu.memory_space<hbm>> -> memref<80x128xi32, #tpu.memory_space<hbm>>
      %dma_start3A_20 = arith.constant 0 : i32
      %dma_start3A_21 = arith.constant 0 : i32
      %dma_start3A_22 = tpu.memref_slice %arg3[%add3A, %dma_start3A_20, %dma_start3A_21] : memref<32x80x128xi32, #tpu.memory_space<hbm>> -> memref<1x80x128xi32, #tpu.memory_space<hbm>>
      %dma_start3A_23 = tpu.memref_squeeze %dma_start3A_22 : memref<1x80x128xi32, #tpu.memory_space<hbm>> -> memref<80x128xi32, #tpu.memory_space<hbm>>
      tpu.enqueue_dma source(%dma_start3A_23 : memref<80x128xi32, #tpu.memory_space<hbm>>) target(%arg7 : memref<80x128xi32, #tpu.memory_space<vmem>>) target_semaphore(%run_scoped3A : memref<!tpu.dma_semaphore, #tpu.memory_space<semaphore_mem>>)
      %dma_wait3A = arith.constant 0 : i32
      %dma_wait3A_24 = arith.constant 0 : i32
      %dma_wait3A_25 = tpu.memref_slice %arg3[%add3A, %dma_wait3A, %dma_wait3A_24] : memref<32x80x128xi32, #tpu.memory_space<hbm>> -> memref<1x80x128xi32, #tpu.memory_space<hbm>>
      %dma_wait3A_26 = tpu.memref_squeeze %dma_wait3A_25 : memref<1x80x128xi32, #tpu.memory_space<hbm>> -> memref<80x128xi32, #tpu.memory_space<hbm>>
      %dma_wait3A_27 = arith.constant 0 : i32
      %dma_wait3A_28 = arith.constant 0 : i32
      %dma_wait3A_29 = tpu.memref_slice %arg3[%add3A, %dma_wait3A_27, %dma_wait3A_28] : memref<32x80x128xi32, #tpu.memory_space<hbm>> -> memref<1x80x128xi32, #tpu.memory_space<hbm>>
      %dma_wait3A_30 = tpu.memref_squeeze %dma_wait3A_29 : memref<1x80x128xi32, #tpu.memory_space<hbm>> -> memref<80x128xi32, #tpu.memory_space<hbm>>
      tpu.wait_dma2 semaphore(%run_scoped3A : memref<!tpu.dma_semaphore, #tpu.memory_space<semaphore_mem>>) src(%dma_wait3A_30 : memref<80x128xi32, #tpu.memory_space<hbm>>) dst(%arg7 : memref<80x128xi32, #tpu.memory_space<vmem>>)
      tpu.yield
    }) : () -> ()
    "tpu.region"() ({
      %run_scoped3A = tpu.sem_alloc : memref<!tpu.dma_semaphore, #tpu.memory_space<semaphore_mem>>
      %dma_start3A = arith.constant 0 : i32
      %dma_start3A_17 = arith.constant 0 : i32
      %dma_start3A_18 = tpu.memref_slice %arg4[%add3A, %dma_start3A, %dma_start3A_17] : memref<32x80x128xi32, #tpu.memory_space<hbm>> -> memref<1x80x128xi32, #tpu.memory_space<hbm>>
      %dma_start3A_19 = tpu.memref_squeeze %dma_start3A_18 : memref<1x80x128xi32, #tpu.memory_space<hbm>> -> memref<80x128xi32, #tpu.memory_space<hbm>>
      %dma_start3A_20 = arith.constant 0 : i32
      %dma_start3A_21 = arith.constant 0 : i32
      %dma_start3A_22 = tpu.memref_slice %arg4[%add3A, %dma_start3A_20, %dma_start3A_21] : memref<32x80x128xi32, #tpu.memory_space<hbm>> -> memref<1x80x128xi32, #tpu.memory_space<hbm>>
      %dma_start3A_23 = tpu.memref_squeeze %dma_start3A_22 : memref<1x80x128xi32, #tpu.memory_space<hbm>> -> memref<80x128xi32, #tpu.memory_space<hbm>>
      tpu.enqueue_dma source(%dma_start3A_23 : memref<80x128xi32, #tpu.memory_space<hbm>>) target(%arg8 : memref<80x128xi32, #tpu.memory_space<vmem>>) target_semaphore(%run_scoped3A : memref<!tpu.dma_semaphore, #tpu.memory_space<semaphore_mem>>)
      %dma_wait3A = arith.constant 0 : i32
      %dma_wait3A_24 = arith.constant 0 : i32
      %dma_wait3A_25 = tpu.memref_slice %arg4[%add3A, %dma_wait3A, %dma_wait3A_24] : memref<32x80x128xi32, #tpu.memory_space<hbm>> -> memref<1x80x128xi32, #tpu.memory_space<hbm>>
      %dma_wait3A_26 = tpu.memref_squeeze %dma_wait3A_25 : memref<1x80x128xi32, #tpu.memory_space<hbm>> -> memref<80x128xi32, #tpu.memory_space<hbm>>
      %dma_wait3A_27 = arith.constant 0 : i32
      %dma_wait3A_28 = arith.constant 0 : i32
      %dma_wait3A_29 = tpu.memref_slice %arg4[%add3A, %dma_wait3A_27, %dma_wait3A_28] : memref<32x80x128xi32, #tpu.memory_space<hbm>> -> memref<1x80x128xi32, #tpu.memory_space<hbm>>
      %dma_wait3A_30 = tpu.memref_squeeze %dma_wait3A_29 : memref<1x80x128xi32, #tpu.memory_space<hbm>> -> memref<80x128xi32, #tpu.memory_space<hbm>>
      tpu.wait_dma2 semaphore(%run_scoped3A : memref<!tpu.dma_semaphore, #tpu.memory_space<semaphore_mem>>) src(%dma_wait3A_30 : memref<80x128xi32, #tpu.memory_space<hbm>>) dst(%arg8 : memref<80x128xi32, #tpu.memory_space<vmem>>)
      tpu.yield
    }) : () -> ()
    %barrier3A = arith.constant 0 : index
    tpu.barrier barrier_id(%barrier3A)
    %eq3A = arith.constant 0 : i32
    %eq3A_3 = arith.cmpi eq, %arg0, %eq3A : i32
    %jit3A = arith.constant 40 : i32
    %jit3A_4 = arith.constant 40 : i32
    %select_n3A = arith.select %eq3A_3, %jit3A, %jit3A_4 : i32
    %while3A = arith.constant 0 : i32
    %while3A_5 = arith.constant 0 : i32
    %while3A_6 = arith.subi %select_n3A, %while3A : i32
    %while3A_7 = arith.addi %while3A, %while3A_6 : i32
    %while3A_8 = arith.constant 1 : i32
    %while3A_9 = arith.divsi %while3A_6, %while3A_8 : i32
    %while3A_10 = arith.muli %while3A_9, %while3A_8 : i32
    %while3A_11 = arith.addi %while3A, %while3A_10 : i32
    %while3A_12 = arith.constant 1 : i32
    %while3A_13 = scf.for %while3A_17 = %while3A to %while3A_11 step %while3A_12 iter_args(%while3A_18 = %while3A_5) -> (i32)  : i32 {
      %mul3A_19 = arith.constant 2 : i32
      %mul3A_20 = arith.muli %while3A_17, %mul3A_19 : i32
      %add3A_21 = arith.constant 0 : i32
      %add3A_22 = arith.addi %mul3A_20, %add3A_21 : i32
      %dma_start3A = arith.constant 0 : i32
      %dma_start3A_23 = tpu.memref_slice %arg7[%add3A_22, %dma_start3A] : memref<80x128xi32, #tpu.memory_space<vmem>> -> memref<1x128xi32, #tpu.memory_space<vmem>>
      %dma_start3A_24 = tpu.memref_squeeze %dma_start3A_23 : memref<1x128xi32, #tpu.memory_space<vmem>> -> memref<128xi32, #tpu.memory_space<vmem>>
      %dma_start3A_25 = arith.constant 0 : i32
      %dma_start3A_26 = arith.constant 0 : i32
      %dma_start3A_27 = tpu.memref_slice %arg10[%dma_start3A_25, %dma_start3A_26] : memref<10112x64xf32, #tpu.memory_space<vmem_shared>> -> memref<10112x64xf32, #tpu.memory_space<vmem_shared>>
      tpu.enqueue_indirect_dma source(%dma_start3A_27 : memref<10112x64xf32, #tpu.memory_space<vmem_shared>>) target(%arg11 : memref<128x64xf32, #tpu.memory_space<vmem>>) offsets(%dma_start3A_24 : memref<128xi32, #tpu.memory_space<vmem>>) semaphore(%arg13 : memref<!tpu.dma_semaphore, #tpu.memory_space<semaphore_mem>>)
      %mul3A_28 = arith.constant 2 : i32
      %mul3A_29 = arith.muli %while3A_17, %mul3A_28 : i32
      %add3A_30 = arith.constant 1 : i32
      %add3A_31 = arith.addi %mul3A_29, %add3A_30 : i32
      %dma_start3A_32 = arith.constant 0 : i32
      %dma_start3A_33 = tpu.memref_slice %arg7[%add3A_31, %dma_start3A_32] : memref<80x128xi32, #tpu.memory_space<vmem>> -> memref<1x128xi32, #tpu.memory_space<vmem>>
      %dma_start3A_34 = tpu.memref_squeeze %dma_start3A_33 : memref<1x128xi32, #tpu.memory_space<vmem>> -> memref<128xi32, #tpu.memory_space<vmem>>
      %dma_start3A_35 = arith.constant 0 : i32
      %dma_start3A_36 = arith.constant 0 : i32
      %dma_start3A_37 = tpu.memref_slice %arg10[%dma_start3A_35, %dma_start3A_36] : memref<10112x64xf32, #tpu.memory_space<vmem_shared>> -> memref<10112x64xf32, #tpu.memory_space<vmem_shared>>
      tpu.enqueue_indirect_dma source(%dma_start3A_37 : memref<10112x64xf32, #tpu.memory_space<vmem_shared>>) target(%arg12 : memref<128x64xf32, #tpu.memory_space<vmem>>) offsets(%dma_start3A_34 : memref<128xi32, #tpu.memory_space<vmem>>) semaphore(%arg14 : memref<!tpu.dma_semaphore, #tpu.memory_space<semaphore_mem>>)
      %dma_wait3A = arith.constant 0 : i32
      %dma_wait3A_38 = arith.constant 0 : i32
      %dma_wait3A_39 = tpu.memref_slice %arg7[%dma_wait3A, %dma_wait3A_38] : memref<80x128xi32, #tpu.memory_space<vmem>> -> memref<1x128xi32, #tpu.memory_space<vmem>>
      %dma_wait3A_40 = tpu.memref_squeeze %dma_wait3A_39 : memref<1x128xi32, #tpu.memory_space<vmem>> -> memref<128xi32, #tpu.memory_space<vmem>>
      %dma_wait3A_41 = arith.constant 0 : i32
      %dma_wait3A_42 = arith.constant 0 : i32
      %dma_wait3A_43 = tpu.memref_slice %arg10[%dma_wait3A_41, %dma_wait3A_42] : memref<10112x64xf32, #tpu.memory_space<vmem_shared>> -> memref<10112x64xf32, #tpu.memory_space<vmem_shared>>
      tpu.wait_indirect_dma semaphore(%arg13 : memref<!tpu.dma_semaphore, #tpu.memory_space<semaphore_mem>>) src(%dma_wait3A_43 : memref<10112x64xf32, #tpu.memory_space<vmem_shared>>) dst(%arg11 : memref<128x64xf32, #tpu.memory_space<vmem>>)
      %dma_wait3A_44 = arith.constant 0 : i32
      %dma_wait3A_45 = arith.constant 0 : i32
      %dma_wait3A_46 = tpu.memref_slice %arg7[%dma_wait3A_44, %dma_wait3A_45] : memref<80x128xi32, #tpu.memory_space<vmem>> -> memref<1x128xi32, #tpu.memory_space<vmem>>
      %dma_wait3A_47 = tpu.memref_squeeze %dma_wait3A_46 : memref<1x128xi32, #tpu.memory_space<vmem>> -> memref<128xi32, #tpu.memory_space<vmem>>
      %dma_wait3A_48 = arith.constant 0 : i32
      %dma_wait3A_49 = arith.constant 0 : i32
      %dma_wait3A_50 = tpu.memref_slice %arg10[%dma_wait3A_48, %dma_wait3A_49] : memref<10112x64xf32, #tpu.memory_space<vmem_shared>> -> memref<10112x64xf32, #tpu.memory_space<vmem_shared>>
      tpu.wait_indirect_dma semaphore(%arg14 : memref<!tpu.dma_semaphore, #tpu.memory_space<semaphore_mem>>) src(%dma_wait3A_50 : memref<10112x64xf32, #tpu.memory_space<vmem_shared>>) dst(%arg12 : memref<128x64xf32, #tpu.memory_space<vmem>>)
      %mul3A_51 = arith.constant 2 : i32
      %mul3A_52 = arith.muli %while3A_17, %mul3A_51 : i32
      %add3A_53 = arith.constant 0 : i32
      %add3A_54 = arith.addi %mul3A_52, %add3A_53 : i32
      %dma_start3A_55 = arith.constant 0 : i32
      %dma_start3A_56 = tpu.memref_slice %arg8[%add3A_54, %dma_start3A_55] : memref<80x128xi32, #tpu.memory_space<vmem>> -> memref<1x128xi32, #tpu.memory_space<vmem>>
      %dma_start3A_57 = tpu.memref_squeeze %dma_start3A_56 : memref<1x128xi32, #tpu.memory_space<vmem>> -> memref<128xi32, #tpu.memory_space<vmem>>
      %dma_start3A_58 = arith.constant 0 : i32
      %dma_start3A_59 = arith.constant 0 : i32
      %dma_start3A_60 = tpu.memref_slice %arg9[%dma_start3A_58, %dma_start3A_59] : memref<10112x64xf32, #tpu.memory_space<vmem_shared>> -> memref<10112x64xf32, #tpu.memory_space<vmem_shared>>
      tpu.enqueue_indirect_dma source(%arg11 : memref<128x64xf32, #tpu.memory_space<vmem>>) target(%dma_start3A_60 : memref<10112x64xf32, #tpu.memory_space<vmem_shared>>) offsets(%dma_start3A_57 : memref<128xi32, #tpu.memory_space<vmem>>) semaphore(%arg15 : memref<!tpu.dma_semaphore, #tpu.memory_space<semaphore_mem>>) {add = true}
      %mul3A_61 = arith.constant 2 : i32
      %mul3A_62 = arith.muli %while3A_17, %mul3A_61 : i32
      %add3A_63 = arith.constant 1 : i32
      %add3A_64 = arith.addi %mul3A_62, %add3A_63 : i32
      %dma_start3A_65 = arith.constant 0 : i32
      %dma_start3A_66 = tpu.memref_slice %arg8[%add3A_64, %dma_start3A_65] : memref<80x128xi32, #tpu.memory_space<vmem>> -> memref<1x128xi32, #tpu.memory_space<vmem>>
      %dma_start3A_67 = tpu.memref_squeeze %dma_start3A_66 : memref<1x128xi32, #tpu.memory_space<vmem>> -> memref<128xi32, #tpu.memory_space<vmem>>
      %dma_start3A_68 = arith.constant 0 : i32
      %dma_start3A_69 = arith.constant 0 : i32
      %dma_start3A_70 = tpu.memref_slice %arg9[%dma_start3A_68, %dma_start3A_69] : memref<10112x64xf32, #tpu.memory_space<vmem_shared>> -> memref<10112x64xf32, #tpu.memory_space<vmem_shared>>
      tpu.enqueue_indirect_dma source(%arg12 : memref<128x64xf32, #tpu.memory_space<vmem>>) target(%dma_start3A_70 : memref<10112x64xf32, #tpu.memory_space<vmem_shared>>) offsets(%dma_start3A_67 : memref<128xi32, #tpu.memory_space<vmem>>) semaphore(%arg16 : memref<!tpu.dma_semaphore, #tpu.memory_space<semaphore_mem>>) {add = true}
      %dma_wait3A_71 = arith.constant 0 : i32
      %dma_wait3A_72 = arith.constant 0 : i32
      %dma_wait3A_73 = tpu.memref_slice %arg8[%dma_wait3A_71, %dma_wait3A_72] : memref<80x128xi32, #tpu.memory_space<vmem>> -> memref<1x128xi32, #tpu.memory_space<vmem>>
      %dma_wait3A_74 = tpu.memref_squeeze %dma_wait3A_73 : memref<1x128xi32, #tpu.memory_space<vmem>> -> memref<128xi32, #tpu.memory_space<vmem>>
      %dma_wait3A_75 = arith.constant 0 : i32
      %dma_wait3A_76 = arith.constant 0 : i32
      %dma_wait3A_77 = tpu.memref_slice %arg9[%dma_wait3A_75, %dma_wait3A_76] : memref<10112x64xf32, #tpu.memory_space<vmem_shared>> -> memref<10112x64xf32, #tpu.memory_space<vmem_shared>>
      tpu.wait_indirect_dma semaphore(%arg15 : memref<!tpu.dma_semaphore, #tpu.memory_space<semaphore_mem>>) src(%arg11 : memref<128x64xf32, #tpu.memory_space<vmem>>) dst(%dma_wait3A_77 : memref<10112x64xf32, #tpu.memory_space<vmem_shared>>)
      %dma_wait3A_78 = arith.constant 0 : i32
      %dma_wait3A_79 = arith.constant 0 : i32
      %dma_wait3A_80 = tpu.memref_slice %arg8[%dma_wait3A_78, %dma_wait3A_79] : memref<80x128xi32, #tpu.memory_space<vmem>> -> memref<1x128xi32, #tpu.memory_space<vmem>>
      %dma_wait3A_81 = tpu.memref_squeeze %dma_wait3A_80 : memref<1x128xi32, #tpu.memory_space<vmem>> -> memref<128xi32, #tpu.memory_space<vmem>>
      %dma_wait3A_82 = arith.constant 0 : i32
      %dma_wait3A_83 = arith.constant 0 : i32
      %dma_wait3A_84 = tpu.memref_slice %arg9[%dma_wait3A_82, %dma_wait3A_83] : memref<10112x64xf32, #tpu.memory_space<vmem_shared>> -> memref<10112x64xf32, #tpu.memory_space<vmem_shared>>
      tpu.wait_indirect_dma semaphore(%arg16 : memref<!tpu.dma_semaphore, #tpu.memory_space<semaphore_mem>>) src(%arg12 : memref<128x64xf32, #tpu.memory_space<vmem>>) dst(%dma_wait3A_84 : memref<10112x64xf32, #tpu.memory_space<vmem_shared>>)
      %while3A_85 = arith.constant 0 : i32
      scf.yield %while3A_85 : i32
    }
    %while3A_14 = arith.constant 1 : i32
    %while3A_15 = scf.for %while3A_17 = %while3A_11 to %while3A_7 step %while3A_14 iter_args(%while3A_18 = %while3A_13) -> (i32)  : i32 {
      %mul3A_19 = arith.constant 2 : i32
      %mul3A_20 = arith.muli %while3A_17, %mul3A_19 : i32
      %add3A_21 = arith.constant 0 : i32
      %add3A_22 = arith.addi %mul3A_20, %add3A_21 : i32
      %dma_start3A = arith.constant 0 : i32
      %dma_start3A_23 = tpu.memref_slice %arg7[%add3A_22, %dma_start3A] : memref<80x128xi32, #tpu.memory_space<vmem>> -> memref<1x128xi32, #tpu.memory_space<vmem>>
      %dma_start3A_24 = tpu.memref_squeeze %dma_start3A_23 : memref<1x128xi32, #tpu.memory_space<vmem>> -> memref<128xi32, #tpu.memory_space<vmem>>
      %dma_start3A_25 = arith.constant 0 : i32
      %dma_start3A_26 = arith.constant 0 : i32
      %dma_start3A_27 = tpu.memref_slice %arg10[%dma_start3A_25, %dma_start3A_26] : memref<10112x64xf32, #tpu.memory_space<vmem_shared>> -> memref<10112x64xf32, #tpu.memory_space<vmem_shared>>
      tpu.enqueue_indirect_dma source(%dma_start3A_27 : memref<10112x64xf32, #tpu.memory_space<vmem_shared>>) target(%arg11 : memref<128x64xf32, #tpu.memory_space<vmem>>) offsets(%dma_start3A_24 : memref<128xi32, #tpu.memory_space<vmem>>) semaphore(%arg13 : memref<!tpu.dma_semaphore, #tpu.memory_space<semaphore_mem>>)
      %mul3A_28 = arith.constant 2 : i32
      %mul3A_29 = arith.muli %while3A_17, %mul3A_28 : i32
      %add3A_30 = arith.constant 1 : i32
      %add3A_31 = arith.addi %mul3A_29, %add3A_30 : i32
      %dma_start3A_32 = arith.constant 0 : i32
      %dma_start3A_33 = tpu.memref_slice %arg7[%add3A_31, %dma_start3A_32] : memref<80x128xi32, #tpu.memory_space<vmem>> -> memref<1x128xi32, #tpu.memory_space<vmem>>
      %dma_start3A_34 = tpu.memref_squeeze %dma_start3A_33 : memref<1x128xi32, #tpu.memory_space<vmem>> -> memref<128xi32, #tpu.memory_space<vmem>>
      %dma_start3A_35 = arith.constant 0 : i32
      %dma_start3A_36 = arith.constant 0 : i32
      %dma_start3A_37 = tpu.memref_slice %arg10[%dma_start3A_35, %dma_start3A_36] : memref<10112x64xf32, #tpu.memory_space<vmem_shared>> -> memref<10112x64xf32, #tpu.memory_space<vmem_shared>>
      tpu.enqueue_indirect_dma source(%dma_start3A_37 : memref<10112x64xf32, #tpu.memory_space<vmem_shared>>) target(%arg12 : memref<128x64xf32, #tpu.memory_space<vmem>>) offsets(%dma_start3A_34 : memref<128xi32, #tpu.memory_space<vmem>>) semaphore(%arg14 : memref<!tpu.dma_semaphore, #tpu.memory_space<semaphore_mem>>)
      %dma_wait3A = arith.constant 0 : i32
      %dma_wait3A_38 = arith.constant 0 : i32
      %dma_wait3A_39 = tpu.memref_slice %arg7[%dma_wait3A, %dma_wait3A_38] : memref<80x128xi32, #tpu.memory_space<vmem>> -> memref<1x128xi32, #tpu.memory_space<vmem>>
      %dma_wait3A_40 = tpu.memref_squeeze %dma_wait3A_39 : memref<1x128xi32, #tpu.memory_space<vmem>> -> memref<128xi32, #tpu.memory_space<vmem>>
      %dma_wait3A_41 = arith.constant 0 : i32
      %dma_wait3A_42 = arith.constant 0 : i32
      %dma_wait3A_43 = tpu.memref_slice %arg10[%dma_wait3A_41, %dma_wait3A_42] : memref<10112x64xf32, #tpu.memory_space<vmem_shared>> -> memref<10112x64xf32, #tpu.memory_space<vmem_shared>>
      tpu.wait_indirect_dma semaphore(%arg13 : memref<!tpu.dma_semaphore, #tpu.memory_space<semaphore_mem>>) src(%dma_wait3A_43 : memref<10112x64xf32, #tpu.memory_space<vmem_shared>>) dst(%arg11 : memref<128x64xf32, #tpu.memory_space<vmem>>)
      %dma_wait3A_44 = arith.constant 0 : i32
      %dma_wait3A_45 = arith.constant 0 : i32
      %dma_wait3A_46 = tpu.memref_slice %arg7[%dma_wait3A_44, %dma_wait3A_45] : memref<80x128xi32, #tpu.memory_space<vmem>> -> memref<1x128xi32, #tpu.memory_space<vmem>>
      %dma_wait3A_47 = tpu.memref_squeeze %dma_wait3A_46 : memref<1x128xi32, #tpu.memory_space<vmem>> -> memref<128xi32, #tpu.memory_space<vmem>>
      %dma_wait3A_48 = arith.constant 0 : i32
      %dma_wait3A_49 = arith.constant 0 : i32
      %dma_wait3A_50 = tpu.memref_slice %arg10[%dma_wait3A_48, %dma_wait3A_49] : memref<10112x64xf32, #tpu.memory_space<vmem_shared>> -> memref<10112x64xf32, #tpu.memory_space<vmem_shared>>
      tpu.wait_indirect_dma semaphore(%arg14 : memref<!tpu.dma_semaphore, #tpu.memory_space<semaphore_mem>>) src(%dma_wait3A_50 : memref<10112x64xf32, #tpu.memory_space<vmem_shared>>) dst(%arg12 : memref<128x64xf32, #tpu.memory_space<vmem>>)
      %mul3A_51 = arith.constant 2 : i32
      %mul3A_52 = arith.muli %while3A_17, %mul3A_51 : i32
      %add3A_53 = arith.constant 0 : i32
      %add3A_54 = arith.addi %mul3A_52, %add3A_53 : i32
      %dma_start3A_55 = arith.constant 0 : i32
      %dma_start3A_56 = tpu.memref_slice %arg8[%add3A_54, %dma_start3A_55] : memref<80x128xi32, #tpu.memory_space<vmem>> -> memref<1x128xi32, #tpu.memory_space<vmem>>
      %dma_start3A_57 = tpu.memref_squeeze %dma_start3A_56 : memref<1x128xi32, #tpu.memory_space<vmem>> -> memref<128xi32, #tpu.memory_space<vmem>>
      %dma_start3A_58 = arith.constant 0 : i32
      %dma_start3A_59 = arith.constant 0 : i32
      %dma_start3A_60 = tpu.memref_slice %arg9[%dma_start3A_58, %dma_start3A_59] : memref<10112x64xf32, #tpu.memory_space<vmem_shared>> -> memref<10112x64xf32, #tpu.memory_space<vmem_shared>>
      tpu.enqueue_indirect_dma source(%arg11 : memref<128x64xf32, #tpu.memory_space<vmem>>) target(%dma_start3A_60 : memref<10112x64xf32, #tpu.memory_space<vmem_shared>>) offsets(%dma_start3A_57 : memref<128xi32, #tpu.memory_space<vmem>>) semaphore(%arg15 : memref<!tpu.dma_semaphore, #tpu.memory_space<semaphore_mem>>) {add = true}
      %mul3A_61 = arith.constant 2 : i32
      %mul3A_62 = arith.muli %while3A_17, %mul3A_61 : i32
      %add3A_63 = arith.constant 1 : i32
      %add3A_64 = arith.addi %mul3A_62, %add3A_63 : i32
      %dma_start3A_65 = arith.constant 0 : i32
      %dma_start3A_66 = tpu.memref_slice %arg8[%add3A_64, %dma_start3A_65] : memref<80x128xi32, #tpu.memory_space<vmem>> -> memref<1x128xi32, #tpu.memory_space<vmem>>
      %dma_start3A_67 = tpu.memref_squeeze %dma_start3A_66 : memref<1x128xi32, #tpu.memory_space<vmem>> -> memref<128xi32, #tpu.memory_space<vmem>>
      %dma_start3A_68 = arith.constant 0 : i32
      %dma_start3A_69 = arith.constant 0 : i32
      %dma_start3A_70 = tpu.memref_slice %arg9[%dma_start3A_68, %dma_start3A_69] : memref<10112x64xf32, #tpu.memory_space<vmem_shared>> -> memref<10112x64xf32, #tpu.memory_space<vmem_shared>>
      tpu.enqueue_indirect_dma source(%arg12 : memref<128x64xf32, #tpu.memory_space<vmem>>) target(%dma_start3A_70 : memref<10112x64xf32, #tpu.memory_space<vmem_shared>>) offsets(%dma_start3A_67 : memref<128xi32, #tpu.memory_space<vmem>>) semaphore(%arg16 : memref<!tpu.dma_semaphore, #tpu.memory_space<semaphore_mem>>) {add = true}
      %dma_wait3A_71 = arith.constant 0 : i32
      %dma_wait3A_72 = arith.constant 0 : i32
      %dma_wait3A_73 = tpu.memref_slice %arg8[%dma_wait3A_71, %dma_wait3A_72] : memref<80x128xi32, #tpu.memory_space<vmem>> -> memref<1x128xi32, #tpu.memory_space<vmem>>
      %dma_wait3A_74 = tpu.memref_squeeze %dma_wait3A_73 : memref<1x128xi32, #tpu.memory_space<vmem>> -> memref<128xi32, #tpu.memory_space<vmem>>
      %dma_wait3A_75 = arith.constant 0 : i32
      %dma_wait3A_76 = arith.constant 0 : i32
      %dma_wait3A_77 = tpu.memref_slice %arg9[%dma_wait3A_75, %dma_wait3A_76] : memref<10112x64xf32, #tpu.memory_space<vmem_shared>> -> memref<10112x64xf32, #tpu.memory_space<vmem_shared>>
      tpu.wait_indirect_dma semaphore(%arg15 : memref<!tpu.dma_semaphore, #tpu.memory_space<semaphore_mem>>) src(%arg11 : memref<128x64xf32, #tpu.memory_space<vmem>>) dst(%dma_wait3A_77 : memref<10112x64xf32, #tpu.memory_space<vmem_shared>>)
      %dma_wait3A_78 = arith.constant 0 : i32
      %dma_wait3A_79 = arith.constant 0 : i32
      %dma_wait3A_80 = tpu.memref_slice %arg8[%dma_wait3A_78, %dma_wait3A_79] : memref<80x128xi32, #tpu.memory_space<vmem>> -> memref<1x128xi32, #tpu.memory_space<vmem>>
      %dma_wait3A_81 = tpu.memref_squeeze %dma_wait3A_80 : memref<1x128xi32, #tpu.memory_space<vmem>> -> memref<128xi32, #tpu.memory_space<vmem>>
      %dma_wait3A_82 = arith.constant 0 : i32
      %dma_wait3A_83 = arith.constant 0 : i32
      %dma_wait3A_84 = tpu.memref_slice %arg9[%dma_wait3A_82, %dma_wait3A_83] : memref<10112x64xf32, #tpu.memory_space<vmem_shared>> -> memref<10112x64xf32, #tpu.memory_space<vmem_shared>>
      tpu.wait_indirect_dma semaphore(%arg16 : memref<!tpu.dma_semaphore, #tpu.memory_space<semaphore_mem>>) src(%arg12 : memref<128x64xf32, #tpu.memory_space<vmem>>) dst(%dma_wait3A_84 : memref<10112x64xf32, #tpu.memory_space<vmem_shared>>)
      %while3A_85 = arith.constant 0 : i32
      scf.yield %while3A_85 : i32
    }
    %barrier3A_16 = arith.constant 0 : index
    tpu.barrier barrier_id(%barrier3A_16)
    "tpu.region"() ({
      %run_scoped3A = tpu.sem_alloc : memref<!tpu.dma_semaphore, #tpu.memory_space<semaphore_mem>>
      %dma_start3A = arith.constant 0 : i32
      %dma_start3A_17 = tpu.memref_slice %arg6[%arg0, %mul3A_2, %dma_start3A] : memref<2x10112x64xf32, #tpu.memory_space<hbm>> -> memref<1x632x64xf32, #tpu.memory_space<hbm>>
      %dma_start3A_18 = tpu.memref_squeeze %dma_start3A_17 : memref<1x632x64xf32, #tpu.memory_space<hbm>> -> memref<632x64xf32, #tpu.memory_space<hbm>>
      %dma_start3A_19 = arith.constant 0 : i32
      %dma_start3A_20 = tpu.memref_slice %arg9[%mul3A_2, %dma_start3A_19] : memref<10112x64xf32, #tpu.memory_space<vmem_shared>> -> memref<632x64xf32, #tpu.memory_space<vmem_shared>>
      tpu.enqueue_dma source(%dma_start3A_20 : memref<632x64xf32, #tpu.memory_space<vmem_shared>>) target(%dma_start3A_18 : memref<632x64xf32, #tpu.memory_space<hbm>>) target_semaphore(%run_scoped3A : memref<!tpu.dma_semaphore, #tpu.memory_space<semaphore_mem>>)
      %dma_wait3A = arith.constant 0 : i32
      %dma_wait3A_21 = tpu.memref_slice %arg6[%arg0, %mul3A_2, %dma_wait3A] : memref<2x10112x64xf32, #tpu.memory_space<hbm>> -> memref<1x632x64xf32, #tpu.memory_space<hbm>>
      %dma_wait3A_22 = tpu.memref_squeeze %dma_wait3A_21 : memref<1x632x64xf32, #tpu.memory_space<hbm>> -> memref<632x64xf32, #tpu.memory_space<hbm>>
      %dma_wait3A_23 = arith.constant 0 : i32
      %dma_wait3A_24 = tpu.memref_slice %arg9[%mul3A_2, %dma_wait3A_23] : memref<10112x64xf32, #tpu.memory_space<vmem_shared>> -> memref<632x64xf32, #tpu.memory_space<vmem_shared>>
      tpu.wait_dma2 semaphore(%run_scoped3A : memref<!tpu.dma_semaphore, #tpu.memory_space<semaphore_mem>>) src(%dma_wait3A_24 : memref<632x64xf32, #tpu.memory_space<vmem_shared>>) dst(%dma_wait3A_22 : memref<632x64xf32, #tpu.memory_space<hbm>>)
      tpu.yield
    }) : () -> ()
    return
  }
}

#map = affine_map<(d0, d1) -> (0, 0)>
#map1 = affine_map<(d0, d1) -> (0, 0, 0)>
module attributes {stable_mosaic.version = 14 : i64} {
  func.func @body(%arg0: i32, %arg1: i32, %arg2: memref<2048x16xf32, #tpu.memory_space<hbm>>, %arg3: memref<2048x16xf32, #tpu.memory_space<hbm>>, %arg4: memref<2048x64xf32, #tpu.memory_space<hbm>>, %arg5: memref<32x8x128xi32, #tpu.memory_space<hbm>>, %arg6: memref<32x8x128xi32, #tpu.memory_space<hbm>>, %arg7: memref<2048x80xf32, #tpu.memory_space<hbm>>, %arg8: memref<2x2048x80xf32, #tpu.memory_space<hbm>>, %arg9: memref<8x128xi32, #tpu.memory_space<vmem>>, %arg10: memref<8x128xi32, #tpu.memory_space<vmem>>, %arg11: memref<2048x16xf32, #tpu.memory_space<vmem_shared>>, %arg12: memref<2048x16xf32, #tpu.memory_space<vmem_shared>>, %arg13: memref<2048x64xf32, #tpu.memory_space<vmem_shared>>, %arg14: memref<2048x80xf32, #tpu.memory_space<vmem_shared>>, %arg15: memref<128x16xf32, #tpu.memory_space<vmem>>, %arg16: memref<128x16xf32, #tpu.memory_space<vmem>>, %arg17: memref<128x64xf32, #tpu.memory_space<vmem>>, %arg18: memref<128x80xf32, #tpu.memory_space<vmem>>, %arg19: memref<!tpu.dma_semaphore, #tpu.memory_space<semaphore_mem>>, %arg20: memref<!tpu.dma_semaphore, #tpu.memory_space<semaphore_mem>>, %arg21: memref<!tpu.dma_semaphore, #tpu.memory_space<semaphore_mem>>, %arg22: memref<!tpu.dma_semaphore, #tpu.memory_space<semaphore_mem>>) attributes {dimension_semantics = [#tpu.dimension_semantics<core_parallel>, #tpu.dimension_semantics<subcore_parallel>], iteration_bounds = array<i64: 2, 16>, scalar_prefetch = 0 : i64, scratch_operands = 14 : i64, tpu.core_type = #tpu.core_type<sc_vector_subcore>, window_params = [{transform_indices = #map}, {transform_indices = #map}, {transform_indices = #map}, {transform_indices = #map1}, {transform_indices = #map1}, {transform_indices = #map}, {transform_indices = #map1}]} {
    %mul3A = arith.constant 16 : i32
    %mul3A_0 = arith.muli %arg0, %mul3A : i32
    %add3A = arith.addi %mul3A_0, %arg1 : i32
    %mul3A_1 = arith.constant 128 : i32
    %mul3A_2 = arith.muli %arg1, %mul3A_1 : i32
    "tpu.region"() ({
      %run_scoped3A = tpu.sem_alloc : memref<!tpu.dma_semaphore, #tpu.memory_space<semaphore_mem>>
      %dma_start3A = arith.constant 0 : i32
      %dma_start3A_10 = tpu.memref_slice %arg14[%mul3A_2, %dma_start3A] : memref<2048x80xf32, #tpu.memory_space<vmem_shared>> -> memref<128x80xf32, #tpu.memory_space<vmem_shared>>
      %dma_start3A_11 = arith.constant 0 : i32
      %dma_start3A_12 = tpu.memref_slice %arg7[%mul3A_2, %dma_start3A_11] : memref<2048x80xf32, #tpu.memory_space<hbm>> -> memref<128x80xf32, #tpu.memory_space<hbm>>
      tpu.enqueue_dma source(%dma_start3A_12 : memref<128x80xf32, #tpu.memory_space<hbm>>) target(%dma_start3A_10 : memref<128x80xf32, #tpu.memory_space<vmem_shared>>) target_semaphore(%run_scoped3A : memref<!tpu.dma_semaphore, #tpu.memory_space<semaphore_mem>>)
      %dma_wait3A = arith.constant 0 : i32
      %dma_wait3A_13 = tpu.memref_slice %arg14[%mul3A_2, %dma_wait3A] : memref<2048x80xf32, #tpu.memory_space<vmem_shared>> -> memref<128x80xf32, #tpu.memory_space<vmem_shared>>
      %dma_wait3A_14 = arith.constant 0 : i32
      %dma_wait3A_15 = tpu.memref_slice %arg7[%mul3A_2, %dma_wait3A_14] : memref<2048x80xf32, #tpu.memory_space<hbm>> -> memref<128x80xf32, #tpu.memory_space<hbm>>
      tpu.wait_dma2 semaphore(%run_scoped3A : memref<!tpu.dma_semaphore, #tpu.memory_space<semaphore_mem>>) src(%dma_wait3A_15 : memref<128x80xf32, #tpu.memory_space<hbm>>) dst(%dma_wait3A_13 : memref<128x80xf32, #tpu.memory_space<vmem_shared>>)
      tpu.yield
    }) : () -> ()
    "tpu.region"() ({
      %run_scoped3A = tpu.sem_alloc : memref<!tpu.dma_semaphore, #tpu.memory_space<semaphore_mem>>
      %dma_start3A = arith.constant 0 : i32
      %dma_start3A_10 = tpu.memref_slice %arg11[%mul3A_2, %dma_start3A] : memref<2048x16xf32, #tpu.memory_space<vmem_shared>> -> memref<128x16xf32, #tpu.memory_space<vmem_shared>>
      %dma_start3A_11 = arith.constant 0 : i32
      %dma_start3A_12 = tpu.memref_slice %arg2[%mul3A_2, %dma_start3A_11] : memref<2048x16xf32, #tpu.memory_space<hbm>> -> memref<128x16xf32, #tpu.memory_space<hbm>>
      tpu.enqueue_dma source(%dma_start3A_12 : memref<128x16xf32, #tpu.memory_space<hbm>>) target(%dma_start3A_10 : memref<128x16xf32, #tpu.memory_space<vmem_shared>>) target_semaphore(%run_scoped3A : memref<!tpu.dma_semaphore, #tpu.memory_space<semaphore_mem>>)
      %dma_wait3A = arith.constant 0 : i32
      %dma_wait3A_13 = tpu.memref_slice %arg11[%mul3A_2, %dma_wait3A] : memref<2048x16xf32, #tpu.memory_space<vmem_shared>> -> memref<128x16xf32, #tpu.memory_space<vmem_shared>>
      %dma_wait3A_14 = arith.constant 0 : i32
      %dma_wait3A_15 = tpu.memref_slice %arg2[%mul3A_2, %dma_wait3A_14] : memref<2048x16xf32, #tpu.memory_space<hbm>> -> memref<128x16xf32, #tpu.memory_space<hbm>>
      tpu.wait_dma2 semaphore(%run_scoped3A : memref<!tpu.dma_semaphore, #tpu.memory_space<semaphore_mem>>) src(%dma_wait3A_15 : memref<128x16xf32, #tpu.memory_space<hbm>>) dst(%dma_wait3A_13 : memref<128x16xf32, #tpu.memory_space<vmem_shared>>)
      tpu.yield
    }) : () -> ()
    "tpu.region"() ({
      %run_scoped3A = tpu.sem_alloc : memref<!tpu.dma_semaphore, #tpu.memory_space<semaphore_mem>>
      %dma_start3A = arith.constant 0 : i32
      %dma_start3A_10 = tpu.memref_slice %arg12[%mul3A_2, %dma_start3A] : memref<2048x16xf32, #tpu.memory_space<vmem_shared>> -> memref<128x16xf32, #tpu.memory_space<vmem_shared>>
      %dma_start3A_11 = arith.constant 0 : i32
      %dma_start3A_12 = tpu.memref_slice %arg3[%mul3A_2, %dma_start3A_11] : memref<2048x16xf32, #tpu.memory_space<hbm>> -> memref<128x16xf32, #tpu.memory_space<hbm>>
      tpu.enqueue_dma source(%dma_start3A_12 : memref<128x16xf32, #tpu.memory_space<hbm>>) target(%dma_start3A_10 : memref<128x16xf32, #tpu.memory_space<vmem_shared>>) target_semaphore(%run_scoped3A : memref<!tpu.dma_semaphore, #tpu.memory_space<semaphore_mem>>)
      %dma_wait3A = arith.constant 0 : i32
      %dma_wait3A_13 = tpu.memref_slice %arg12[%mul3A_2, %dma_wait3A] : memref<2048x16xf32, #tpu.memory_space<vmem_shared>> -> memref<128x16xf32, #tpu.memory_space<vmem_shared>>
      %dma_wait3A_14 = arith.constant 0 : i32
      %dma_wait3A_15 = tpu.memref_slice %arg3[%mul3A_2, %dma_wait3A_14] : memref<2048x16xf32, #tpu.memory_space<hbm>> -> memref<128x16xf32, #tpu.memory_space<hbm>>
      tpu.wait_dma2 semaphore(%run_scoped3A : memref<!tpu.dma_semaphore, #tpu.memory_space<semaphore_mem>>) src(%dma_wait3A_15 : memref<128x16xf32, #tpu.memory_space<hbm>>) dst(%dma_wait3A_13 : memref<128x16xf32, #tpu.memory_space<vmem_shared>>)
      tpu.yield
    }) : () -> ()
    "tpu.region"() ({
      %run_scoped3A = tpu.sem_alloc : memref<!tpu.dma_semaphore, #tpu.memory_space<semaphore_mem>>
      %dma_start3A = arith.constant 0 : i32
      %dma_start3A_10 = tpu.memref_slice %arg13[%mul3A_2, %dma_start3A] : memref<2048x64xf32, #tpu.memory_space<vmem_shared>> -> memref<128x64xf32, #tpu.memory_space<vmem_shared>>
      %dma_start3A_11 = arith.constant 0 : i32
      %dma_start3A_12 = tpu.memref_slice %arg4[%mul3A_2, %dma_start3A_11] : memref<2048x64xf32, #tpu.memory_space<hbm>> -> memref<128x64xf32, #tpu.memory_space<hbm>>
      tpu.enqueue_dma source(%dma_start3A_12 : memref<128x64xf32, #tpu.memory_space<hbm>>) target(%dma_start3A_10 : memref<128x64xf32, #tpu.memory_space<vmem_shared>>) target_semaphore(%run_scoped3A : memref<!tpu.dma_semaphore, #tpu.memory_space<semaphore_mem>>)
      %dma_wait3A = arith.constant 0 : i32
      %dma_wait3A_13 = tpu.memref_slice %arg13[%mul3A_2, %dma_wait3A] : memref<2048x64xf32, #tpu.memory_space<vmem_shared>> -> memref<128x64xf32, #tpu.memory_space<vmem_shared>>
      %dma_wait3A_14 = arith.constant 0 : i32
      %dma_wait3A_15 = tpu.memref_slice %arg4[%mul3A_2, %dma_wait3A_14] : memref<2048x64xf32, #tpu.memory_space<hbm>> -> memref<128x64xf32, #tpu.memory_space<hbm>>
      tpu.wait_dma2 semaphore(%run_scoped3A : memref<!tpu.dma_semaphore, #tpu.memory_space<semaphore_mem>>) src(%dma_wait3A_15 : memref<128x64xf32, #tpu.memory_space<hbm>>) dst(%dma_wait3A_13 : memref<128x64xf32, #tpu.memory_space<vmem_shared>>)
      tpu.yield
    }) : () -> ()
    "tpu.region"() ({
      %run_scoped3A = tpu.sem_alloc : memref<!tpu.dma_semaphore, #tpu.memory_space<semaphore_mem>>
      %dma_start3A = arith.constant 0 : i32
      %dma_start3A_10 = arith.constant 0 : i32
      %dma_start3A_11 = tpu.memref_slice %arg5[%add3A, %dma_start3A, %dma_start3A_10] : memref<32x8x128xi32, #tpu.memory_space<hbm>> -> memref<1x8x128xi32, #tpu.memory_space<hbm>>
      %dma_start3A_12 = tpu.memref_squeeze %dma_start3A_11 : memref<1x8x128xi32, #tpu.memory_space<hbm>> -> memref<8x128xi32, #tpu.memory_space<hbm>>
      %dma_start3A_13 = arith.constant 0 : i32
      %dma_start3A_14 = arith.constant 0 : i32
      %dma_start3A_15 = tpu.memref_slice %arg5[%add3A, %dma_start3A_13, %dma_start3A_14] : memref<32x8x128xi32, #tpu.memory_space<hbm>> -> memref<1x8x128xi32, #tpu.memory_space<hbm>>
      %dma_start3A_16 = tpu.memref_squeeze %dma_start3A_15 : memref<1x8x128xi32, #tpu.memory_space<hbm>> -> memref<8x128xi32, #tpu.memory_space<hbm>>
      tpu.enqueue_dma source(%dma_start3A_16 : memref<8x128xi32, #tpu.memory_space<hbm>>) target(%arg9 : memref<8x128xi32, #tpu.memory_space<vmem>>) target_semaphore(%run_scoped3A : memref<!tpu.dma_semaphore, #tpu.memory_space<semaphore_mem>>)
      %dma_wait3A = arith.constant 0 : i32
      %dma_wait3A_17 = arith.constant 0 : i32
      %dma_wait3A_18 = tpu.memref_slice %arg5[%add3A, %dma_wait3A, %dma_wait3A_17] : memref<32x8x128xi32, #tpu.memory_space<hbm>> -> memref<1x8x128xi32, #tpu.memory_space<hbm>>
      %dma_wait3A_19 = tpu.memref_squeeze %dma_wait3A_18 : memref<1x8x128xi32, #tpu.memory_space<hbm>> -> memref<8x128xi32, #tpu.memory_space<hbm>>
      %dma_wait3A_20 = arith.constant 0 : i32
      %dma_wait3A_21 = arith.constant 0 : i32
      %dma_wait3A_22 = tpu.memref_slice %arg5[%add3A, %dma_wait3A_20, %dma_wait3A_21] : memref<32x8x128xi32, #tpu.memory_space<hbm>> -> memref<1x8x128xi32, #tpu.memory_space<hbm>>
      %dma_wait3A_23 = tpu.memref_squeeze %dma_wait3A_22 : memref<1x8x128xi32, #tpu.memory_space<hbm>> -> memref<8x128xi32, #tpu.memory_space<hbm>>
      tpu.wait_dma2 semaphore(%run_scoped3A : memref<!tpu.dma_semaphore, #tpu.memory_space<semaphore_mem>>) src(%dma_wait3A_23 : memref<8x128xi32, #tpu.memory_space<hbm>>) dst(%arg9 : memref<8x128xi32, #tpu.memory_space<vmem>>)
      tpu.yield
    }) : () -> ()
    "tpu.region"() ({
      %run_scoped3A = tpu.sem_alloc : memref<!tpu.dma_semaphore, #tpu.memory_space<semaphore_mem>>
      %dma_start3A = arith.constant 0 : i32
      %dma_start3A_10 = arith.constant 0 : i32
      %dma_start3A_11 = tpu.memref_slice %arg6[%add3A, %dma_start3A, %dma_start3A_10] : memref<32x8x128xi32, #tpu.memory_space<hbm>> -> memref<1x8x128xi32, #tpu.memory_space<hbm>>
      %dma_start3A_12 = tpu.memref_squeeze %dma_start3A_11 : memref<1x8x128xi32, #tpu.memory_space<hbm>> -> memref<8x128xi32, #tpu.memory_space<hbm>>
      %dma_start3A_13 = arith.constant 0 : i32
      %dma_start3A_14 = arith.constant 0 : i32
      %dma_start3A_15 = tpu.memref_slice %arg6[%add3A, %dma_start3A_13, %dma_start3A_14] : memref<32x8x128xi32, #tpu.memory_space<hbm>> -> memref<1x8x128xi32, #tpu.memory_space<hbm>>
      %dma_start3A_16 = tpu.memref_squeeze %dma_start3A_15 : memref<1x8x128xi32, #tpu.memory_space<hbm>> -> memref<8x128xi32, #tpu.memory_space<hbm>>
      tpu.enqueue_dma source(%dma_start3A_16 : memref<8x128xi32, #tpu.memory_space<hbm>>) target(%arg10 : memref<8x128xi32, #tpu.memory_space<vmem>>) target_semaphore(%run_scoped3A : memref<!tpu.dma_semaphore, #tpu.memory_space<semaphore_mem>>)
      %dma_wait3A = arith.constant 0 : i32
      %dma_wait3A_17 = arith.constant 0 : i32
      %dma_wait3A_18 = tpu.memref_slice %arg6[%add3A, %dma_wait3A, %dma_wait3A_17] : memref<32x8x128xi32, #tpu.memory_space<hbm>> -> memref<1x8x128xi32, #tpu.memory_space<hbm>>
      %dma_wait3A_19 = tpu.memref_squeeze %dma_wait3A_18 : memref<1x8x128xi32, #tpu.memory_space<hbm>> -> memref<8x128xi32, #tpu.memory_space<hbm>>
      %dma_wait3A_20 = arith.constant 0 : i32
      %dma_wait3A_21 = arith.constant 0 : i32
      %dma_wait3A_22 = tpu.memref_slice %arg6[%add3A, %dma_wait3A_20, %dma_wait3A_21] : memref<32x8x128xi32, #tpu.memory_space<hbm>> -> memref<1x8x128xi32, #tpu.memory_space<hbm>>
      %dma_wait3A_23 = tpu.memref_squeeze %dma_wait3A_22 : memref<1x8x128xi32, #tpu.memory_space<hbm>> -> memref<8x128xi32, #tpu.memory_space<hbm>>
      tpu.wait_dma2 semaphore(%run_scoped3A : memref<!tpu.dma_semaphore, #tpu.memory_space<semaphore_mem>>) src(%dma_wait3A_23 : memref<8x128xi32, #tpu.memory_space<hbm>>) dst(%arg10 : memref<8x128xi32, #tpu.memory_space<vmem>>)
      tpu.yield
    }) : () -> ()
    %barrier3A = arith.constant 0 : index
    tpu.barrier barrier_id(%barrier3A)
    %scan3A = arith.constant 0 : i32
    %scan3A_3 = arith.constant 0 : i32
    %scan3A_4 = arith.constant 8 : i32
    %scan3A_5 = arith.addi %scan3A_3, %scan3A_4 : i32
    %scan3A_6 = arith.constant 1 : i32
    %scan3A_7 = scf.for %scan3A_10 = %scan3A_3 to %scan3A_5 step %scan3A_6 iter_args(%scan3A_11 = %scan3A) -> (i32)  : i32 {
      %dma_start3A = arith.constant 0 : i32
      %dma_start3A_12 = tpu.memref_slice %arg9[%scan3A_10, %dma_start3A] : memref<8x128xi32, #tpu.memory_space<vmem>> -> memref<1x128xi32, #tpu.memory_space<vmem>>
      %dma_start3A_13 = tpu.memref_squeeze %dma_start3A_12 : memref<1x128xi32, #tpu.memory_space<vmem>> -> memref<128xi32, #tpu.memory_space<vmem>>
      %dma_start3A_14 = arith.constant 0 : i32
      %dma_start3A_15 = arith.constant 0 : i32
      %dma_start3A_16 = tpu.memref_slice %arg11[%dma_start3A_14, %dma_start3A_15] : memref<2048x16xf32, #tpu.memory_space<vmem_shared>> -> memref<2048x16xf32, #tpu.memory_space<vmem_shared>>
      tpu.enqueue_indirect_dma source(%dma_start3A_16 : memref<2048x16xf32, #tpu.memory_space<vmem_shared>>) target(%arg15 : memref<128x16xf32, #tpu.memory_space<vmem>>) offsets(%dma_start3A_13 : memref<128xi32, #tpu.memory_space<vmem>>) semaphore(%arg19 : memref<!tpu.dma_semaphore, #tpu.memory_space<semaphore_mem>>)
      %dma_start3A_17 = arith.constant 0 : i32
      %dma_start3A_18 = tpu.memref_slice %arg10[%scan3A_10, %dma_start3A_17] : memref<8x128xi32, #tpu.memory_space<vmem>> -> memref<1x128xi32, #tpu.memory_space<vmem>>
      %dma_start3A_19 = tpu.memref_squeeze %dma_start3A_18 : memref<1x128xi32, #tpu.memory_space<vmem>> -> memref<128xi32, #tpu.memory_space<vmem>>
      %dma_start3A_20 = arith.constant 0 : i32
      %dma_start3A_21 = arith.constant 0 : i32
      %dma_start3A_22 = tpu.memref_slice %arg12[%dma_start3A_20, %dma_start3A_21] : memref<2048x16xf32, #tpu.memory_space<vmem_shared>> -> memref<2048x16xf32, #tpu.memory_space<vmem_shared>>
      tpu.enqueue_indirect_dma source(%dma_start3A_22 : memref<2048x16xf32, #tpu.memory_space<vmem_shared>>) target(%arg16 : memref<128x16xf32, #tpu.memory_space<vmem>>) offsets(%dma_start3A_19 : memref<128xi32, #tpu.memory_space<vmem>>) semaphore(%arg20 : memref<!tpu.dma_semaphore, #tpu.memory_space<semaphore_mem>>)
      %dma_start3A_23 = arith.constant 0 : i32
      %dma_start3A_24 = tpu.memref_slice %arg9[%scan3A_10, %dma_start3A_23] : memref<8x128xi32, #tpu.memory_space<vmem>> -> memref<1x128xi32, #tpu.memory_space<vmem>>
      %dma_start3A_25 = tpu.memref_squeeze %dma_start3A_24 : memref<1x128xi32, #tpu.memory_space<vmem>> -> memref<128xi32, #tpu.memory_space<vmem>>
      %dma_start3A_26 = arith.constant 0 : i32
      %dma_start3A_27 = arith.constant 0 : i32
      %dma_start3A_28 = tpu.memref_slice %arg13[%dma_start3A_26, %dma_start3A_27] : memref<2048x64xf32, #tpu.memory_space<vmem_shared>> -> memref<2048x64xf32, #tpu.memory_space<vmem_shared>>
      tpu.enqueue_indirect_dma source(%dma_start3A_28 : memref<2048x64xf32, #tpu.memory_space<vmem_shared>>) target(%arg17 : memref<128x64xf32, #tpu.memory_space<vmem>>) offsets(%dma_start3A_25 : memref<128xi32, #tpu.memory_space<vmem>>) semaphore(%arg21 : memref<!tpu.dma_semaphore, #tpu.memory_space<semaphore_mem>>)
      %dma_wait3A = arith.constant 0 : i32
      %dma_wait3A_29 = arith.constant 0 : i32
      %dma_wait3A_30 = tpu.memref_slice %arg9[%dma_wait3A, %dma_wait3A_29] : memref<8x128xi32, #tpu.memory_space<vmem>> -> memref<1x128xi32, #tpu.memory_space<vmem>>
      %dma_wait3A_31 = tpu.memref_squeeze %dma_wait3A_30 : memref<1x128xi32, #tpu.memory_space<vmem>> -> memref<128xi32, #tpu.memory_space<vmem>>
      %dma_wait3A_32 = arith.constant 0 : i32
      %dma_wait3A_33 = arith.constant 0 : i32
      %dma_wait3A_34 = tpu.memref_slice %arg11[%dma_wait3A_32, %dma_wait3A_33] : memref<2048x16xf32, #tpu.memory_space<vmem_shared>> -> memref<2048x16xf32, #tpu.memory_space<vmem_shared>>
      tpu.wait_indirect_dma semaphore(%arg19 : memref<!tpu.dma_semaphore, #tpu.memory_space<semaphore_mem>>) src(%dma_wait3A_34 : memref<2048x16xf32, #tpu.memory_space<vmem_shared>>) dst(%arg15 : memref<128x16xf32, #tpu.memory_space<vmem>>)
      %dma_wait3A_35 = arith.constant 0 : i32
      %dma_wait3A_36 = arith.constant 0 : i32
      %dma_wait3A_37 = tpu.memref_slice %arg10[%dma_wait3A_35, %dma_wait3A_36] : memref<8x128xi32, #tpu.memory_space<vmem>> -> memref<1x128xi32, #tpu.memory_space<vmem>>
      %dma_wait3A_38 = tpu.memref_squeeze %dma_wait3A_37 : memref<1x128xi32, #tpu.memory_space<vmem>> -> memref<128xi32, #tpu.memory_space<vmem>>
      %dma_wait3A_39 = arith.constant 0 : i32
      %dma_wait3A_40 = arith.constant 0 : i32
      %dma_wait3A_41 = tpu.memref_slice %arg12[%dma_wait3A_39, %dma_wait3A_40] : memref<2048x16xf32, #tpu.memory_space<vmem_shared>> -> memref<2048x16xf32, #tpu.memory_space<vmem_shared>>
      tpu.wait_indirect_dma semaphore(%arg20 : memref<!tpu.dma_semaphore, #tpu.memory_space<semaphore_mem>>) src(%dma_wait3A_41 : memref<2048x16xf32, #tpu.memory_space<vmem_shared>>) dst(%arg16 : memref<128x16xf32, #tpu.memory_space<vmem>>)
      %dma_wait3A_42 = arith.constant 0 : i32
      %dma_wait3A_43 = arith.constant 0 : i32
      %dma_wait3A_44 = tpu.memref_slice %arg9[%dma_wait3A_42, %dma_wait3A_43] : memref<8x128xi32, #tpu.memory_space<vmem>> -> memref<1x128xi32, #tpu.memory_space<vmem>>
      %dma_wait3A_45 = tpu.memref_squeeze %dma_wait3A_44 : memref<1x128xi32, #tpu.memory_space<vmem>> -> memref<128xi32, #tpu.memory_space<vmem>>
      %dma_wait3A_46 = arith.constant 0 : i32
      %dma_wait3A_47 = arith.constant 0 : i32
      %dma_wait3A_48 = tpu.memref_slice %arg13[%dma_wait3A_46, %dma_wait3A_47] : memref<2048x64xf32, #tpu.memory_space<vmem_shared>> -> memref<2048x64xf32, #tpu.memory_space<vmem_shared>>
      tpu.wait_indirect_dma semaphore(%arg21 : memref<!tpu.dma_semaphore, #tpu.memory_space<semaphore_mem>>) src(%dma_wait3A_48 : memref<2048x64xf32, #tpu.memory_space<vmem_shared>>) dst(%arg17 : memref<128x64xf32, #tpu.memory_space<vmem>>)
      %parallel_loop3A = arith.constant 0 : i32
      %parallel_loop3A_49 = arith.constant 128 : i32
      %parallel_loop3A_50 = arith.constant 1 : i32
      scf.for %parallel_loop3A_65 = %parallel_loop3A to %parallel_loop3A_49 step %parallel_loop3A_50  : i32 {
        %parallel_loop3A_66 = arith.index_cast %parallel_loop3A_65 : i32 to index
        %parallel_loop3A_67 = arith.constant 0 : index
        %parallel_loop3A_68 = tpu.vector_load %arg15[%parallel_loop3A_66, %parallel_loop3A_67] {strides = array<i32>} : memref<128x16xf32, #tpu.memory_space<vmem>>, vector<1x16xf32>,
        %parallel_loop3A_69 = vector.shape_cast %parallel_loop3A_68 : vector<1x16xf32> to vector<16xf32>
        %parallel_loop3A_70 = arith.index_cast %parallel_loop3A_65 : i32 to index
        %parallel_loop3A_71 = arith.constant 0 : index
        %parallel_loop3A_72 = tpu.vector_load %arg16[%parallel_loop3A_70, %parallel_loop3A_71] {strides = array<i32>} : memref<128x16xf32, #tpu.memory_space<vmem>>, vector<1x16xf32>,
        %parallel_loop3A_73 = vector.shape_cast %parallel_loop3A_72 : vector<1x16xf32> to vector<16xf32>
        %parallel_loop3A_74 = arith.addf %parallel_loop3A_69, %parallel_loop3A_73 : vector<16xf32>
        %parallel_loop3A_75 = arith.constant 0.000000e+00 : f32
        %parallel_loop3A_76 = vector.broadcast %parallel_loop3A_75 : f32 to vector<16xf32>
        %parallel_loop3A_77 = arith.cmpf oge, %parallel_loop3A_74, %parallel_loop3A_76 : vector<16xf32>
        %parallel_loop3A_78 = arith.constant 2.000000e-01 : f32
        %parallel_loop3A_79 = vector.broadcast %parallel_loop3A_78 : f32 to vector<16xf32>
        %parallel_loop3A_80 = arith.mulf %parallel_loop3A_79, %parallel_loop3A_74 : vector<16xf32>
        %parallel_loop3A_81 = arith.select %parallel_loop3A_77, %parallel_loop3A_74, %parallel_loop3A_80 : vector<16xi1>, vector<16xf32>
        %parallel_loop3A_82 = math.exp %parallel_loop3A_81 : vector<16xf32>
        %parallel_loop3A_83 = arith.index_cast %parallel_loop3A_65 : i32 to index
        %parallel_loop3A_84 = arith.constant 64 : index
        %parallel_loop3A_85 = tpu.vector_load %arg18[%parallel_loop3A_83, %parallel_loop3A_84] {strides = array<i32>} : memref<128x80xf32, #tpu.memory_space<vmem>>, vector<1x16xf32>,
        %parallel_loop3A_86 = vector.shape_cast %parallel_loop3A_85 : vector<1x16xf32> to vector<16xf32>
        %parallel_loop3A_87 = vector.shape_cast %parallel_loop3A_82 : vector<16xf32> to vector<1x16xf32>
        tpu.vector_store %arg18[%parallel_loop3A_83, %parallel_loop3A_84], %parallel_loop3A_87 {strides = array<i32>} : memref<128x80xf32, #tpu.memory_space<vmem>>, vector<1x16xf32>,
        %parallel_loop3A_88 = vector.extract_strided_slice %parallel_loop3A_82 {offsets = [0], sizes = [1], strides = [1]} : vector<16xf32> to vector<1xf32>
        %parallel_loop3A_89 = vector.extract %parallel_loop3A_88[0] : f32 from vector<1xf32>
        %parallel_loop3A_90 = vector.broadcast %parallel_loop3A_89 : f32 to vector<16xf32>
        %parallel_loop3A_91 = arith.index_cast %parallel_loop3A_65 : i32 to index
        %parallel_loop3A_92 = arith.constant 0 : index
        %parallel_loop3A_93 = tpu.vector_load %arg17[%parallel_loop3A_91, %parallel_loop3A_92] {strides = array<i32>} : memref<128x64xf32, #tpu.memory_space<vmem>>, vector<1x16xf32>,
        %parallel_loop3A_94 = vector.shape_cast %parallel_loop3A_93 : vector<1x16xf32> to vector<16xf32>
        %parallel_loop3A_95 = arith.mulf %parallel_loop3A_94, %parallel_loop3A_90 : vector<16xf32>
        %parallel_loop3A_96 = arith.index_cast %parallel_loop3A_65 : i32 to index
        %parallel_loop3A_97 = arith.constant 0 : index
        %parallel_loop3A_98 = tpu.vector_load %arg18[%parallel_loop3A_96, %parallel_loop3A_97] {strides = array<i32>} : memref<128x80xf32, #tpu.memory_space<vmem>>, vector<1x16xf32>,
        %parallel_loop3A_99 = vector.shape_cast %parallel_loop3A_98 : vector<1x16xf32> to vector<16xf32>
        %parallel_loop3A_100 = vector.shape_cast %parallel_loop3A_95 : vector<16xf32> to vector<1x16xf32>
        tpu.vector_store %arg18[%parallel_loop3A_96, %parallel_loop3A_97], %parallel_loop3A_100 {strides = array<i32>} : memref<128x80xf32, #tpu.memory_space<vmem>>, vector<1x16xf32>,
        %parallel_loop3A_101 = arith.index_cast %parallel_loop3A_65 : i32 to index
        %parallel_loop3A_102 = arith.constant 16 : index
        %parallel_loop3A_103 = tpu.vector_load %arg17[%parallel_loop3A_101, %parallel_loop3A_102] {strides = array<i32>} : memref<128x64xf32, #tpu.memory_space<vmem>>, vector<1x16xf32>,
        %parallel_loop3A_104 = vector.shape_cast %parallel_loop3A_103 : vector<1x16xf32> to vector<16xf32>
        %parallel_loop3A_105 = arith.mulf %parallel_loop3A_104, %parallel_loop3A_90 : vector<16xf32>
        %parallel_loop3A_106 = arith.index_cast %parallel_loop3A_65 : i32 to index
        %parallel_loop3A_107 = arith.constant 16 : index
        %parallel_loop3A_108 = tpu.vector_load %arg18[%parallel_loop3A_106, %parallel_loop3A_107] {strides = array<i32>} : memref<128x80xf32, #tpu.memory_space<vmem>>, vector<1x16xf32>,
        %parallel_loop3A_109 = vector.shape_cast %parallel_loop3A_108 : vector<1x16xf32> to vector<16xf32>
        %parallel_loop3A_110 = vector.shape_cast %parallel_loop3A_105 : vector<16xf32> to vector<1x16xf32>
        tpu.vector_store %arg18[%parallel_loop3A_106, %parallel_loop3A_107], %parallel_loop3A_110 {strides = array<i32>} : memref<128x80xf32, #tpu.memory_space<vmem>>, vector<1x16xf32>,
        %parallel_loop3A_111 = arith.index_cast %parallel_loop3A_65 : i32 to index
        %parallel_loop3A_112 = arith.constant 32 : index
        %parallel_loop3A_113 = tpu.vector_load %arg17[%parallel_loop3A_111, %parallel_loop3A_112] {strides = array<i32>} : memref<128x64xf32, #tpu.memory_space<vmem>>, vector<1x16xf32>,
        %parallel_loop3A_114 = vector.shape_cast %parallel_loop3A_113 : vector<1x16xf32> to vector<16xf32>
        %parallel_loop3A_115 = arith.mulf %parallel_loop3A_114, %parallel_loop3A_90 : vector<16xf32>
        %parallel_loop3A_116 = arith.index_cast %parallel_loop3A_65 : i32 to index
        %parallel_loop3A_117 = arith.constant 32 : index
        %parallel_loop3A_118 = tpu.vector_load %arg18[%parallel_loop3A_116, %parallel_loop3A_117] {strides = array<i32>} : memref<128x80xf32, #tpu.memory_space<vmem>>, vector<1x16xf32>,
        %parallel_loop3A_119 = vector.shape_cast %parallel_loop3A_118 : vector<1x16xf32> to vector<16xf32>
        %parallel_loop3A_120 = vector.shape_cast %parallel_loop3A_115 : vector<16xf32> to vector<1x16xf32>
        tpu.vector_store %arg18[%parallel_loop3A_116, %parallel_loop3A_117], %parallel_loop3A_120 {strides = array<i32>} : memref<128x80xf32, #tpu.memory_space<vmem>>, vector<1x16xf32>,
        %parallel_loop3A_121 = arith.index_cast %parallel_loop3A_65 : i32 to index
        %parallel_loop3A_122 = arith.constant 48 : index
        %parallel_loop3A_123 = tpu.vector_load %arg17[%parallel_loop3A_121, %parallel_loop3A_122] {strides = array<i32>} : memref<128x64xf32, #tpu.memory_space<vmem>>, vector<1x16xf32>,
        %parallel_loop3A_124 = vector.shape_cast %parallel_loop3A_123 : vector<1x16xf32> to vector<16xf32>
        %parallel_loop3A_125 = arith.mulf %parallel_loop3A_124, %parallel_loop3A_90 : vector<16xf32>
        %parallel_loop3A_126 = arith.index_cast %parallel_loop3A_65 : i32 to index
        %parallel_loop3A_127 = arith.constant 48 : index
        %parallel_loop3A_128 = tpu.vector_load %arg18[%parallel_loop3A_126, %parallel_loop3A_127] {strides = array<i32>} : memref<128x80xf32, #tpu.memory_space<vmem>>, vector<1x16xf32>,
        %parallel_loop3A_129 = vector.shape_cast %parallel_loop3A_128 : vector<1x16xf32> to vector<16xf32>
        %parallel_loop3A_130 = vector.shape_cast %parallel_loop3A_125 : vector<16xf32> to vector<1x16xf32>
        tpu.vector_store %arg18[%parallel_loop3A_126, %parallel_loop3A_127], %parallel_loop3A_130 {strides = array<i32>} : memref<128x80xf32, #tpu.memory_space<vmem>>, vector<1x16xf32>,
      } {sc.loop_unroll_factor = 4 : i64, sc.parallel_access}
      %dma_start3A_51 = arith.constant 0 : i32
      %dma_start3A_52 = tpu.memref_slice %arg10[%scan3A_10, %dma_start3A_51] : memref<8x128xi32, #tpu.memory_space<vmem>> -> memref<1x128xi32, #tpu.memory_space<vmem>>
      %dma_start3A_53 = tpu.memref_squeeze %dma_start3A_52 : memref<1x128xi32, #tpu.memory_space<vmem>> -> memref<128xi32, #tpu.memory_space<vmem>>
      %dma_start3A_54 = arith.constant 0 : i32
      %dma_start3A_55 = arith.constant 0 : i32
      %dma_start3A_56 = tpu.memref_slice %arg14[%dma_start3A_54, %dma_start3A_55] : memref<2048x80xf32, #tpu.memory_space<vmem_shared>> -> memref<2048x80xf32, #tpu.memory_space<vmem_shared>>
      tpu.enqueue_indirect_dma source(%arg18 : memref<128x80xf32, #tpu.memory_space<vmem>>) target(%dma_start3A_56 : memref<2048x80xf32, #tpu.memory_space<vmem_shared>>) offsets(%dma_start3A_53 : memref<128xi32, #tpu.memory_space<vmem>>) semaphore(%arg22 : memref<!tpu.dma_semaphore, #tpu.memory_space<semaphore_mem>>) {add = true}
      %dma_wait3A_57 = arith.constant 0 : i32
      %dma_wait3A_58 = arith.constant 0 : i32
      %dma_wait3A_59 = tpu.memref_slice %arg10[%dma_wait3A_57, %dma_wait3A_58] : memref<8x128xi32, #tpu.memory_space<vmem>> -> memref<1x128xi32, #tpu.memory_space<vmem>>
      %dma_wait3A_60 = tpu.memref_squeeze %dma_wait3A_59 : memref<1x128xi32, #tpu.memory_space<vmem>> -> memref<128xi32, #tpu.memory_space<vmem>>
      %dma_wait3A_61 = arith.constant 0 : i32
      %dma_wait3A_62 = arith.constant 0 : i32
      %dma_wait3A_63 = tpu.memref_slice %arg14[%dma_wait3A_61, %dma_wait3A_62] : memref<2048x80xf32, #tpu.memory_space<vmem_shared>> -> memref<2048x80xf32, #tpu.memory_space<vmem_shared>>
      tpu.wait_indirect_dma semaphore(%arg22 : memref<!tpu.dma_semaphore, #tpu.memory_space<semaphore_mem>>) src(%arg18 : memref<128x80xf32, #tpu.memory_space<vmem>>) dst(%dma_wait3A_63 : memref<2048x80xf32, #tpu.memory_space<vmem_shared>>)
      %scan3A_64 = arith.constant 0 : i32
      scf.yield %scan3A_64 : i32
    }
    %scan3A_8 = arith.constant 8 : i32
    %barrier3A_9 = arith.constant 0 : index
    tpu.barrier barrier_id(%barrier3A_9)
    "tpu.region"() ({
      %run_scoped3A = tpu.sem_alloc : memref<!tpu.dma_semaphore, #tpu.memory_space<semaphore_mem>>
      %dma_start3A = arith.constant 0 : i32
      %dma_start3A_10 = tpu.memref_slice %arg8[%arg0, %mul3A_2, %dma_start3A] : memref<2x2048x80xf32, #tpu.memory_space<hbm>> -> memref<1x128x80xf32, #tpu.memory_space<hbm>>
      %dma_start3A_11 = tpu.memref_squeeze %dma_start3A_10 : memref<1x128x80xf32, #tpu.memory_space<hbm>> -> memref<128x80xf32, #tpu.memory_space<hbm>>
      %dma_start3A_12 = arith.constant 0 : i32
      %dma_start3A_13 = tpu.memref_slice %arg14[%mul3A_2, %dma_start3A_12] : memref<2048x80xf32, #tpu.memory_space<vmem_shared>> -> memref<128x80xf32, #tpu.memory_space<vmem_shared>>
      tpu.enqueue_dma source(%dma_start3A_13 : memref<128x80xf32, #tpu.memory_space<vmem_shared>>) target(%dma_start3A_11 : memref<128x80xf32, #tpu.memory_space<hbm>>) target_semaphore(%run_scoped3A : memref<!tpu.dma_semaphore, #tpu.memory_space<semaphore_mem>>)
      %dma_wait3A = arith.constant 0 : i32
      %dma_wait3A_14 = tpu.memref_slice %arg8[%arg0, %mul3A_2, %dma_wait3A] : memref<2x2048x80xf32, #tpu.memory_space<hbm>> -> memref<1x128x80xf32, #tpu.memory_space<hbm>>
      %dma_wait3A_15 = tpu.memref_squeeze %dma_wait3A_14 : memref<1x128x80xf32, #tpu.memory_space<hbm>> -> memref<128x80xf32, #tpu.memory_space<hbm>>
      %dma_wait3A_16 = arith.constant 0 : i32
      %dma_wait3A_17 = tpu.memref_slice %arg14[%mul3A_2, %dma_wait3A_16] : memref<2048x80xf32, #tpu.memory_space<vmem_shared>> -> memref<128x80xf32, #tpu.memory_space<vmem_shared>>
      tpu.wait_dma2 semaphore(%run_scoped3A : memref<!tpu.dma_semaphore, #tpu.memory_space<semaphore_mem>>) src(%dma_wait3A_17 : memref<128x80xf32, #tpu.memory_space<vmem_shared>>) dst(%dma_wait3A_15 : memref<128x80xf32, #tpu.memory_space<hbm>>)
      tpu.yield
    }) : () -> ()
    return
  }
}

#map = affine_map<(d0, d1) -> (0, 0)>
#map1 = affine_map<(d0, d1) -> (0, 0, 0)>
module attributes {stable_mosaic.version = 14 : i64} {
  func.func @body(%arg0: i32, %arg1: i32, %arg2: memref<10112x64xf32, #tpu.memory_space<hbm>>, %arg3: memref<32x1x64xi32, #tpu.memory_space<hbm>>, %arg4: memref<2048x64xf32, #tpu.memory_space<hbm>>, %arg5: memref<10112x64xf32, #tpu.memory_space<vmem_shared>>, %arg6: memref<1x64xi32, #tpu.memory_space<vmem>>, %arg7: memref<64x64xf32, #tpu.memory_space<vmem>>, %arg8: memref<!tpu.dma_semaphore, #tpu.memory_space<semaphore_mem>>, %arg9: memref<!tpu.dma_semaphore, #tpu.memory_space<semaphore_mem>>) attributes {dimension_semantics = [#tpu.dimension_semantics<core_parallel>, #tpu.dimension_semantics<subcore_parallel>], iteration_bounds = array<i64: 2, 16>, scalar_prefetch = 0 : i64, scratch_operands = 5 : i64, tpu.core_type = #tpu.core_type<sc_vector_subcore>, window_params = [{transform_indices = #map}, {transform_indices = #map1}, {transform_indices = #map}]} {
    %mul3A = arith.constant 16 : i32
    %mul3A_0 = arith.muli %arg0, %mul3A : i32
    %add3A = arith.addi %mul3A_0, %arg1 : i32
    %mul3A_1 = arith.constant 632 : i32
    %mul3A_2 = arith.muli %arg1, %mul3A_1 : i32
    "tpu.region"() ({
      %run_scoped3A = tpu.sem_alloc : memref<!tpu.dma_semaphore, #tpu.memory_space<semaphore_mem>>
      %dma_start3A_41 = arith.constant 0 : i32
      %dma_start3A_42 = tpu.memref_slice %arg5[%mul3A_2, %dma_start3A_41] : memref<10112x64xf32, #tpu.memory_space<vmem_shared>> -> memref<632x64xf32, #tpu.memory_space<vmem_shared>>
      %dma_start3A_43 = arith.constant 0 : i32
      %dma_start3A_44 = tpu.memref_slice %arg2[%mul3A_2, %dma_start3A_43] : memref<10112x64xf32, #tpu.memory_space<hbm>> -> memref<632x64xf32, #tpu.memory_space<hbm>>
      tpu.enqueue_dma source(%dma_start3A_44 : memref<632x64xf32, #tpu.memory_space<hbm>>) target(%dma_start3A_42 : memref<632x64xf32, #tpu.memory_space<vmem_shared>>) target_semaphore(%run_scoped3A : memref<!tpu.dma_semaphore, #tpu.memory_space<semaphore_mem>>)
      %dma_wait3A_45 = arith.constant 0 : i32
      %dma_wait3A_46 = tpu.memref_slice %arg5[%mul3A_2, %dma_wait3A_45] : memref<10112x64xf32, #tpu.memory_space<vmem_shared>> -> memref<632x64xf32, #tpu.memory_space<vmem_shared>>
      %dma_wait3A_47 = arith.constant 0 : i32
      %dma_wait3A_48 = tpu.memref_slice %arg2[%mul3A_2, %dma_wait3A_47] : memref<10112x64xf32, #tpu.memory_space<hbm>> -> memref<632x64xf32, #tpu.memory_space<hbm>>
      tpu.wait_dma2 semaphore(%run_scoped3A : memref<!tpu.dma_semaphore, #tpu.memory_space<semaphore_mem>>) src(%dma_wait3A_48 : memref<632x64xf32, #tpu.memory_space<hbm>>) dst(%dma_wait3A_46 : memref<632x64xf32, #tpu.memory_space<vmem_shared>>)
      tpu.yield
    }) : () -> ()
    %barrier3A = arith.constant 0 : index
    tpu.barrier barrier_id(%barrier3A)
    "tpu.region"() ({
      %run_scoped3A = tpu.sem_alloc : memref<!tpu.dma_semaphore, #tpu.memory_space<semaphore_mem>>
      %dma_start3A_41 = arith.constant 0 : i32
      %dma_start3A_42 = arith.constant 0 : i32
      %dma_start3A_43 = tpu.memref_slice %arg3[%add3A, %dma_start3A_41, %dma_start3A_42] : memref<32x1x64xi32, #tpu.memory_space<hbm>> -> memref<1x1x64xi32, #tpu.memory_space<hbm>>
      %dma_start3A_44 = tpu.memref_squeeze %dma_start3A_43 : memref<1x1x64xi32, #tpu.memory_space<hbm>> -> memref<1x64xi32, #tpu.memory_space<hbm>>
      %dma_start3A_45 = arith.constant 0 : i32
      %dma_start3A_46 = arith.constant 0 : i32
      %dma_start3A_47 = tpu.memref_slice %arg3[%add3A, %dma_start3A_45, %dma_start3A_46] : memref<32x1x64xi32, #tpu.memory_space<hbm>> -> memref<1x1x64xi32, #tpu.memory_space<hbm>>
      %dma_start3A_48 = tpu.memref_squeeze %dma_start3A_47 : memref<1x1x64xi32, #tpu.memory_space<hbm>> -> memref<1x64xi32, #tpu.memory_space<hbm>>
      tpu.enqueue_dma source(%dma_start3A_48 : memref<1x64xi32, #tpu.memory_space<hbm>>) target(%arg6 : memref<1x64xi32, #tpu.memory_space<vmem>>) target_semaphore(%run_scoped3A : memref<!tpu.dma_semaphore, #tpu.memory_space<semaphore_mem>>)
      %dma_wait3A_49 = arith.constant 0 : i32
      %dma_wait3A_50 = arith.constant 0 : i32
      %dma_wait3A_51 = tpu.memref_slice %arg3[%add3A, %dma_wait3A_49, %dma_wait3A_50] : memref<32x1x64xi32, #tpu.memory_space<hbm>> -> memref<1x1x64xi32, #tpu.memory_space<hbm>>
      %dma_wait3A_52 = tpu.memref_squeeze %dma_wait3A_51 : memref<1x1x64xi32, #tpu.memory_space<hbm>> -> memref<1x64xi32, #tpu.memory_space<hbm>>
      %dma_wait3A_53 = arith.constant 0 : i32
      %dma_wait3A_54 = arith.constant 0 : i32
      %dma_wait3A_55 = tpu.memref_slice %arg3[%add3A, %dma_wait3A_53, %dma_wait3A_54] : memref<32x1x64xi32, #tpu.memory_space<hbm>> -> memref<1x1x64xi32, #tpu.memory_space<hbm>>
      %dma_wait3A_56 = tpu.memref_squeeze %dma_wait3A_55 : memref<1x1x64xi32, #tpu.memory_space<hbm>> -> memref<1x64xi32, #tpu.memory_space<hbm>>
      tpu.wait_dma2 semaphore(%run_scoped3A : memref<!tpu.dma_semaphore, #tpu.memory_space<semaphore_mem>>) src(%dma_wait3A_56 : memref<1x64xi32, #tpu.memory_space<hbm>>) dst(%arg6 : memref<1x64xi32, #tpu.memory_space<vmem>>)
      tpu.yield
    }) : () -> ()
    %dma_start3A = arith.constant 0 : i32
    %dma_start3A_3 = arith.constant 0 : i32
    %dma_start3A_4 = tpu.memref_slice %arg6[%dma_start3A, %dma_start3A_3] : memref<1x64xi32, #tpu.memory_space<vmem>> -> memref<1x64xi32, #tpu.memory_space<vmem>>
    %dma_start3A_5 = tpu.memref_squeeze %dma_start3A_4 : memref<1x64xi32, #tpu.memory_space<vmem>> -> memref<64xi32, #tpu.memory_space<vmem>>
    %dma_start3A_6 = arith.constant 0 : i32
    %dma_start3A_7 = arith.constant 0 : i32
    %dma_start3A_8 = tpu.memref_slice %arg5[%dma_start3A_6, %dma_start3A_7] : memref<10112x64xf32, #tpu.memory_space<vmem_shared>> -> memref<10112x64xf32, #tpu.memory_space<vmem_shared>>
    tpu.enqueue_indirect_dma source(%dma_start3A_8 : memref<10112x64xf32, #tpu.memory_space<vmem_shared>>) target(%arg7 : memref<64x64xf32, #tpu.memory_space<vmem>>) offsets(%dma_start3A_5 : memref<64xi32, #tpu.memory_space<vmem>>) semaphore(%arg8 : memref<!tpu.dma_semaphore, #tpu.memory_space<semaphore_mem>>)
    %scan3A = arith.constant 0 : i32
    %scan3A_9 = arith.constant 0 : i32
    %mul3A_10 = arith.constant 1 : i32
    %mul3A_11 = arith.muli %scan3A_9, %mul3A_10 : i32
    %add3A_12 = arith.constant 0 : i32
    %add3A_13 = arith.addi %mul3A_11, %add3A_12 : i32
    %dma_wait3A = arith.constant 0 : i32
    %dma_wait3A_14 = arith.constant 0 : i32
    %dma_wait3A_15 = tpu.memref_slice %arg6[%dma_wait3A, %dma_wait3A_14] : memref<1x64xi32, #tpu.memory_space<vmem>> -> memref<1x64xi32, #tpu.memory_space<vmem>>
    %dma_wait3A_16 = tpu.memref_squeeze %dma_wait3A_15 : memref<1x64xi32, #tpu.memory_space<vmem>> -> memref<64xi32, #tpu.memory_space<vmem>>
    %dma_wait3A_17 = arith.constant 0 : i32
    %dma_wait3A_18 = arith.constant 0 : i32
    %dma_wait3A_19 = tpu.memref_slice %arg5[%dma_wait3A_17, %dma_wait3A_18] : memref<10112x64xf32, #tpu.memory_space<vmem_shared>> -> memref<10112x64xf32, #tpu.memory_space<vmem_shared>>
    tpu.wait_indirect_dma semaphore(%arg8 : memref<!tpu.dma_semaphore, #tpu.memory_space<semaphore_mem>>) src(%dma_wait3A_19 : memref<10112x64xf32, #tpu.memory_space<vmem_shared>>) dst(%arg7 : memref<64x64xf32, #tpu.memory_space<vmem>>)
    %mul3A_20 = arith.constant 1 : i32
    %mul3A_21 = arith.muli %add3A, %mul3A_20 : i32
    %add3A_22 = arith.addi %mul3A_21, %add3A_13 : i32
    %mul3A_23 = arith.constant 64 : i32
    %mul3A_24 = arith.muli %add3A_22, %mul3A_23 : i32
    %dma_start3A_25 = arith.constant 0 : i32
    %dma_start3A_26 = tpu.memref_slice %arg4[%mul3A_24, %dma_start3A_25] : memref<2048x64xf32, #tpu.memory_space<hbm>> -> memref<64x64xf32, #tpu.memory_space<hbm>>
    %dma_start3A_27 = arith.constant 0 : i32
    %dma_start3A_28 = tpu.memref_slice %arg4[%mul3A_24, %dma_start3A_27] : memref<2048x64xf32, #tpu.memory_space<hbm>> -> memref<64x64xf32, #tpu.memory_space<hbm>>
    tpu.enqueue_dma source(%arg7 : memref<64x64xf32, #tpu.memory_space<vmem>>) target(%dma_start3A_28 : memref<64x64xf32, #tpu.memory_space<hbm>>) target_semaphore(%arg9 : memref<!tpu.dma_semaphore, #tpu.memory_space<semaphore_mem>>)
    %dma_wait3A_29 = arith.constant 0 : i32
    %dma_wait3A_30 = arith.constant 0 : i32
    %dma_wait3A_31 = tpu.memref_slice %arg4[%dma_wait3A_29, %dma_wait3A_30] : memref<2048x64xf32, #tpu.memory_space<hbm>> -> memref<64x64xf32, #tpu.memory_space<hbm>>
    %dma_wait3A_32 = arith.constant 0 : i32
    %dma_wait3A_33 = arith.constant 0 : i32
    %dma_wait3A_34 = tpu.memref_slice %arg4[%dma_wait3A_32, %dma_wait3A_33] : memref<2048x64xf32, #tpu.memory_space<hbm>> -> memref<64x64xf32, #tpu.memory_space<hbm>>
    tpu.wait_dma2 semaphore(%arg9 : memref<!tpu.dma_semaphore, #tpu.memory_space<semaphore_mem>>) src(%arg7 : memref<64x64xf32, #tpu.memory_space<vmem>>) dst(%dma_wait3A_34 : memref<64x64xf32, #tpu.memory_space<hbm>>)
    %add3A_35 = arith.constant 1 : i32
    %add3A_36 = arith.addi %scan3A_9, %add3A_35 : i32
    %lt3A = arith.constant 1 : i32
    %lt3A_37 = arith.cmpi slt, %add3A_36, %lt3A : i32
    %convert_element_type3A = arith.extui %lt3A_37 : i1 to i32
    %cond3A = arith.constant 0 : i32
    %cond3A_38 = arith.cmpi ne, %convert_element_type3A, %cond3A : i32
    scf.if %cond3A_38 {
      %add3A_41 = arith.constant 1 : i32
      %add3A_42 = arith.addi %scan3A_9, %add3A_41 : i32
      %mul3A_43 = arith.constant 1 : i32
      %mul3A_44 = arith.muli %add3A_42, %mul3A_43 : i32
      %add3A_45 = arith.constant 0 : i32
      %add3A_46 = arith.addi %mul3A_44, %add3A_45 : i32
      %dma_start3A_47 = arith.constant 0 : i32
      %dma_start3A_48 = tpu.memref_slice %arg6[%add3A_46, %dma_start3A_47] : memref<1x64xi32, #tpu.memory_space<vmem>> -> memref<1x64xi32, #tpu.memory_space<vmem>>
      %dma_start3A_49 = tpu.memref_squeeze %dma_start3A_48 : memref<1x64xi32, #tpu.memory_space<vmem>> -> memref<64xi32, #tpu.memory_space<vmem>>
      %dma_start3A_50 = arith.constant 0 : i32
      %dma_start3A_51 = arith.constant 0 : i32
      %dma_start3A_52 = tpu.memref_slice %arg5[%dma_start3A_50, %dma_start3A_51] : memref<10112x64xf32, #tpu.memory_space<vmem_shared>> -> memref<10112x64xf32, #tpu.memory_space<vmem_shared>>
      tpu.enqueue_indirect_dma source(%dma_start3A_52 : memref<10112x64xf32, #tpu.memory_space<vmem_shared>>) target(%arg7 : memref<64x64xf32, #tpu.memory_space<vmem>>) offsets(%dma_start3A_49 : memref<64xi32, #tpu.memory_space<vmem>>) semaphore(%arg8 : memref<!tpu.dma_semaphore, #tpu.memory_space<semaphore_mem>>)
    } else {
    }
    %scan3A_39 = arith.constant 0 : i32
    %scan3A_40 = arith.constant 1 : i32
    return
  }
}

module attributes {stable_mosaic.version = 14 : i64} {
  func.func @body(%arg0: memref<10000x128xf32, #tpu.memory_space<vmem>>, %arg1: memref<128x64xf32, #tpu.memory_space<vmem>>, %arg2: memref<10000x4xf32, #tpu.memory_space<vmem>>, %arg3: memref<10112x64xf32, #tpu.memory_space<vmem>>, %arg4: memref<10000x64xf32, #tpu.memory_space<vmem>>, %arg5: memref<10000x64xf32, #tpu.memory_space<vmem>>) attributes {dimension_semantics = [], scalar_prefetch = 0 : i64, scratch_operands = 0 : i64, tpu.core_type = #tpu.core_type<tc>} {
    %get3A = arith.constant 0 : index
    %get3A_0 = arith.constant 0 : index
    %get3A_1 = vector.load %arg2[%get3A, %get3A_0] : memref<10000x4xf32, #tpu.memory_space<vmem>>, vector<10000x4xf32>
    %slice3A = vector.extract_strided_slice %get3A_1 {offsets = [0, 0], sizes = [10000, 1], strides = [1, 1]} : vector<10000x4xf32> to vector<10000x1xf32>
    %slice3A_2 = vector.extract_strided_slice %get3A_1 {offsets = [0, 1], sizes = [10000, 1], strides = [1, 1]} : vector<10000x4xf32> to vector<10000x1xf32>
    %add3A = arith.addf %slice3A, %slice3A_2 : vector<10000x1xf32>
    %max3A = arith.constant 1.000000e+00 : f32
    %max3A_3 = vector.broadcast %max3A : f32 to vector<10000x1xf32>
    %max3A_4 = arith.maximumf %add3A, %max3A_3 : vector<10000x1xf32>
    %slice3A_5 = vector.extract_strided_slice %get3A_1 {offsets = [0, 2], sizes = [10000, 1], strides = [1, 1]} : vector<10000x4xf32> to vector<10000x1xf32>
    %slice3A_6 = vector.extract_strided_slice %get3A_1 {offsets = [0, 3], sizes = [10000, 1], strides = [1, 1]} : vector<10000x4xf32> to vector<10000x1xf32>
    %add3A_7 = arith.addf %slice3A_5, %slice3A_6 : vector<10000x1xf32>
    %max3A_8 = arith.constant 1.000000e+00 : f32
    %max3A_9 = vector.broadcast %max3A_8 : f32 to vector<10000x1xf32>
    %max3A_10 = arith.maximumf %add3A_7, %max3A_9 : vector<10000x1xf32>
    %rsqrt3A = math.rsqrt %max3A_4 : vector<10000x1xf32>
    %rsqrt3A_11 = math.rsqrt %max3A_10 : vector<10000x1xf32>
    %get3A_12 = arith.constant 0 : index
    %get3A_13 = arith.constant 0 : index
    %get3A_14 = vector.load %arg0[%get3A_12, %get3A_13] : memref<10000x128xf32, #tpu.memory_space<vmem>>, vector<10000x128xf32>
    %get3A_15 = arith.constant 0 : index
    %get3A_16 = arith.constant 0 : index
    %get3A_17 = vector.load %arg1[%get3A_15, %get3A_16] : memref<128x64xf32, #tpu.memory_space<vmem>>, vector<128x64xf32>
    %dot_general3A = arith.constant dense<0.000000e+00> : vector<10000x64xf32>
    %dot_general3A_18 = tpu.matmul %get3A_14, %get3A_17, %dot_general3A {dimension_numbers = #tpu.dot_dimension_numbers<[1], [0], [0], [1], [0, 0, 1, 1], [], []>, transpose_lhs_hint = false} : vector<10000x128xf32>, vector<128x64xf32>, vector<10000x64xf32> -> vector<10000x64xf32>
    %mul3A = vector.broadcast %rsqrt3A : vector<10000x1xf32> to vector<10000x64xf32>
    %mul3A_19 = arith.mulf %dot_general3A_18, %mul3A : vector<10000x64xf32>
    %swap3A = arith.constant 0 : index
    %swap3A_20 = arith.constant 0 : index
    %swap3A_21 = vector.load %arg3[%swap3A, %swap3A_20] : memref<10112x64xf32, #tpu.memory_space<vmem>>, vector<10000x64xf32>
    tpu.vector_store %arg3[%swap3A, %swap3A_20], %mul3A_19 {strides = array<i32>} : memref<10112x64xf32, #tpu.memory_space<vmem>>, vector<10000x64xf32>,
    %broadcast_in_dim3A = arith.constant 0.000000e+00 : f32
    %broadcast_in_dim3A_22 = vector.broadcast %broadcast_in_dim3A : f32 to vector<112x64xf32>
    %swap3A_23 = arith.constant 10000 : index
    %swap3A_24 = arith.constant 0 : index
    %swap3A_25 = vector.load %arg3[%swap3A_23, %swap3A_24] : memref<10112x64xf32, #tpu.memory_space<vmem>>, vector<112x64xf32>
    tpu.vector_store %arg3[%swap3A_23, %swap3A_24], %broadcast_in_dim3A_22 {strides = array<i32>} : memref<10112x64xf32, #tpu.memory_space<vmem>>, vector<112x64xf32>,
    %broadcast_in_dim3A_26 = vector.shape_cast %rsqrt3A_11 : vector<10000x1xf32> to vector<10000x1xf32>
    %broadcast_in_dim3A_27 = vector.broadcast %broadcast_in_dim3A_26 : vector<10000x1xf32> to vector<10000x64xf32>
    %swap3A_28 = arith.constant 0 : index
    %swap3A_29 = arith.constant 0 : index
    %swap3A_30 = vector.load %arg4[%swap3A_28, %swap3A_29] : memref<10000x64xf32, #tpu.memory_space<vmem>>, vector<10000x64xf32>
    tpu.vector_store %arg4[%swap3A_28, %swap3A_29], %broadcast_in_dim3A_27 {strides = array<i32>} : memref<10000x64xf32, #tpu.memory_space<vmem>>, vector<10000x64xf32>,
    %broadcast_in_dim3A_31 = vector.shape_cast %rsqrt3A : vector<10000x1xf32> to vector<10000x1xf32>
    %broadcast_in_dim3A_32 = vector.broadcast %broadcast_in_dim3A_31 : vector<10000x1xf32> to vector<10000x64xf32>
    %swap3A_33 = arith.constant 0 : index
    %swap3A_34 = arith.constant 0 : index
    %swap3A_35 = vector.load %arg5[%swap3A_33, %swap3A_34] : memref<10000x64xf32, #tpu.memory_space<vmem>>, vector<10000x64xf32>
    tpu.vector_store %arg5[%swap3A_33, %swap3A_34], %broadcast_in_dim3A_32 {strides = array<i32>} : memref<10000x64xf32, #tpu.memory_space<vmem>>, vector<10000x64xf32>,
    return
  }
}

module attributes {stable_mosaic.version = 14 : i64} {
  func.func @body(%arg0: memref<2000x128xf32, #tpu.memory_space<vmem>>, %arg1: memref<128x256xf32, #tpu.memory_space<vmem>>, %arg2: memref<256x16xf32, #tpu.memory_space<vmem>>, %arg3: memref<256x16xf32, #tpu.memory_space<vmem>>, %arg4: memref<2048x256xf32, #tpu.memory_space<vmem>>, %arg5: memref<2048x16xf32, #tpu.memory_space<vmem>>, %arg6: memref<2048x16xf32, #tpu.memory_space<vmem>>) attributes {dimension_semantics = [], scalar_prefetch = 0 : i64, scratch_operands = 0 : i64, tpu.core_type = #tpu.core_type<tc>} {
    %get3A = arith.constant 0 : index
    %get3A_0 = arith.constant 0 : index
    %get3A_1 = vector.load %arg0[%get3A, %get3A_0] : memref<2000x128xf32, #tpu.memory_space<vmem>>, vector<2000x128xf32>
    %get3A_2 = arith.constant 0 : index
    %get3A_3 = arith.constant 0 : index
    %get3A_4 = vector.load %arg1[%get3A_2, %get3A_3] : memref<128x256xf32, #tpu.memory_space<vmem>>, vector<128x256xf32>
    %dot_general3A = arith.constant dense<0.000000e+00> : vector<2000x256xf32>
    %dot_general3A_5 = tpu.matmul %get3A_1, %get3A_4, %dot_general3A {dimension_numbers = #tpu.dot_dimension_numbers<[1], [0], [0], [1], [0, 0, 1, 1], [], []>, transpose_lhs_hint = false} : vector<2000x128xf32>, vector<128x256xf32>, vector<2000x256xf32> -> vector<2000x256xf32>
    %swap3A = arith.constant 0 : index
    %swap3A_6 = arith.constant 0 : index
    %swap3A_7 = vector.load %arg4[%swap3A, %swap3A_6] : memref<2048x256xf32, #tpu.memory_space<vmem>>, vector<2000x256xf32>
    tpu.vector_store %arg4[%swap3A, %swap3A_6], %dot_general3A_5 {strides = array<i32>} : memref<2048x256xf32, #tpu.memory_space<vmem>>, vector<2000x256xf32>,
    %broadcast_in_dim3A = arith.constant 0.000000e+00 : f32
    %broadcast_in_dim3A_8 = vector.broadcast %broadcast_in_dim3A : f32 to vector<48x256xf32>
    %swap3A_9 = arith.constant 2000 : index
    %swap3A_10 = arith.constant 0 : index
    %swap3A_11 = vector.load %arg4[%swap3A_9, %swap3A_10] : memref<2048x256xf32, #tpu.memory_space<vmem>>, vector<48x256xf32>
    tpu.vector_store %arg4[%swap3A_9, %swap3A_10], %broadcast_in_dim3A_8 {strides = array<i32>} : memref<2048x256xf32, #tpu.memory_space<vmem>>, vector<48x256xf32>,
    %get3A_12 = arith.constant 0 : index
    %get3A_13 = arith.constant 0 : index
    %get3A_14 = vector.load %arg2[%get3A_12, %get3A_13] : memref<256x16xf32, #tpu.memory_space<vmem>>, vector<256x16xf32>
    %dot_general3A_15 = arith.constant dense<0.000000e+00> : vector<2000x16xf32>
    %dot_general3A_16 = tpu.matmul %dot_general3A_5, %get3A_14, %dot_general3A_15 {dimension_numbers = #tpu.dot_dimension_numbers<[1], [0], [0], [1], [0, 0, 1, 1], [], []>, transpose_lhs_hint = false} : vector<2000x256xf32>, vector<256x16xf32>, vector<2000x16xf32> -> vector<2000x16xf32>
    %swap3A_17 = arith.constant 0 : index
    %swap3A_18 = arith.constant 0 : index
    %swap3A_19 = vector.load %arg5[%swap3A_17, %swap3A_18] : memref<2048x16xf32, #tpu.memory_space<vmem>>, vector<2000x16xf32>
    tpu.vector_store %arg5[%swap3A_17, %swap3A_18], %dot_general3A_16 {strides = array<i32>} : memref<2048x16xf32, #tpu.memory_space<vmem>>, vector<2000x16xf32>,
    %broadcast_in_dim3A_20 = arith.constant 0.000000e+00 : f32
    %broadcast_in_dim3A_21 = vector.broadcast %broadcast_in_dim3A_20 : f32 to vector<48x16xf32>
    %swap3A_22 = arith.constant 2000 : index
    %swap3A_23 = arith.constant 0 : index
    %swap3A_24 = vector.load %arg5[%swap3A_22, %swap3A_23] : memref<2048x16xf32, #tpu.memory_space<vmem>>, vector<48x16xf32>
    tpu.vector_store %arg5[%swap3A_22, %swap3A_23], %broadcast_in_dim3A_21 {strides = array<i32>} : memref<2048x16xf32, #tpu.memory_space<vmem>>, vector<48x16xf32>,
    %get3A_25 = arith.constant 0 : index
    %get3A_26 = arith.constant 0 : index
    %get3A_27 = vector.load %arg3[%get3A_25, %get3A_26] : memref<256x16xf32, #tpu.memory_space<vmem>>, vector<256x16xf32>
    %dot_general3A_28 = arith.constant dense<0.000000e+00> : vector<2000x16xf32>
    %dot_general3A_29 = tpu.matmul %dot_general3A_5, %get3A_27, %dot_general3A_28 {dimension_numbers = #tpu.dot_dimension_numbers<[1], [0], [0], [1], [0, 0, 1, 1], [], []>, transpose_lhs_hint = false} : vector<2000x256xf32>, vector<256x16xf32>, vector<2000x16xf32> -> vector<2000x16xf32>
    %swap3A_30 = arith.constant 0 : index
    %swap3A_31 = arith.constant 0 : index
    %swap3A_32 = vector.load %arg6[%swap3A_30, %swap3A_31] : memref<2048x16xf32, #tpu.memory_space<vmem>>, vector<2000x16xf32>
    tpu.vector_store %arg6[%swap3A_30, %swap3A_31], %dot_general3A_29 {strides = array<i32>} : memref<2048x16xf32, #tpu.memory_space<vmem>>, vector<2000x16xf32>,
    %broadcast_in_dim3A_33 = arith.constant 0.000000e+00 : f32
    %broadcast_in_dim3A_34 = vector.broadcast %broadcast_in_dim3A_33 : f32 to vector<48x16xf32>
    %swap3A_35 = arith.constant 2000 : index
    %swap3A_36 = arith.constant 0 : index
    %swap3A_37 = vector.load %arg6[%swap3A_35, %swap3A_36] : memref<2048x16xf32, #tpu.memory_space<vmem>>, vector<48x16xf32>
    tpu.vector_store %arg6[%swap3A_35, %swap3A_36], %broadcast_in_dim3A_34 {strides = array<i32>} : memref<2048x16xf32, #tpu.memory_space<vmem>>, vector<48x16xf32>,
    return
  }
}

module attributes {stable_mosaic.version = 14 : i64} {
  func.func @body(%arg0: memref<2x10112x64xf32, #tpu.memory_space<vmem>>, %arg1: memref<10000x64xf32, #tpu.memory_space<vmem>>, %arg2: memref<10000x64xf32, #tpu.memory_space<vmem>>, %arg3: memref<1x64xf32, #tpu.memory_space<vmem>>, %arg4: memref<64x64xf32, #tpu.memory_space<vmem>>, %arg5: memref<10112x64xf32, #tpu.memory_space<vmem>>) attributes {dimension_semantics = [], scalar_prefetch = 0 : i64, scratch_operands = 0 : i64, tpu.core_type = #tpu.core_type<tc>} {
    %get3A = arith.constant 0 : index
    %get3A_0 = arith.constant 0 : index
    %get3A_1 = arith.constant 0 : index
    %get3A_2 = vector.load %arg0[%get3A, %get3A_0, %get3A_1] : memref<2x10112x64xf32, #tpu.memory_space<vmem>>, vector<1x10000x64xf32>
    %get3A_3 = vector.shape_cast %get3A_2 : vector<1x10000x64xf32> to vector<10000x64xf32>
    %get3A_4 = arith.constant 1 : index
    %get3A_5 = arith.constant 0 : index
    %get3A_6 = arith.constant 0 : index
    %get3A_7 = vector.load %arg0[%get3A_4, %get3A_5, %get3A_6] : memref<2x10112x64xf32, #tpu.memory_space<vmem>>, vector<1x10000x64xf32>
    %get3A_8 = vector.shape_cast %get3A_7 : vector<1x10000x64xf32> to vector<10000x64xf32>
    %add3A = arith.addf %get3A_3, %get3A_8 : vector<10000x64xf32>
    %get3A_9 = arith.constant 0 : index
    %get3A_10 = arith.constant 0 : index
    %get3A_11 = vector.load %arg1[%get3A_9, %get3A_10] : memref<10000x64xf32, #tpu.memory_space<vmem>>, vector<10000x64xf32>
    %mul3A = arith.mulf %add3A, %get3A_11 : vector<10000x64xf32>
    %get3A_12 = arith.constant 0 : index
    %get3A_13 = arith.constant 0 : index
    %get3A_14 = vector.load %arg3[%get3A_12, %get3A_13] : memref<1x64xf32, #tpu.memory_space<vmem>>, vector<1x64xf32>
    %add3A_15 = vector.broadcast %get3A_14 : vector<1x64xf32> to vector<10000x64xf32>
    %add3A_16 = arith.addf %mul3A, %add3A_15 : vector<10000x64xf32>
    %max3A = arith.constant 0.000000e+00 : f32
    %max3A_17 = vector.broadcast %max3A : f32 to vector<10000x64xf32>
    %max3A_18 = arith.maximumf %add3A_16, %max3A_17 : vector<10000x64xf32>
    %get3A_19 = arith.constant 0 : index
    %get3A_20 = arith.constant 0 : index
    %get3A_21 = vector.load %arg4[%get3A_19, %get3A_20] : memref<64x64xf32, #tpu.memory_space<vmem>>, vector<64x64xf32>
    %dot_general3A = arith.constant dense<0.000000e+00> : vector<10000x64xf32>
    %dot_general3A_22 = tpu.matmul %max3A_18, %get3A_21, %dot_general3A {dimension_numbers = #tpu.dot_dimension_numbers<[1], [0], [0], [1], [0, 0, 1, 1], [], []>, transpose_lhs_hint = false} : vector<10000x64xf32>, vector<64x64xf32>, vector<10000x64xf32> -> vector<10000x64xf32>
    %get3A_23 = arith.constant 0 : index
    %get3A_24 = arith.constant 0 : index
    %get3A_25 = vector.load %arg2[%get3A_23, %get3A_24] : memref<10000x64xf32, #tpu.memory_space<vmem>>, vector<10000x64xf32>
    %mul3A_26 = arith.mulf %dot_general3A_22, %get3A_25 : vector<10000x64xf32>
    %swap3A = arith.constant 0 : index
    %swap3A_27 = arith.constant 0 : index
    %swap3A_28 = vector.load %arg5[%swap3A, %swap3A_27] : memref<10112x64xf32, #tpu.memory_space<vmem>>, vector<10000x64xf32>
    tpu.vector_store %arg5[%swap3A, %swap3A_27], %mul3A_26 {strides = array<i32>} : memref<10112x64xf32, #tpu.memory_space<vmem>>, vector<10000x64xf32>,
    %broadcast_in_dim3A = arith.constant 0.000000e+00 : f32
    %broadcast_in_dim3A_29 = vector.broadcast %broadcast_in_dim3A : f32 to vector<112x64xf32>
    %swap3A_30 = arith.constant 10000 : index
    %swap3A_31 = arith.constant 0 : index
    %swap3A_32 = vector.load %arg5[%swap3A_30, %swap3A_31] : memref<10112x64xf32, #tpu.memory_space<vmem>>, vector<112x64xf32>
    tpu.vector_store %arg5[%swap3A_30, %swap3A_31], %broadcast_in_dim3A_29 {strides = array<i32>} : memref<10112x64xf32, #tpu.memory_space<vmem>>, vector<112x64xf32>,
    return
  }
}

module attributes {stable_mosaic.version = 14 : i64} {
  func.func @body(%arg0: memref<2x2048x272xf32, #tpu.memory_space<vmem>>, %arg1: memref<4x256xf32, #tpu.memory_space<vmem>>, %arg2: memref<256x64xf32, #tpu.memory_space<vmem>>, %arg3: memref<64x16xf32, #tpu.memory_space<vmem>>, %arg4: memref<64x16xf32, #tpu.memory_space<vmem>>, %arg5: memref<2048x64xf32, #tpu.memory_space<vmem>>, %arg6: memref<2048x16xf32, #tpu.memory_space<vmem>>, %arg7: memref<2048x16xf32, #tpu.memory_space<vmem>>) attributes {dimension_semantics = [], scalar_prefetch = 0 : i64, scratch_operands = 0 : i64, tpu.core_type = #tpu.core_type<tc>} {
    %get3A = arith.constant 0 : index
    %get3A_0 = arith.constant 0 : index
    %get3A_1 = arith.constant 0 : index
    %get3A_2 = vector.load %arg0[%get3A, %get3A_0, %get3A_1] : memref<2x2048x272xf32, #tpu.memory_space<vmem>>, vector<1x2000x272xf32>
    %get3A_3 = vector.shape_cast %get3A_2 : vector<1x2000x272xf32> to vector<2000x272xf32>
    %get3A_4 = arith.constant 1 : index
    %get3A_5 = arith.constant 0 : index
    %get3A_6 = arith.constant 0 : index
    %get3A_7 = vector.load %arg0[%get3A_4, %get3A_5, %get3A_6] : memref<2x2048x272xf32, #tpu.memory_space<vmem>>, vector<1x2000x272xf32>
    %get3A_8 = vector.shape_cast %get3A_7 : vector<1x2000x272xf32> to vector<2000x272xf32>
    %add3A = arith.addf %get3A_3, %get3A_8 : vector<2000x272xf32>
    %slice3A = vector.extract_strided_slice %add3A {offsets = [0, 256], sizes = [2000, 4], strides = [1, 1]} : vector<2000x272xf32> to vector<2000x4xf32>
    %get3A_9 = arith.constant 0 : index
    %get3A_10 = arith.constant 0 : index
    %get3A_11 = vector.load %arg1[%get3A_9, %get3A_10] : memref<4x256xf32, #tpu.memory_space<vmem>>, vector<4x256xf32>
    %dot_general3A = arith.constant dense<0.000000e+00> : vector<2000x256xf32>
    %dot_general3A_12 = tpu.matmul %slice3A, %get3A_11, %dot_general3A {dimension_numbers = #tpu.dot_dimension_numbers<[1], [0], [0], [1], [0, 0, 1, 1], [], []>, transpose_lhs_hint = false} : vector<2000x4xf32>, vector<4x256xf32>, vector<2000x256xf32> -> vector<2000x256xf32>
    %slice3A_13 = vector.extract_strided_slice %add3A {offsets = [0, 0], sizes = [2000, 256], strides = [1, 1]} : vector<2000x272xf32> to vector<2000x256xf32>
    %add3A_14 = arith.constant 9.99999971E-10 : f32
    %add3A_15 = vector.broadcast %add3A_14 : f32 to vector<2000x256xf32>
    %add3A_16 = arith.addf %dot_general3A_12, %add3A_15 : vector<2000x256xf32>
    %div3A = arith.divf %slice3A_13, %add3A_16 : vector<2000x256xf32>
    %max3A = arith.constant 0.000000e+00 : f32
    %max3A_17 = vector.broadcast %max3A : f32 to vector<2000x256xf32>
    %max3A_18 = arith.maximumf %div3A, %max3A_17 : vector<2000x256xf32>
    %get3A_19 = arith.constant 0 : index
    %get3A_20 = arith.constant 0 : index
    %get3A_21 = vector.load %arg2[%get3A_19, %get3A_20] : memref<256x64xf32, #tpu.memory_space<vmem>>, vector<256x64xf32>
    %dot_general3A_22 = arith.constant dense<0.000000e+00> : vector<2000x64xf32>
    %dot_general3A_23 = tpu.matmul %max3A_18, %get3A_21, %dot_general3A_22 {dimension_numbers = #tpu.dot_dimension_numbers<[1], [0], [0], [1], [0, 0, 1, 1], [], []>, transpose_lhs_hint = false} : vector<2000x256xf32>, vector<256x64xf32>, vector<2000x64xf32> -> vector<2000x64xf32>
    %swap3A = arith.constant 0 : index
    %swap3A_24 = arith.constant 0 : index
    %swap3A_25 = vector.load %arg5[%swap3A, %swap3A_24] : memref<2048x64xf32, #tpu.memory_space<vmem>>, vector<2000x64xf32>
    tpu.vector_store %arg5[%swap3A, %swap3A_24], %dot_general3A_23 {strides = array<i32>} : memref<2048x64xf32, #tpu.memory_space<vmem>>, vector<2000x64xf32>,
    %broadcast_in_dim3A = arith.constant 0.000000e+00 : f32
    %broadcast_in_dim3A_26 = vector.broadcast %broadcast_in_dim3A : f32 to vector<48x64xf32>
    %swap3A_27 = arith.constant 2000 : index
    %swap3A_28 = arith.constant 0 : index
    %swap3A_29 = vector.load %arg5[%swap3A_27, %swap3A_28] : memref<2048x64xf32, #tpu.memory_space<vmem>>, vector<48x64xf32>
    tpu.vector_store %arg5[%swap3A_27, %swap3A_28], %broadcast_in_dim3A_26 {strides = array<i32>} : memref<2048x64xf32, #tpu.memory_space<vmem>>, vector<48x64xf32>,
    %get3A_30 = arith.constant 0 : index
    %get3A_31 = arith.constant 0 : index
    %get3A_32 = vector.load %arg3[%get3A_30, %get3A_31] : memref<64x16xf32, #tpu.memory_space<vmem>>, vector<64x16xf32>
    %dot_general3A_33 = arith.constant dense<0.000000e+00> : vector<2000x16xf32>
    %dot_general3A_34 = tpu.matmul %dot_general3A_23, %get3A_32, %dot_general3A_33 {dimension_numbers = #tpu.dot_dimension_numbers<[1], [0], [0], [1], [0, 0, 1, 1], [], []>, transpose_lhs_hint = false} : vector<2000x64xf32>, vector<64x16xf32>, vector<2000x16xf32> -> vector<2000x16xf32>
    %swap3A_35 = arith.constant 0 : index
    %swap3A_36 = arith.constant 0 : index
    %swap3A_37 = vector.load %arg6[%swap3A_35, %swap3A_36] : memref<2048x16xf32, #tpu.memory_space<vmem>>, vector<2000x16xf32>
    tpu.vector_store %arg6[%swap3A_35, %swap3A_36], %dot_general3A_34 {strides = array<i32>} : memref<2048x16xf32, #tpu.memory_space<vmem>>, vector<2000x16xf32>,
    %broadcast_in_dim3A_38 = arith.constant 0.000000e+00 : f32
    %broadcast_in_dim3A_39 = vector.broadcast %broadcast_in_dim3A_38 : f32 to vector<48x16xf32>
    %swap3A_40 = arith.constant 2000 : index
    %swap3A_41 = arith.constant 0 : index
    %swap3A_42 = vector.load %arg6[%swap3A_40, %swap3A_41] : memref<2048x16xf32, #tpu.memory_space<vmem>>, vector<48x16xf32>
    tpu.vector_store %arg6[%swap3A_40, %swap3A_41], %broadcast_in_dim3A_39 {strides = array<i32>} : memref<2048x16xf32, #tpu.memory_space<vmem>>, vector<48x16xf32>,
    %get3A_43 = arith.constant 0 : index
    %get3A_44 = arith.constant 0 : index
    %get3A_45 = vector.load %arg4[%get3A_43, %get3A_44] : memref<64x16xf32, #tpu.memory_space<vmem>>, vector<64x16xf32>
    %dot_general3A_46 = arith.constant dense<0.000000e+00> : vector<2000x16xf32>
    %dot_general3A_47 = tpu.matmul %dot_general3A_23, %get3A_45, %dot_general3A_46 {dimension_numbers = #tpu.dot_dimension_numbers<[1], [0], [0], [1], [0, 0, 1, 1], [], []>, transpose_lhs_hint = false} : vector<2000x64xf32>, vector<64x16xf32>, vector<2000x16xf32> -> vector<2000x16xf32>
    %swap3A_48 = arith.constant 0 : index
    %swap3A_49 = arith.constant 0 : index
    %swap3A_50 = vector.load %arg7[%swap3A_48, %swap3A_49] : memref<2048x16xf32, #tpu.memory_space<vmem>>, vector<2000x16xf32>
    tpu.vector_store %arg7[%swap3A_48, %swap3A_49], %dot_general3A_47 {strides = array<i32>} : memref<2048x16xf32, #tpu.memory_space<vmem>>, vector<2000x16xf32>,
    %broadcast_in_dim3A_51 = arith.constant 0.000000e+00 : f32
    %broadcast_in_dim3A_52 = vector.broadcast %broadcast_in_dim3A_51 : f32 to vector<48x16xf32>
    %swap3A_53 = arith.constant 2000 : index
    %swap3A_54 = arith.constant 0 : index
    %swap3A_55 = vector.load %arg7[%swap3A_53, %swap3A_54] : memref<2048x16xf32, #tpu.memory_space<vmem>>, vector<48x16xf32>
    tpu.vector_store %arg7[%swap3A_53, %swap3A_54], %broadcast_in_dim3A_52 {strides = array<i32>} : memref<2048x16xf32, #tpu.memory_space<vmem>>, vector<48x16xf32>,
    return
  }
}

module attributes {stable_mosaic.version = 14 : i64} {
  func.func @body(%arg0: memref<2x10112x64xf32, #tpu.memory_space<vmem>>, %arg1: memref<10000x64xf32, #tpu.memory_space<vmem>>, %arg2: memref<1x64xf32, #tpu.memory_space<vmem>>, %arg3: memref<10112x64xf32, #tpu.memory_space<vmem>>) attributes {dimension_semantics = [], scalar_prefetch = 0 : i64, scratch_operands = 0 : i64, tpu.core_type = #tpu.core_type<tc>} {
    %get3A = arith.constant 0 : index
    %get3A_0 = arith.constant 0 : index
    %get3A_1 = arith.constant 0 : index
    %get3A_2 = vector.load %arg0[%get3A, %get3A_0, %get3A_1] : memref<2x10112x64xf32, #tpu.memory_space<vmem>>, vector<1x10000x64xf32>
    %get3A_3 = vector.shape_cast %get3A_2 : vector<1x10000x64xf32> to vector<10000x64xf32>
    %get3A_4 = arith.constant 1 : index
    %get3A_5 = arith.constant 0 : index
    %get3A_6 = arith.constant 0 : index
    %get3A_7 = vector.load %arg0[%get3A_4, %get3A_5, %get3A_6] : memref<2x10112x64xf32, #tpu.memory_space<vmem>>, vector<1x10000x64xf32>
    %get3A_8 = vector.shape_cast %get3A_7 : vector<1x10000x64xf32> to vector<10000x64xf32>
    %add3A = arith.addf %get3A_3, %get3A_8 : vector<10000x64xf32>
    %get3A_9 = arith.constant 0 : index
    %get3A_10 = arith.constant 0 : index
    %get3A_11 = vector.load %arg1[%get3A_9, %get3A_10] : memref<10000x64xf32, #tpu.memory_space<vmem>>, vector<10000x64xf32>
    %mul3A = arith.mulf %add3A, %get3A_11 : vector<10000x64xf32>
    %get3A_12 = arith.constant 0 : index
    %get3A_13 = arith.constant 0 : index
    %get3A_14 = vector.load %arg2[%get3A_12, %get3A_13] : memref<1x64xf32, #tpu.memory_space<vmem>>, vector<1x64xf32>
    %add3A_15 = vector.broadcast %get3A_14 : vector<1x64xf32> to vector<10000x64xf32>
    %add3A_16 = arith.addf %mul3A, %add3A_15 : vector<10000x64xf32>
    %swap3A = arith.constant 0 : index
    %swap3A_17 = arith.constant 0 : index
    %swap3A_18 = vector.load %arg3[%swap3A, %swap3A_17] : memref<10112x64xf32, #tpu.memory_space<vmem>>, vector<10000x64xf32>
    tpu.vector_store %arg3[%swap3A, %swap3A_17], %add3A_16 {strides = array<i32>} : memref<10112x64xf32, #tpu.memory_space<vmem>>, vector<10000x64xf32>,
    %broadcast_in_dim3A = arith.constant 0.000000e+00 : f32
    %broadcast_in_dim3A_19 = vector.broadcast %broadcast_in_dim3A : f32 to vector<112x64xf32>
    %swap3A_20 = arith.constant 10000 : index
    %swap3A_21 = arith.constant 0 : index
    %swap3A_22 = vector.load %arg3[%swap3A_20, %swap3A_21] : memref<10112x64xf32, #tpu.memory_space<vmem>>, vector<112x64xf32>
    tpu.vector_store %arg3[%swap3A_20, %swap3A_21], %broadcast_in_dim3A_19 {strides = array<i32>} : memref<10112x64xf32, #tpu.memory_space<vmem>>, vector<112x64xf32>,
    return
  }
}

module attributes {stable_mosaic.version = 14 : i64} {
  func.func @body(%arg0: memref<2x2048x80xf32, #tpu.memory_space<vmem>>, %arg1: memref<2048x64xf32, #tpu.memory_space<vmem>>, %arg2: memref<128x32xf32, #tpu.memory_space<vmem>>, %arg3: memref<1x32xf32, #tpu.memory_space<vmem>>, %arg4: memref<2000x32xf32, #tpu.memory_space<vmem>>) attributes {dimension_semantics = [], scalar_prefetch = 0 : i64, scratch_operands = 0 : i64, tpu.core_type = #tpu.core_type<tc>} {
    %get3A = arith.constant 0 : index
    %get3A_0 = arith.constant 0 : index
    %get3A_1 = arith.constant 0 : index
    %get3A_2 = vector.load %arg0[%get3A, %get3A_0, %get3A_1] : memref<2x2048x80xf32, #tpu.memory_space<vmem>>, vector<1x2000x80xf32>
    %get3A_3 = vector.shape_cast %get3A_2 : vector<1x2000x80xf32> to vector<2000x80xf32>
    %get3A_4 = arith.constant 1 : index
    %get3A_5 = arith.constant 0 : index
    %get3A_6 = arith.constant 0 : index
    %get3A_7 = vector.load %arg0[%get3A_4, %get3A_5, %get3A_6] : memref<2x2048x80xf32, #tpu.memory_space<vmem>>, vector<1x2000x80xf32>
    %get3A_8 = vector.shape_cast %get3A_7 : vector<1x2000x80xf32> to vector<2000x80xf32>
    %add3A = arith.addf %get3A_3, %get3A_8 : vector<2000x80xf32>
    %slice3A = vector.extract_strided_slice %add3A {offsets = [0, 0], sizes = [2000, 64], strides = [1, 1]} : vector<2000x80xf32> to vector<2000x64xf32>
    %slice3A_9 = vector.extract_strided_slice %add3A {offsets = [0, 64], sizes = [2000, 1], strides = [1, 1]} : vector<2000x80xf32> to vector<2000x1xf32>
    %add3A_10 = arith.constant 9.99999971E-10 : f32
    %add3A_11 = vector.broadcast %add3A_10 : f32 to vector<2000x1xf32>
    %add3A_12 = arith.addf %slice3A_9, %add3A_11 : vector<2000x1xf32>
    %div3A = vector.broadcast %add3A_12 : vector<2000x1xf32> to vector<2000x64xf32>
    %div3A_13 = arith.divf %slice3A, %div3A : vector<2000x64xf32>
    %max3A = arith.constant 0.000000e+00 : f32
    %max3A_14 = vector.broadcast %max3A : f32 to vector<2000x64xf32>
    %max3A_15 = arith.maximumf %div3A_13, %max3A_14 : vector<2000x64xf32>
    %get3A_16 = arith.constant 0 : index
    %get3A_17 = arith.constant 0 : index
    %get3A_18 = vector.load %arg1[%get3A_16, %get3A_17] : memref<2048x64xf32, #tpu.memory_space<vmem>>, vector<2000x64xf32>
    %concatenate3A = tpu.concatenate %max3A_15, %get3A_18 in 1 : vector<2000x64xf32>, vector<2000x64xf32> -> vector<2000x128xf32>
    %get3A_19 = arith.constant 0 : index
    %get3A_20 = arith.constant 0 : index
    %get3A_21 = vector.load %arg2[%get3A_19, %get3A_20] : memref<128x32xf32, #tpu.memory_space<vmem>>, vector<128x32xf32>
    %dot_general3A = arith.constant dense<0.000000e+00> : vector<2000x32xf32>
    %dot_general3A_22 = tpu.matmul %concatenate3A, %get3A_21, %dot_general3A {dimension_numbers = #tpu.dot_dimension_numbers<[1], [0], [0], [1], [0, 0, 1, 1], [], []>, transpose_lhs_hint = false} : vector<2000x128xf32>, vector<128x32xf32>, vector<2000x32xf32> -> vector<2000x32xf32>
    %get3A_23 = arith.constant 0 : index
    %get3A_24 = arith.constant 0 : index
    %get3A_25 = vector.load %arg3[%get3A_23, %get3A_24] : memref<1x32xf32, #tpu.memory_space<vmem>>, vector<1x32xf32>
    %add3A_26 = vector.broadcast %get3A_25 : vector<1x32xf32> to vector<2000x32xf32>
    %add3A_27 = arith.addf %dot_general3A_22, %add3A_26 : vector<2000x32xf32>
    %swap3A = arith.constant 0 : index
    %swap3A_28 = arith.constant 0 : index
    %swap3A_29 = vector.load %arg4[%swap3A, %swap3A_28] : memref<2000x32xf32, #tpu.memory_space<vmem>>, vector<2000x32xf32>
    tpu.vector_store %arg4[%swap3A, %swap3A_28], %add3A_27 {strides = array<i32>} : memref<2000x32xf32, #tpu.memory_space<vmem>>, vector<2000x32xf32>,
    return
  }
}

</mosaic_0001>

<sc_bundles>
// kernel: kernel.14.cloned.1.call-start
scs
__scs_entry_jumppad:
0x0: {  	(pc) =	sbr.rel $0x88, $3  }
0x1: {  	(tag) =	ssettag $0x0;
	lr =	simm.s32 $0x1  }
0x2: {  	[smem:$0x3F90] =	sst lr;
	_ =	strace $0xD0000000  }
0x3: {  	_ = 	snop  }
0x4: {  	_ = 	snop  }
0x5: {  	_ = 	snop  }
0x6: {  	_ = 	snop  }
0x7: {  	_ = 	snop  }
__scs_overlays_trampoline_lowered:
0x8: {  	[smem:$0x3F9F] =	sst s0  }
0x9: {  	[smem:$0x3FA0] =	sst s1  }
0xa: {  	[smem:$0x3FA1] =	sst s2  }
0xb: {  	[smem:$0x3FA2] =	sst s3  }
0xc: {  	[smem:$0x3FA3] =	sst s4  }
0xd: {  	[smem:$0x3FA4] =	sst s5  }
0xe: {  	[smem:$0x3FA5] =	sst s6  }
0xf: {  	[smem:$0x3FA6] =	sst s7  }
0x10: {  	[smem:$0x3FA7] =	sst s8  }
0x11: {  	[smem:$0x3FA8] =	sst s9;
	s0 =	simm.s32 @!p0 $0x0  }
0x12: {  	s1 =	sld [smem:$0x3F8E];
	s0 =	simm.s32 @p0 $0x1  }
0x13: {  	[smem:$0x3FA9] =	sst s0;
	s0 =	simm.s32 @!p1 $0x0  }
0x14: {  	s2 =	sld [smem:$0x3F8D];
	s0 =	simm.s32 @p1 $0x1  }
0x15: {  	[smem:$0x3FAA] =	sst s0;
	s0 =	simm.s32 @!p2 $0x0  }
0x16: {  	s3 =	sld [smem:$0x3FDB];
	s0 =	simm.s32 @p2 $0x1  }
0x17: {  	s4 =	simm.s32 $0x1BF5;
	[smem:$0x3FAC] =	sst s0  }
0x18: {  	s0 =	sld [smem:$0x3F8F];
	_ =	swait.ge [sflag:s4], $0x0  }
0x19: {  	s7 =	sld [smem:$0x3F90]  }
0x1a: {  	s8 =	sadd.s32 $0xFFFFE003, lr  }
0x1b: {  	s9 =	sadd.s32 $0xFFFFFEF7, lr;
	s5 =	simm.s32 $0xFFFFFFFF;
	p2 =	slt.u32 s8, $0xFFFFF086  }
0x1c: {  	p1 =	slt.u32 s9, $0xF7A;
	s5 =	simm.s32 @!p2 $0x0  }
0x1d: {  	s5 =	simm.s32 @p1 $0x1;
	p0 =	seq.s32 s7, s2  }
0x1e: {  	s7 =	smul.u32 @!p0 $0xF7A, s2;
	p2 =	seq.s32 @!p0 s5, $0x0  }
0x1f: {  	s9 =	smul.u32 $0xF7A, s1;
	s8 =	simm.s32 @!p0 $0x1BF5;
	p2 =	por !p2, p0  }
0x20: {  	[sflag:s8] =	ssyncset.s32 @!p0 $0xFFFFF086;
	s6 =	sadd.s32 @!p0 s3, s7;
	s7 =	simm.s32 @!p0 $0x108  }
0x21: {  	s3 =	sadd.s32 s3, s9;
	s6 =	sadd.s32 @!p0 $0x88, s6;
	s7 =	simm.s32 @p2 $0x1082  }
0x22: {  	[simem:s7], [sflag:s8] =	dma.local @!p0 [hbm:s6], $0xF7A  }
0x23: {  	s9 =	sor.u32 $0xD0000000, s2;
	s6 =	simm.s32 $0x108;
	_ =	swait.ge @!p0 [sflag:s8], $0x0  }
0x24: {  	s3 =	sadd.s32 $0x88, s3;
	s6 =	simm.s32 @!p1 $0x1082;
	[sflag:s4] =	ssyncset.s32 $0xFFFFF086  }
0x25: {  	[simem:s6], [sflag:s4] =	dma.local [hbm:s3], $0xF7A  }
0x26: {  	[smem:$0x3F90] =	sst s1;
	(tag) =	ssettag s2;
	_ =	strace s9  }
0x27: {  	s1 =	sld [smem:$0x3FA0]  }
0x28: {  	s2 =	sld [smem:$0x3FA1]  }
0x29: {  	s4 =	sld [smem:$0x3FA3]  }
0x2a: {  	p0 =	seq.s32 s5, $0x0;
	s5 =	sld [smem:$0x3FA4]  }
0x2b: {  	s6 =	sld [smem:$0x3FA5]  }
0x2c: {  	s7 =	sld [smem:$0x3FA6]  }
0x2d: {  	s3 =	simm.s32 $0x108;
	s8 =	sld [smem:$0x3FA7]  }
0x2e: {  	s3 =	simm.s32 @!p0 $0x1082;
	s9 =	sld [smem:$0x3FA8]  }
0x2f: {  	lr =	sadd.s32 s0, s3;
	s0 =	sld [smem:$0x3F9F]  }
0x30: {  	s3 =	sld [smem:$0x3FA2]  }
0x31: {  	[smem:$0x3FAB] =	sst s10  }
0x32: {  	s10 =	sld [smem:$0x3FA9];
	_ =	sdelay $0x3  }
0x33: {  	p0 =	seq.s32 s10, $0x1;
	s10 =	sld [smem:$0x3FAB];
	_ =	sdelay $0x3  }
0x34: {  	[smem:$0x3FAB] =	sst s10  }
0x35: {  	s10 =	sld [smem:$0x3FAA];
	_ =	sdelay $0x3  }
0x36: {  	p1 =	seq.s32 s10, $0x1;
	s10 =	sld [smem:$0x3FAB];
	_ =	sdelay $0x3  }
0x37: {  	[smem:$0x3FAB] =	sst s10  }
0x38: {  	s10 =	sld [smem:$0x3FAC]  }
0x39: {  	_ = 	snop;
	(pc) =	sbr.ind lr, $3  }
0x3a: {  	_ = 	snop  }
0x3b: {  	_ = 	snop  }
0x3c: {  	p2 =	seq.s32 s10, $0x1;
	s10 =	sld [smem:$0x3FAB]  }
0x3d: {  	_ =	shalt  }
0x3e: {  	_ =	shalt  }
0x3f: {  	_ =	shalt  }
0x40: {  	_ =	shalt  }
0x41: {  	_ =	shalt  }
0x42: {  	_ =	shalt  }
0x43: {  	_ =	shalt  }
0x44: {  	_ =	shalt  }
0x45: {  	_ =	shalt  }
0x46: {  	_ =	shalt  }
0x47: {  	_ =	shalt  }
0x48: {  	_ =	shalt  }
0x49: {  	_ =	shalt  }
0x4a: {  	_ =	shalt  }
0x4b: {  	_ =	shalt  }
0x4c: {  	_ =	shalt  }
0x4d: {  	_ =	shalt  }
0x4e: {  	_ =	shalt  }
0x4f: {  	_ =	shalt  }
0x50: {  	_ =	shalt  }
0x51: {  	_ =	shalt  }
0x52: {  	_ =	shalt  }
0x53: {  	_ =	shalt  }
0x54: {  	_ =	shalt  }
0x55: {  	_ =	shalt  }
0x56: {  	_ =	shalt  }
0x57: {  	_ =	shalt  }
0x58: {  	_ =	shalt  }
0x59: {  	_ =	shalt  }
0x5a: {  	_ =	shalt  }
0x5b: {  	_ =	shalt  }
0x5c: {  	_ =	shalt  }
0x5d: {  	_ =	shalt  }
0x5e: {  	_ =	shalt  }
0x5f: {  	_ =	shalt  }
0x60: {  	_ =	shalt  }
0x61: {  	_ =	shalt  }
0x62: {  	_ =	shalt  }
0x63: {  	_ =	shalt  }
0x64: {  	_ =	shalt  }
0x65: {  	_ =	shalt  }
0x66: {  	_ =	shalt  }
0x67: {  	_ =	shalt  }
0x68: {  	_ =	shalt  }
0x69: {  	_ =	shalt  }
0x6a: {  	_ =	shalt  }
0x6b: {  	_ =	shalt  }
0x6c: {  	_ =	shalt  }
0x6d: {  	_ =	shalt  }
0x6e: {  	_ =	shalt  }
0x6f: {  	_ =	shalt  }
0x70: {  	_ =	shalt  }
0x71: {  	_ =	shalt  }
0x72: {  	_ =	shalt  }
0x73: {  	_ =	shalt  }
0x74: {  	_ =	shalt  }
0x75: {  	_ =	shalt  }
0x76: {  	_ =	shalt  }
0x77: {  	_ =	shalt  }
0x78: {  	_ =	shalt  }
0x79: {  	_ =	shalt  }
0x7a: {  	_ =	shalt  }
0x7b: {  	_ =	shalt  }
0x7c: {  	_ =	shalt  }
0x7d: {  	_ =	shalt  }
0x7e: {  	_ =	shalt  }
0x7f: {  	_ =	shalt  }
0x80: {  	_ =	shalt  }
0x81: {  	_ =	shalt  }
0x82: {  	_ =	shalt  }
0x83: {  	_ =	shalt  }
0x84: {  	_ =	shalt  }
0x85: {  	_ =	shalt  }
0x86: {  	_ =	shalt  }
0x87: {  	_ =	shalt  }
.Lfunc_end0:
.L_simem_size_0:
called_computation_lowered:
.L_overlay_start_0:
0x88: {  	s2 =	sld [smem:$0x3FD9]  }
0x89: {  	s3 =	sld [smem:$0x3FFE];
	_ =	sdelay $0x1  }
0x8a: {  	s1 =	srdreg.scid  }
0x8b: {  	s0 =	sand.u32 $0x1, s1  }
0x8c: {  	s17 =	sshll.u32 s0, $0xA;
	s2 =	sadd.s32 s3, s2  }
0x8d: {  	s2 =	sadd.s32 s2, s17  }
0x8e: {  	[smem:$0x3FB7] =	sst s2  }
0x8f: {  	_ = 	snop  }
0x90: {  	s2 =	sld [smem:$0x3FD0];
	(tm) =	ssettm $0x1  }
0x91: {  	s18 =	sld [smem:$0x3FFB];
	_ =	sdelay $0x3  }
0x92: {  	_ =	strace s18  }
0x93: {  	s3 =	sld [smem:$0x3FFC];
	_ =	sdelay $0x3  }
0x94: {  	_ =	strace s3  }
0x95: {  	s3 =	sld [smem:$0x3FFD];
	_ =	sdelay $0x3  }
0x96: {  	_ =	strace s3  }
0x97: {  	_ =	strace $0x8FFFFFFF  }
0x98: {  	s19 =	sld [smem:$0x3FDB];
	_ =	sdelay $0x1  }
0x99: {  	s4 =	simm.s32 $_scs_section_size  }
0x9a: {  	s5 =	simm.s32 $_size__tile_overlayer_lowered;
	s6 =	simm.s32 $_tile_overlayer_lowered  }
0x9b: {  	s22 =	simm.s32 $0x1BFF;
	s21 =	sshll.u32 s6, $0x1;
	s3 =	sadd.s32 s4, s19  }
0x9c: {  	s7 =	simm.s32 $0x0;
	s20 =	sshll.u32 s5, $0x1;
	s5 =	sadd.s32 s21, s3  }
0x9d: {  	[timem:s7], [sflag:s22] =	dma.local [hbm:s5], s20  }
0x9e: {  	_ =	swait.ge [sflag:s22], s20  }
0x9f: {  	s4 =	ssub.s32 $0x0, s20;
	[sflag:s22] =	ssyncset.done $0x0  }
0xa0: {  	[sflag:s22] =	ssyncadd.s32 s4;
	_ =	sdelay $0x1  }
0xa1: {  	s23 =	simm.s32 $0x1B8B  }
0xa2: {  	_ =	swait.ge [sflag:s23], $0x1  }
0xa3: {  	[sflag:s23] =	ssyncset.done $0x0  }
0xa4: {  	s25 =	simm.s32 $0x1B8E;
	s24 =	sld [smem:$0x3FFE];
	[sflag:s23] =	ssyncadd.s32 $0xFFFFFFFF  }
0xa5: {  	s26 =	simm.s32 $execute0_lowered;
	[smem:$0x3FD2] =	sst s25  }
0xa6: {  	s5 =	sshll.u32 s26, $0x1;
	_ =	strace $0x80000046;
	[dreg:$0x1] =	wrdreg $0xFFFFFFFF  }
0xa7: {  	s28 =	simm.s32 $_size_execute0_lowered;
	s3 =	sadd.s32 s3, s5;
	[dreg:$0x0] =	wrdreg $0x0  }
0xa8: {  	s5 =	sshll.u32 s28, $0x1;
	[dreg:$0x2] =	wrdreg s3  }
0xa9: {  	[dreg:$0x3] =	wrdreg s5  }
0xaa: {  	[dreg:$0x4] =	wrdreg $0xC0  }
0xab: {  	_ =	task [dreg:s7], $0x5FFFF  }
0xac: {  	[dreg:$0x1] =	wrdreg $0xFFFFFFFF  }
0xad: {  	[dreg:$0x0] =	wrdreg $0x60  }
0xae: {  	[dreg:$0x2] =	wrdreg s24  }
0xaf: {  	[dreg:$0x3] =	wrdreg s2  }
0xb0: {  	[dreg:$0x4] =	wrdreg $0x58000  }
0xb1: {  	[dreg:$0x5] =	wrdreg $0x7F800  }
0xb2: {  	[dreg:$0x6] =	wrdreg $0x9  }
0xb3: {  	_ =	task.clear_ibuf [dreg:s7], $0x7FFFF;
	_ =	strace $0x90000046  }
0xb4: {  	s29 =	simm.s32 $0x9;
	_ =	strace $0x80000048  }
0xb5: {  	_ =	swait.ge [sflag:s29], $0x1  }
0xb6: {  	[sflag:s29] =	ssyncadd.s32 $0xFFFFFFFF  }
0xb7: {  	_ =	strace $0x90000048  }
0xb8: {  	_ =	sfence  }
0xb9: {  	s30 =	sld [smem:$0x0];
	_ =	sdelay $0x2  }
0xba: {  	s31 =	sshll.u32 s1, $0xD;
	s1 =	sshrl.u32 s1, $0x2  }
0xbb: {  	s3 =	sand.u32 $0x4000, s31;
	s1 =	sadd.s32 s1, s30  }
0xbc: {  	s0 =	sor.u32 s3, s0;
	s1 =	sshll.u32 s1, $0x11  }
0xbd: {  	s0 =	sor.u32 s1, s0  }
0xbe: {  	s0 =	sadd.s32 $0x8F2B, s0  }
0xbf: {  	[sflag:s0] =	ssyncadd.remote.s32 $0x1  }
0xc0: {  	_ =	sfence.sel $0xFFFF  }
0xc1: {  	[dreg:$0x0] =	wrdreg $0xFFFFFFFF;
	(pc) =	sbr.abs _section_cstart, $3  }
0xc2: {  	[dreg:$0x1] =	wrdreg $0xFFFFFFFF  }
0xc3: {  	_ =	task.clear_ibuf [dreg:s7], $0x2FFFF;
	_ =	strace $0x9FFFFFFF  }
0xc4: {  	(tm) =	ssettm $0x7FFFFFFF  }
0xc5: {  	_ =	shalt  }
tec
execute0_lowered:
.L_overlay_start_1:
0x0: {  	(tag) =	ssettag $0x1  }
0x1: {  	s1 =	rddreg [dreg:$0x0]  }
0x2: {  	s0 =	srdreg.scid;
	s3 =	rddreg [dreg:$0x2]  }
0x3: {  	s10 =	stileid.u32;
	s4 =	rddreg [dreg:$0x3];
	s5 =	simm.s32 $0x0  }
0x4: {  	s14 =	simm.s32 $0x9;
	s16 =	simm.s32 $0x5000;
	s17 =	simm.s32 $0x2800  }
0x5: {  	s18 =	simm.s32 $0x80;
	s21 =	simm.s32 $0x2900;
	s22 =	simm.s32 $0x180  }
0x6: {  	s23 =	simm.s32 $0x2980;
	s24 =	simm.s32 $0x1;
	s25 =	simm.s32 $0x5  }
0x7: {  	s28 =	simm.s32 $0x6;
	s29 =	simm.s32 $0x3;
	s30 =	simm.s32 $0x7  }
0x8: {  	s31 =	simm.s32 $0x4;
	s0 =	sand.u32 $0x1, s0;
	s8 =	smul.u32 $0x2780, s10  }
0x9: {  	[smem:$0x7FF] =	sst s5;
	s26 =	sshll.u32 s10, $0x6;
	s2 =	sshll.u32 s0, $0x4  }
0xa: {  	s6 =	smul.u32 $0x4F000, s0;
	_ =	strace $0x80000047;
	s0 =	ssub.s32 $0x2, s0  }
0xb: {  	s2 =	sor.u32 s10, s2;
	s7 =	sshrl.u32 s8, $0x3;
	s9 =	sshrl.u32 s0, $0x1  }
0xc: {  	s13 =	sadd.s32 s8, s3;
	s15 =	sadd.s32 s8, s4;
	s2 =	smul.u32 $0x500, s2  }
0xd: {  	s6 =	sadd.s32 s8, s6;
	s7 =	sadd.s32 s7, s1;
	s0 =	ssub.s32 s0, s9  }
0xe: {  	s13 =	sshrl.u32 s13, $0x3;
	s15 =	sshrl.u32 s15, $0x3;
	s6 =	sshrl.u32 s6, $0x3  }
0xf: {  	s12 =	smax.u32 s0, $0x1;
	s0 =	simm.s32 $0x0;
	s2 =	sadd.s32 s2, s1  }
0x10: {  	s1 =	sadd.s32 s6, s1;
	s6 =	sadd.s32 $0x16600, s7;
	s7 =	sor.u32 $0x1C09, s26  }
0x11: {  	s26 =	simm.s32 $0x2;
	s8 =	sadd.s32 $0x2600, s2;
	s9 =	sadd.s32 $0xC600, s2  }
0x12: {  	s10 =	sadd.s32 $0x1B600, s1;
	s11 =	sadd.s32 $0x20500, s1;
	s2 =	simm.s32 $0x8  }
.LBB2_1:
0x13: {  	[spmem:s13], [sflag:s7] =	dma.local [hbm:s6], $0x4F0  }
0x14: {  	_ =	swait.ge [sflag:s14], $0x4F0  }
0x15: {  	[sflag:s14] =	ssyncset.done $0x0  }
0x16: {  	[sflag:s14] =	ssyncadd.s32 $0xFFFFFB10  }
0x17: {  	[spmem:s15], [sflag:s7] =	dma.local [hbm:s6], $0x4F0  }
0x18: {  	_ =	swait.ge [sflag:s14], $0x4F0  }
0x19: {  	[sflag:s14] =	ssyncset.done $0x0  }
0x1a: {  	[sflag:s14] =	ssyncadd.s32 $0xFFFFFB10  }
0x1b: {  	s1 =	rddreg [dreg:$0x1]  }
0x1c: {  	[tilespmem:s16], [sflag:$0x9] =	stream.linear.gather [hbm4b:s1+s5], $0x800, $0x38;
	[tilespmem:$0xA700] =	vst v63  }
0x1d: {  	_ =	swait.ge [sflag:s14], $0x800  }
0x1e: {  	[sflag:s14] =	ssyncset.done $0x0  }
0x1f: {  	[sflag:s14] =	ssyncadd.s32 $0xFFFFF800  }
0x20: {  	[tilespmem:s5], [sflag:$0x9] =	stream.linear.gather [hbm4b:s8+s5], $0x2800, $0x38;
	[tilespmem:$0xA700] =	vst v63  }
0x21: {  	_ =	swait.ge [sflag:s14], $0x2800  }
0x22: {  	[sflag:s14] =	ssyncset.done $0x0  }
0x23: {  	[sflag:s14] =	ssyncadd.s32 $0xFFFFD800  }
0x24: {  	[tilespmem:s17], [sflag:$0x9] =	stream.linear.gather [hbm4b:s9+s5], $0x2800, $0x38;
	[tilespmem:$0xA700] =	vst v63  }
0x25: {  	_ =	swait.ge [sflag:s14], $0x2800  }
0x26: {  	[sflag:s14] =	ssyncset.done $0x0  }
0x27: {  	[sflag:s14] =	ssyncadd.s32 $0xFFFFD800  }
0x28: {  	[bflag:$0x0] =	sbarrier.arrive $0xFFFF  }
0x29: {  	[spmem:s3] =	stream.indirect.scatter.add.f32 [tilespmem:s16], [sflag:$0x1], $0x10, s5, s18, $0xb8;
	[tilespmem:$0xA700] =	vst v63  }
0x2a: {  	_ = 	snop  }
0x2b: {  	[spmem:s4] =	stream.indirect.scatter.add.f32 [tilespmem:s16], [sflag:$0x5], $0x10, s17, s18, $0xb8;
	[tilespmem:$0xA700] =	vst v63  }
0x2c: {  	_ = 	snop  }
0x2d: {  	[spmem:s3] =	stream.indirect.scatter.add.f32 [tilespmem:s16], [sflag:$0x2], $0x10, s18, s18, $0xb8;
	[tilespmem:$0xA700] =	vst v63  }
0x2e: {  	s20 =	simm.s32 $0x2880  }
0x2f: {  	[spmem:s4] =	stream.indirect.scatter.add.f32 [tilespmem:s16], [sflag:$0x6], $0x10, s20, s18, $0xb8;
	[tilespmem:$0xA700] =	vst v63  }
0x30: {  	s19 =	simm.s32 $0x100  }
0x31: {  	[spmem:s3] =	stream.indirect.scatter.add.f32 [tilespmem:s16], [sflag:$0x3], $0x10, s19, s18, $0xb8;
	[tilespmem:$0xA700] =	vst v63  }
0x32: {  	_ = 	snop  }
0x33: {  	[spmem:s4] =	stream.indirect.scatter.add.f32 [tilespmem:s16], [sflag:$0x7], $0x10, s21, s18, $0xb8;
	[tilespmem:$0xA700] =	vst v63  }
0x34: {  	_ = 	snop  }
0x35: {  	[spmem:s3] =	stream.indirect.scatter.add.f32 [tilespmem:s16], [sflag:$0x4], $0x10, s22, s18, $0xb8;
	[tilespmem:$0xA700] =	vst v63  }
0x36: {  	_ = 	snop  }
0x37: {  	[spmem:s4] =	stream.indirect.scatter.add.f32 [tilespmem:s16], [sflag:$0x8], $0x10, s23, s18, $0xb8;
	[tilespmem:$0xA700] =	vst v63  }
0x38: {  	_ =	swait.ge [sflag:s24], $0x800  }
0x39: {  	[sflag:s24] =	ssyncset.done $0x0  }
0x3a: {  	[sflag:s24] =	ssyncadd.s32 $0xFFFFF800  }
0x3b: {  	_ =	swait.ge [sflag:s25], $0x800  }
0x3c: {  	[sflag:s25] =	ssyncset.done $0x0  }
0x3d: {  	s20 =	simm.s32 $0x200;
	[sflag:s25] =	ssyncadd.s32 $0xFFFFF800  }
0x3e: {  	[spmem:s3] =	stream.indirect.scatter.add.f32 [tilespmem:s16], [sflag:$0x1], $0x10, s20, s18, $0xb8;
	[tilespmem:$0xA700] =	vst v63  }
0x3f: {  	s19 =	simm.s32 $0x2A00  }
0x40: {  	[spmem:s4] =	stream.indirect.scatter.add.f32 [tilespmem:s16], [sflag:$0x5], $0x10, s19, s18, $0xb8;
	[tilespmem:$0xA700] =	vst v63  }
0x41: {  	_ =	swait.ge [sflag:s26], $0x800  }
0x42: {  	[sflag:s26] =	ssyncset.done $0x0  }
0x43: {  	[sflag:s26] =	ssyncadd.s32 $0xFFFFF800  }
0x44: {  	_ =	swait.ge [sflag:s28], $0x800  }
0x45: {  	[sflag:s28] =	ssyncset.done $0x0  }
0x46: {  	s20 =	simm.s32 $0x280;
	[sflag:s28] =	ssyncadd.s32 $0xFFFFF800  }
0x47: {  	[spmem:s3] =	stream.indirect.scatter.add.f32 [tilespmem:s16], [sflag:$0x2], $0x10, s20, s18, $0xb8;
	[tilespmem:$0xA700] =	vst v63  }
0x48: {  	s19 =	simm.s32 $0x2A80  }
0x49: {  	[spmem:s4] =	stream.indirect.scatter.add.f32 [tilespmem:s16], [sflag:$0x6], $0x10, s19, s18, $0xb8;
	[tilespmem:$0xA700] =	vst v63  }
0x4a: {  	_ =	swait.ge [sflag:s29], $0x800  }
0x4b: {  	[sflag:s29] =	ssyncset.done $0x0  }
0x4c: {  	[sflag:s29] =	ssyncadd.s32 $0xFFFFF800  }
0x4d: {  	_ =	swait.ge [sflag:s30], $0x800  }
0x4e: {  	[sflag:s30] =	ssyncset.done $0x0  }
0x4f: {  	s20 =	simm.s32 $0x300;
	[sflag:s30] =	ssyncadd.s32 $0xFFFFF800  }
0x50: {  	[spmem:s3] =	stream.indirect.scatter.add.f32 [tilespmem:s16], [sflag:$0x3], $0x10, s20, s18, $0xb8;
	[tilespmem:$0xA700] =	vst v63  }
0x51: {  	s19 =	simm.s32 $0x2B00  }
0x52: {  	[spmem:s4] =	stream.indirect.scatter.add.f32 [tilespmem:s16], [sflag:$0x7], $0x10, s19, s18, $0xb8;
	[tilespmem:$0xA700] =	vst v63  }
0x53: {  	_ =	swait.ge [sflag:s31], $0x800  }
0x54: {  	[sflag:s31] =	ssyncset.done $0x0  }
0x55: {  	[sflag:s31] =	ssyncadd.s32 $0xFFFFF800  }
0x56: {  	_ =	swait.ge [sflag:s2], $0x800  }
0x57: {  	s1 =	simm.s32 $0x800;
	[sflag:s2] =	ssyncset.done $0x0  }
0x58: {  	s20 =	simm.s32 $0x380;
	s19 =	simm.s32 $0x2B80;
	[sflag:s2] =	ssyncadd.s32 $0xFFFFF800  }
0x59: {  	[spmem:s3] =	stream.indirect.scatter.add.f32 [tilespmem:s16], [sflag:$0x4], $0x10, s20, s18, $0xb8;
	[tilespmem:$0xA700] =	vst v63  }
.LBB2_2:
0x5a: {  	[spmem:s4] =	stream.indirect.scatter.add.f32 [tilespmem:s16], [sflag:$0x8], $0x10, s19, s18, $0xb8;
	[tilespmem:$0xA700] =	vst v63  }
0x5b: {  	s19 =	smov.u32 s1  }
0x5c: {  	p0 =	sne.s32 s1, $0x9000;
	s1 =	sadd.s32 $0x800, s1;
	_ =	swait.ge [sflag:s24], $0x800  }
0x5d: {  	[sflag:s24] =	ssyncset.done $0x0  }
0x5e: {  	[sflag:s24] =	ssyncadd.s32 $0xFFFFF800  }
0x5f: {  	_ =	swait.ge [sflag:s25], $0x800  }
0x60: {  	s19 =	sshra.s32 s19, $0x2;
	[sflag:s25] =	ssyncset.done $0x0  }
0x61: {  	s20 =	sadd.s32 $0x200, s19;
	[sflag:s25] =	ssyncadd.s32 $0xFFFFF800  }
0x62: {  	[spmem:s3] =	stream.indirect.scatter.add.f32 [tilespmem:s16], [sflag:$0x1], $0x10, s20, s18, $0xb8;
	[tilespmem:$0xA700] =	vst v63  }
0x63: {  	s20 =	sadd.s32 $0x2A00, s19  }
0x64: {  	[spmem:s4] =	stream.indirect.scatter.add.f32 [tilespmem:s16], [sflag:$0x5], $0x10, s20, s18, $0xb8;
	[tilespmem:$0xA700] =	vst v63  }
0x65: {  	_ =	swait.ge [sflag:s26], $0x800  }
0x66: {  	[sflag:s26] =	ssyncset.done $0x0  }
0x67: {  	[sflag:s26] =	ssyncadd.s32 $0xFFFFF800  }
0x68: {  	_ =	swait.ge [sflag:s28], $0x800  }
0x69: {  	[sflag:s28] =	ssyncset.done $0x0  }
0x6a: {  	s20 =	sadd.s32 $0x280, s19;
	[sflag:s28] =	ssyncadd.s32 $0xFFFFF800  }
0x6b: {  	[spmem:s3] =	stream.indirect.scatter.add.f32 [tilespmem:s16], [sflag:$0x2], $0x10, s20, s18, $0xb8;
	[tilespmem:$0xA700] =	vst v63  }
0x6c: {  	s20 =	sadd.s32 $0x2A80, s19  }
0x6d: {  	[spmem:s4] =	stream.indirect.scatter.add.f32 [tilespmem:s16], [sflag:$0x6], $0x10, s20, s18, $0xb8;
	[tilespmem:$0xA700] =	vst v63  }
0x6e: {  	_ =	swait.ge [sflag:s29], $0x800  }
0x6f: {  	[sflag:s29] =	ssyncset.done $0x0  }
0x70: {  	[sflag:s29] =	ssyncadd.s32 $0xFFFFF800  }
0x71: {  	_ =	swait.ge [sflag:s30], $0x800  }
0x72: {  	[sflag:s30] =	ssyncset.done $0x0  }
0x73: {  	s20 =	sadd.s32 $0x300, s19;
	[sflag:s30] =	ssyncadd.s32 $0xFFFFF800  }
0x74: {  	[spmem:s3] =	stream.indirect.scatter.add.f32 [tilespmem:s16], [sflag:$0x3], $0x10, s20, s18, $0xb8;
	[tilespmem:$0xA700] =	vst v63  }
0x75: {  	s20 =	sadd.s32 $0x2B00, s19  }
0x76: {  	[spmem:s4] =	stream.indirect.scatter.add.f32 [tilespmem:s16], [sflag:$0x7], $0x10, s20, s18, $0xb8;
	[tilespmem:$0xA700] =	vst v63  }
0x77: {  	_ =	swait.ge [sflag:s31], $0x800  }
0x78: {  	[sflag:s31] =	ssyncset.done $0x0  }
0x79: {  	[sflag:s31] =	ssyncadd.s32 $0xFFFFF800  }
.Ltmp0:
0x7a: {  	_ =	swait.ge [sflag:s2], $0x800;
	(pc) =	sbr.rel @p0 .LBB2_2-.Ltmp0, $4  }
0x7b: {  	[sflag:s2] =	ssyncset.done $0x0  }
0x7c: {  	s20 =	sadd.s32 $0x380, s19;
	[sflag:s2] =	ssyncadd.s32 $0xFFFFF800  }
0x7d: {  	[spmem:s3] =	stream.indirect.scatter.add.f32 [tilespmem:s16], [sflag:$0x4], $0x10, s20, s18, $0xb8;
	[tilespmem:$0xA700] =	vst v63  }
0x7e: {  	s19 =	sadd.s32 $0x2B80, s19  }
0x7f: {  	[spmem:s4] =	stream.indirect.scatter.add.f32 [tilespmem:s16], [sflag:$0x8], $0x10, s19, s18, $0xb8;
	[tilespmem:$0xA700] =	vst v63  }
0x80: {  	_ =	swait.ge [sflag:s24], $0x800  }
0x81: {  	[sflag:s24] =	ssyncset.done $0x0  }
0x82: {  	[sflag:s24] =	ssyncadd.s32 $0xFFFFF800  }
0x83: {  	_ =	swait.ge [sflag:s25], $0x800  }
0x84: {  	[sflag:s25] =	ssyncset.done $0x0  }
0x85: {  	[sflag:s25] =	ssyncadd.s32 $0xFFFFF800  }
0x86: {  	_ =	swait.ge [sflag:s26], $0x800  }
0x87: {  	[sflag:s26] =	ssyncset.done $0x0  }
0x88: {  	[sflag:s26] =	ssyncadd.s32 $0xFFFFF800  }
0x89: {  	_ =	swait.ge [sflag:s28], $0x800  }
0x8a: {  	[sflag:s28] =	ssyncset.done $0x0  }
0x8b: {  	[sflag:s28] =	ssyncadd.s32 $0xFFFFF800  }
0x8c: {  	_ =	swait.ge [sflag:s29], $0x800  }
0x8d: {  	[sflag:s29] =	ssyncset.done $0x0  }
0x8e: {  	[sflag:s29] =	ssyncadd.s32 $0xFFFFF800  }
0x8f: {  	_ =	swait.ge [sflag:s30], $0x800  }
0x90: {  	[sflag:s30] =	ssyncset.done $0x0  }
0x91: {  	[sflag:s30] =	ssyncadd.s32 $0xFFFFF800  }
0x92: {  	_ =	swait.ge [sflag:s31], $0x800  }
0x93: {  	[sflag:s31] =	ssyncset.done $0x0  }
0x94: {  	[sflag:s31] =	ssyncadd.s32 $0xFFFFF800  }
0x95: {  	_ =	swait.ge [sflag:s2], $0x800  }
0x96: {  	[sflag:s2] =	ssyncset.done $0x0  }
0x97: {  	[sflag:s2] =	ssyncadd.s32 $0xFFFFF800  }
0x98: {  	[bflag:$0x0] =	sbarrier.arrive $0xFFFF  }
0x99: {  	[hbm:s10], [sflag:s7] =	dma.local [spmem:s13], $0x4F0  }
0x9a: {  	s0 =	sadd.s32 $0x1, s0;
	_ =	swait.ge [sflag:s14], $0x4F0  }
0x9b: {  	p0 =	sne.s32 s0, s12;
	[sflag:s14] =	ssyncset.done $0x0  }
.Ltmp1:
0x9c: {  	[sflag:s14] =	ssyncadd.s32 $0xFFFFFB10;
	(pc) =	sbr.rel @p0 .LBB2_1-.Ltmp1, $4  }
0x9d: {  	[hbm:s11], [sflag:s7] =	dma.local [spmem:s15], $0x4F0  }
0x9e: {  	_ =	swait.ge [sflag:s14], $0x4F0  }
0x9f: {  	[sflag:s14] =	ssyncset.done $0x0  }
0xa0: {  	[sflag:s14] =	ssyncadd.s32 $0xFFFFFB10  }
0xa1: {  	_ =	sfence.sel $0x180000  }
0xa2: {  	[bflag:$0x0] =	sbarrier.arrive $0xFFFF  }
0xa3: {  	_ =	strace $0x90000047  }
0xa4: {  	s0 =	stileid.u32;
	[bflag:$0x2] =	sbarrier.arrive $0xFFFF  }
0xa5: {  	p0 =	sne.s32 s0, $0x0;
	s0 =	rddreg [dreg:$0x4]  }
0xa6: {  	s0 =	sadd.s32 @!p0 $0x100000, s0  }
0xa7: {  	[sflag:s0] =	ssyncadd.tile.s32 @!p0 $0x1;
	_ =	shalt  }
.Lfunc_end2:
_tile_overlayer_lowered:
.L_overlay_start_2:
0xa8: {  	(tag) =	ssettag $0x2  }
0xa9: {  	s0 =	rddreg [dreg:$0x0];
	s2 =	stileid.u32  }
0xaa: {  	s1 =	rddreg [dreg:$0x1];
	p0 =	sne.s32 s2, $0x0  }
0xab: {  	s3 =	rddreg [dreg:$0x2];
	[bflag:$0x3] =	sbarrier.arrive $0xFFFF;
	s2 =	simm.s32 @!p0 $0x1C09  }
0xac: {  	[timem:s3], [sflag:s2] =	dma.local @!p0 [hbm:s0], s1  }
0xad: {  	s0 =	simm.s32 @!p0 $0x9  }
0xae: {  	_ =	swait.ge @!p0 [sflag:s0], s1  }
0xaf: {  	s1 =	ssub.s32 @!p0 $0x0, s1;
	[sflag:s0] =	ssyncset.done @!p0 $0x0  }
0xb0: {  	[sflag:s0] =	ssyncadd.s32 @!p0 s1  }
0xb1: {  	[bflag:$0x3] =	sbarrier.arrive $0xFFFF  }
0xb2: {  	_ =	shalt  }

// kernel: kernel.17.cloned.1.call-start
scs
__scs_entry_jumppad:
0x0: {  	(pc) =	sbr.rel $0x88, $3  }
0x1: {  	(tag) =	ssettag $0x0;
	lr =	simm.s32 $0x1  }
0x2: {  	[smem:$0x3F90] =	sst lr;
	_ =	strace $0xD0000000  }
0x3: {  	_ = 	snop  }
0x4: {  	_ = 	snop  }
0x5: {  	_ = 	snop  }
0x6: {  	_ = 	snop  }
0x7: {  	_ = 	snop  }
__scs_overlays_trampoline_lowered:
0x8: {  	[smem:$0x3F9F] =	sst s0  }
0x9: {  	[smem:$0x3FA0] =	sst s1  }
0xa: {  	[smem:$0x3FA1] =	sst s2  }
0xb: {  	[smem:$0x3FA2] =	sst s3  }
0xc: {  	[smem:$0x3FA3] =	sst s4  }
0xd: {  	[smem:$0x3FA4] =	sst s5  }
0xe: {  	[smem:$0x3FA5] =	sst s6  }
0xf: {  	[smem:$0x3FA6] =	sst s7  }
0x10: {  	[smem:$0x3FA7] =	sst s8  }
0x11: {  	[smem:$0x3FA8] =	sst s9;
	s0 =	simm.s32 @!p0 $0x0  }
0x12: {  	s1 =	sld [smem:$0x3F8E];
	s0 =	simm.s32 @p0 $0x1  }
0x13: {  	[smem:$0x3FA9] =	sst s0;
	s0 =	simm.s32 @!p1 $0x0  }
0x14: {  	s2 =	sld [smem:$0x3F8D];
	s0 =	simm.s32 @p1 $0x1  }
0x15: {  	[smem:$0x3FAA] =	sst s0;
	s0 =	simm.s32 @!p2 $0x0  }
0x16: {  	s3 =	sld [smem:$0x3FDB];
	s0 =	simm.s32 @p2 $0x1  }
0x17: {  	s4 =	simm.s32 $0x1BF5;
	[smem:$0x3FAC] =	sst s0  }
0x18: {  	s0 =	sld [smem:$0x3F8F];
	_ =	swait.ge [sflag:s4], $0x0  }
0x19: {  	s7 =	sld [smem:$0x3F90]  }
0x1a: {  	s8 =	sadd.s32 $0xFFFFE003, lr  }
0x1b: {  	s9 =	sadd.s32 $0xFFFFFEF7, lr;
	s5 =	simm.s32 $0xFFFFFFFF;
	p2 =	slt.u32 s8, $0xFFFFF086  }
0x1c: {  	p1 =	slt.u32 s9, $0xF7A;
	s5 =	simm.s32 @!p2 $0x0  }
0x1d: {  	s5 =	simm.s32 @p1 $0x1;
	p0 =	seq.s32 s7, s2  }
0x1e: {  	s7 =	smul.u32 @!p0 $0xF7A, s2;
	p2 =	seq.s32 @!p0 s5, $0x0  }
0x1f: {  	s9 =	smul.u32 $0xF7A, s1;
	s8 =	simm.s32 @!p0 $0x1BF5;
	p2 =	por !p2, p0  }
0x20: {  	[sflag:s8] =	ssyncset.s32 @!p0 $0xFFFFF086;
	s6 =	sadd.s32 @!p0 s3, s7;
	s7 =	simm.s32 @!p0 $0x108  }
0x21: {  	s3 =	sadd.s32 s3, s9;
	s6 =	sadd.s32 @!p0 $0x88, s6;
	s7 =	simm.s32 @p2 $0x1082  }
0x22: {  	[simem:s7], [sflag:s8] =	dma.local @!p0 [hbm:s6], $0xF7A  }
0x23: {  	s9 =	sor.u32 $0xD0000000, s2;
	s6 =	simm.s32 $0x108;
	_ =	swait.ge @!p0 [sflag:s8], $0x0  }
0x24: {  	s3 =	sadd.s32 $0x88, s3;
	s6 =	simm.s32 @!p1 $0x1082;
	[sflag:s4] =	ssyncset.s32 $0xFFFFF086  }
0x25: {  	[simem:s6], [sflag:s4] =	dma.local [hbm:s3], $0xF7A  }
0x26: {  	[smem:$0x3F90] =	sst s1;
	(tag) =	ssettag s2;
	_ =	strace s9  }
0x27: {  	s1 =	sld [smem:$0x3FA0]  }
0x28: {  	s2 =	sld [smem:$0x3FA1]  }
0x29: {  	s4 =	sld [smem:$0x3FA3]  }
0x2a: {  	p0 =	seq.s32 s5, $0x0;
	s5 =	sld [smem:$0x3FA4]  }
0x2b: {  	s6 =	sld [smem:$0x3FA5]  }
0x2c: {  	s7 =	sld [smem:$0x3FA6]  }
0x2d: {  	s3 =	simm.s32 $0x108;
	s8 =	sld [smem:$0x3FA7]  }
0x2e: {  	s3 =	simm.s32 @!p0 $0x1082;
	s9 =	sld [smem:$0x3FA8]  }
0x2f: {  	lr =	sadd.s32 s0, s3;
	s0 =	sld [smem:$0x3F9F]  }
0x30: {  	s3 =	sld [smem:$0x3FA2]  }
0x31: {  	[smem:$0x3FAB] =	sst s10  }
0x32: {  	s10 =	sld [smem:$0x3FA9];
	_ =	sdelay $0x3  }
0x33: {  	p0 =	seq.s32 s10, $0x1;
	s10 =	sld [smem:$0x3FAB];
	_ =	sdelay $0x3  }
0x34: {  	[smem:$0x3FAB] =	sst s10  }
0x35: {  	s10 =	sld [smem:$0x3FAA];
	_ =	sdelay $0x3  }
0x36: {  	p1 =	seq.s32 s10, $0x1;
	s10 =	sld [smem:$0x3FAB];
	_ =	sdelay $0x3  }
0x37: {  	[smem:$0x3FAB] =	sst s10  }
0x38: {  	s10 =	sld [smem:$0x3FAC]  }
0x39: {  	_ = 	snop;
	(pc) =	sbr.ind lr, $3  }
0x3a: {  	_ = 	snop  }
0x3b: {  	_ = 	snop  }
0x3c: {  	p2 =	seq.s32 s10, $0x1;
	s10 =	sld [smem:$0x3FAB]  }
0x3d: {  	_ =	shalt  }
0x3e: {  	_ =	shalt  }
0x3f: {  	_ =	shalt  }
0x40: {  	_ =	shalt  }
0x41: {  	_ =	shalt  }
0x42: {  	_ =	shalt  }
0x43: {  	_ =	shalt  }
0x44: {  	_ =	shalt  }
0x45: {  	_ =	shalt  }
0x46: {  	_ =	shalt  }
0x47: {  	_ =	shalt  }
0x48: {  	_ =	shalt  }
0x49: {  	_ =	shalt  }
0x4a: {  	_ =	shalt  }
0x4b: {  	_ =	shalt  }
0x4c: {  	_ =	shalt  }
0x4d: {  	_ =	shalt  }
0x4e: {  	_ =	shalt  }
0x4f: {  	_ =	shalt  }
0x50: {  	_ =	shalt  }
0x51: {  	_ =	shalt  }
0x52: {  	_ =	shalt  }
0x53: {  	_ =	shalt  }
0x54: {  	_ =	shalt  }
0x55: {  	_ =	shalt  }
0x56: {  	_ =	shalt  }
0x57: {  	_ =	shalt  }
0x58: {  	_ =	shalt  }
0x59: {  	_ =	shalt  }
0x5a: {  	_ =	shalt  }
0x5b: {  	_ =	shalt  }
0x5c: {  	_ =	shalt  }
0x5d: {  	_ =	shalt  }
0x5e: {  	_ =	shalt  }
0x5f: {  	_ =	shalt  }
0x60: {  	_ =	shalt  }
0x61: {  	_ =	shalt  }
0x62: {  	_ =	shalt  }
0x63: {  	_ =	shalt  }
0x64: {  	_ =	shalt  }
0x65: {  	_ =	shalt  }
0x66: {  	_ =	shalt  }
0x67: {  	_ =	shalt  }
0x68: {  	_ =	shalt  }
0x69: {  	_ =	shalt  }
0x6a: {  	_ =	shalt  }
0x6b: {  	_ =	shalt  }
0x6c: {  	_ =	shalt  }
0x6d: {  	_ =	shalt  }
0x6e: {  	_ =	shalt  }
0x6f: {  	_ =	shalt  }
0x70: {  	_ =	shalt  }
0x71: {  	_ =	shalt  }
0x72: {  	_ =	shalt  }
0x73: {  	_ =	shalt  }
0x74: {  	_ =	shalt  }
0x75: {  	_ =	shalt  }
0x76: {  	_ =	shalt  }
0x77: {  	_ =	shalt  }
0x78: {  	_ =	shalt  }
0x79: {  	_ =	shalt  }
0x7a: {  	_ =	shalt  }
0x7b: {  	_ =	shalt  }
0x7c: {  	_ =	shalt  }
0x7d: {  	_ =	shalt  }
0x7e: {  	_ =	shalt  }
0x7f: {  	_ =	shalt  }
0x80: {  	_ =	shalt  }
0x81: {  	_ =	shalt  }
0x82: {  	_ =	shalt  }
0x83: {  	_ =	shalt  }
0x84: {  	_ =	shalt  }
0x85: {  	_ =	shalt  }
0x86: {  	_ =	shalt  }
0x87: {  	_ =	shalt  }
.Lfunc_end0:
.L_simem_size_0:
called_computation.1_lowered:
.L_overlay_start_0:
0x88: {  	s2 =	sld [smem:$0x3FD9]  }
0x89: {  	s3 =	sld [smem:$0x3FFE];
	_ =	sdelay $0x1  }
0x8a: {  	s1 =	srdreg.scid  }
0x8b: {  	s0 =	sand.u32 $0x1, s1  }
0x8c: {  	s16 =	sshll.u32 s0, $0xA;
	s2 =	sadd.s32 s3, s2  }
0x8d: {  	s2 =	sadd.s32 s2, s16  }
0x8e: {  	[smem:$0x3FB7] =	sst s2  }
0x8f: {  	_ = 	snop  }
0x90: {  	(tm) =	ssettm $0x1  }
0x91: {  	s17 =	sld [smem:$0x3FFB];
	_ =	sdelay $0x3  }
0x92: {  	_ =	strace s17  }
0x93: {  	s2 =	sld [smem:$0x3FFC];
	_ =	sdelay $0x3  }
0x94: {  	_ =	strace s2  }
0x95: {  	s2 =	sld [smem:$0x3FFD];
	_ =	sdelay $0x3  }
0x96: {  	_ =	strace s2  }
0x97: {  	_ =	strace $0x8FFFFFFF  }
0x98: {  	s18 =	sld [smem:$0x3FDB];
	_ =	sdelay $0x1  }
0x99: {  	s19 =	simm.s32 $_scs_section_size  }
0x9a: {  	s4 =	simm.s32 $_size__tile_overlayer_lowered;
	s5 =	simm.s32 $_tile_overlayer_lowered  }
0x9b: {  	s22 =	simm.s32 $0x1BFF;
	s21 =	sshll.u32 s5, $0x1;
	s2 =	sadd.s32 s19, s18  }
0x9c: {  	s6 =	simm.s32 $0x0;
	s20 =	sshll.u32 s4, $0x1;
	s4 =	sadd.s32 s21, s2  }
0x9d: {  	[timem:s6], [sflag:s22] =	dma.local [hbm:s4], s20  }
0x9e: {  	_ =	swait.ge [sflag:s22], s20  }
0x9f: {  	s3 =	ssub.s32 $0x0, s20;
	[sflag:s22] =	ssyncset.done $0x0  }
0xa0: {  	[sflag:s22] =	ssyncadd.s32 s3;
	_ =	sdelay $0x1  }
0xa1: {  	s23 =	simm.s32 $0x1B8B  }
0xa2: {  	_ =	swait.ge [sflag:s23], $0x1  }
0xa3: {  	[sflag:s23] =	ssyncset.done $0x0  }
0xa4: {  	s25 =	simm.s32 $0x1B8E;
	s24 =	sld [smem:$0x3FFE];
	[sflag:s23] =	ssyncadd.s32 $0xFFFFFFFF  }
0xa5: {  	s26 =	simm.s32 $execute0_lowered;
	[smem:$0x3FD2] =	sst s25  }
0xa6: {  	s4 =	sshll.u32 s26, $0x1;
	_ =	strace $0x80000049;
	[dreg:$0x1] =	wrdreg $0xFFFFFFFF  }
0xa7: {  	s28 =	simm.s32 $_size_execute0_lowered;
	s2 =	sadd.s32 s2, s4;
	[dreg:$0x0] =	wrdreg $0x0  }
0xa8: {  	s4 =	sshll.u32 s28, $0x1;
	[dreg:$0x2] =	wrdreg s2  }
0xa9: {  	[dreg:$0x3] =	wrdreg s4  }
0xaa: {  	[dreg:$0x4] =	wrdreg $0xC0  }
0xab: {  	_ =	task [dreg:s6], $0x5FFFF  }
0xac: {  	[dreg:$0x1] =	wrdreg $0xFFFFFFFF  }
0xad: {  	[dreg:$0x0] =	wrdreg $0x60  }
0xae: {  	[dreg:$0x2] =	wrdreg s24  }
0xaf: {  	[dreg:$0x3] =	wrdreg $0x50000  }
0xb0: {  	[dreg:$0x4] =	wrdreg $0xEE000  }
0xb1: {  	[dreg:$0x5] =	wrdreg $0x9  }
0xb2: {  	_ =	task.clear_ibuf [dreg:s6], $0x6FFFF;
	_ =	strace $0x90000049  }
0xb3: {  	s29 =	simm.s32 $0x9;
	_ =	strace $0x8000004B  }
0xb4: {  	_ =	swait.ge [sflag:s29], $0x1  }
0xb5: {  	[sflag:s29] =	ssyncadd.s32 $0xFFFFFFFF  }
0xb6: {  	_ =	strace $0x9000004B  }
0xb7: {  	_ =	sfence  }
0xb8: {  	s30 =	sld [smem:$0x0];
	_ =	sdelay $0x2  }
0xb9: {  	s31 =	sshll.u32 s1, $0xD;
	s1 =	sshrl.u32 s1, $0x2  }
0xba: {  	s3 =	sand.u32 $0x4000, s31;
	s1 =	sadd.s32 s1, s30  }
0xbb: {  	s0 =	sor.u32 s3, s0;
	s1 =	sshll.u32 s1, $0x11  }
0xbc: {  	s0 =	sor.u32 s1, s0  }
0xbd: {  	s0 =	sadd.s32 $0x8F2B, s0  }
0xbe: {  	[sflag:s0] =	ssyncadd.remote.s32 $0x1  }
0xbf: {  	_ =	sfence.sel $0xFFFF  }
0xc0: {  	[dreg:$0x0] =	wrdreg $0xFFFFFFFF;
	(pc) =	sbr.abs _section_cstart, $3  }
0xc1: {  	[dreg:$0x1] =	wrdreg $0xFFFFFFFF  }
0xc2: {  	_ =	task.clear_ibuf [dreg:s6], $0x2FFFF;
	_ =	strace $0x9FFFFFFF  }
0xc3: {  	(tm) =	ssettm $0x7FFFFFFF  }
tec
execute0_lowered:
.L_overlay_start_1:
0x0: {  	(tag) =	ssettag $0x1  }
0x1: {  	s5 =	rddreg [dreg:$0x0]  }
0x2: {  	s2 =	rddreg [dreg:$0x1]  }
0x3: {  	s3 =	rddreg [dreg:$0x2];
	s4 =	srdreg.scid  }
0x4: {  	s0 =	rddreg [dreg:$0x3];
	s1 =	stileid.u32;
	s16 =	simm.s32 $0x80  }
0x5: {  	s17 =	simm.s32 $0x18C00;
	s18 =	simm.s32 $0x1AC00;
	s19 =	simm.s32 $0x1  }
0x6: {  	s20 =	simm.s32 $0x2;
	s21 =	simm.s32 $0x3;
	s22 =	simm.s32 $0x4  }
0x7: {  	s23 =	simm.s32 $0x0;
	s6 =	sand.u32 $0x1, s4;
	s4 =	simm.s32 $0x0  }
0x8: {  	s7 =	smul.u32 $0x9E00, s1;
	s31 =	sshll.u32 s1, $0x6;
	s8 =	sshll.u32 s6, $0x4  }
0x9: {  	[smem:$0x7FF] =	sst s4;
	s9 =	smul.u32 $0x9E000, s6;
	s6 =	ssub.s32 $0x2, s6  }
0xa: {  	s8 =	sor.u32 s1, s8;
	_ =	strace $0x8000004A;
	s10 =	sshrl.u32 s7, $0x3  }
0xb: {  	s30 =	sshrl.u32 s6, $0x1;
	s14 =	sadd.s32 s7, s2;
	s15 =	sadd.s32 s7, s3  }
0xc: {  	s8 =	smul.u32 $0x500, s8;
	s10 =	sadd.s32 s10, s5;
	s9 =	sadd.s32 s7, s9  }
0xd: {  	s13 =	ssub.s32 s6, s30;
	s6 =	sor.u32 $0x1C05, s31;
	s29 =	sshrl.u32 s9, $0x3  }
0xe: {  	s7 =	sadd.s32 $0x43200, s10;
	s11 =	sadd.s32 s8, s5;
	s12 =	sadd.s32 s29, s5  }
0xf: {  	s5 =	sadd.s32 $0x2600, s10;
	s8 =	sadd.s32 $0x2F200, s11;
	s9 =	sadd.s32 $0x39200, s11  }
0x10: {  	s10 =	sadd.s32 $0x56E00, s12;
	s11 =	smax.u32 s13, $0x1;
	s12 =	sshrl.u32 s14, $0x3  }
0x11: {  	s13 =	simm.s32 $0x5;
	s14 =	sshrl.u32 s15, $0x3;
	s15 =	simm.s32 $0x2800  }
.LBB2_1:
0x12: {  	[spmem:s12], [sflag:s6] =	dma.local [hbm:s5], $0x13C0  }
0x13: {  	_ =	swait.ge [sflag:s13], $0x13C0  }
0x14: {  	[sflag:s13] =	ssyncset.done $0x0  }
0x15: {  	[sflag:s13] =	ssyncadd.s32 $0xFFFFEC40  }
0x16: {  	[spmem:s14], [sflag:s6] =	dma.local [hbm:s7], $0x13C0  }
0x17: {  	_ =	swait.ge [sflag:s13], $0x13C0  }
0x18: {  	[sflag:s13] =	ssyncset.done $0x0  }
0x19: {  	[sflag:s13] =	ssyncadd.s32 $0xFFFFEC40  }
0x1a: {  	[tilespmem:s4], [sflag:$0x5] =	stream.linear.gather [hbm4b:s8+s4], $0x2800, $0x38;
	[tilespmem:$0x1CC00] =	vst v63  }
0x1b: {  	_ =	swait.ge [sflag:s13], $0x2800  }
0x1c: {  	[sflag:s13] =	ssyncset.done $0x0  }
0x1d: {  	[sflag:s13] =	ssyncadd.s32 $0xFFFFD800  }
0x1e: {  	[tilespmem:s15], [sflag:$0x5] =	stream.linear.gather [hbm4b:s9+s4], $0x2800, $0x38;
	[tilespmem:$0x1CC00] =	vst v63  }
0x1f: {  	_ =	swait.ge [sflag:s13], $0x2800  }
0x20: {  	[sflag:s13] =	ssyncset.done $0x0  }
0x21: {  	[sflag:s13] =	ssyncadd.s32 $0xFFFFD800  }
0x22: {  	s24 =	simm.s32 $0x0;
	[bflag:$0x0] =	sbarrier.arrive $0xFFFF  }
0x23: {  	[tilespmem:s17], [sflag:$0x1] =	stream.indirect.gather [spmem:s3], $0x40, s24, s16, $0xb8;
	[tilespmem:$0x1CC00] =	vst v63  }
0x24: {  	s29 =	simm.s32 $0x80  }
0x25: {  	[tilespmem:s18], [sflag:$0x2] =	stream.indirect.gather [spmem:s3], $0x40, s29, s16, $0xb8;
	[tilespmem:$0x1CC00] =	vst v63  }
0x26: {  	_ =	swait.ge [sflag:s19], $0x2000  }
0x27: {  	[sflag:s19] =	ssyncset.done $0x0  }
0x28: {  	[sflag:s19] =	ssyncadd.s32 $0xFFFFE000  }
0x29: {  	_ =	swait.ge [sflag:s20], $0x2000  }
0x2a: {  	[sflag:s20] =	ssyncset.done $0x0  }
0x2b: {  	s30 =	simm.s32 $0x2800;
	[sflag:s20] =	ssyncadd.s32 $0xFFFFE000  }
0x2c: {  	[spmem:s2] =	stream.indirect.scatter.add.f32 [tilespmem:s17], [sflag:$0x3], $0x40, s30, s16, $0xb8;
	[tilespmem:$0x1CC00] =	vst v63  }
0x2d: {  	s31 =	simm.s32 $0x2880  }
0x2e: {  	[spmem:s2] =	stream.indirect.scatter.add.f32 [tilespmem:s18], [sflag:$0x4], $0x40, s31, s16, $0xb8;
	[tilespmem:$0x1CC00] =	vst v63  }
0x2f: {  	_ =	swait.ge [sflag:s21], $0x2000  }
0x30: {  	[sflag:s21] =	ssyncset.done $0x0  }
0x31: {  	[sflag:s21] =	ssyncadd.s32 $0xFFFFE000  }
0x32: {  	_ =	swait.ge [sflag:s22], $0x2000  }
0x33: {  	s25 =	simm.s32 $0x800;
	s24 =	simm.s32 $0x400;
	[sflag:s22] =	ssyncset.done $0x0  }
.LBB2_2:
0x34: {  	s26 =	sshra.s32 s24, $0x2  }
0x35: {  	[sflag:s22] =	ssyncadd.s32 $0xFFFFE000;
	s24 =	smov.u32 s25;
	s28 =	sadd.s32 $0x400, s25  }
0x36: {  	[tilespmem:s17], [sflag:$0x1] =	stream.indirect.gather [spmem:s3], $0x40, s26, s16, $0xb8;
	[tilespmem:$0x1CC00] =	vst v63  }
0x37: {  	p0 =	sne.s32 s25, $0x9C00;
	s25 =	sadd.s32 $0x80, s26  }
0x38: {  	[tilespmem:s18], [sflag:$0x2] =	stream.indirect.gather [spmem:s3], $0x40, s25, s16, $0xb8;
	[tilespmem:$0x1CC00] =	vst v63  }
0x39: {  	_ =	swait.ge [sflag:s19], $0x2000  }
0x3a: {  	[sflag:s19] =	ssyncset.done $0x0  }
0x3b: {  	[sflag:s19] =	ssyncadd.s32 $0xFFFFE000  }
0x3c: {  	_ =	swait.ge [sflag:s20], $0x2000  }
0x3d: {  	[sflag:s20] =	ssyncset.done $0x0  }
0x3e: {  	s25 =	sadd.s32 $0x2800, s26;
	[sflag:s20] =	ssyncadd.s32 $0xFFFFE000  }
0x3f: {  	[spmem:s2] =	stream.indirect.scatter.add.f32 [tilespmem:s17], [sflag:$0x3], $0x40, s25, s16, $0xb8;
	[tilespmem:$0x1CC00] =	vst v63  }
0x40: {  	s25 =	sadd.s32 $0x2880, s26  }
0x41: {  	[spmem:s2] =	stream.indirect.scatter.add.f32 [tilespmem:s18], [sflag:$0x4], $0x40, s25, s16, $0xb8;
	[tilespmem:$0x1CC00] =	vst v63  }
.Ltmp0:
0x42: {  	_ =	swait.ge [sflag:s21], $0x2000;
	(pc) =	sbr.rel @p0 .LBB2_2-.Ltmp0, $4  }
0x43: {  	[sflag:s21] =	ssyncset.done $0x0  }
0x44: {  	[sflag:s21] =	ssyncadd.s32 $0xFFFFE000  }
0x45: {  	_ =	swait.ge [sflag:s22], $0x2000  }
0x46: {  	s25 =	smov.u32 s28;
	[sflag:s22] =	ssyncset.done $0x0  }
0x47: {  	s24 =	sshra.s32 s24, $0x2;
	[sflag:s22] =	ssyncadd.s32 $0xFFFFE000  }
0x48: {  	[tilespmem:s17], [sflag:$0x1] =	stream.indirect.gather [spmem:s3], $0x40, s24, s16, $0xb8;
	[tilespmem:$0x1CC00] =	vst v63  }
0x49: {  	s25 =	sadd.s32 $0x80, s24  }
0x4a: {  	[tilespmem:s18], [sflag:$0x2] =	stream.indirect.gather [spmem:s3], $0x40, s25, s16, $0xb8;
	[tilespmem:$0x1CC00] =	vst v63  }
0x4b: {  	_ =	swait.ge [sflag:s19], $0x2000  }
0x4c: {  	[sflag:s19] =	ssyncset.done $0x0  }
0x4d: {  	[sflag:s19] =	ssyncadd.s32 $0xFFFFE000  }
0x4e: {  	_ =	swait.ge [sflag:s20], $0x2000  }
0x4f: {  	[sflag:s20] =	ssyncset.done $0x0  }
0x50: {  	s31 =	sadd.s32 $0x2800, s24;
	[sflag:s20] =	ssyncadd.s32 $0xFFFFE000  }
0x51: {  	[spmem:s2] =	stream.indirect.scatter.add.f32 [tilespmem:s17], [sflag:$0x3], $0x40, s31, s16, $0xb8;
	[tilespmem:$0x1CC00] =	vst v63  }
0x52: {  	s24 =	sadd.s32 $0x2880, s24  }
0x53: {  	[spmem:s2] =	stream.indirect.scatter.add.f32 [tilespmem:s18], [sflag:$0x4], $0x40, s24, s16, $0xb8;
	[tilespmem:$0x1CC00] =	vst v63  }
0x54: {  	_ =	swait.ge [sflag:s21], $0x2000  }
0x55: {  	[sflag:s21] =	ssyncset.done $0x0  }
0x56: {  	[sflag:s21] =	ssyncadd.s32 $0xFFFFE000  }
0x57: {  	_ =	swait.ge [sflag:s22], $0x2000  }
0x58: {  	s23 =	sadd.s32 $0x1, s23;
	[sflag:s22] =	ssyncset.done $0x0  }
0x59: {  	p0 =	sne.s32 s23, s11;
	[sflag:s22] =	ssyncadd.s32 $0xFFFFE000  }
.Ltmp1:
0x5a: {  	[bflag:$0x0] =	sbarrier.arrive $0xFFFF;
	(pc) =	sbr.rel @p0 .LBB2_1-.Ltmp1, $4  }
0x5b: {  	[hbm:s10], [sflag:s6] =	dma.local [spmem:s12], $0x13C0  }
0x5c: {  	_ =	swait.ge [sflag:s13], $0x13C0  }
0x5d: {  	[sflag:s13] =	ssyncset.done $0x0  }
0x5e: {  	[sflag:s13] =	ssyncadd.s32 $0xFFFFEC40  }
0x5f: {  	_ =	sfence.sel $0x180000  }
0x60: {  	[bflag:$0x0] =	sbarrier.arrive $0xFFFF  }
0x61: {  	p0 =	sne.s32 s1, $0x0;
	_ =	strace $0x9000004A  }
0x62: {  	s0 =	sadd.s32 @!p0 $0x100000, s0;
	[bflag:$0x2] =	sbarrier.arrive $0xFFFF  }
0x63: {  	[sflag:s0] =	ssyncadd.tile.s32 @!p0 $0x1;
	_ =	shalt  }
.Lfunc_end2:
_tile_overlayer_lowered:
.L_overlay_start_2:
0x64: {  	(tag) =	ssettag $0x2  }
0x65: {  	s0 =	rddreg [dreg:$0x0];
	s2 =	stileid.u32  }
0x66: {  	s1 =	rddreg [dreg:$0x1];
	p0 =	sne.s32 s2, $0x0  }
0x67: {  	s3 =	rddreg [dreg:$0x2];
	[bflag:$0x3] =	sbarrier.arrive $0xFFFF;
	s2 =	simm.s32 @!p0 $0x1C05  }
0x68: {  	[timem:s3], [sflag:s2] =	dma.local @!p0 [hbm:s0], s1  }
0x69: {  	s0 =	simm.s32 @!p0 $0x5  }
0x6a: {  	_ =	swait.ge @!p0 [sflag:s0], s1  }
0x6b: {  	s1 =	ssub.s32 @!p0 $0x0, s1;
	[sflag:s0] =	ssyncset.done @!p0 $0x0  }
0x6c: {  	[sflag:s0] =	ssyncadd.s32 @!p0 s1  }
0x6d: {  	[bflag:$0x3] =	sbarrier.arrive $0xFFFF  }
0x6e: {  	_ =	shalt  }

// kernel: kernel.20.cloned.1.call-start
scs
__scs_entry_jumppad:
0x0: {  	(pc) =	sbr.rel $0x88, $3  }
0x1: {  	(tag) =	ssettag $0x0;
	lr =	simm.s32 $0x1  }
0x2: {  	[smem:$0x3F90] =	sst lr;
	_ =	strace $0xD0000000  }
0x3: {  	_ = 	snop  }
0x4: {  	_ = 	snop  }
0x5: {  	_ = 	snop  }
0x6: {  	_ = 	snop  }
0x7: {  	_ = 	snop  }
__scs_overlays_trampoline_lowered:
0x8: {  	[smem:$0x3F9F] =	sst s0  }
0x9: {  	[smem:$0x3FA0] =	sst s1  }
0xa: {  	[smem:$0x3FA1] =	sst s2  }
0xb: {  	[smem:$0x3FA2] =	sst s3  }
0xc: {  	[smem:$0x3FA3] =	sst s4  }
0xd: {  	[smem:$0x3FA4] =	sst s5  }
0xe: {  	[smem:$0x3FA5] =	sst s6  }
0xf: {  	[smem:$0x3FA6] =	sst s7  }
0x10: {  	[smem:$0x3FA7] =	sst s8  }
0x11: {  	[smem:$0x3FA8] =	sst s9;
	s0 =	simm.s32 @!p0 $0x0  }
0x12: {  	s1 =	sld [smem:$0x3F8E];
	s0 =	simm.s32 @p0 $0x1  }
0x13: {  	[smem:$0x3FA9] =	sst s0;
	s0 =	simm.s32 @!p1 $0x0  }
0x14: {  	s2 =	sld [smem:$0x3F8D];
	s0 =	simm.s32 @p1 $0x1  }
0x15: {  	[smem:$0x3FAA] =	sst s0;
	s0 =	simm.s32 @!p2 $0x0  }
0x16: {  	s3 =	sld [smem:$0x3FDB];
	s0 =	simm.s32 @p2 $0x1  }
0x17: {  	s4 =	simm.s32 $0x1BF5;
	[smem:$0x3FAC] =	sst s0  }
0x18: {  	s0 =	sld [smem:$0x3F8F];
	_ =	swait.ge [sflag:s4], $0x0  }
0x19: {  	s7 =	sld [smem:$0x3F90]  }
0x1a: {  	s8 =	sadd.s32 $0xFFFFE003, lr  }
0x1b: {  	s9 =	sadd.s32 $0xFFFFFEF7, lr;
	s5 =	simm.s32 $0xFFFFFFFF;
	p2 =	slt.u32 s8, $0xFFFFF086  }
0x1c: {  	p1 =	slt.u32 s9, $0xF7A;
	s5 =	simm.s32 @!p2 $0x0  }
0x1d: {  	s5 =	simm.s32 @p1 $0x1;
	p0 =	seq.s32 s7, s2  }
0x1e: {  	s7 =	smul.u32 @!p0 $0xF7A, s2;
	p2 =	seq.s32 @!p0 s5, $0x0  }
0x1f: {  	s9 =	smul.u32 $0xF7A, s1;
	s8 =	simm.s32 @!p0 $0x1BF5;
	p2 =	por !p2, p0  }
0x20: {  	[sflag:s8] =	ssyncset.s32 @!p0 $0xFFFFF086;
	s6 =	sadd.s32 @!p0 s3, s7;
	s7 =	simm.s32 @!p0 $0x108  }
0x21: {  	s3 =	sadd.s32 s3, s9;
	s6 =	sadd.s32 @!p0 $0x88, s6;
	s7 =	simm.s32 @p2 $0x1082  }
0x22: {  	[simem:s7], [sflag:s8] =	dma.local @!p0 [hbm:s6], $0xF7A  }
0x23: {  	s9 =	sor.u32 $0xD0000000, s2;
	s6 =	simm.s32 $0x108;
	_ =	swait.ge @!p0 [sflag:s8], $0x0  }
0x24: {  	s3 =	sadd.s32 $0x88, s3;
	s6 =	simm.s32 @!p1 $0x1082;
	[sflag:s4] =	ssyncset.s32 $0xFFFFF086  }
0x25: {  	[simem:s6], [sflag:s4] =	dma.local [hbm:s3], $0xF7A  }
0x26: {  	[smem:$0x3F90] =	sst s1;
	(tag) =	ssettag s2;
	_ =	strace s9  }
0x27: {  	s1 =	sld [smem:$0x3FA0]  }
0x28: {  	s2 =	sld [smem:$0x3FA1]  }
0x29: {  	s4 =	sld [smem:$0x3FA3]  }
0x2a: {  	p0 =	seq.s32 s5, $0x0;
	s5 =	sld [smem:$0x3FA4]  }
0x2b: {  	s6 =	sld [smem:$0x3FA5]  }
0x2c: {  	s7 =	sld [smem:$0x3FA6]  }
0x2d: {  	s3 =	simm.s32 $0x108;
	s8 =	sld [smem:$0x3FA7]  }
0x2e: {  	s3 =	simm.s32 @!p0 $0x1082;
	s9 =	sld [smem:$0x3FA8]  }
0x2f: {  	lr =	sadd.s32 s0, s3;
	s0 =	sld [smem:$0x3F9F]  }
0x30: {  	s3 =	sld [smem:$0x3FA2]  }
0x31: {  	[smem:$0x3FAB] =	sst s10  }
0x32: {  	s10 =	sld [smem:$0x3FA9];
	_ =	sdelay $0x3  }
0x33: {  	p0 =	seq.s32 s10, $0x1;
	s10 =	sld [smem:$0x3FAB];
	_ =	sdelay $0x3  }
0x34: {  	[smem:$0x3FAB] =	sst s10  }
0x35: {  	s10 =	sld [smem:$0x3FAA];
	_ =	sdelay $0x3  }
0x36: {  	p1 =	seq.s32 s10, $0x1;
	s10 =	sld [smem:$0x3FAB];
	_ =	sdelay $0x3  }
0x37: {  	[smem:$0x3FAB] =	sst s10  }
0x38: {  	s10 =	sld [smem:$0x3FAC]  }
0x39: {  	_ = 	snop;
	(pc) =	sbr.ind lr, $3  }
0x3a: {  	_ = 	snop  }
0x3b: {  	_ = 	snop  }
0x3c: {  	p2 =	seq.s32 s10, $0x1;
	s10 =	sld [smem:$0x3FAB]  }
0x3d: {  	_ =	shalt  }
0x3e: {  	_ =	shalt  }
0x3f: {  	_ =	shalt  }
0x40: {  	_ =	shalt  }
0x41: {  	_ =	shalt  }
0x42: {  	_ =	shalt  }
0x43: {  	_ =	shalt  }
0x44: {  	_ =	shalt  }
0x45: {  	_ =	shalt  }
0x46: {  	_ =	shalt  }
0x47: {  	_ =	shalt  }
0x48: {  	_ =	shalt  }
0x49: {  	_ =	shalt  }
0x4a: {  	_ =	shalt  }
0x4b: {  	_ =	shalt  }
0x4c: {  	_ =	shalt  }
0x4d: {  	_ =	shalt  }
0x4e: {  	_ =	shalt  }
0x4f: {  	_ =	shalt  }
0x50: {  	_ =	shalt  }
0x51: {  	_ =	shalt  }
0x52: {  	_ =	shalt  }
0x53: {  	_ =	shalt  }
0x54: {  	_ =	shalt  }
0x55: {  	_ =	shalt  }
0x56: {  	_ =	shalt  }
0x57: {  	_ =	shalt  }
0x58: {  	_ =	shalt  }
0x59: {  	_ =	shalt  }
0x5a: {  	_ =	shalt  }
0x5b: {  	_ =	shalt  }
0x5c: {  	_ =	shalt  }
0x5d: {  	_ =	shalt  }
0x5e: {  	_ =	shalt  }
0x5f: {  	_ =	shalt  }
0x60: {  	_ =	shalt  }
0x61: {  	_ =	shalt  }
0x62: {  	_ =	shalt  }
0x63: {  	_ =	shalt  }
0x64: {  	_ =	shalt  }
0x65: {  	_ =	shalt  }
0x66: {  	_ =	shalt  }
0x67: {  	_ =	shalt  }
0x68: {  	_ =	shalt  }
0x69: {  	_ =	shalt  }
0x6a: {  	_ =	shalt  }
0x6b: {  	_ =	shalt  }
0x6c: {  	_ =	shalt  }
0x6d: {  	_ =	shalt  }
0x6e: {  	_ =	shalt  }
0x6f: {  	_ =	shalt  }
0x70: {  	_ =	shalt  }
0x71: {  	_ =	shalt  }
0x72: {  	_ =	shalt  }
0x73: {  	_ =	shalt  }
0x74: {  	_ =	shalt  }
0x75: {  	_ =	shalt  }
0x76: {  	_ =	shalt  }
0x77: {  	_ =	shalt  }
0x78: {  	_ =	shalt  }
0x79: {  	_ =	shalt  }
0x7a: {  	_ =	shalt  }
0x7b: {  	_ =	shalt  }
0x7c: {  	_ =	shalt  }
0x7d: {  	_ =	shalt  }
0x7e: {  	_ =	shalt  }
0x7f: {  	_ =	shalt  }
0x80: {  	_ =	shalt  }
0x81: {  	_ =	shalt  }
0x82: {  	_ =	shalt  }
0x83: {  	_ =	shalt  }
0x84: {  	_ =	shalt  }
0x85: {  	_ =	shalt  }
0x86: {  	_ =	shalt  }
0x87: {  	_ =	shalt  }
.Lfunc_end0:
.L_simem_size_0:
called_computation.2_lowered:
.L_overlay_start_0:
0x88: {  	s2 =	sld [smem:$0x3FD9]  }
0x89: {  	s3 =	sld [smem:$0x3FFE];
	_ =	sdelay $0x1  }
0x8a: {  	s1 =	srdreg.scid  }
0x8b: {  	s0 =	sand.u32 $0x1, s1  }
0x8c: {  	s17 =	sshll.u32 s0, $0xA;
	s2 =	sadd.s32 s3, s2  }
0x8d: {  	s2 =	sadd.s32 s2, s17  }
0x8e: {  	[smem:$0x3FB7] =	sst s2  }
0x8f: {  	_ = 	snop  }
0x90: {  	(tm) =	ssettm $0x1  }
0x91: {  	s18 =	sld [smem:$0x3FFB];
	_ =	sdelay $0x3  }
0x92: {  	_ =	strace s18  }
0x93: {  	s2 =	sld [smem:$0x3FFC];
	_ =	sdelay $0x3  }
0x94: {  	_ =	strace s2  }
0x95: {  	s2 =	sld [smem:$0x3FFD];
	_ =	sdelay $0x3  }
0x96: {  	_ =	strace s2  }
0x97: {  	_ =	strace $0x8FFFFFFF  }
0x98: {  	s19 =	sld [smem:$0x3FDB];
	_ =	sdelay $0x1  }
0x99: {  	s20 =	simm.s32 $_scs_section_size  }
0x9a: {  	s4 =	simm.s32 $_size__tile_overlayer_lowered;
	s5 =	simm.s32 $_tile_overlayer_lowered  }
0x9b: {  	s6 =	simm.s32 $0x1BFF;
	s21 =	sshll.u32 s5, $0x1;
	s3 =	sadd.s32 s20, s19  }
0x9c: {  	s22 =	simm.s32 $0x0;
	s4 =	sshll.u32 s4, $0x1;
	s5 =	sadd.s32 s21, s3  }
0x9d: {  	[timem:s22], [sflag:s6] =	dma.local [hbm:s5], s4  }
0x9e: {  	_ =	swait.ge [sflag:s6], s4  }
0x9f: {  	s4 =	ssub.s32 $0x0, s4;
	[sflag:s6] =	ssyncset.done $0x0  }
0xa0: {  	[sflag:s6] =	ssyncadd.s32 s4;
	_ =	sdelay $0x1  }
0xa1: {  	s23 =	simm.s32 $0x1B8B  }
0xa2: {  	_ =	swait.ge [sflag:s23], $0x1  }
0xa3: {  	[sflag:s23] =	ssyncset.done $0x0  }
0xa4: {  	[sflag:s23] =	ssyncadd.s32 $0xFFFFFFFF  }
0xa5: {  	s4 =	sld [smem:$0x0]  }
0xa6: {  	s5 =	sand.u32 $0xFFFFFFFE, s1  }
0xa7: {  	p0 =	sne.s32 s1, s5  }
0xa8: {  	s5 =	sshll.u32 @p0 s5, $0xE  }
0xa9: {  	s5 =	sadd.s32 @p0 $0x11B8D, s5;
	s6 =	sshll.u32 @p0 s4, $0x11  }
0xaa: {  	s5 =	sor.u32 @p0 s6, s5  }
0xab: {  	[sflag:s5] =	ssyncadd.remote.s32 @p0 $0x1;
	_ =	sdelay $0x1  }
0xac: {  	s5 =	simm.s32 @p0 $0x1B8D  }
0xad: {  	_ =	swait.eq @p0 [sflag:s5], $0x1  }
0xae: {  	[sflag:s5] =	ssyncadd.s32 @p0 $0xFFFFFFFF  }
0xaf: {  	s6 =	sshll.u32 @!p0 s1, $0xE  }
0xb0: {  	s6 =	sor.u32 @!p0 $0x4000, s6;
	s5 =	simm.s32 @!p0 $0x1B8D  }
0xb1: {  	s4 =	sshll.u32 @!p0 s4, $0x11;
	s6 =	sadd.s32 @!p0 $0x11B8D, s6;
	_ =	swait.eq @!p0 [sflag:s5], $0x1  }
0xb2: {  	s4 =	sor.u32 @!p0 s4, s6;
	[sflag:s5] =	ssyncadd.s32 @!p0 $0xFFFFFFFF  }
0xb3: {  	s25 =	simm.s32 $0x1B8E;
	s24 =	sld [smem:$0x3FFE];
	[sflag:s4] =	ssyncadd.remote.s32 @!p0 $0x1  }
0xb4: {  	s26 =	simm.s32 $execute0_lowered;
	[smem:$0x3FD2] =	sst s25  }
0xb5: {  	s5 =	sshll.u32 s26, $0x1;
	_ =	strace $0x8000004F;
	[dreg:$0x1] =	wrdreg $0xFFFFFFFF  }
0xb6: {  	s28 =	simm.s32 $_size_execute0_lowered;
	s3 =	sadd.s32 s3, s5;
	[dreg:$0x0] =	wrdreg $0x0  }
0xb7: {  	s5 =	sshll.u32 s28, $0x1;
	[dreg:$0x2] =	wrdreg s3  }
0xb8: {  	[dreg:$0x3] =	wrdreg s5  }
0xb9: {  	[dreg:$0x4] =	wrdreg $0xC0  }
0xba: {  	_ =	task [dreg:s22], $0x5FFFF  }
0xbb: {  	[dreg:$0x1] =	wrdreg $0xFFFFFFFF  }
0xbc: {  	[dreg:$0x0] =	wrdreg $0x60  }
0xbd: {  	[dreg:$0x2] =	wrdreg s24  }
0xbe: {  	[dreg:$0x3] =	wrdreg $0x50000  }
0xbf: {  	[dreg:$0x4] =	wrdreg $0xEE000  }
0xc0: {  	[dreg:$0x5] =	wrdreg $0x9  }
0xc1: {  	_ =	task.clear_ibuf [dreg:s22], $0x6FFFF;
	_ =	strace $0x9000004F  }
0xc2: {  	s29 =	simm.s32 $0x9;
	_ =	strace $0x80000051  }
0xc3: {  	_ =	swait.ge [sflag:s29], $0x1  }
0xc4: {  	[sflag:s29] =	ssyncadd.s32 $0xFFFFFFFF  }
0xc5: {  	_ =	strace $0x90000051  }
0xc6: {  	_ =	sfence  }
0xc7: {  	s30 =	sld [smem:$0x0];
	_ =	sdelay $0x2  }
0xc8: {  	s31 =	sshll.u32 s1, $0xD;
	s1 =	sshrl.u32 s1, $0x2  }
0xc9: {  	s4 =	sand.u32 $0x4000, s31;
	s1 =	sadd.s32 s1, s30  }
0xca: {  	s0 =	sor.u32 s4, s0;
	s1 =	sshll.u32 s1, $0x11  }
0xcb: {  	s0 =	sor.u32 s1, s0  }
0xcc: {  	s0 =	sadd.s32 $0x8F2B, s0  }
0xcd: {  	[sflag:s0] =	ssyncadd.remote.s32 $0x1  }
0xce: {  	_ =	sfence.sel $0xFFFF  }
0xcf: {  	[dreg:$0x0] =	wrdreg $0xFFFFFFFF;
	(pc) =	sbr.abs _section_cstart, $3  }
0xd0: {  	[dreg:$0x1] =	wrdreg $0xFFFFFFFF  }
0xd1: {  	_ =	task.clear_ibuf [dreg:s22], $0x2FFFF;
	_ =	strace $0x9FFFFFFF  }
0xd2: {  	(tm) =	ssettm $0x7FFFFFFF  }
0xd3: {  	_ =	shalt  }
tec
execute0_lowered:
.L_overlay_start_1:
0x0: {  	(tag) =	ssettag $0x1  }
0x1: {  	s5 =	rddreg [dreg:$0x0]  }
0x2: {  	s2 =	rddreg [dreg:$0x1]  }
0x3: {  	s3 =	rddreg [dreg:$0x2];
	s4 =	srdreg.scid  }
0x4: {  	s0 =	rddreg [dreg:$0x3];
	s1 =	stileid.u32;
	s16 =	simm.s32 $0x80  }
0x5: {  	s17 =	simm.s32 $0x18C00;
	s18 =	simm.s32 $0x1AC00;
	s19 =	simm.s32 $0x1  }
0x6: {  	s20 =	simm.s32 $0x2;
	s21 =	simm.s32 $0x3;
	s22 =	simm.s32 $0x4  }
0x7: {  	s23 =	simm.s32 $0x0;
	s6 =	sand.u32 $0x1, s4;
	s4 =	simm.s32 $0x0  }
0x8: {  	s7 =	smul.u32 $0x9E00, s1;
	s31 =	sshll.u32 s1, $0x6;
	s8 =	sshll.u32 s6, $0x4  }
0x9: {  	[smem:$0x7FF] =	sst s4;
	s9 =	smul.u32 $0x9E000, s6;
	s6 =	ssub.s32 $0x2, s6  }
0xa: {  	s8 =	sor.u32 s1, s8;
	_ =	strace $0x80000050;
	s10 =	sshrl.u32 s7, $0x3  }
0xb: {  	s30 =	sshrl.u32 s6, $0x1;
	s14 =	sadd.s32 s7, s2;
	s15 =	sadd.s32 s7, s3  }
0xc: {  	s8 =	smul.u32 $0x500, s8;
	s10 =	sadd.s32 s10, s5;
	s9 =	sadd.s32 s7, s9  }
0xd: {  	s13 =	ssub.s32 s6, s30;
	s6 =	sor.u32 $0x1C05, s31;
	s29 =	sshrl.u32 s9, $0x3  }
0xe: {  	s7 =	sadd.s32 $0x43200, s10;
	s11 =	sadd.s32 s8, s5;
	s12 =	sadd.s32 s29, s5  }
0xf: {  	s5 =	sadd.s32 $0x2600, s10;
	s8 =	sadd.s32 $0x2F200, s11;
	s9 =	sadd.s32 $0x39200, s11  }
0x10: {  	s10 =	sadd.s32 $0x56E00, s12;
	s11 =	smax.u32 s13, $0x1;
	s12 =	sshrl.u32 s14, $0x3  }
0x11: {  	s13 =	simm.s32 $0x5;
	s14 =	sshrl.u32 s15, $0x3;
	s15 =	simm.s32 $0x2800  }
.LBB2_1:
0x12: {  	[spmem:s12], [sflag:s6] =	dma.local [hbm:s5], $0x13C0  }
0x13: {  	_ =	swait.ge [sflag:s13], $0x13C0  }
0x14: {  	[sflag:s13] =	ssyncset.done $0x0  }
0x15: {  	[sflag:s13] =	ssyncadd.s32 $0xFFFFEC40  }
0x16: {  	[spmem:s14], [sflag:s6] =	dma.local [hbm:s7], $0x13C0  }
0x17: {  	_ =	swait.ge [sflag:s13], $0x13C0  }
0x18: {  	[sflag:s13] =	ssyncset.done $0x0  }
0x19: {  	[sflag:s13] =	ssyncadd.s32 $0xFFFFEC40  }
0x1a: {  	[tilespmem:s4], [sflag:$0x5] =	stream.linear.gather [hbm4b:s8+s4], $0x2800, $0x38;
	[tilespmem:$0x1CC00] =	vst v63  }
0x1b: {  	_ =	swait.ge [sflag:s13], $0x2800  }
0x1c: {  	[sflag:s13] =	ssyncset.done $0x0  }
0x1d: {  	[sflag:s13] =	ssyncadd.s32 $0xFFFFD800  }
0x1e: {  	[tilespmem:s15], [sflag:$0x5] =	stream.linear.gather [hbm4b:s9+s4], $0x2800, $0x38;
	[tilespmem:$0x1CC00] =	vst v63  }
0x1f: {  	_ =	swait.ge [sflag:s13], $0x2800  }
0x20: {  	[sflag:s13] =	ssyncset.done $0x0  }
0x21: {  	[sflag:s13] =	ssyncadd.s32 $0xFFFFD800  }
0x22: {  	s24 =	simm.s32 $0x0;
	[bflag:$0x0] =	sbarrier.arrive $0xFFFF  }
0x23: {  	[tilespmem:s17], [sflag:$0x1] =	stream.indirect.gather [spmem:s3], $0x40, s24, s16, $0xb8;
	[tilespmem:$0x1CC00] =	vst v63  }
0x24: {  	s29 =	simm.s32 $0x80  }
0x25: {  	[tilespmem:s18], [sflag:$0x2] =	stream.indirect.gather [spmem:s3], $0x40, s29, s16, $0xb8;
	[tilespmem:$0x1CC00] =	vst v63  }
0x26: {  	_ =	swait.ge [sflag:s19], $0x2000  }
0x27: {  	[sflag:s19] =	ssyncset.done $0x0  }
0x28: {  	[sflag:s19] =	ssyncadd.s32 $0xFFFFE000  }
0x29: {  	_ =	swait.ge [sflag:s20], $0x2000  }
0x2a: {  	[sflag:s20] =	ssyncset.done $0x0  }
0x2b: {  	s30 =	simm.s32 $0x2800;
	[sflag:s20] =	ssyncadd.s32 $0xFFFFE000  }
0x2c: {  	[spmem:s2] =	stream.indirect.scatter.add.f32 [tilespmem:s17], [sflag:$0x3], $0x40, s30, s16, $0xb8;
	[tilespmem:$0x1CC00] =	vst v63  }
0x2d: {  	s31 =	simm.s32 $0x2880  }
0x2e: {  	[spmem:s2] =	stream.indirect.scatter.add.f32 [tilespmem:s18], [sflag:$0x4], $0x40, s31, s16, $0xb8;
	[tilespmem:$0x1CC00] =	vst v63  }
0x2f: {  	_ =	swait.ge [sflag:s21], $0x2000  }
0x30: {  	[sflag:s21] =	ssyncset.done $0x0  }
0x31: {  	[sflag:s21] =	ssyncadd.s32 $0xFFFFE000  }
0x32: {  	_ =	swait.ge [sflag:s22], $0x2000  }
0x33: {  	s25 =	simm.s32 $0x800;
	s24 =	simm.s32 $0x400;
	[sflag:s22] =	ssyncset.done $0x0  }
.LBB2_2:
0x34: {  	s26 =	sshra.s32 s24, $0x2  }
0x35: {  	[sflag:s22] =	ssyncadd.s32 $0xFFFFE000;
	s24 =	smov.u32 s25;
	s28 =	sadd.s32 $0x400, s25  }
0x36: {  	[tilespmem:s17], [sflag:$0x1] =	stream.indirect.gather [spmem:s3], $0x40, s26, s16, $0xb8;
	[tilespmem:$0x1CC00] =	vst v63  }
0x37: {  	p0 =	sne.s32 s25, $0x9C00;
	s25 =	sadd.s32 $0x80, s26  }
0x38: {  	[tilespmem:s18], [sflag:$0x2] =	stream.indirect.gather [spmem:s3], $0x40, s25, s16, $0xb8;
	[tilespmem:$0x1CC00] =	vst v63  }
0x39: {  	_ =	swait.ge [sflag:s19], $0x2000  }
0x3a: {  	[sflag:s19] =	ssyncset.done $0x0  }
0x3b: {  	[sflag:s19] =	ssyncadd.s32 $0xFFFFE000  }
0x3c: {  	_ =	swait.ge [sflag:s20], $0x2000  }
0x3d: {  	[sflag:s20] =	ssyncset.done $0x0  }
0x3e: {  	s25 =	sadd.s32 $0x2800, s26;
	[sflag:s20] =	ssyncadd.s32 $0xFFFFE000  }
0x3f: {  	[spmem:s2] =	stream.indirect.scatter.add.f32 [tilespmem:s17], [sflag:$0x3], $0x40, s25, s16, $0xb8;
	[tilespmem:$0x1CC00] =	vst v63  }
0x40: {  	s25 =	sadd.s32 $0x2880, s26  }
0x41: {  	[spmem:s2] =	stream.indirect.scatter.add.f32 [tilespmem:s18], [sflag:$0x4], $0x40, s25, s16, $0xb8;
	[tilespmem:$0x1CC00] =	vst v63  }
.Ltmp0:
0x42: {  	_ =	swait.ge [sflag:s21], $0x2000;
	(pc) =	sbr.rel @p0 .LBB2_2-.Ltmp0, $4  }
0x43: {  	[sflag:s21] =	ssyncset.done $0x0  }
0x44: {  	[sflag:s21] =	ssyncadd.s32 $0xFFFFE000  }
0x45: {  	_ =	swait.ge [sflag:s22], $0x2000  }
0x46: {  	s25 =	smov.u32 s28;
	[sflag:s22] =	ssyncset.done $0x0  }
0x47: {  	s24 =	sshra.s32 s24, $0x2;
	[sflag:s22] =	ssyncadd.s32 $0xFFFFE000  }
0x48: {  	[tilespmem:s17], [sflag:$0x1] =	stream.indirect.gather [spmem:s3], $0x40, s24, s16, $0xb8;
	[tilespmem:$0x1CC00] =	vst v63  }
0x49: {  	s25 =	sadd.s32 $0x80, s24  }
0x4a: {  	[tilespmem:s18], [sflag:$0x2] =	stream.indirect.gather [spmem:s3], $0x40, s25, s16, $0xb8;
	[tilespmem:$0x1CC00] =	vst v63  }
0x4b: {  	_ =	swait.ge [sflag:s19], $0x2000  }
0x4c: {  	[sflag:s19] =	ssyncset.done $0x0  }
0x4d: {  	[sflag:s19] =	ssyncadd.s32 $0xFFFFE000  }
0x4e: {  	_ =	swait.ge [sflag:s20], $0x2000  }
0x4f: {  	[sflag:s20] =	ssyncset.done $0x0  }
0x50: {  	s31 =	sadd.s32 $0x2800, s24;
	[sflag:s20] =	ssyncadd.s32 $0xFFFFE000  }
0x51: {  	[spmem:s2] =	stream.indirect.scatter.add.f32 [tilespmem:s17], [sflag:$0x3], $0x40, s31, s16, $0xb8;
	[tilespmem:$0x1CC00] =	vst v63  }
0x52: {  	s24 =	sadd.s32 $0x2880, s24  }
0x53: {  	[spmem:s2] =	stream.indirect.scatter.add.f32 [tilespmem:s18], [sflag:$0x4], $0x40, s24, s16, $0xb8;
	[tilespmem:$0x1CC00] =	vst v63  }
0x54: {  	_ =	swait.ge [sflag:s21], $0x2000  }
0x55: {  	[sflag:s21] =	ssyncset.done $0x0  }
0x56: {  	[sflag:s21] =	ssyncadd.s32 $0xFFFFE000  }
0x57: {  	_ =	swait.ge [sflag:s22], $0x2000  }
0x58: {  	s23 =	sadd.s32 $0x1, s23;
	[sflag:s22] =	ssyncset.done $0x0  }
0x59: {  	p0 =	sne.s32 s23, s11;
	[sflag:s22] =	ssyncadd.s32 $0xFFFFE000  }
.Ltmp1:
0x5a: {  	[bflag:$0x0] =	sbarrier.arrive $0xFFFF;
	(pc) =	sbr.rel @p0 .LBB2_1-.Ltmp1, $4  }
0x5b: {  	[hbm:s10], [sflag:s6] =	dma.local [spmem:s12], $0x13C0  }
0x5c: {  	_ =	swait.ge [sflag:s13], $0x13C0  }
0x5d: {  	[sflag:s13] =	ssyncset.done $0x0  }
0x5e: {  	[sflag:s13] =	ssyncadd.s32 $0xFFFFEC40  }
0x5f: {  	_ =	sfence.sel $0x180000  }
0x60: {  	[bflag:$0x0] =	sbarrier.arrive $0xFFFF  }
0x61: {  	p0 =	sne.s32 s1, $0x0;
	_ =	strace $0x90000050  }
0x62: {  	s0 =	sadd.s32 @!p0 $0x100000, s0;
	[bflag:$0x2] =	sbarrier.arrive $0xFFFF  }
0x63: {  	[sflag:s0] =	ssyncadd.tile.s32 @!p0 $0x1;
	_ =	shalt  }
.Lfunc_end2:
_tile_overlayer_lowered:
.L_overlay_start_2:
0x64: {  	(tag) =	ssettag $0x2  }
0x65: {  	s0 =	rddreg [dreg:$0x0];
	s2 =	stileid.u32  }
0x66: {  	s1 =	rddreg [dreg:$0x1];
	p0 =	sne.s32 s2, $0x0  }
0x67: {  	s3 =	rddreg [dreg:$0x2];
	[bflag:$0x3] =	sbarrier.arrive $0xFFFF;
	s2 =	simm.s32 @!p0 $0x1C05  }
0x68: {  	[timem:s3], [sflag:s2] =	dma.local @!p0 [hbm:s0], s1  }
0x69: {  	s0 =	simm.s32 @!p0 $0x5  }
0x6a: {  	_ =	swait.ge @!p0 [sflag:s0], s1  }
0x6b: {  	s1 =	ssub.s32 @!p0 $0x0, s1;
	[sflag:s0] =	ssyncset.done @!p0 $0x0  }
0x6c: {  	[sflag:s0] =	ssyncadd.s32 @!p0 s1  }
0x6d: {  	[bflag:$0x3] =	sbarrier.arrive $0xFFFF  }
0x6e: {  	_ =	shalt  }

// kernel: kernel.23.cloned.1.call-start
scs
__scs_entry_jumppad:
0x0: {  	(pc) =	sbr.rel $0x88, $3  }
0x1: {  	(tag) =	ssettag $0x0;
	lr =	simm.s32 $0x1  }
0x2: {  	[smem:$0x3F90] =	sst lr;
	_ =	strace $0xD0000000  }
0x3: {  	_ = 	snop  }
0x4: {  	_ = 	snop  }
0x5: {  	_ = 	snop  }
0x6: {  	_ = 	snop  }
0x7: {  	_ = 	snop  }
__scs_overlays_trampoline_lowered:
0x8: {  	[smem:$0x3F9F] =	sst s0  }
0x9: {  	[smem:$0x3FA0] =	sst s1  }
0xa: {  	[smem:$0x3FA1] =	sst s2  }
0xb: {  	[smem:$0x3FA2] =	sst s3  }
0xc: {  	[smem:$0x3FA3] =	sst s4  }
0xd: {  	[smem:$0x3FA4] =	sst s5  }
0xe: {  	[smem:$0x3FA5] =	sst s6  }
0xf: {  	[smem:$0x3FA6] =	sst s7  }
0x10: {  	[smem:$0x3FA7] =	sst s8  }
0x11: {  	[smem:$0x3FA8] =	sst s9;
	s0 =	simm.s32 @!p0 $0x0  }
0x12: {  	s1 =	sld [smem:$0x3F8E];
	s0 =	simm.s32 @p0 $0x1  }
0x13: {  	[smem:$0x3FA9] =	sst s0;
	s0 =	simm.s32 @!p1 $0x0  }
0x14: {  	s2 =	sld [smem:$0x3F8D];
	s0 =	simm.s32 @p1 $0x1  }
0x15: {  	[smem:$0x3FAA] =	sst s0;
	s0 =	simm.s32 @!p2 $0x0  }
0x16: {  	s3 =	sld [smem:$0x3FDB];
	s0 =	simm.s32 @p2 $0x1  }
0x17: {  	s4 =	simm.s32 $0x1BF5;
	[smem:$0x3FAC] =	sst s0  }
0x18: {  	s0 =	sld [smem:$0x3F8F];
	_ =	swait.ge [sflag:s4], $0x0  }
0x19: {  	s7 =	sld [smem:$0x3F90]  }
0x1a: {  	s8 =	sadd.s32 $0xFFFFE003, lr  }
0x1b: {  	s9 =	sadd.s32 $0xFFFFFEF7, lr;
	s5 =	simm.s32 $0xFFFFFFFF;
	p2 =	slt.u32 s8, $0xFFFFF086  }
0x1c: {  	p1 =	slt.u32 s9, $0xF7A;
	s5 =	simm.s32 @!p2 $0x0  }
0x1d: {  	s5 =	simm.s32 @p1 $0x1;
	p0 =	seq.s32 s7, s2  }
0x1e: {  	s7 =	smul.u32 @!p0 $0xF7A, s2;
	p2 =	seq.s32 @!p0 s5, $0x0  }
0x1f: {  	s9 =	smul.u32 $0xF7A, s1;
	s8 =	simm.s32 @!p0 $0x1BF5;
	p2 =	por !p2, p0  }
0x20: {  	[sflag:s8] =	ssyncset.s32 @!p0 $0xFFFFF086;
	s6 =	sadd.s32 @!p0 s3, s7;
	s7 =	simm.s32 @!p0 $0x108  }
0x21: {  	s3 =	sadd.s32 s3, s9;
	s6 =	sadd.s32 @!p0 $0x88, s6;
	s7 =	simm.s32 @p2 $0x1082  }
0x22: {  	[simem:s7], [sflag:s8] =	dma.local @!p0 [hbm:s6], $0xF7A  }
0x23: {  	s9 =	sor.u32 $0xD0000000, s2;
	s6 =	simm.s32 $0x108;
	_ =	swait.ge @!p0 [sflag:s8], $0x0  }
0x24: {  	s3 =	sadd.s32 $0x88, s3;
	s6 =	simm.s32 @!p1 $0x1082;
	[sflag:s4] =	ssyncset.s32 $0xFFFFF086  }
0x25: {  	[simem:s6], [sflag:s4] =	dma.local [hbm:s3], $0xF7A  }
0x26: {  	[smem:$0x3F90] =	sst s1;
	(tag) =	ssettag s2;
	_ =	strace s9  }
0x27: {  	s1 =	sld [smem:$0x3FA0]  }
0x28: {  	s2 =	sld [smem:$0x3FA1]  }
0x29: {  	s4 =	sld [smem:$0x3FA3]  }
0x2a: {  	p0 =	seq.s32 s5, $0x0;
	s5 =	sld [smem:$0x3FA4]  }
0x2b: {  	s6 =	sld [smem:$0x3FA5]  }
0x2c: {  	s7 =	sld [smem:$0x3FA6]  }
0x2d: {  	s3 =	simm.s32 $0x108;
	s8 =	sld [smem:$0x3FA7]  }
0x2e: {  	s3 =	simm.s32 @!p0 $0x1082;
	s9 =	sld [smem:$0x3FA8]  }
0x2f: {  	lr =	sadd.s32 s0, s3;
	s0 =	sld [smem:$0x3F9F]  }
0x30: {  	s3 =	sld [smem:$0x3FA2]  }
0x31: {  	[smem:$0x3FAB] =	sst s10  }
0x32: {  	s10 =	sld [smem:$0x3FA9];
	_ =	sdelay $0x3  }
0x33: {  	p0 =	seq.s32 s10, $0x1;
	s10 =	sld [smem:$0x3FAB];
	_ =	sdelay $0x3  }
0x34: {  	[smem:$0x3FAB] =	sst s10  }
0x35: {  	s10 =	sld [smem:$0x3FAA];
	_ =	sdelay $0x3  }
0x36: {  	p1 =	seq.s32 s10, $0x1;
	s10 =	sld [smem:$0x3FAB];
	_ =	sdelay $0x3  }
0x37: {  	[smem:$0x3FAB] =	sst s10  }
0x38: {  	s10 =	sld [smem:$0x3FAC]  }
0x39: {  	_ = 	snop;
	(pc) =	sbr.ind lr, $3  }
0x3a: {  	_ = 	snop  }
0x3b: {  	_ = 	snop  }
0x3c: {  	p2 =	seq.s32 s10, $0x1;
	s10 =	sld [smem:$0x3FAB]  }
0x3d: {  	_ =	shalt  }
0x3e: {  	_ =	shalt  }
0x3f: {  	_ =	shalt  }
0x40: {  	_ =	shalt  }
0x41: {  	_ =	shalt  }
0x42: {  	_ =	shalt  }
0x43: {  	_ =	shalt  }
0x44: {  	_ =	shalt  }
0x45: {  	_ =	shalt  }
0x46: {  	_ =	shalt  }
0x47: {  	_ =	shalt  }
0x48: {  	_ =	shalt  }
0x49: {  	_ =	shalt  }
0x4a: {  	_ =	shalt  }
0x4b: {  	_ =	shalt  }
0x4c: {  	_ =	shalt  }
0x4d: {  	_ =	shalt  }
0x4e: {  	_ =	shalt  }
0x4f: {  	_ =	shalt  }
0x50: {  	_ =	shalt  }
0x51: {  	_ =	shalt  }
0x52: {  	_ =	shalt  }
0x53: {  	_ =	shalt  }
0x54: {  	_ =	shalt  }
0x55: {  	_ =	shalt  }
0x56: {  	_ =	shalt  }
0x57: {  	_ =	shalt  }
0x58: {  	_ =	shalt  }
0x59: {  	_ =	shalt  }
0x5a: {  	_ =	shalt  }
0x5b: {  	_ =	shalt  }
0x5c: {  	_ =	shalt  }
0x5d: {  	_ =	shalt  }
0x5e: {  	_ =	shalt  }
0x5f: {  	_ =	shalt  }
0x60: {  	_ =	shalt  }
0x61: {  	_ =	shalt  }
0x62: {  	_ =	shalt  }
0x63: {  	_ =	shalt  }
0x64: {  	_ =	shalt  }
0x65: {  	_ =	shalt  }
0x66: {  	_ =	shalt  }
0x67: {  	_ =	shalt  }
0x68: {  	_ =	shalt  }
0x69: {  	_ =	shalt  }
0x6a: {  	_ =	shalt  }
0x6b: {  	_ =	shalt  }
0x6c: {  	_ =	shalt  }
0x6d: {  	_ =	shalt  }
0x6e: {  	_ =	shalt  }
0x6f: {  	_ =	shalt  }
0x70: {  	_ =	shalt  }
0x71: {  	_ =	shalt  }
0x72: {  	_ =	shalt  }
0x73: {  	_ =	shalt  }
0x74: {  	_ =	shalt  }
0x75: {  	_ =	shalt  }
0x76: {  	_ =	shalt  }
0x77: {  	_ =	shalt  }
0x78: {  	_ =	shalt  }
0x79: {  	_ =	shalt  }
0x7a: {  	_ =	shalt  }
0x7b: {  	_ =	shalt  }
0x7c: {  	_ =	shalt  }
0x7d: {  	_ =	shalt  }
0x7e: {  	_ =	shalt  }
0x7f: {  	_ =	shalt  }
0x80: {  	_ =	shalt  }
0x81: {  	_ =	shalt  }
0x82: {  	_ =	shalt  }
0x83: {  	_ =	shalt  }
0x84: {  	_ =	shalt  }
0x85: {  	_ =	shalt  }
0x86: {  	_ =	shalt  }
0x87: {  	_ =	shalt  }
.Lfunc_end0:
.L_simem_size_0:
called_computation.3_lowered:
.L_overlay_start_0:
0x88: {  	s2 =	sld [smem:$0x3FD9]  }
0x89: {  	s3 =	sld [smem:$0x3FFE];
	_ =	sdelay $0x1  }
0x8a: {  	s1 =	srdreg.scid  }
0x8b: {  	s0 =	sand.u32 $0x1, s1  }
0x8c: {  	s17 =	sshll.u32 s0, $0xA;
	s2 =	sadd.s32 s3, s2  }
0x8d: {  	s2 =	sadd.s32 s2, s17  }
0x8e: {  	[smem:$0x3FB7] =	sst s2  }
0x8f: {  	_ = 	snop  }
0x90: {  	s18 =	sld [smem:$0x3FD0];
	(tm) =	ssettm $0x1  }
0x91: {  	s19 =	sld [smem:$0x3FFB];
	_ =	sdelay $0x3  }
0x92: {  	_ =	strace s19  }
0x93: {  	s2 =	sld [smem:$0x3FFC];
	_ =	sdelay $0x3  }
0x94: {  	_ =	strace s2  }
0x95: {  	s2 =	sld [smem:$0x3FFD];
	_ =	sdelay $0x3  }
0x96: {  	_ =	strace s2  }
0x97: {  	_ =	strace $0x8FFFFFFF  }
0x98: {  	s20 =	sld [smem:$0x3FDB];
	_ =	sdelay $0x1  }
0x99: {  	s4 =	simm.s32 $_scs_section_size  }
0x9a: {  	s5 =	simm.s32 $_size__tile_overlayer_lowered;
	s6 =	simm.s32 $_tile_overlayer_lowered  }
0x9b: {  	s7 =	simm.s32 $0x1BFF;
	s21 =	sshll.u32 s6, $0x1;
	s4 =	sadd.s32 s4, s20  }
0x9c: {  	s22 =	simm.s32 $0x0;
	s5 =	sshll.u32 s5, $0x1;
	s6 =	sadd.s32 s21, s4  }
0x9d: {  	[timem:s22], [sflag:s7] =	dma.local [hbm:s6], s5  }
0x9e: {  	_ =	swait.ge [sflag:s7], s5  }
0x9f: {  	s5 =	ssub.s32 $0x0, s5;
	[sflag:s7] =	ssyncset.done $0x0  }
0xa0: {  	[sflag:s7] =	ssyncadd.s32 s5;
	_ =	sdelay $0x1  }
0xa1: {  	s23 =	simm.s32 $0x1B8B  }
0xa2: {  	_ =	swait.ge [sflag:s23], $0x1  }
0xa3: {  	[sflag:s23] =	ssyncset.done $0x0  }
0xa4: {  	[sflag:s23] =	ssyncadd.s32 $0xFFFFFFFF  }
0xa5: {  	s5 =	sld [smem:$0x0]  }
0xa6: {  	s6 =	sand.u32 $0xFFFFFFFE, s1  }
0xa7: {  	p0 =	sne.s32 s1, s6  }
0xa8: {  	s6 =	sshll.u32 @p0 s6, $0xE  }
0xa9: {  	s6 =	sadd.s32 @p0 $0x11B8D, s6;
	s7 =	sshll.u32 @p0 s5, $0x11  }
0xaa: {  	s6 =	sor.u32 @p0 s7, s6  }
0xab: {  	[sflag:s6] =	ssyncadd.remote.s32 @p0 $0x1;
	_ =	sdelay $0x1  }
0xac: {  	s6 =	simm.s32 @p0 $0x1B8D  }
0xad: {  	_ =	swait.eq @p0 [sflag:s6], $0x1  }
0xae: {  	[sflag:s6] =	ssyncadd.s32 @p0 $0xFFFFFFFF  }
0xaf: {  	s7 =	sshll.u32 @!p0 s1, $0xE  }
0xb0: {  	s7 =	sor.u32 @!p0 $0x4000, s7;
	s6 =	simm.s32 @!p0 $0x1B8D  }
0xb1: {  	s5 =	sshll.u32 @!p0 s5, $0x11;
	s7 =	sadd.s32 @!p0 $0x11B8D, s7;
	_ =	swait.eq @!p0 [sflag:s6], $0x1  }
0xb2: {  	s5 =	sor.u32 @!p0 s5, s7;
	[sflag:s6] =	ssyncadd.s32 @!p0 $0xFFFFFFFF  }
0xb3: {  	s25 =	simm.s32 $0x1B8E;
	s24 =	sld [smem:$0x3FFE];
	[sflag:s5] =	ssyncadd.remote.s32 @!p0 $0x1  }
0xb4: {  	s26 =	simm.s32 $execute0_lowered;
	[smem:$0x3FD2] =	sst s25  }
0xb5: {  	s6 =	sshll.u32 s26, $0x1;
	_ =	strace $0x8000004C;
	[dreg:$0x1] =	wrdreg $0xFFFFFFFF  }
0xb6: {  	s28 =	simm.s32 $_size_execute0_lowered;
	s4 =	sadd.s32 s4, s6;
	[dreg:$0x0] =	wrdreg $0x0  }
0xb7: {  	s6 =	sshll.u32 s28, $0x1;
	[dreg:$0x2] =	wrdreg s4  }
0xb8: {  	[dreg:$0x3] =	wrdreg s6  }
0xb9: {  	[dreg:$0x4] =	wrdreg $0xC0  }
0xba: {  	_ =	task [dreg:s22], $0x5FFFF  }
0xbb: {  	[dreg:$0x1] =	wrdreg $0xFFFFFFFF  }
0xbc: {  	[dreg:$0x0] =	wrdreg $0x60  }
0xbd: {  	[dreg:$0x2] =	wrdreg s18  }
0xbe: {  	[dreg:$0x3] =	wrdreg s24  }
0xbf: {  	[dreg:$0x4] =	wrdreg $0x98000  }
0xc0: {  	[dreg:$0x5] =	wrdreg $0x8000  }
0xc1: {  	[dreg:$0x6] =	wrdreg $0x10000  }
0xc2: {  	[dreg:$0x7] =	wrdreg $0x18000  }
0xc3: {  	[dreg:$0x8] =	wrdreg $0xA  }
0xc4: {  	_ =	task.clear_ibuf [dreg:s22], $0x9FFFF;
	_ =	strace $0x9000004C  }
0xc5: {  	s29 =	simm.s32 $0xA;
	_ =	strace $0x8000004E  }
0xc6: {  	_ =	swait.ge [sflag:s29], $0x1  }
0xc7: {  	[sflag:s29] =	ssyncadd.s32 $0xFFFFFFFF  }
0xc8: {  	_ =	strace $0x9000004E  }
0xc9: {  	_ =	sfence  }
0xca: {  	s30 =	sld [smem:$0x0];
	_ =	sdelay $0x2  }
0xcb: {  	s31 =	sshll.u32 s1, $0xD;
	s1 =	sshrl.u32 s1, $0x2  }
0xcc: {  	s4 =	sand.u32 $0x4000, s31;
	s1 =	sadd.s32 s1, s30  }
0xcd: {  	s0 =	sor.u32 s4, s0;
	s1 =	sshll.u32 s1, $0x11  }
0xce: {  	s0 =	sor.u32 s1, s0  }
0xcf: {  	s0 =	sadd.s32 $0x8F2B, s0  }
0xd0: {  	[sflag:s0] =	ssyncadd.remote.s32 $0x1  }
0xd1: {  	_ =	sfence.sel $0xFFFF  }
0xd2: {  	[dreg:$0x0] =	wrdreg $0xFFFFFFFF;
	(pc) =	sbr.abs _section_cstart, $3  }
0xd3: {  	[dreg:$0x1] =	wrdreg $0xFFFFFFFF  }
0xd4: {  	_ =	task.clear_ibuf [dreg:s22], $0x2FFFF;
	_ =	strace $0x9FFFFFFF  }
0xd5: {  	(tm) =	ssettm $0x7FFFFFFF  }
tec
execute0_lowered:
.L_overlay_start_1:
0x0: {  	(tag) =	ssettag $0x1  }
0x1: {  	s0 =	rddreg [dreg:$0x0]  }
0x2: {  	s5 =	rddreg [dreg:$0x1]  }
0x3: {  	s1 =	rddreg [dreg:$0x2]  }
0x4: {  	s2 =	rddreg [dreg:$0x3]  }
0x5: {  	s3 =	rddreg [dreg:$0x4]  }
0x6: {  	s4 =	rddreg [dreg:$0x5];
	s6 =	simm.s32 $0x0  }
0x7: {  	s15 =	stileid.u32;
	s25 =	srdreg.scid;
	s28 =	simm.s32 $0x2  }
0x8: {  	s29 =	simm.s32 $0x3;
	s30 =	simm.s32 $0x16800;
	s31 =	simm.s32 $0x4  }
0x9: {  	[smem:$0x7FF] =	sst s6;
	s7 =	sshll.u32 s15, $0x8;
	s6 =	sand.u32 $0x1, s25  }
0xa: {  	s8 =	smul.u32 $0x8800, s15;
	s10 =	sshll.u32 s15, $0x7;
	s13 =	sshll.u32 s15, $0xC  }
0xb: {  	s19 =	sshll.u32 s15, $0x6;
	s20 =	sshll.u32 s15, $0xB;
	s21 =	sshll.u32 s15, $0xF  }
0xc: {  	_ =	strace $0x8000004D;
	s9 =	sshll.u32 s6, $0xB;
	s11 =	smul.u32 $0x88000, s6  }
0xd: {  	s12 =	sadd.s32 s7, s5;
	s26 =	sadd.s32 s13, s5;
	s6 =	ssub.s32 $0x2, s6  }
0xe: {  	s14 =	sadd.s32 s20, s2;
	s0 =	sadd.s32 s0, s7;
	s22 =	sadd.s32 s20, s3  }
0xf: {  	s9 =	sor.u32 s10, s9;
	s16 =	sshrl.u32 s8, $0x3;
	s17 =	sshrl.u32 s6, $0x1  }
0x10: {  	s18 =	sadd.s32 s8, s1;
	[dreg:$0x8] =	wrdreg s0;
	s12 =	sadd.s32 $0x26200, s12  }
0x11: {  	s0 =	sadd.s32 s21, s4;
	s10 =	sadd.s32 $0x16200, s26;
	s25 =	sshrl.u32 s14, $0x3  }
0x12: {  	s26 =	sshrl.u32 s22, $0x3;
	s22 =	simm.s32 $0x40;
	[dreg:$0x9] =	wrdreg s12  }
0x13: {  	s9 =	sadd.s32 s9, s5;
	s11 =	sadd.s32 s8, s11;
	[dreg:$0xa] =	wrdreg s10  }
0x14: {  	s13 =	sadd.s32 s16, s5;
	s6 =	ssub.s32 s6, s17;
	[dreg:$0x10] =	wrdreg s25  }
0x15: {  	s8 =	sor.u32 $0x1C05, s19;
	[dreg:$0x11] =	wrdreg s26;
	s0 =	sshrl.u32 s0, $0x3  }
0x16: {  	s17 =	simm.s32 $0x5;
	s13 =	sadd.s32 $0x7E600, s13;
	[dreg:$0x12] =	wrdreg s0  }
0x17: {  	s25 =	simm.s32 $0x12800;
	s23 =	sadd.s32 $0x28200, s9;
	[dreg:$0x7] =	wrdreg s13  }
0x18: {  	s26 =	simm.s32 $0x1;
	s9 =	sadd.s32 $0x27200, s9;
	[dreg:$0xb] =	wrdreg s23  }
0x19: {  	s11 =	sshrl.u32 s11, $0x3;
	s24 =	smax.u32 s6, $0x1;
	[dreg:$0xc] =	wrdreg s9  }
0x1a: {  	s6 =	sshrl.u32 s18, $0x3;
	s5 =	sadd.s32 s11, s5;
	[dreg:$0xe] =	wrdreg s24  }
0x1b: {  	s0 =	simm.s32 $0x0;
	[dreg:$0xf] =	wrdreg s6;
	s5 =	sadd.s32 $0x8F600, s5  }
0x1c: {  	s23 =	simm.s32 $0x12000;
	s24 =	simm.s32 $0x12400;
	[dreg:$0xd] =	wrdreg s5  }
.LBB2_1:
0x1d: {  	s5 =	rddreg [dreg:$0x7]  }
0x1e: {  	[spmem:s6], [sflag:s8] =	dma.local [hbm:s5], $0x1100  }
0x1f: {  	_ =	swait.ge [sflag:s17], $0x1100  }
0x20: {  	[sflag:s17] =	ssyncset.done $0x0;
	s12 =	rddreg [dreg:$0x8]  }
0x21: {  	s13 =	rddreg [dreg:$0x10];
	[sflag:s17] =	ssyncadd.s32 $0xFFFFEF00  }
0x22: {  	[spmem:s13], [sflag:s8] =	dma.local [hbm:s12], $0x100  }
0x23: {  	_ =	swait.ge [sflag:s17], $0x100  }
0x24: {  	[sflag:s17] =	ssyncset.done $0x0;
	s14 =	rddreg [dreg:$0x9]  }
0x25: {  	s15 =	rddreg [dreg:$0x11];
	[sflag:s17] =	ssyncadd.s32 $0xFFFFFF00  }
0x26: {  	[spmem:s15], [sflag:s8] =	dma.local [hbm:s14], $0x100  }
0x27: {  	_ =	swait.ge [sflag:s17], $0x100  }
0x28: {  	[sflag:s17] =	ssyncset.done $0x0;
	s16 =	rddreg [dreg:$0xa]  }
0x29: {  	s18 =	rddreg [dreg:$0x12];
	[sflag:s17] =	ssyncadd.s32 $0xFFFFFF00  }
0x2a: {  	[spmem:s18], [sflag:s8] =	dma.local [hbm:s16], $0x1000  }
0x2b: {  	_ =	swait.ge [sflag:s17], $0x1000  }
0x2c: {  	[sflag:s17] =	ssyncset.done $0x0  }
0x2d: {  	s19 =	simm.s32 $0x0;
	s20 =	rddreg [dreg:$0xb];
	[sflag:s17] =	ssyncadd.s32 $0xFFFFF000  }
0x2e: {  	[tilespmem:s19], [sflag:$0x5] =	stream.linear.gather [hbm4b:s20+s19], $0x400, $0x38;
	[tilespmem:$0x1AC00] =	vst v63  }
0x2f: {  	_ =	swait.ge [sflag:s17], $0x400  }
0x30: {  	[sflag:s17] =	ssyncset.done $0x0  }
0x31: {  	s7 =	simm.s32 $0x400;
	s21 =	rddreg [dreg:$0xc];
	[sflag:s17] =	ssyncadd.s32 $0xFFFFFC00  }
0x32: {  	[tilespmem:s7], [sflag:$0x5] =	stream.linear.gather [hbm4b:s21+s19], $0x400, $0x38;
	[tilespmem:$0x1AC00] =	vst v63  }
0x33: {  	_ =	swait.ge [sflag:s17], $0x400  }
0x34: {  	[sflag:s17] =	ssyncset.done $0x0  }
0x35: {  	[sflag:s17] =	ssyncadd.s32 $0xFFFFFC00  }
0x36: {  	s5 =	simm.s32 $0x0;
	[bflag:$0x0] =	sbarrier.arrive $0xFFFF  }
.LBB2_2:
0x37: {  	s6 =	sshll.u32 s5, $0x6  }
0x38: {  	[tilespmem:s23], [sflag:$0x1] =	stream.indirect.gather [spmem:s2], $0x10, s6, s22, $0xb8;
	[tilespmem:$0x1AC00] =	vst v63  }
0x39: {  	s21 =	sadd.s32 $0x400, s6  }
0x3a: {  	[tilespmem:s24], [sflag:$0x2] =	stream.indirect.gather [spmem:s3], $0x10, s21, s22, $0xb8;
	[tilespmem:$0x1AC00] =	vst v63  }
0x3b: {  	_ = 	snop  }
0x3c: {  	[tilespmem:s25], [sflag:$0x3] =	stream.indirect.gather [spmem:s4], $0x100, s6, s22, $0xb8;
	[tilespmem:$0x1AC00] =	vst v63  }
0x3d: {  	_ =	swait.ge [sflag:s26], $0x400  }
0x3e: {  	[sflag:s26] =	ssyncset.done $0x0  }
0x3f: {  	[sflag:s26] =	ssyncadd.s32 $0xFFFFFC00  }
0x40: {  	_ =	swait.ge [sflag:s28], $0x400  }
0x41: {  	[sflag:s28] =	ssyncset.done $0x0  }
0x42: {  	[sflag:s28] =	ssyncadd.s32 $0xFFFFFC00  }
0x43: {  	_ =	swait.ge [sflag:s29], $0x4000  }
0x44: {  	[sflag:s29] =	ssyncset.done $0x0  }
0x45: {  	s19 =	simm.s32 $0x12020;
	[sflag:s29] =	ssyncadd.s32 $0xFFFFC000  }
0x46: {  	s7 =	simm.s32 $0x12420;
	v0 =	vld [tilespmem:s19+$0x10]  }
0x47: {  	v1 =	vld [tilespmem:s7+$0x10];
	_ =	sdelay $0x4  }
0x48: {  	v2 =	vld [tilespmem:s19+$0xFFFFFFF0];
	v0 =	vadd.f32 v1, v0  }
0x49: {  	v3 =	vld [tilespmem:s7+$0xFFFFFFF0]  }
0x4a: {  	v1 =	vmul.f32 $2.000000030e-01, v0  }
0x4b: {  	vm0 =	vge.f32 v0, $0.0e+00  }
0x4c: {  	v4 =	vld [tilespmem:s7+$0xFFFFFFE0];
	v0 =	vsel vm0, v0, v1  }
0x4d: {  	v5 =	vld [tilespmem:s7+$0x0];
	v0 =	vmul.f32 $1.442695020e+00, v0  }
0x4e: {  	v2 =	vadd.f32 v3, v2;
	v3 =	vld [tilespmem:s19+$0xFFFFFFE0]  }
0x4f: {  	v1 =	vld [tilespmem:s19+$0x0];
	(erf) = vpow2.f32 v0  }
0x50: {  	v6 =	vmul.f32 $2.000000030e-01, v2  }
0x51: {  	vm11 =	vge.f32 v2, $0.0e+00  }
0x52: {  	v0 =	vsel vm11, v2, v6  }
0x53: {  	v2 =	vadd.f32 v4, v3;
	v0 =	vmul.f32 $1.442695020e+00, v0  }
0x54: {  	v1 =	vadd.f32 v5, v1  }
0x55: {  	(erf) = vpow2.f32 v0;
	v0 =	vmul.f32 $2.000000030e-01, v2  }
0x56: {  	vm12 =	vge.f32 v2, $0.0e+00;
	v3 =	vmul.f32 $2.000000030e-01, v1  }
0x57: {  	vm1 =	vge.f32 v1, $0.0e+00;
	v0 =	vsel vm12, v2, v0  }
0x58: {  	s6 =	simm.s32 $0x16A20;
	v2 =	vsel vm1, v1, v3;
	v0 =	vmul.f32 $1.442695020e+00, v0;
	v1 =	vpop (erf)  }
0x59: {  	s14 =	simm.s32 $0x12A00;
	[tilespmem:s6+$0x210] =	vst v1  }
0x5a: {  	v2 =	vmul.f32 $1.442695020e+00, v2;
	(erf) = vpow2.f32 v0;
	v0 =	vld [tilespmem:s14+$0x100];
	_ =	sdelay $0x2  }
0x5b: {  	v5 =	vbroadcast v1, $0x0  }
0x5c: {  	(erf) = vpow2.f32 v2;
	v2 =	vpop (erf)  }
0x5d: {  	[tilespmem:s6+$0xFFFFFFF0] =	vst v2;
	v0 =	vmul.f32 v5, v0  }
0x5e: {  	v6 =	vld [tilespmem:s14+$0xFFFFFF00]  }
0x5f: {  	[tilespmem:s6+$0x110] =	vst v0  }
0x60: {  	v7 =	vld [tilespmem:s14+$0x110]  }
0x61: {  	v4 =	vpop (erf);
	v0 =	vbroadcast v2, $0x0  }
0x62: {  	[tilespmem:s6+$0xFFFFFEE0] =	vst v4  }
0x63: {  	v8 =	vld [tilespmem:s14+$0xFFFFFE00];
	v6 =	vmul.f32 v0, v6;
	_ =	sdelay $0x1  }
0x64: {  	v3 =	vpop (erf);
	[tilespmem:s6+$0xFFFFFEF0] =	vst v6;
	v7 =	vmul.f32 v5, v7  }
0x65: {  	v10 =	vbroadcast v4, $0x0;
	[tilespmem:s6+$0x100] =	vst v3;
	v6 =	vld [tilespmem:s14+$0xFFFFFF10]  }
0x66: {  	v9 =	vld [tilespmem:s14+$0x0];
	[tilespmem:s6+$0x120] =	vst v7  }
0x67: {  	v7 =	vmul.f32 v10, v8;
	v8 =	vld [tilespmem:s14+$0x120];
	_ =	sdelay $0x1  }
0x68: {  	v11 =	vbroadcast v3, $0x0;
	[tilespmem:s6+$0xFFFFFDE0] =	vst v7  }
0x69: {  	v6 =	vmul.f32 v0, v6;
	v7 =	vld [tilespmem:s14+$0xFFFFFE10]  }
0x6a: {  	v9 =	vmul.f32 v11, v9  }
0x6b: {  	[tilespmem:s6+$0xFFFFFF00] =	vst v6;
	v8 =	vmul.f32 v5, v8  }
0x6c: {  	[tilespmem:s6+$0x0] =	vst v9;
	v6 =	vld [tilespmem:s14+$0xFFFFFF20]  }
0x6d: {  	v9 =	vld [tilespmem:s14+$0x10];
	[tilespmem:s6+$0x130] =	vst v8  }
0x6e: {  	v7 =	vmul.f32 v10, v7;
	v8 =	vld [tilespmem:s14+$0x130];
	_ =	sdelay $0x1  }
0x6f: {  	[tilespmem:s6+$0xFFFFFDF0] =	vst v7  }
0x70: {  	v6 =	vmul.f32 v0, v6;
	v7 =	vld [tilespmem:s14+$0xFFFFFE20]  }
0x71: {  	v9 =	vmul.f32 v11, v9  }
0x72: {  	[tilespmem:s6+$0xFFFFFF10] =	vst v6;
	v5 =	vmul.f32 v8, v5  }
0x73: {  	[tilespmem:s6+$0x10] =	vst v9;
	v6 =	vld [tilespmem:s14+$0xFFFFFF30]  }
0x74: {  	v9 =	vld [tilespmem:s14+$0x20];
	[tilespmem:s6+$0x140] =	vst v5  }
0x75: {  	v5 =	vmul.f32 v10, v7;
	v7 =	vld [tilespmem:s14+$0x140];
	_ =	sdelay $0x2  }
0x76: {  	v0 =	vmul.f32 v6, v0;
	v6 =	vbroadcast v1, $0x1  }
0x77: {  	v8 =	vmul.f32 v11, v9  }
0x78: {  	[tilespmem:s6+$0xFFFFFE00] =	vst v5;
	v7 =	vmul.f32 v7, v6  }
0x79: {  	[tilespmem:s6+$0x20] =	vst v8;
	v5 =	vld [tilespmem:s14+$0xFFFFFE30]  }
0x7a: {  	v8 =	vld [tilespmem:s14+$0x30];
	[tilespmem:s6+$0x150] =	vst v7  }
0x7b: {  	s9 =	simm.s32 $0x12460;
	v9 =	vld [tilespmem:s14+$0x150]  }
0x7c: {  	s20 =	simm.s32 $0x12060;
	v12 =	vld [tilespmem:s9+$0xFFFFFFE0]  }
0x7d: {  	v13 =	vld [tilespmem:s20+$0xFFFFFFF0];
	[tilespmem:s6+$0xFFFFFF20] =	vst v0  }
0x7e: {  	v0 =	vld [tilespmem:s14+$0xFFFFFF40];
	v5 =	vmul.f32 v5, v10  }
0x7f: {  	v8 =	vmul.f32 v8, v11;
	v11 =	vld [tilespmem:s9+$0x10]  }
0x80: {  	v10 =	vld [tilespmem:s20+$0x10];
	[tilespmem:s6+$0xFFFFFE10] =	vst v5;
	v9 =	vmul.f32 v9, v6  }
0x81: {  	[tilespmem:s6+$0x30] =	vst v8;
	v5 =	vld [tilespmem:s14+$0xFFFFFE40]  }
0x82: {  	v8 =	vld [tilespmem:s14+$0x40];
	[tilespmem:s6+$0x160] =	vst v9  }
0x83: {  	v7 =	vbroadcast v2, $0x1;
	v9 =	vld [tilespmem:s14+$0x160]  }
0x84: {  	v14 =	vld [tilespmem:s9+$0xFFFFFFF0];
	v16 =	vbroadcast v4, $0x1  }
0x85: {  	v15 =	vld [tilespmem:s20+$0x0];
	v18 =	vbroadcast v3, $0x1;
	v0 =	vmul.f32 v0, v7  }
0x86: {  	v10 =	vadd.f32 v11, v10;
	v11 =	vld [tilespmem:s20+$0xFFFFFFE0];
	v5 =	vmul.f32 v5, v16  }
0x87: {  	v17 =	vld [tilespmem:s9+$0x0];
	[tilespmem:s6+$0xFFFFFF30] =	vst v0;
	v8 =	vmul.f32 v8, v18  }
0x88: {  	v0 =	vld [tilespmem:s14+$0xFFFFFF50];
	[tilespmem:s6+$0xFFFFFE20] =	vst v5;
	v9 =	vmul.f32 v9, v6  }
0x89: {  	[tilespmem:s6+$0x40] =	vst v8;
	v8 =	vld [tilespmem:s14+$0xFFFFFE50]  }
0x8a: {  	[tilespmem:s6+$0x170] =	vst v9;
	v9 =	vmul.f32 $2.000000030e-01, v10  }
0x8b: {  	vm13 =	vge.f32 v10, $0.0e+00;
	v11 =	vadd.f32 v12, v11;
	v19 =	vld [tilespmem:s14+$0x170]  }
0x8c: {  	v5 =	vsel vm13, v10, v9;
	v9 =	vadd.f32 v14, v13  }
0x8d: {  	v0 =	vmul.f32 v0, v7;
	vm2 =	vge.f32 v11, $0.0e+00;
	v10 =	vld [tilespmem:s14+$0x50];
	v5 =	vmul.f32 $1.442695020e+00, v5  }
0x8e: {  	v8 =	vmul.f32 v8, v16;
	v13 =	vadd.f32 v17, v15;
	v12 =	vmul.f32 $2.000000030e-01, v9  }
0x8f: {  	[tilespmem:s6+$0xFFFFFF40] =	vst v0;
	vm14 =	vge.f32 v9, $0.0e+00;
	(erf) = vpow2.f32 v5;
	v5 =	vmul.f32 $2.000000030e-01, v11  }
0x90: {  	v14 =	vmul.f32 $2.000000030e-01, v13;
	v6 =	vmul.f32 v19, v6;
	v9 =	vsel vm14, v9, v12;
	v12 =	vld [tilespmem:s14+$0xFFFFFF60]  }
0x91: {  	vm15 =	vge.f32 v13, $0.0e+00;
	v5 =	vsel vm2, v11, v5;
	v9 =	vmul.f32 $1.442695020e+00, v9  }
0x92: {  	v0 =	vsel vm15, v13, v14;
	[tilespmem:s6+$0x180] =	vst v6;
	v5 =	vmul.f32 $1.442695020e+00, v5;
	v6 =	vmul.f32 v10, v18  }
0x93: {  	[tilespmem:s6+$0xFFFFFE30] =	vst v8;
	v0 =	vmul.f32 $1.442695020e+00, v0;
	v11 =	vld [tilespmem:s14+$0x180];
	(erf) = vpow2.f32 v9  }
0x94: {  	v8 =	vld [tilespmem:s14+$0xFFFFFE60];
	(erf) = vpow2.f32 v5;
	[tilespmem:s6+$0x50] =	vst v6  }
0x95: {  	(erf) = vpow2.f32 v0;
	v0 =	vld [tilespmem:s14+$0x60];
	v9 =	vmul.f32 v12, v7  }
0x96: {  	v5 =	vbroadcast v1, $0x2  }
0x97: {  	[tilespmem:s6+$0xFFFFFF50] =	vst v9  }
0x98: {  	s7 =	simm.s32 $0x16E60;
	v10 =	vpop (erf);
	v6 =	vmul.f32 v11, v5;
	v13 =	vld [tilespmem:s14+$0xFFFFFF70]  }
0x99: {  	s9 =	simm.s32 $0x12E00;
	v8 =	vmul.f32 v8, v16;
	[tilespmem:s7+$0x210] =	vst v10  }
0x9a: {  	v11 =	vld [tilespmem:s9+$0x100];
	[tilespmem:s6+$0x190] =	vst v6;
	v6 =	vmul.f32 v0, v18  }
0x9b: {  	[tilespmem:s6+$0xFFFFFE40] =	vst v8;
	v12 =	vld [tilespmem:s14+$0x190]  }
0x9c: {  	v0 =	vpop (erf);
	[tilespmem:s6+$0x60] =	vst v6  }
0x9d: {  	v8 =	vbroadcast v10, $0x0;
	v6 =	vld [tilespmem:s14+$0xFFFFFE70];
	[tilespmem:s7+$0xFFFFFFF0] =	vst v0;
	v9 =	vpop (erf);
	v7 =	vmul.f32 v13, v7  }
0x9e: {  	v14 =	vld [tilespmem:s14+$0x70];
	[tilespmem:s7+$0xFFFFFEE0] =	vst v9  }
0x9f: {  	v17 =	vld [tilespmem:s9+$0xFFFFFF00];
	v15 =	vmul.f32 v8, v11;
	v11 =	vpop (erf);
	[tilespmem:s6+$0xFFFFFF60] =	vst v7  }
0xa0: {  	v13 =	vld [tilespmem:s9+$0xFFFFFE00];
	[tilespmem:s7+$0x100] =	vst v11;
	v12 =	vmul.f32 v12, v5  }
0xa1: {  	[tilespmem:s7+$0x110] =	vst v15;
	v15 =	vld [tilespmem:s9+$0x0]  }
0xa2: {  	v6 =	vmul.f32 v6, v16;
	[tilespmem:s6+$0x1A0] =	vst v12;
	v12 =	vbroadcast v0, $0x0;
	v19 =	vld [tilespmem:s9+$0x110]  }
0xa3: {  	v7 =	vbroadcast v9, $0x0;
	v14 =	vmul.f32 v14, v18;
	v16 =	vld [tilespmem:s14+$0x1A0]  }
0xa4: {  	v18 =	vbroadcast v11, $0x0;
	[tilespmem:s6+$0xFFFFFE50] =	vst v6;
	v6 =	vld [tilespmem:s14+$0xFFFFFF80];
	v17 =	vmul.f32 v12, v17  }
0xa5: {  	v13 =	vmul.f32 v7, v13;
	v20 =	vld [tilespmem:s14+$0xFFFFFE80];
	[tilespmem:s6+$0x70] =	vst v14  }
0xa6: {  	[tilespmem:s7+$0xFFFFFEF0] =	vst v17;
	v14 =	vmul.f32 v18, v15;
	v15 =	vld [tilespmem:s14+$0x80]  }
0xa7: {  	v17 =	vbroadcast v2, $0x2;
	[tilespmem:s7+$0xFFFFFDE0] =	vst v13;
	v13 =	vld [tilespmem:s9+$0xFFFFFF10];
	v19 =	vmul.f32 v8, v19  }
0xa8: {  	v21 =	vbroadcast v4, $0x2;
	v22 =	vld [tilespmem:s9+$0xFFFFFE10];
	[tilespmem:s7+$0x0] =	vst v14;
	v14 =	vmul.f32 v16, v5  }
0xa9: {  	v16 =	vbroadcast v3, $0x2;
	v6 =	vmul.f32 v6, v17;
	v23 =	vld [tilespmem:s9+$0x10];
	[tilespmem:s7+$0x120] =	vst v19  }
0xaa: {  	v20 =	vmul.f32 v20, v21;
	v19 =	vld [tilespmem:s9+$0x120];
	[tilespmem:s6+$0x1B0] =	vst v14  }
0xab: {  	[tilespmem:s6+$0xFFFFFF70] =	vst v6;
	v6 =	vmul.f32 v15, v16;
	v14 =	vld [tilespmem:s14+$0x1B0]  }
0xac: {  	[tilespmem:s6+$0xFFFFFE60] =	vst v20;
	v15 =	vld [tilespmem:s14+$0xFFFFFF90];
	v13 =	vmul.f32 v12, v13  }
0xad: {  	v20 =	vmul.f32 v7, v22;
	v22 =	vld [tilespmem:s14+$0xFFFFFE90];
	[tilespmem:s6+$0x80] =	vst v6  }
0xae: {  	[tilespmem:s7+$0xFFFFFF00] =	vst v13;
	v6 =	vmul.f32 v18, v23;
	v13 =	vld [tilespmem:s14+$0x90]  }
0xaf: {  	[tilespmem:s7+$0xFFFFFDF0] =	vst v20;
	v20 =	vld [tilespmem:s9+$0xFFFFFF20];
	v19 =	vmul.f32 v8, v19  }
0xb0: {  	v23 =	vld [tilespmem:s9+$0xFFFFFE20];
	[tilespmem:s7+$0x10] =	vst v6;
	v5 =	vmul.f32 v14, v5  }
0xb1: {  	v14 =	vmul.f32 v15, v17;
	v6 =	vld [tilespmem:s9+$0x20];
	[tilespmem:s7+$0x130] =	vst v19  }
0xb2: {  	s10 =	simm.s32 $0x120A0;
	v19 =	vmul.f32 v22, v21;
	v15 =	vld [tilespmem:s9+$0x130];
	[tilespmem:s6+$0x1C0] =	vst v5  }
0xb3: {  	v26 =	vld [tilespmem:s10+$0x0];
	[tilespmem:s6+$0xFFFFFF80] =	vst v14;
	v5 =	vmul.f32 v13, v16  }
0xb4: {  	v13 =	vld [tilespmem:s14+$0x1C0];
	[tilespmem:s6+$0xFFFFFE70] =	vst v19;
	v14 =	vmul.f32 v12, v20  }
0xb5: {  	v19 =	vld [tilespmem:s14+$0xFFFFFFA0];
	v20 =	vmul.f32 v7, v23;
	[tilespmem:s6+$0x90] =	vst v5  }
0xb6: {  	[tilespmem:s7+$0xFFFFFF10] =	vst v14;
	v5 =	vmul.f32 v18, v6;
	v6 =	vld [tilespmem:s14+$0xA0]  }
0xb7: {  	v1 =	vbroadcast v1, $0x3;
	[tilespmem:s7+$0xFFFFFE00] =	vst v20;
	v14 =	vld [tilespmem:s9+$0xFFFFFF30];
	v8 =	vmul.f32 v15, v8  }
0xb8: {  	v15 =	vld [tilespmem:s9+$0xFFFFFE30];
	[tilespmem:s7+$0x20] =	vst v5  }
0xb9: {  	v5 =	vmul.f32 v13, v1;
	v13 =	vld [tilespmem:s9+$0x30];
	[tilespmem:s7+$0x140] =	vst v8  }
0xba: {  	v8 =	vmul.f32 v19, v17;
	v19 =	vld [tilespmem:s9+$0x140]  }
0xbb: {  	v22 =	vld [tilespmem:s14+$0xFFFFFEA0];
	[tilespmem:s6+$0x1D0] =	vst v5  }
0xbc: {  	[tilespmem:s6+$0xFFFFFF90] =	vst v8;
	v5 =	vmul.f32 v6, v16;
	v6 =	vld [tilespmem:s14+$0x1D0]  }
0xbd: {  	v8 =	vmul.f32 v14, v12;
	v12 =	vld [tilespmem:s14+$0xFFFFFFB0];
	v14 =	vbroadcast v10, $0x1  }
0xbe: {  	v23 =	vld [tilespmem:s10+$0xFFFFFFF0];
	v7 =	vmul.f32 v15, v7;
	[tilespmem:s6+$0xA0] =	vst v5  }
0xbf: {  	[tilespmem:s7+$0xFFFFFF20] =	vst v8;
	v5 =	vmul.f32 v13, v18;
	v8 =	vld [tilespmem:s14+$0xB0];
	v13 =	vmul.f32 v19, v14  }
0xc0: {  	s11 =	simm.s32 $0x124A0;
	[tilespmem:s7+$0xFFFFFE10] =	vst v7;
	v7 =	vld [tilespmem:s9+$0xFFFFFF40]  }
0xc1: {  	v20 =	vmul.f32 v22, v21;
	v22 =	vld [tilespmem:s11+$0xFFFFFFE0];
	[tilespmem:s7+$0x150] =	vst v13  }
0xc2: {  	[tilespmem:s7+$0x30] =	vst v5;
	v5 =	vmul.f32 v6, v1;
	v6 =	vmul.f32 v12, v17;
	v12 =	vld [tilespmem:s9+$0x150]  }
0xc3: {  	[tilespmem:s6+$0xFFFFFE80] =	vst v20;
	v20 =	vld [tilespmem:s11+$0x10];
	v17 =	vbroadcast v0, $0x1  }
0xc4: {  	v15 =	vld [tilespmem:s14+$0xFFFFFEB0];
	[tilespmem:s6+$0x1E0] =	vst v5;
	v5 =	vmul.f32 v8, v16  }
0xc5: {  	v18 =	vld [tilespmem:s9+$0xFFFFFE40];
	[tilespmem:s6+$0xFFFFFFA0] =	vst v6;
	v6 =	vmul.f32 v7, v17  }
0xc6: {  	v19 =	vld [tilespmem:s9+$0x40];
	[tilespmem:s6+$0xB0] =	vst v5  }
0xc7: {  	v8 =	vld [tilespmem:s14+$0x1E0];
	[tilespmem:s7+$0xFFFFFF30] =	vst v6;
	v5 =	vmul.f32 v12, v14  }
0xc8: {  	v16 =	vld [tilespmem:s9+$0xFFFFFF50]  }
0xc9: {  	v13 =	vmul.f32 v15, v21;
	v12 =	vld [tilespmem:s10+$0x10];
	[tilespmem:s7+$0x160] =	vst v5  }
0xca: {  	v21 =	vld [tilespmem:s9+$0x160]  }
0xcb: {  	v25 =	vbroadcast v11, $0x1;
	[tilespmem:s6+$0xFFFFFE90] =	vst v13;
	v7 =	vld [tilespmem:s14+$0xFFFFFFC0]  }
0xcc: {  	v24 =	vbroadcast v9, $0x1;
	v13 =	vld [tilespmem:s14+$0xFFFFFEC0]  }
0xcd: {  	v19 =	vmul.f32 v19, v25;
	v5 =	vbroadcast v2, $0x3;
	v2 =	vld [tilespmem:s11+$0xFFFFFFF0]  }
0xce: {  	v15 =	vld [tilespmem:s14+$0xC0];
	v6 =	vbroadcast v4, $0x3;
	v16 =	vmul.f32 v16, v17  }
0xcf: {  	v4 =	vbroadcast v3, $0x3;
	[tilespmem:s7+$0x40] =	vst v19;
	v12 =	vadd.f32 v20, v12;
	v20 =	vld [tilespmem:s10+$0xFFFFFFE0];
	v3 =	vmul.f32 v21, v14  }
0xd0: {  	v18 =	vmul.f32 v18, v24;
	[tilespmem:s7+$0xFFFFFF40] =	vst v16;
	v16 =	vld [tilespmem:s9+$0x50]  }
0xd1: {  	v21 =	vld [tilespmem:s11+$0x0];
	[tilespmem:s7+$0x170] =	vst v3;
	v3 =	vmul.f32 $2.000000030e-01, v12  }
0xd2: {  	[tilespmem:s7+$0xFFFFFE20] =	vst v18;
	v8 =	vmul.f32 v8, v1;
	vm4 =	vge.f32 v12, $0.0e+00;
	v2 =	vadd.f32 v2, v23;
	v18 =	vld [tilespmem:s9+$0x170]  }
0xd3: {  	v27 =	vld [tilespmem:s9+$0xFFFFFE50];
	v13 =	vmul.f32 v13, v6;
	v7 =	vmul.f32 v7, v5;
	v3 =	vsel vm4, v12, v3  }
0xd4: {  	v19 =	vmul.f32 $2.000000030e-01, v2;
	v3 =	vmul.f32 $1.442695020e+00, v3  }
0xd5: {  	s12 =	simm.s32 $0x120E0;
	vm5 =	vge.f32 v2, $0.0e+00;
	v20 =	vadd.f32 v22, v20;
	v12 =	vmul.f32 v15, v4  }
0xd6: {  	v32 =	vld [tilespmem:s12+$0x0];
	[tilespmem:s6+$0x1F0] =	vst v8;
	v16 =	vmul.f32 v16, v25;
	v15 =	vadd.f32 v21, v26;
	(erf) = vpow2.f32 v3  }
0xd7: {  	[tilespmem:s6+$0xFFFFFEA0] =	vst v13;
	v13 =	vld [tilespmem:s9+$0xFFFFFF60];
	v8 =	vsel vm5, v2, v19;
	v22 =	vmul.f32 $2.000000030e-01, v20;
	v14 =	vmul.f32 v18, v14  }
0xd8: {  	s13 =	simm.s32 $0x124E0;
	vm7 =	vge.f32 v20, $0.0e+00;
	[tilespmem:s7+$0x50] =	vst v16;
	v21 =	vmul.f32 $2.000000030e-01, v15;
	v3 =	vld [tilespmem:s14+$0xFFFFFED0];
	v18 =	vmul.f32 v27, v24  }
0xd9: {  	v34 =	vld [tilespmem:s13+$0x0];
	v8 =	vmul.f32 $1.442695020e+00, v8;
	v19 =	vsel vm7, v20, v22;
	vm6 =	vge.f32 v15, $0.0e+00;
	[tilespmem:s7+$0x180] =	vst v14  }
0xda: {  	v16 =	vbroadcast v10, $0x2;
	v15 =	vsel vm6, v15, v21;
	v14 =	vmul.f32 $1.442695020e+00, v19;
	[tilespmem:s7+$0xFFFFFE30] =	vst v18;
	v18 =	vld [tilespmem:s9+$0x180]  }
0xdb: {  	[tilespmem:s6+$0xFFFFFFB0] =	vst v7;
	(erf) = vpow2.f32 v8;
	v15 =	vmul.f32 $1.442695020e+00, v15;
	v7 =	vld [tilespmem:s9+$0xFFFFFE60]  }
0xdc: {  	v8 =	vmul.f32 v13, v17;
	v19 =	vld [tilespmem:s14+$0xFFFFFFD0];
	(erf) = vpow2.f32 v14  }
0xdd: {  	s18 =	simm.s32 $0x12520;
	[tilespmem:s6+$0xC0] =	vst v12;
	v3 =	vmul.f32 v3, v6;
	(erf) = vpow2.f32 v15;
	v15 =	vld [tilespmem:s9+$0x60]  }
0xde: {  	v40 =	vld [tilespmem:s18+$0xFFFFFFE0];
	[tilespmem:s7+$0xFFFFFF50] =	vst v8  }
0xdf: {  	v41 =	vld [tilespmem:s18+$0x0];
	s10 =	simm.s32 $0x172A0;
	[tilespmem:s6+$0xFFFFFEB0] =	vst v3;
	v12 =	vpop (erf);
	v3 =	vmul.f32 v18, v16  }
0xe0: {  	v2 =	vld [tilespmem:s14+$0x1F0];
	v7 =	vmul.f32 v7, v24;
	[tilespmem:s10+$0x210] =	vst v12  }
0xe1: {  	s11 =	simm.s32 $0x13200;
	v13 =	vld [tilespmem:s14+$0xD0];
	[tilespmem:s7+$0x190] =	vst v3  }
0xe2: {  	v8 =	vmul.f32 v19, v5;
	v18 =	vld [tilespmem:s11+$0x100];
	[tilespmem:s7+$0xFFFFFE40] =	vst v7;
	v7 =	vmul.f32 v15, v25  }
0xe3: {  	v19 =	vld [tilespmem:s9+$0x190]  }
0xe4: {  	v20 =	vld [tilespmem:s9+$0xFFFFFF70];
	[tilespmem:s6+$0xFFFFFFC0] =	vst v8  }
0xe5: {  	v22 =	vbroadcast v12, $0x0;
	v21 =	vld [tilespmem:s9+$0xFFFFFE70];
	v3 =	vpop (erf);
	[tilespmem:s7+$0x60] =	vst v7  }
0xe6: {  	[tilespmem:s10+$0xFFFFFFF0] =	vst v3;
	v23 =	vld [tilespmem:s9+$0x70];
	v7 =	vpop (erf)  }
0xe7: {  	v26 =	vld [tilespmem:s11+$0xFFFFFF00];
	[tilespmem:s10+$0xFFFFFEE0] =	vst v7;
	v18 =	vmul.f32 v22, v18;
	v8 =	vpop (erf)  }
0xe8: {  	v27 =	vld [tilespmem:s11+$0xFFFFFE00];
	[tilespmem:s10+$0x100] =	vst v8;
	v19 =	vmul.f32 v19, v16  }
0xe9: {  	v17 =	vmul.f32 v20, v17;
	v20 =	vld [tilespmem:s11+$0x0];
	[tilespmem:s10+$0x110] =	vst v18  }
0xea: {  	v21 =	vmul.f32 v21, v24;
	v18 =	vbroadcast v3, $0x0;
	v28 =	vld [tilespmem:s11+$0x110];
	[tilespmem:s7+$0x1A0] =	vst v19  }
0xeb: {  	[tilespmem:s7+$0xFFFFFF60] =	vst v17;
	v19 =	vbroadcast v7, $0x0;
	v17 =	vmul.f32 v23, v25;
	v23 =	vld [tilespmem:s9+$0x1A0]  }
0xec: {  	v24 =	vbroadcast v8, $0x0;
	[tilespmem:s7+$0xFFFFFE50] =	vst v21;
	v21 =	vld [tilespmem:s9+$0xFFFFFF80];
	v25 =	vmul.f32 v18, v26  }
0xed: {  	[tilespmem:s7+$0x70] =	vst v17;
	v26 =	vmul.f32 v19, v27;
	v27 =	vld [tilespmem:s9+$0xFFFFFE80]  }
0xee: {  	[tilespmem:s10+$0xFFFFFEF0] =	vst v25;
	v17 =	vmul.f32 v24, v20;
	v20 =	vld [tilespmem:s9+$0x80]  }
0xef: {  	v25 =	vbroadcast v0, $0x2;
	[tilespmem:s10+$0xFFFFFDE0] =	vst v26;
	v26 =	vld [tilespmem:s11+$0xFFFFFF10];
	v28 =	vmul.f32 v22, v28  }
0xf0: {  	v29 =	vbroadcast v9, $0x2;
	v30 =	vld [tilespmem:s11+$0xFFFFFE10];
	[tilespmem:s10+$0x0] =	vst v17;
	v17 =	vmul.f32 v23, v16  }
0xf1: {  	v21 =	vmul.f32 v21, v25;
	v23 =	vbroadcast v11, $0x2;
	v31 =	vld [tilespmem:s11+$0x10];
	[tilespmem:s10+$0x120] =	vst v28  }
0xf2: {  	v28 =	vld [tilespmem:s11+$0x120];
	v27 =	vmul.f32 v27, v29;
	[tilespmem:s7+$0x1B0] =	vst v17  }
0xf3: {  	[tilespmem:s7+$0xFFFFFF70] =	vst v21;
	v17 =	vmul.f32 v20, v23;
	v20 =	vld [tilespmem:s9+$0x1B0]  }
0xf4: {  	v21 =	vmul.f32 v18, v26;
	[tilespmem:s7+$0xFFFFFE60] =	vst v27;
	v26 =	vld [tilespmem:s9+$0xFFFFFF90]  }
0xf5: {  	v27 =	vmul.f32 v19, v30;
	v30 =	vld [tilespmem:s9+$0xFFFFFE90];
	[tilespmem:s7+$0x80] =	vst v17  }
0xf6: {  	[tilespmem:s10+$0xFFFFFF00] =	vst v21;
	v17 =	vmul.f32 v24, v31;
	v21 =	vld [tilespmem:s9+$0x90]  }
0xf7: {  	[tilespmem:s10+$0xFFFFFDF0] =	vst v27;
	v27 =	vld [tilespmem:s11+$0xFFFFFF20];
	v28 =	vmul.f32 v22, v28  }
0xf8: {  	v31 =	vld [tilespmem:s11+$0xFFFFFE20];
	[tilespmem:s10+$0x10] =	vst v17;
	v16 =	vmul.f32 v20, v16  }
0xf9: {  	v17 =	vld [tilespmem:s11+$0x20];
	[tilespmem:s10+$0x130] =	vst v28;
	v20 =	vmul.f32 v26, v25  }
0xfa: {  	v26 =	vld [tilespmem:s11+$0x130];
	v28 =	vmul.f32 v30, v29;
	[tilespmem:s7+$0x1C0] =	vst v16  }
0xfb: {  	[tilespmem:s7+$0xFFFFFF80] =	vst v20;
	v16 =	vmul.f32 v21, v23;
	v20 =	vld [tilespmem:s9+$0x1C0]  }
0xfc: {  	v21 =	vmul.f32 v18, v27;
	[tilespmem:s7+$0xFFFFFE70] =	vst v28;
	v27 =	vld [tilespmem:s9+$0xFFFFFFA0]  }
0xfd: {  	v28 =	vmul.f32 v19, v31;
	v30 =	vld [tilespmem:s9+$0xFFFFFEA0];
	[tilespmem:s7+$0x90] =	vst v16  }
0xfe: {  	[tilespmem:s10+$0xFFFFFF10] =	vst v21;
	v17 =	vmul.f32 v24, v17;
	v21 =	vld [tilespmem:s9+$0xA0]  }
0xff: {  	v16 =	vbroadcast v10, $0x3;
	[tilespmem:s10+$0xFFFFFE00] =	vst v28;
	v10 =	vld [tilespmem:s11+$0xFFFFFF30];
	v22 =	vmul.f32 v26, v22  }
0x100: {  	v26 =	vld [tilespmem:s11+$0xFFFFFE30];
	[tilespmem:s10+$0x20] =	vst v17  }
0x101: {  	v17 =	vmul.f32 v20, v16;
	v20 =	vld [tilespmem:s11+$0x30];
	[tilespmem:s10+$0x140] =	vst v22  }
0x102: {  	v22 =	vmul.f32 v27, v25;
	v27 =	vld [tilespmem:s11+$0x140]  }
0x103: {  	v14 =	vld [tilespmem:s14+$0xFFFFFEE0];
	v28 =	vmul.f32 v30, v29;
	[tilespmem:s7+$0x1D0] =	vst v17  }
0x104: {  	v30 =	vld [tilespmem:s13+$0xFFFFFFF0];
	[tilespmem:s7+$0xFFFFFF90] =	vst v22;
	v17 =	vmul.f32 v21, v23  }
0x105: {  	v21 =	vld [tilespmem:s9+$0x1D0];
	v22 =	vbroadcast v12, $0x1;
	v10 =	vmul.f32 v10, v18;
	[tilespmem:s7+$0xFFFFFE80] =	vst v28  }
0x106: {  	v18 =	vld [tilespmem:s9+$0xFFFFFFB0];
	v19 =	vmul.f32 v26, v19;
	[tilespmem:s7+$0xA0] =	vst v17  }
0x107: {  	v26 =	vld [tilespmem:s9+$0xFFFFFEB0];
	[tilespmem:s10+$0xFFFFFF20] =	vst v10;
	v10 =	vmul.f32 v20, v24;
	v20 =	vmul.f32 v27, v22  }
0x108: {  	v17 =	vld [tilespmem:s9+$0xB0];
	[tilespmem:s10+$0xFFFFFE10] =	vst v19  }
0x109: {  	v19 =	vld [tilespmem:s11+$0xFFFFFF40];
	[tilespmem:s10+$0x150] =	vst v20  }
0x10a: {  	[tilespmem:s10+$0x30] =	vst v10;
	v10 =	vmul.f32 v21, v16;
	v20 =	vld [tilespmem:s11+$0x150]  }
0x10b: {  	v27 =	vld [tilespmem:s11+$0xFFFFFE40];
	v18 =	vmul.f32 v18, v25  }
0x10c: {  	v24 =	vbroadcast v3, $0x1;
	v21 =	vld [tilespmem:s11+$0x40];
	v25 =	vmul.f32 v26, v29;
	[tilespmem:s7+$0x1E0] =	vst v10  }
0x10d: {  	v26 =	vld [tilespmem:s13+$0x10];
	[tilespmem:s7+$0xFFFFFFA0] =	vst v18;
	v10 =	vmul.f32 v17, v23  }
0x10e: {  	v29 =	vld [tilespmem:s13+$0xFFFFFFE0];
	v18 =	vmul.f32 v19, v24;
	[tilespmem:s7+$0xFFFFFE90] =	vst v25  }
0x10f: {  	v23 =	vld [tilespmem:s9+$0xFFFFFEC0];
	[tilespmem:s7+$0xB0] =	vst v10;
	v10 =	vmul.f32 v20, v22  }
0x110: {  	[tilespmem:s10+$0xFFFFFF30] =	vst v18;
	v20 =	vld [tilespmem:s12+$0x10]  }
0x111: {  	v33 =	vbroadcast v8, $0x1;
	v25 =	vld [tilespmem:s11+$0xFFFFFF50];
	[tilespmem:s10+$0x160] =	vst v10  }
0x112: {  	v31 =	vbroadcast v7, $0x1;
	v10 =	vbroadcast v9, $0x3;
	v28 =	vld [tilespmem:s11+$0x160]  }
0x113: {  	v9 =	vbroadcast v0, $0x3;
	v0 =	vbroadcast v11, $0x3;
	v11 =	vld [tilespmem:s12+$0xFFFFFFF0]  }
0x114: {  	v17 =	vld [tilespmem:s9+$0x1E0];
	v21 =	vmul.f32 v21, v33  }
0x115: {  	v19 =	vld [tilespmem:s9+$0xFFFFFFC0];
	v20 =	vadd.f32 v26, v20;
	v26 =	vmul.f32 v27, v31  }
0x116: {  	v18 =	vld [tilespmem:s9+$0xC0];
	[tilespmem:s10+$0x40] =	vst v21;
	v21 =	vmul.f32 v23, v10  }
0x117: {  	v13 =	vmul.f32 v13, v4;
	v27 =	vld [tilespmem:s12+$0xFFFFFFE0];
	[tilespmem:s10+$0xFFFFFE20] =	vst v26;
	v28 =	vmul.f32 v28, v22  }
0x118: {  	v14 =	vmul.f32 v14, v6;
	v25 =	vmul.f32 v25, v24;
	[tilespmem:s7+$0xFFFFFEA0] =	vst v21;
	v11 =	vadd.f32 v30, v11;
	v23 =	vld [tilespmem:s11+$0xFFFFFE50]  }
0x119: {  	v15 =	vld [tilespmem:s14+$0xFFFFFFE0];
	v17 =	vmul.f32 v17, v16;
	[tilespmem:s10+$0x170] =	vst v28;
	v28 =	vmul.f32 $2.000000030e-01, v20  }
0x11a: {  	v19 =	vmul.f32 v19, v9;
	vm8 =	vge.f32 v20, $0.0e+00;
	[tilespmem:s10+$0xFFFFFF40] =	vst v25;
	v21 =	vmul.f32 $2.000000030e-01, v11;
	v26 =	vld [tilespmem:s11+$0x170]  }
0x11b: {  	[tilespmem:s6+$0xD0] =	vst v13;
	v18 =	vmul.f32 v18, v0;
	v30 =	vld [tilespmem:s11+$0xFFFFFF60];
	vm9 =	vge.f32 v11, $0.0e+00;
	v20 =	vsel vm8, v20, v28  }
0x11c: {  	[tilespmem:s7+$0x1F0] =	vst v17;
	v25 =	vld [tilespmem:s11+$0x50];
	v27 =	vadd.f32 v29, v27;
	v11 =	vsel vm9, v11, v21;
	v20 =	vmul.f32 $1.442695020e+00, v20  }
0x11d: {  	v17 =	vld [tilespmem:s9+$0x1F0];
	[tilespmem:s7+$0xFFFFFFB0] =	vst v19;
	v28 =	vadd.f32 v34, v32;
	v11 =	vmul.f32 $1.442695020e+00, v11;
	v21 =	vmul.f32 v23, v31  }
0x11e: {  	[tilespmem:s7+$0xC0] =	vst v18;
	v57 =	vld [tilespmem:s9+$0xFFFFFFD0];
	vm11 =	vge.f32 v27, $0.0e+00;
	(erf) = vpow2.f32 v20;
	v20 =	vmul.f32 $2.000000030e-01, v27  }
0x11f: {  	v18 =	vld [tilespmem:s9+$0xD0];
	vm10 =	vge.f32 v28, $0.0e+00;
	v19 =	vmul.f32 $2.000000030e-01, v28;
	[tilespmem:s10+$0xFFFFFE30] =	vst v21;
	v22 =	vmul.f32 v26, v22  }
0x120: {  	[tilespmem:s6+$0xFFFFFEC0] =	vst v14;
	(erf) = vpow2.f32 v11;
	v14 =	vld [tilespmem:s11+$0xFFFFFE60];
	v11 =	vmul.f32 v30, v24;
	v20 =	vsel vm11, v27, v20  }
0x121: {  	v29 =	vld [tilespmem:s9+$0xFFFFFED0];
	v21 =	vmul.f32 v25, v33;
	v13 =	vsel vm10, v28, v19;
	[tilespmem:s10+$0x180] =	vst v22;
	v22 =	vmul.f32 $1.442695020e+00, v20  }
0x122: {  	v13 =	vmul.f32 $1.442695020e+00, v13;
	[tilespmem:s10+$0xFFFFFF50] =	vst v11;
	v23 =	vld [tilespmem:s11+$0x180]  }
0x123: {  	v16 =	vmul.f32 v17, v16;
	[tilespmem:s10+$0x50] =	vst v21;
	v26 =	vld [tilespmem:s11+$0xFFFFFF70];
	(erf) = vpow2.f32 v22  }
0x124: {  	s15 =	simm.s32 $0x12120;
	v15 =	vmul.f32 v15, v5;
	(erf) = vpow2.f32 v13;
	v13 =	vld [tilespmem:s11+$0x60]  }
0x125: {  	[tilespmem:s7+$0x200] =	vst v16;
	v16 =	vld [tilespmem:s15+$0xFFFFFFF0];
	v25 =	vbroadcast v12, $0x2;
	v14 =	vmul.f32 v14, v31  }
0x126: {  	[tilespmem:s6+$0xFFFFFFD0] =	vst v15;
	v19 =	vld [tilespmem:s14+$0xE0]  }
0x127: {  	s12 =	simm.s32 $0x176E0;
	v21 =	vld [tilespmem:s14+$0xFFFFFFF0];
	[tilespmem:s10+$0xFFFFFE40] =	vst v14;
	v11 =	vpop (erf);
	v15 =	vmul.f32 v23, v25  }
0x128: {  	s13 =	simm.s32 $0x13600;
	v22 =	vmul.f32 v29, v10;
	v29 =	vld [tilespmem:s11+$0xFFFFFE70];
	v24 =	vmul.f32 v26, v24;
	[tilespmem:s12+$0x210] =	vst v11  }
0x129: {  	v27 =	vld [tilespmem:s13+$0x100];
	[tilespmem:s10+$0x190] =	vst v15;
	v14 =	vmul.f32 v13, v33  }
0x12a: {  	[tilespmem:s10+$0xFFFFFF60] =	vst v24;
	v28 =	vld [tilespmem:s11+$0x190]  }
0x12b: {  	v20 =	vld [tilespmem:s14+$0xFFFFFEF0];
	v13 =	vpop (erf);
	[tilespmem:s10+$0x60] =	vst v14  }
0x12c: {  	v30 =	vbroadcast v11, $0x0;
	[tilespmem:s12+$0xFFFFFFF0] =	vst v13;
	v15 =	vpop (erf);
	v58 =	vld [tilespmem:s11+$0x70]  }
0x12d: {  	v59 =	vld [tilespmem:s13+$0xFFFFFF00];
	v29 =	vmul.f32 v29, v31;
	[tilespmem:s12+$0xFFFFFEE0] =	vst v15;
	v14 =	vpop (erf)  }
0x12e: {  	v27 =	vmul.f32 v30, v27;
	v35 =	vld [tilespmem:s13+$0xFFFFFE00];
	[tilespmem:s12+$0x100] =	vst v14  }
0x12f: {  	[tilespmem:s10+$0xFFFFFE50] =	vst v29;
	v28 =	vmul.f32 v28, v25;
	v26 =	vld [tilespmem:s13+$0x0]  }
0x130: {  	v63 =	vld [tilespmem:s11+$0xFFFFFE80];
	[tilespmem:s12+$0x110] =	vst v27;
	v27 =	vbroadcast v13, $0x0  }
0x131: {  	v36 =	vld [tilespmem:s13+$0x110];
	[tilespmem:s10+$0x1A0] =	vst v28;
	v28 =	vbroadcast v15, $0x0;
	v24 =	vmul.f32 v58, v33  }
0x132: {  	[tilespmem:s7+$0xFFFFFEB0] =	vst v22;
	v60 =	vbroadcast v14, $0x0;
	v31 =	vld [tilespmem:s11+$0x1A0];
	v61 =	vmul.f32 v27, v59  }
0x133: {  	v37 =	vbroadcast v7, $0x2;
	v29 =	vld [tilespmem:s11+$0xFFFFFF80];
	v62 =	vmul.f32 v28, v35;
	[tilespmem:s10+$0x70] =	vst v24  }
0x134: {  	[tilespmem:s12+$0xFFFFFEF0] =	vst v61;
	v24 =	vmul.f32 v60, v26;
	v26 =	vld [tilespmem:s11+$0x80]  }
0x135: {  	v35 =	vmul.f32 v63, v37;
	[tilespmem:s12+$0xFFFFFDE0] =	vst v62;
	v43 =	vld [tilespmem:s13+$0xFFFFFF10]  }
0x136: {  	v42 =	vbroadcast v3, $0x2;
	v36 =	vmul.f32 v30, v36;
	v38 =	vld [tilespmem:s13+$0xFFFFFE10];
	[tilespmem:s12+$0x0] =	vst v24  }
0x137: {  	[tilespmem:s10+$0xFFFFFE60] =	vst v35;
	v24 =	vmul.f32 v31, v25;
	v31 =	vbroadcast v8, $0x2;
	v39 =	vld [tilespmem:s13+$0x10]  }
0x138: {  	v29 =	vmul.f32 v29, v42;
	v46 =	vld [tilespmem:s11+$0xFFFFFE90];
	[tilespmem:s12+$0x120] =	vst v36  }
0x139: {  	v36 =	vld [tilespmem:s13+$0x120];
	[tilespmem:s10+$0x1B0] =	vst v24;
	v24 =	vmul.f32 v26, v31  }
0x13a: {  	[tilespmem:s10+$0xFFFFFF70] =	vst v29;
	v26 =	vld [tilespmem:s11+$0x1B0];
	v29 =	vmul.f32 v27, v43  }
0x13b: {  	v44 =	vld [tilespmem:s11+$0xFFFFFF90];
	v45 =	vmul.f32 v28, v38;
	[tilespmem:s10+$0x80] =	vst v24  }
0x13c: {  	v22 =	vld [tilespmem:s9+$0xFFFFFEE0];
	[tilespmem:s12+$0xFFFFFF00] =	vst v29;
	v24 =	vmul.f32 v60, v39  }
0x13d: {  	v29 =	vld [tilespmem:s11+$0x90];
	v50 =	vmul.f32 v46, v37;
	[tilespmem:s12+$0xFFFFFDF0] =	vst v45  }
0x13e: {  	v47 =	vld [tilespmem:s13+$0xFFFFFF20];
	v36 =	vmul.f32 v30, v36;
	[tilespmem:s12+$0x10] =	vst v24  }
0x13f: {  	v48 =	vld [tilespmem:s13+$0xFFFFFE20];
	[tilespmem:s10+$0xFFFFFE70] =	vst v50;
	v24 =	vmul.f32 v26, v25  }
0x140: {  	v25 =	vld [tilespmem:s13+$0x20];
	v26 =	vmul.f32 v44, v42;
	[tilespmem:s12+$0x130] =	vst v36  }
0x141: {  	v23 =	vmul.f32 v57, v9;
	v49 =	vld [tilespmem:s13+$0x130];
	[tilespmem:s10+$0x1C0] =	vst v24  }
0x142: {  	[tilespmem:s10+$0xFFFFFF80] =	vst v26;
	v24 =	vmul.f32 v29, v31;
	v26 =	vld [tilespmem:s11+$0x1C0]  }
0x143: {  	[tilespmem:s7+$0xFFFFFFC0] =	vst v23;
	v53 =	vld [tilespmem:s11+$0xFFFFFEA0];
	v29 =	vmul.f32 v27, v47  }
0x144: {  	v51 =	vld [tilespmem:s11+$0xFFFFFFA0];
	v52 =	vmul.f32 v28, v48;
	[tilespmem:s10+$0x90] =	vst v24  }
0x145: {  	[tilespmem:s12+$0xFFFFFF10] =	vst v29;
	v24 =	vmul.f32 v60, v25;
	v25 =	vld [tilespmem:s11+$0xA0];
	v29 =	vbroadcast v12, $0x3  }
0x146: {  	[tilespmem:s12+$0xFFFFFE00] =	vst v52;
	v12 =	vld [tilespmem:s13+$0xFFFFFF30];
	v30 =	vmul.f32 v49, v30  }
0x147: {  	v54 =	vld [tilespmem:s13+$0xFFFFFE30];
	[tilespmem:s12+$0x20] =	vst v24;
	v24 =	vmul.f32 v26, v29  }
0x148: {  	v23 =	vld [tilespmem:s9+$0xFFFFFFE0];
	[tilespmem:s12+$0x140] =	vst v30  }
0x149: {  	v30 =	vmul.f32 v51, v42;
	v55 =	vld [tilespmem:s13+$0x140];
	[tilespmem:s10+$0x1D0] =	vst v24  }
0x14a: {  	v56 =	vmul.f32 v53, v37;
	v24 =	vmul.f32 v25, v31;
	v25 =	vld [tilespmem:s11+$0x1D0]  }
0x14b: {  	v26 =	vld [tilespmem:s13+$0x30];
	[tilespmem:s10+$0xFFFFFF90] =	vst v30;
	v12 =	vmul.f32 v12, v27  }
0x14c: {  	[tilespmem:s10+$0xFFFFFE80] =	vst v56;
	v30 =	vbroadcast v11, $0x1;
	v27 =	vld [tilespmem:s11+$0xFFFFFFB0];
	v28 =	vmul.f32 v54, v28  }
0x14d: {  	v62 =	vld [tilespmem:s18+$0x10];
	[tilespmem:s10+$0xA0] =	vst v24  }
0x14e: {  	v57 =	vld [tilespmem:s11+$0xFFFFFEB0];
	[tilespmem:s12+$0xFFFFFE10] =	vst v28;
	v28 =	vmul.f32 v55, v30  }
0x14f: {  	[tilespmem:s12+$0xFFFFFF20] =	vst v12;
	v24 =	vld [tilespmem:s11+$0xB0];
	v25 =	vmul.f32 v25, v29  }
0x150: {  	v12 =	vmul.f32 v26, v60;
	v26 =	vld [tilespmem:s13+$0xFFFFFF40];
	[tilespmem:s12+$0x150] =	vst v28  }
0x151: {  	v27 =	vmul.f32 v27, v42;
	v28 =	vld [tilespmem:s13+$0x150];
	[tilespmem:s10+$0x1E0] =	vst v25  }
0x152: {  	v1 =	vmul.f32 v2, v1;
	[tilespmem:s12+$0x30] =	vst v12;
	v25 =	vld [tilespmem:s11+$0x1E0]  }
0x153: {  	v60 =	vmul.f32 v57, v37;
	v58 =	vld [tilespmem:s13+$0xFFFFFE40];
	v12 =	vbroadcast v13, $0x1;
	[tilespmem:s10+$0xFFFFFFA0] =	vst v27  }
0x154: {  	[tilespmem:s6+$0x200] =	vst v1;
	v24 =	vmul.f32 v24, v31;
	v27 =	vld [tilespmem:s11+$0xFFFFFFC0]  }
0x155: {  	[tilespmem:s10+$0xFFFFFE90] =	vst v60;
	v59 =	vld [tilespmem:s13+$0x40];
	v26 =	vmul.f32 v26, v12  }
0x156: {  	v2 =	vbroadcast v3, $0x3;
	v31 =	vld [tilespmem:s11+$0xFFFFFEC0];
	[tilespmem:s10+$0xB0] =	vst v24;
	v24 =	vmul.f32 v28, v30  }
0x157: {  	v1 =	vbroadcast v8, $0x3;
	[tilespmem:s12+$0xFFFFFF30] =	vst v26;
	v26 =	vld [tilespmem:s11+$0xC0];
	v25 =	vmul.f32 v25, v29  }
0x158: {  	v18 =	vmul.f32 v18, v0;
	v28 =	vld [tilespmem:s15+$0x10];
	[tilespmem:s12+$0x160] =	vst v24;
	v24 =	vbroadcast v15, $0x1  }
0x159: {  	v8 =	vmul.f32 v27, v2;
	v63 =	vld [tilespmem:s13+$0x160];
	[tilespmem:s10+$0x1F0] =	vst v25;
	v25 =	vbroadcast v14, $0x1  }
0x15a: {  	[tilespmem:s7+$0xD0] =	vst v18;
	v61 =	vld [tilespmem:s13+$0xFFFFFF50];
	v32 =	vmul.f32 v58, v24  }
0x15b: {  	v3 =	vbroadcast v7, $0x3;
	v27 =	vld [tilespmem:s18+$0xFFFFFFF0];
	[tilespmem:s10+$0xFFFFFFB0] =	vst v8;
	v7 =	vmul.f32 v59, v25  }
0x15c: {  	v6 =	vmul.f32 v20, v6;
	v20 =	vmul.f32 v26, v1;
	v17 =	vld [tilespmem:s11+$0x1F0];
	[tilespmem:s12+$0xFFFFFE20] =	vst v32  }
0x15d: {  	[tilespmem:s12+$0x40] =	vst v7;
	v7 =	vmul.f32 v31, v3;
	v31 =	vld [tilespmem:s15+$0x0]  }
0x15e: {  	v28 =	vadd.f32 v62, v28;
	[tilespmem:s10+$0xC0] =	vst v20;
	v42 =	vld [tilespmem:s13+$0xFFFFFE50];
	v8 =	vmul.f32 v63, v30  }
0x15f: {  	v26 =	vmul.f32 v61, v12;
	[tilespmem:s10+$0xFFFFFEA0] =	vst v7;
	v7 =	vld [tilespmem:s15+$0xFFFFFFE0]  }
0x160: {  	v19 =	vmul.f32 v19, v4;
	[tilespmem:s12+$0x170] =	vst v8;
	v8 =	vmul.f32 $2.000000030e-01, v28  }
0x161: {  	v5 =	vmul.f32 v21, v5;
	v21 =	vmul.f32 v22, v10;
	[tilespmem:s12+$0xFFFFFF40] =	vst v26;
	vm12 =	vge.f32 v28, $0.0e+00;
	v20 =	vld [tilespmem:s13+$0x170]  }
0x162: {  	[tilespmem:s6+$0xE0] =	vst v19;
	v22 =	vmul.f32 v23, v9;
	v23 =	vadd.f32 v27, v16;
	v18 =	vld [tilespmem:s13+$0xFFFFFF60];
	v8 =	vsel vm12, v28, v8  }
0x163: {  	[tilespmem:s7+$0xFFFFFEC0] =	vst v21;
	v26 =	vld [tilespmem:s13+$0x50];
	v16 =	vmul.f32 v17, v29;
	v17 =	vadd.f32 v41, v31;
	v8 =	vmul.f32 $1.442695020e+00, v8  }
0x164: {  	[tilespmem:s7+$0xFFFFFFD0] =	vst v22;
	v21 =	vmul.f32 $2.000000030e-01, v23;
	v29 =	vld [tilespmem:s11+$0xFFFFFFD0];
	v22 =	vmul.f32 v42, v24;
	v7 =	vadd.f32 v40, v7  }
0x165: {  	vm13 =	vge.f32 v23, $0.0e+00;
	v27 =	vld [tilespmem:s11+$0xFFFFFED0];
	[tilespmem:s10+$0x200] =	vst v16;
	v28 =	vmul.f32 $2.000000030e-01, v17;
	(erf) = vpow2.f32 v8  }
0x166: {  	v16 =	vld [tilespmem:s11+$0xD0];
	vm14 =	vge.f32 v17, $0.0e+00;
	[tilespmem:s12+$0xFFFFFE30] =	vst v22;
	v8 =	vmul.f32 $2.000000030e-01, v7;
	v20 =	vmul.f32 v20, v30  }
0x167: {  	[tilespmem:s6+$0xFFFFFED0] =	vst v6;
	v19 =	vsel vm13, v23, v21;
	v6 =	vld [tilespmem:s13+$0xFFFFFE60];
	vm15 =	vge.f32 v7, $0.0e+00;
	v21 =	vsel vm14, v17, v28  }
0x168: {  	v17 =	vld [tilespmem:s9+$0xE0];
	v21 =	vmul.f32 $1.442695020e+00, v21;
	v7 =	vsel vm15, v7, v8;
	v8 =	vmul.f32 $1.442695020e+00, v19;
	[tilespmem:s12+$0x180] =	vst v20  }
0x169: {  	v20 =	vmul.f32 v26, v25;
	v7 =	vmul.f32 $1.442695020e+00, v7;
	v22 =	vld [tilespmem:s13+$0x180]  }
0x16a: {  	v19 =	vld [tilespmem:s9+$0xFFFFFEF0];
	(erf) = vpow2.f32 v8;
	v8 =	vmul.f32 v18, v12  }
0x16b: {  	v26 =	vld [tilespmem:s14+$0xF0];
	[tilespmem:s12+$0x50] =	vst v20;
	(erf) = vpow2.f32 v7;
	v7 =	vmul.f32 v27, v3  }
0x16c: {  	[tilespmem:s6+$0xFFFFFFE0] =	vst v5;
	v18 =	vld [tilespmem:s13+$0x60];
	(erf) = vpow2.f32 v21;
	v21 =	vbroadcast v11, $0x2  }
0x16d: {  	v20 =	vld [tilespmem:s9+$0xFFFFFFF0];
	[tilespmem:s12+$0xFFFFFF50] =	vst v8  }
0x16e: {  	s15 =	simm.s32 $0x17B20;
	v30 =	vld [tilespmem:s13+$0xFFFFFF70];
	[tilespmem:s10+$0xFFFFFEB0] =	vst v7;
	v8 =	vpop (erf);
	v5 =	vmul.f32 v22, v21  }
0x16f: {  	s19 =	simm.s32 $0x13A00;
	v6 =	vmul.f32 v6, v24;
	v22 =	vld [tilespmem:s11+$0xFFFFFEE0];
	[tilespmem:s15+$0x210] =	vst v8  }
0x170: {  	v7 =	vmul.f32 v29, v2;
	v28 =	vld [tilespmem:s19+$0x100];
	[tilespmem:s12+$0x190] =	vst v5  }
0x171: {  	[tilespmem:s12+$0xFFFFFE40] =	vst v6;
	v5 =	vmul.f32 v18, v25;
	v6 =	vld [tilespmem:s13+$0x190]  }
0x172: {  	[tilespmem:s10+$0xFFFFFFC0] =	vst v7;
	v18 =	vld [tilespmem:s13+$0xFFFFFE70]  }
0x173: {  	v31 =	vbroadcast v8, $0x0;
	v23 =	vld [tilespmem:s11+$0xFFFFFFE0];
	[tilespmem:s12+$0x60] =	vst v5;
	v27 =	vpop (erf)  }
0x174: {  	v5 =	vld [tilespmem:s13+$0x70];
	[tilespmem:s15+$0xFFFFFFF0] =	vst v27;
	v29 =	vpop (erf)  }
0x175: {  	[tilespmem:s15+$0xFFFFFEE0] =	vst v29;
	v7 =	vld [tilespmem:s19+$0xFFFFFF00];
	v43 =	vmul.f32 v31, v28;
	v28 =	vpop (erf)  }
0x176: {  	v44 =	vld [tilespmem:s19+$0xFFFFFE00];
	[tilespmem:s15+$0x100] =	vst v28;
	v6 =	vmul.f32 v6, v21  }
0x177: {  	v12 =	vmul.f32 v30, v12;
	v30 =	vld [tilespmem:s19+$0x0];
	[tilespmem:s15+$0x110] =	vst v43  }
0x178: {  	v45 =	vbroadcast v27, $0x0;
	v18 =	vmul.f32 v18, v24;
	v46 =	vld [tilespmem:s19+$0x110];
	[tilespmem:s12+$0x1A0] =	vst v6  }
0x179: {  	[tilespmem:s12+$0xFFFFFF60] =	vst v12;
	v47 =	vbroadcast v29, $0x0;
	v5 =	vmul.f32 v5, v25;
	v6 =	vld [tilespmem:s13+$0x1A0]  }
0x17a: {  	v12 =	vbroadcast v28, $0x0;
	[tilespmem:s12+$0xFFFFFE50] =	vst v18;
	v18 =	vld [tilespmem:s13+$0xFFFFFF80];
	v7 =	vmul.f32 v45, v7  }
0x17b: {  	v25 =	vld [tilespmem:s13+$0xFFFFFE80];
	[tilespmem:s12+$0x70] =	vst v5;
	v24 =	vmul.f32 v47, v44  }
0x17c: {  	[tilespmem:s15+$0xFFFFFEF0] =	vst v7;
	v5 =	vmul.f32 v12, v30;
	v7 =	vld [tilespmem:s13+$0x80]  }
0x17d: {  	v30 =	vbroadcast v13, $0x2;
	[tilespmem:s15+$0xFFFFFDE0] =	vst v24;
	v24 =	vld [tilespmem:s19+$0xFFFFFF10];
	v48 =	vmul.f32 v31, v46  }
0x17e: {  	v49 =	vbroadcast v15, $0x2;
	v50 =	vld [tilespmem:s19+$0xFFFFFE10];
	[tilespmem:s15+$0x0] =	vst v5;
	v5 =	vmul.f32 v6, v21  }
0x17f: {  	v51 =	vbroadcast v14, $0x2;
	v18 =	vmul.f32 v18, v30;
	v6 =	vld [tilespmem:s19+$0x10];
	[tilespmem:s15+$0x120] =	vst v48  }
0x180: {  	v25 =	vmul.f32 v25, v49;
	v33 =	vld [tilespmem:s19+$0x120];
	[tilespmem:s12+$0x1B0] =	vst v5  }
0x181: {  	[tilespmem:s12+$0xFFFFFF70] =	vst v18;
	v5 =	vmul.f32 v7, v51;
	v7 =	vld [tilespmem:s13+$0x1B0]  }
0x182: {  	[tilespmem:s12+$0xFFFFFE60] =	vst v25;
	v18 =	vmul.f32 v45, v24;
	v24 =	vld [tilespmem:s13+$0xFFFFFF90]  }
0x183: {  	v52 =	vld [tilespmem:s13+$0xFFFFFE90];
	v25 =	vmul.f32 v47, v50;
	[tilespmem:s12+$0x80] =	vst v5  }
0x184: {  	[tilespmem:s15+$0xFFFFFF00] =	vst v18;
	v5 =	vmul.f32 v12, v6;
	v18 =	vld [tilespmem:s13+$0x90]  }
0x185: {  	[tilespmem:s15+$0xFFFFFDF0] =	vst v25;
	v25 =	vld [tilespmem:s19+$0xFFFFFF20];
	v6 =	vmul.f32 v31, v33  }
0x186: {  	v53 =	vld [tilespmem:s19+$0xFFFFFE20];
	[tilespmem:s15+$0x10] =	vst v5;
	v5 =	vmul.f32 v7, v21  }
0x187: {  	v21 =	vld [tilespmem:s19+$0x20];
	[tilespmem:s15+$0x130] =	vst v6;
	v7 =	vmul.f32 v24, v30  }
0x188: {  	v24 =	vmul.f32 v52, v49;
	v54 =	vld [tilespmem:s19+$0x130];
	[tilespmem:s12+$0x1C0] =	vst v5  }
0x189: {  	v6 =	vbroadcast v15, $0x3;
	[tilespmem:s12+$0xFFFFFF80] =	vst v7;
	v15 =	vmul.f32 v18, v51;
	v55 =	vld [tilespmem:s13+$0x1C0]  }
0x18a: {  	v5 =	vbroadcast v13, $0x3;
	[tilespmem:s12+$0xFFFFFE70] =	vst v24;
	v13 =	vmul.f32 v45, v25;
	v25 =	vld [tilespmem:s13+$0xFFFFFFA0]  }
0x18b: {  	v7 =	vbroadcast v14, $0x3;
	v56 =	vld [tilespmem:s13+$0xFFFFFEA0];
	v14 =	vmul.f32 v47, v53;
	[tilespmem:s12+$0x90] =	vst v15  }
0x18c: {  	v24 =	vbroadcast v11, $0x3;
	[tilespmem:s15+$0xFFFFFF10] =	vst v13;
	v13 =	vmul.f32 v12, v21;
	v21 =	vld [tilespmem:s13+$0xA0]  }
0x18d: {  	v18 =	vmul.f32 v16, v1;
	[tilespmem:s15+$0xFFFFFE00] =	vst v14;
	v11 =	vld [tilespmem:s19+$0xFFFFFF30];
	v14 =	vmul.f32 v54, v31  }
0x18e: {  	v16 =	vmul.f32 v19, v10;
	v31 =	vld [tilespmem:s19+$0xFFFFFE30];
	[tilespmem:s15+$0x20] =	vst v13;
	v13 =	vmul.f32 v55, v24  }
0x18f: {  	v15 =	vmul.f32 v17, v0;
	v10 =	vld [tilespmem:s19+$0x30];
	[tilespmem:s15+$0x140] =	vst v14;
	v14 =	vmul.f32 v25, v30  }
0x190: {  	v17 =	vmul.f32 v20, v9;
	v19 =	vmul.f32 v56, v49;
	v9 =	vld [tilespmem:s19+$0x140];
	[tilespmem:s12+$0x1D0] =	vst v13  }
0x191: {  	v4 =	vmul.f32 v26, v4;
	[tilespmem:s12+$0xFFFFFF90] =	vst v14;
	v13 =	vmul.f32 v21, v51;
	v14 =	vld [tilespmem:s13+$0x1D0]  }
0x192: {  	v20 =	vbroadcast v27, $0x1;
	[tilespmem:s12+$0xFFFFFE80] =	vst v19;
	v11 =	vmul.f32 v11, v45;
	v57 =	vld [tilespmem:s13+$0xFFFFFFB0]  }
0x193: {  	v25 =	vbroadcast v8, $0x1;
	v58 =	vld [tilespmem:s13+$0xFFFFFEB0];
	v31 =	vmul.f32 v31, v47;
	[tilespmem:s12+$0xA0] =	vst v13  }
0x194: {  	v21 =	vbroadcast v29, $0x1;
	[tilespmem:s15+$0xFFFFFF20] =	vst v11;
	v10 =	vmul.f32 v10, v12;
	v59 =	vld [tilespmem:s13+$0xB0]  }
0x195: {  	v19 =	vbroadcast v28, $0x1;
	[tilespmem:s15+$0xFFFFFE10] =	vst v31;
	v31 =	vld [tilespmem:s19+$0xFFFFFF40];
	v9 =	vmul.f32 v9, v25  }
0x196: {  	v13 =	vbroadcast v27, $0x2;
	v60 =	vld [tilespmem:s19+$0xFFFFFE40];
	[tilespmem:s15+$0x30] =	vst v10;
	v10 =	vmul.f32 v14, v24  }
0x197: {  	v12 =	vbroadcast v29, $0x2;
	v61 =	vld [tilespmem:s19+$0x40];
	[tilespmem:s15+$0x150] =	vst v9;
	v9 =	vmul.f32 v57, v30  }
0x198: {  	v11 =	vbroadcast v29, $0x3;
	v30 =	vmul.f32 v58, v49;
	v62 =	vld [tilespmem:s19+$0x150];
	[tilespmem:s12+$0x1E0] =	vst v10  }
0x199: {  	v14 =	vbroadcast v28, $0x2;
	[tilespmem:s12+$0xFFFFFFA0] =	vst v9;
	v63 =	vmul.f32 v59, v51;
	v29 =	vld [tilespmem:s13+$0x1E0]  }
0x19a: {  	v10 =	vbroadcast v27, $0x3;
	[tilespmem:s12+$0xFFFFFE90] =	vst v30;
	v31 =	vmul.f32 v31, v20;
	v27 =	vld [tilespmem:s13+$0xFFFFFFC0]  }
0x19b: {  	v9 =	vbroadcast v28, $0x3;
	v28 =	vld [tilespmem:s13+$0xFFFFFEC0];
	v30 =	vmul.f32 v60, v21;
	[tilespmem:s12+$0xB0] =	vst v63  }
0x19c: {  	v22 =	vmul.f32 v22, v3;
	[tilespmem:s15+$0xFFFFFF30] =	vst v31;
	v26 =	vld [tilespmem:s13+$0xC0];
	v31 =	vmul.f32 v61, v19  }
0x19d: {  	s16 =	simm.s32 $0x12160;
	s20 =	simm.s32 $0x10;
	s14 =	simm.s32 $0x13A00;
	v23 =	vmul.f32 v23, v2;
	[tilespmem:s15+$0xFFFFFE20] =	vst v30;
	v30 =	vld [tilespmem:s19+$0xFFFFFF50];
	v32 =	vmul.f32 v62, v25  }
.LBB2_3:
0x19e: {  	v33 =	vld [tilespmem:s16+$0x10];
	[tilespmem:s15+$0x40] =	vst v31;
	s18 =	sadd.s32 $0x40, s18;
	v29 =	vmul.f32 v29, v24  }
0x19f: {  	v31 =	vld [tilespmem:s18+$0x10];
	[tilespmem:s15+$0x160] =	vst v32;
	v27 =	vmul.f32 v27, v5  }
0x1a0: {  	v32 =	vld [tilespmem:s19+$0x160];
	v28 =	vmul.f32 v28, v6;
	[tilespmem:s12+$0x1F0] =	vst v29  }
0x1a1: {  	[tilespmem:s12+$0xFFFFFFB0] =	vst v27;
	v26 =	vmul.f32 v26, v7;
	v27 =	vld [tilespmem:s13+$0x1F0]  }
0x1a2: {  	s20 =	sadd.s32 $0x4, s20;
	v29 =	vld [tilespmem:s18+$0xFFFFFFE0];
	v30 =	vmul.f32 v30, v20;
	[tilespmem:s12+$0xFFFFFEA0] =	vst v28  }
0x1a3: {  	p0 =	slt.u32 s20, $0x3C;
	v28 =	vld [tilespmem:s16+$0xFFFFFFF0];
	[tilespmem:s12+$0xC0] =	vst v26  }
0x1a4: {  	v26 =	vld [tilespmem:s18+$0xFFFFFFF0];
	[tilespmem:s15+$0xFFFFFF40] =	vst v30  }
0x1a5: {  	v30 =	vld [tilespmem:s16+$0x0];
	v32 =	vmul.f32 v32, v25;
	[tilespmem:s10+$0xD0] =	vst v18  }
0x1a6: {  	v31 =	vadd.f32 v31, v33;
	v18 =	vld [tilespmem:s18+$0x0];
	v24 =	vmul.f32 v27, v24;
	[tilespmem:s10+$0xFFFFFEC0] =	vst v22  }
0x1a7: {  	v22 =	vld [tilespmem:s16+$0xFFFFFFE0];
	[tilespmem:s15+$0x170] =	vst v32  }
0x1a8: {  	v27 =	vmul.f32 $2.000000030e-01, v31;
	v32 =	vld [tilespmem:s19+$0xFFFFFE50];
	[tilespmem:s12+$0x200] =	vst v24  }
0x1a9: {  	vm0 =	vge.f32 v31, $0.0e+00;
	v24 =	vadd.f32 v26, v28;
	v26 =	vld [tilespmem:s19+$0x170];
	[tilespmem:s10+$0xFFFFFFD0] =	vst v23  }
0x1aa: {  	v23 =	vsel vm0, v31, v27;
	v27 =	vld [tilespmem:s19+$0x50];
	[tilespmem:s7+$0xE0] =	vst v15  }
0x1ab: {  	v23 =	vmul.f32 $1.442695020e+00, v23;
	v15 =	vmul.f32 $2.000000030e-01, v24;
	v18 =	vadd.f32 v18, v30;
	v28 =	vld [tilespmem:s19+$0xFFFFFF60];
	[tilespmem:s7+$0xFFFFFED0] =	vst v16  }
0x1ac: {  	vm0 =	vge.f32 v24, $0.0e+00;
	v16 =	vadd.f32 v29, v22;
	v22 =	vld [tilespmem:s13+$0xFFFFFED0];
	[tilespmem:s7+$0xFFFFFFE0] =	vst v17  }
0x1ad: {  	vm1 =	vge.f32 v18, $0.0e+00;
	v17 =	vmul.f32 $2.000000030e-01, v18;
	(erf) = vpow2.f32 v23;
	v23 =	vld [tilespmem:s13+$0xFFFFFFD0];
	[tilespmem:s6+$0xF0] =	vst v4;
	s6 =	smov.u32 s7;
	s7 =	smov.u32 s10;
	s10 =	smov.u32 s12  }
0x1ae: {  	s12 =	smov.u32 s15;
	vm2 =	vge.f32 v16, $0.0e+00;
	v4 =	vmul.f32 $2.000000030e-01, v16;
	v25 =	vmul.f32 v26, v25;
	v26 =	vld [tilespmem:s13+$0xD0]  }
0x1af: {  	v15 =	vsel vm0, v24, v15;
	v17 =	vsel vm1, v18, v17;
	v18 =	vmul.f32 v32, v21;
	v29 =	vld [tilespmem:s11+$0xE0]  }
0x1b0: {  	v15 =	vmul.f32 $1.442695020e+00, v15;
	v4 =	vsel vm2, v16, v4;
	v16 =	vmul.f32 $1.442695020e+00, v17;
	[tilespmem:s15+$0x180] =	vst v25;
	v17 =	vld [tilespmem:s11+$0xFFFFFEF0]  }
0x1b1: {  	v4 =	vmul.f32 $1.442695020e+00, v4;
	[tilespmem:s15+$0xFFFFFE30] =	vst v18;
	v18 =	vmul.f32 v27, v19;
	v27 =	vld [tilespmem:s19+$0x180]  }
0x1b2: {  	(erf) = vpow2.f32 v15;
	v30 =	vld [tilespmem:s19+$0xFFFFFE60];
	v15 =	vmul.f32 v28, v20  }
0x1b3: {  	(erf) = vpow2.f32 v4;
	[tilespmem:s15+$0x50] =	vst v18;
	v4 =	vmul.f32 v22, v6;
	v22 =	vld [tilespmem:s11+$0xFFFFFFF0]  }
0x1b4: {  	v24 =	vbroadcast v8, $0x2;
	(erf) = vpow2.f32 v16;
	[tilespmem:s15+$0xFFFFFF50] =	vst v15;
	v28 =	vld [tilespmem:s19+$0x60]  }
0x1b5: {  	v18 =	vmul.f32 v26, v7;
	v31 =	vld [tilespmem:s19+$0xFFFFFF70];
	[tilespmem:s10+$0xFFFFFEB0] =	vst v4;
	v4 =	vmul.f32 v23, v5  }
0x1b6: {  	s15 =	sadd.s32 $0x440, s15;
	v15 =	vmul.f32 v29, v1;
	v25 =	vpop (erf);
	v23 =	vmul.f32 v27, v24;
	v26 =	vld [tilespmem:s13+$0xFFFFFEE0]  }
0x1b7: {  	s19 =	sadd.s32 $0x400, s19;
	v16 =	vmul.f32 v17, v3;
	v3 =	vmovc v6;
	v6 =	vmov v11;
	[tilespmem:s15+$0x210] =	vst v25;
	v27 =	vmul.f32 v30, v21;
	v33 =	vld [tilespmem:s9+$0xF0];
	s9 =	smov.u32 s11;
	s11 =	smov.u32 s13  }
0x1b8: {  	s13 =	smov.u32 s14;
	s14 =	smov.u32 s19;
	v11 =	vld [tilespmem:s19+$0x100];
	[tilespmem:s12+$0x190] =	vst v23;
	v17 =	vmul.f32 v22, v2;
	v2 =	vmov v5;
	v5 =	vmov v10  }
0x1b9: {  	[tilespmem:s12+$0xFFFFFE40] =	vst v27;
	v29 =	vmul.f32 v28, v19;
	v23 =	vld [tilespmem:s13+$0x190]  }
0x1ba: {  	v28 =	vld [tilespmem:s13+$0xFFFFFE70];
	v34 =	vmul.f32 v31, v20;
	[tilespmem:s10+$0xFFFFFFC0] =	vst v4  }
0x1bb: {  	v32 =	vbroadcast v25, $0x0;
	v4 =	vpop (erf);
	[tilespmem:s12+$0x60] =	vst v29;
	v22 =	vmul.f32 v26, v3;
	v35 =	vld [tilespmem:s11+$0xFFFFFFE0]  }
0x1bc: {  	[tilespmem:s15+$0xFFFFFFF0] =	vst v4;
	v27 =	vbroadcast v4, $0x0;
	v20 =	vbroadcast v4, $0x1;
	v10 =	vpop (erf);
	v36 =	vld [tilespmem:s13+$0x70]  }
0x1bd: {  	[tilespmem:s15+$0xFFFFFEE0] =	vst v10;
	v29 =	vbroadcast v10, $0x0;
	v37 =	vld [tilespmem:s19+$0xFFFFFF00];
	v11 =	vmul.f32 v32, v11;
	v38 =	vpop (erf)  }
0x1be: {  	v39 =	vld [tilespmem:s19+$0xFFFFFE00];
	[tilespmem:s15+$0x100] =	vst v38;
	v31 =	vbroadcast v38, $0x0;
	v23 =	vmul.f32 v23, v24  }
0x1bf: {  	v40 =	vbroadcast v10, $0x1;
	v42 =	vbroadcast v38, $0x1;
	v41 =	vld [tilespmem:s19+$0x0];
	[tilespmem:s15+$0x110] =	vst v11  }
0x1c0: {  	v26 =	vbroadcast v10, $0x2;
	v11 =	vmul.f32 v28, v21;
	v43 =	vld [tilespmem:s19+$0x110];
	[tilespmem:s12+$0x1A0] =	vst v23  }
0x1c1: {  	v30 =	vbroadcast v4, $0x2;
	v21 =	vmovc v40;
	[tilespmem:s12+$0xFFFFFF60] =	vst v34;
	v23 =	vmul.f32 v36, v19;
	v34 =	vld [tilespmem:s13+$0x1A0];
	v19 =	vmov v42  }
0x1c2: {  	v28 =	vbroadcast v38, $0x2;
	v36 =	vmul.f32 v27, v37;
	[tilespmem:s12+$0xFFFFFE50] =	vst v11;
	v37 =	vld [tilespmem:s13+$0xFFFFFF80]  }
0x1c3: {  	v11 =	vbroadcast v10, $0x3;
	v39 =	vmul.f32 v29, v39;
	v40 =	vld [tilespmem:s13+$0xFFFFFE80];
	[tilespmem:s12+$0x70] =	vst v23  }
0x1c4: {  	v10 =	vbroadcast v4, $0x3;
	[tilespmem:s15+$0xFFFFFEF0] =	vst v36;
	v4 =	vmul.f32 v31, v41;
	v36 =	vld [tilespmem:s13+$0x80]  }
0x1c5: {  	v38 =	vbroadcast v38, $0x3;
	[tilespmem:s15+$0xFFFFFDE0] =	vst v39;
	v39 =	vld [tilespmem:s19+$0xFFFFFF10];
	v41 =	vmul.f32 v32, v43  }
0x1c6: {  	v23 =	vmul.f32 v35, v2;
	v42 =	vld [tilespmem:s19+$0xFFFFFE10];
	[tilespmem:s15+$0x0] =	vst v4;
	v34 =	vmul.f32 v34, v24  }
0x1c7: {  	v4 =	vmul.f32 v33, v0;
	v0 =	vmovc v1;
	v1 =	vmov v7;
	v35 =	vld [tilespmem:s19+$0x10];
	[tilespmem:s15+$0x120] =	vst v41;
	v37 =	vmul.f32 v37, v13  }
0x1c8: {  	v7 =	vmov v9;
	v9 =	vmov v38;
	v33 =	vld [tilespmem:s19+$0x120];
	v40 =	vmul.f32 v40, v12;
	[tilespmem:s12+$0x1B0] =	vst v34  }
0x1c9: {  	[tilespmem:s12+$0xFFFFFF70] =	vst v37;
	v34 =	vmul.f32 v36, v14;
	v36 =	vld [tilespmem:s13+$0x1B0]  }
0x1ca: {  	v37 =	vmul.f32 v27, v39;
	[tilespmem:s12+$0xFFFFFE60] =	vst v40;
	v38 =	vld [tilespmem:s13+$0xFFFFFF90]  }
0x1cb: {  	v39 =	vmul.f32 v29, v42;
	v40 =	vld [tilespmem:s13+$0xFFFFFE90];
	[tilespmem:s12+$0x80] =	vst v34  }
0x1cc: {  	[tilespmem:s15+$0xFFFFFF00] =	vst v37;
	v34 =	vmul.f32 v31, v35;
	v35 =	vld [tilespmem:s13+$0x90]  }
0x1cd: {  	[tilespmem:s15+$0xFFFFFDF0] =	vst v39;
	v37 =	vld [tilespmem:s19+$0xFFFFFF20];
	v33 =	vmul.f32 v32, v33  }
0x1ce: {  	v39 =	vld [tilespmem:s19+$0xFFFFFE20];
	[tilespmem:s15+$0x10] =	vst v34;
	v24 =	vmul.f32 v36, v24  }
0x1cf: {  	v34 =	vld [tilespmem:s19+$0x20];
	[tilespmem:s15+$0x130] =	vst v33;
	v33 =	vmul.f32 v38, v13  }
0x1d0: {  	v36 =	vld [tilespmem:s19+$0x130];
	v38 =	vmul.f32 v40, v12;
	[tilespmem:s12+$0x1C0] =	vst v24  }
0x1d1: {  	[tilespmem:s12+$0xFFFFFF80] =	vst v33;
	v24 =	vmul.f32 v35, v14;
	v33 =	vld [tilespmem:s13+$0x1C0]  }
0x1d2: {  	v35 =	vmul.f32 v27, v37;
	[tilespmem:s12+$0xFFFFFE70] =	vst v38;
	v37 =	vld [tilespmem:s13+$0xFFFFFFA0]  }
0x1d3: {  	v38 =	vmul.f32 v29, v39;
	v39 =	vld [tilespmem:s13+$0xFFFFFEA0];
	[tilespmem:s12+$0x90] =	vst v24  }
0x1d4: {  	v24 =	vbroadcast v8, $0x3;
	v8 =	vmov v25;
	[tilespmem:s15+$0xFFFFFF10] =	vst v35;
	v34 =	vmul.f32 v31, v34;
	v35 =	vld [tilespmem:s13+$0xA0]  }
0x1d5: {  	[tilespmem:s15+$0xFFFFFE00] =	vst v38;
	v25 =	vld [tilespmem:s19+$0xFFFFFF30];
	v32 =	vmul.f32 v36, v32  }
0x1d6: {  	v36 =	vld [tilespmem:s19+$0xFFFFFE30];
	[tilespmem:s15+$0x20] =	vst v34;
	v33 =	vmul.f32 v33, v24  }
0x1d7: {  	v34 =	vld [tilespmem:s19+$0x30];
	[tilespmem:s15+$0x140] =	vst v32;
	v32 =	vmul.f32 v37, v13  }
0x1d8: {  	v37 =	vld [tilespmem:s19+$0x140];
	v38 =	vmul.f32 v39, v12;
	[tilespmem:s12+$0x1D0] =	vst v33  }
0x1d9: {  	[tilespmem:s12+$0xFFFFFF90] =	vst v32;
	v32 =	vmul.f32 v35, v14;
	v33 =	vld [tilespmem:s13+$0x1D0]  }
0x1da: {  	v27 =	vmul.f32 v25, v27;
	[tilespmem:s12+$0xFFFFFE80] =	vst v38;
	v35 =	vld [tilespmem:s13+$0xFFFFFFB0]  }
0x1db: {  	v25 =	vbroadcast v8, $0x1;
	v29 =	vmul.f32 v36, v29;
	v36 =	vld [tilespmem:s13+$0xFFFFFEB0];
	[tilespmem:s12+$0xA0] =	vst v32  }
0x1dc: {  	[tilespmem:s15+$0xFFFFFF20] =	vst v27;
	v27 =	vmul.f32 v34, v31;
	v31 =	vld [tilespmem:s13+$0xB0]  }
0x1dd: {  	[tilespmem:s15+$0xFFFFFE10] =	vst v29;
	v32 =	vld [tilespmem:s19+$0xFFFFFF40];
	v29 =	vmul.f32 v37, v25  }
0x1de: {  	v34 =	vld [tilespmem:s19+$0xFFFFFE40];
	[tilespmem:s15+$0x30] =	vst v27;
	v27 =	vmul.f32 v33, v24  }
0x1df: {  	v33 =	vld [tilespmem:s19+$0x40];
	[tilespmem:s15+$0x150] =	vst v29;
	v29 =	vmul.f32 v35, v13;
	v13 =	vmov v30  }
0x1e0: {  	v35 =	vld [tilespmem:s19+$0x150];
	v30 =	vmul.f32 v36, v12;
	[tilespmem:s12+$0x1E0] =	vst v27;
	v12 =	vmov v26  }
.Ltmp0:
0x1e1: {  	[tilespmem:s12+$0xFFFFFFA0] =	vst v29;
	v26 =	vmul.f32 v31, v14;
	v29 =	vld [tilespmem:s13+$0x1E0];
	v14 =	vmov v28;
	(pc) =	sbr.rel @p0 .LBB2_3-.Ltmp0, $4  }
0x1e2: {  	v31 =	vmul.f32 v32, v20;
	[tilespmem:s12+$0xFFFFFE90] =	vst v30;
	v27 =	vld [tilespmem:s13+$0xFFFFFFC0]  }
0x1e3: {  	v30 =	vmul.f32 v34, v21;
	v28 =	vld [tilespmem:s13+$0xFFFFFEC0];
	[tilespmem:s12+$0xB0] =	vst v26  }
0x1e4: {  	[tilespmem:s15+$0xFFFFFF30] =	vst v31;
	v31 =	vmul.f32 v33, v19;
	v26 =	vld [tilespmem:s13+$0xC0]  }
0x1e5: {  	s16 =	sadd.s32 $0x40, s16;
	[tilespmem:s15+$0xFFFFFE20] =	vst v30;
	v30 =	vld [tilespmem:s19+$0xFFFFFF50];
	v32 =	vmul.f32 v35, v25  }
0x1e6: {  	_ = 	snop  }
0x1e7: {  	v33 =	vld [tilespmem:s19+$0xFFFFFE50];
	[tilespmem:s15+$0x160] =	vst v32  }
0x1e8: {  	[tilespmem:s15+$0x40] =	vst v31;
	v32 =	vld [tilespmem:s19+$0x160]  }
0x1e9: {  	v37 =	vld [tilespmem:s19+$0x50];
	_ =	sdelay $0x2  }
0x1ea: {  	v33 =	vmul.f32 v33, v21  }
0x1eb: {  	v32 =	vmul.f32 v32, v25  }
0x1ec: {  	v39 =	vmul.f32 v37, v19;
	[tilespmem:s15+$0xFFFFFE30] =	vst v33  }
0x1ed: {  	v30 =	vmul.f32 v30, v20;
	v40 =	vld [tilespmem:s19+$0xFFFFFE60];
	[tilespmem:s15+$0x170] =	vst v32  }
0x1ee: {  	[tilespmem:s15+$0x50] =	vst v39;
	v36 =	vld [tilespmem:s19+$0x170]  }
0x1ef: {  	[tilespmem:s15+$0xFFFFFF40] =	vst v30;
	v30 =	vld [tilespmem:s19+$0x60]  }
0x1f0: {  	v41 =	vld [tilespmem:s19+$0xFFFFFF60];
	_ =	sdelay $0x1  }
0x1f1: {  	v31 =	vmul.f32 v40, v21  }
0x1f2: {  	v38 =	vmul.f32 v36, v25  }
0x1f3: {  	v30 =	vmul.f32 v30, v19;
	[tilespmem:s15+$0xFFFFFE40] =	vst v31  }
0x1f4: {  	v32 =	vmul.f32 v41, v20;
	v31 =	vld [tilespmem:s14+$0xFFFFFE70];
	[tilespmem:s15+$0x180] =	vst v38  }
0x1f5: {  	[tilespmem:s15+$0x60] =	vst v30;
	v25 =	vld [tilespmem:s19+$0x180]  }
0x1f6: {  	[tilespmem:s15+$0xFFFFFF50] =	vst v32;
	v30 =	vld [tilespmem:s14+$0x70]  }
0x1f7: {  	v32 =	vld [tilespmem:s19+$0xFFFFFF70]  }
0x1f8: {  	v42 =	vbroadcast v8, $0x2  }
0x1f9: {  	v43 =	vmul.f32 v31, v21  }
0x1fa: {  	v25 =	vmul.f32 v25, v42  }
0x1fb: {  	v45 =	vmul.f32 v30, v19;
	[tilespmem:s15+$0xFFFFFE50] =	vst v43  }
0x1fc: {  	v44 =	vmul.f32 v32, v20;
	v46 =	vld [tilespmem:s14+$0xFFFFFE80];
	[tilespmem:s15+$0x190] =	vst v25  }
0x1fd: {  	[tilespmem:s15+$0x70] =	vst v45;
	v25 =	vld [tilespmem:s14+$0x190]  }
0x1fe: {  	[tilespmem:s15+$0xFFFFFF60] =	vst v44;
	v19 =	vld [tilespmem:s14+$0x80]  }
0x1ff: {  	v47 =	vld [tilespmem:s14+$0xFFFFFF80];
	_ =	sdelay $0x1  }
0x200: {  	v20 =	vmul.f32 v46, v12  }
0x201: {  	v25 =	vmul.f32 v25, v42  }
0x202: {  	v19 =	vmul.f32 v19, v14;
	[tilespmem:s15+$0xFFFFFE60] =	vst v20  }
0x203: {  	v21 =	vmul.f32 v47, v13;
	v20 =	vld [tilespmem:s14+$0xFFFFFE90];
	[tilespmem:s15+$0x1A0] =	vst v25  }
0x204: {  	[tilespmem:s15+$0x80] =	vst v19;
	v25 =	vld [tilespmem:s14+$0x1A0]  }
0x205: {  	[tilespmem:s15+$0xFFFFFF70] =	vst v21;
	v19 =	vld [tilespmem:s14+$0x90]  }
0x206: {  	v21 =	vld [tilespmem:s14+$0xFFFFFF90];
	_ =	sdelay $0x1  }
0x207: {  	v20 =	vmul.f32 v20, v12  }
0x208: {  	[tilespmem:s10+$0xD0] =	vst v18;
	v25 =	vmul.f32 v25, v42  }
0x209: {  	v19 =	vmul.f32 v19, v14;
	[tilespmem:s15+$0xFFFFFE70] =	vst v20  }
0x20a: {  	v21 =	vmul.f32 v21, v13;
	v20 =	vld [tilespmem:s14+$0xFFFFFEA0];
	[tilespmem:s15+$0x1B0] =	vst v25  }
0x20b: {  	[tilespmem:s15+$0x90] =	vst v19;
	v25 =	vld [tilespmem:s14+$0x1B0]  }
0x20c: {  	[tilespmem:s15+$0xFFFFFF80] =	vst v21;
	v52 =	vld [tilespmem:s14+$0xA0]  }
0x20d: {  	[tilespmem:s10+$0xFFFFFEC0] =	vst v22;
	v49 =	vld [tilespmem:s14+$0xFFFFFFA0]  }
0x20e: {  	[tilespmem:s10+$0xFFFFFFD0] =	vst v23  }
0x20f: {  	[tilespmem:s7+$0xE0] =	vst v15;
	v54 =	vmul.f32 v20, v12  }
0x210: {  	[tilespmem:s7+$0xFFFFFED0] =	vst v16;
	v25 =	vmul.f32 v25, v42  }
0x211: {  	v57 =	vmul.f32 v52, v14;
	[tilespmem:s15+$0xFFFFFE80] =	vst v54  }
0x212: {  	v58 =	vld [tilespmem:s14+$0xFFFFFEB0];
	[tilespmem:s15+$0x1C0] =	vst v25;
	v25 =	vmul.f32 v49, v13  }
0x213: {  	v48 =	vmul.f32 v29, v24;
	[tilespmem:s15+$0xA0] =	vst v57;
	v50 =	vld [tilespmem:s14+$0x1C0]  }
0x214: {  	v51 =	vmul.f32 v28, v6;
	v19 =	vld [tilespmem:s14+$0xB0];
	[tilespmem:s15+$0xFFFFFF90] =	vst v25  }
0x215: {  	v27 =	vmul.f32 v27, v5;
	[tilespmem:s12+$0x1F0] =	vst v48;
	v25 =	vld [tilespmem:s14+$0xFFFFFFB0]  }
0x216: {  	v53 =	vbroadcast v8, $0x3;
	v26 =	vmul.f32 v26, v7;
	[tilespmem:s12+$0xFFFFFEA0] =	vst v51  }
0x217: {  	[tilespmem:s12+$0xFFFFFFB0] =	vst v27;
	v62 =	vld [tilespmem:s13+$0xFFFFFED0];
	v60 =	vmul.f32 v58, v12  }
0x218: {  	v55 =	vld [tilespmem:s13+$0x1F0];
	[tilespmem:s12+$0xC0] =	vst v26;
	v56 =	vmul.f32 v50, v53  }
0x219: {  	v48 =	vld [tilespmem:s9+$0xF0];
	v22 =	vmul.f32 v19, v14;
	[tilespmem:s15+$0xFFFFFE90] =	vst v60  }
0x21a: {  	v23 =	vld [tilespmem:s14+$0xFFFFFEC0];
	[tilespmem:s15+$0x1D0] =	vst v56;
	v61 =	vmul.f32 v25, v13  }
0x21b: {  	[tilespmem:s15+$0xB0] =	vst v22;
	v26 =	vld [tilespmem:s14+$0x1D0]  }
0x21c: {  	v27 =	vmul.f32 v62, v6;
	v12 =	vld [tilespmem:s14+$0xC0];
	[tilespmem:s15+$0xFFFFFFA0] =	vst v61  }
0x21d: {  	[tilespmem:s7+$0xFFFFFFE0] =	vst v17;
	v59 =	vmul.f32 v55, v24;
	v24 =	vld [tilespmem:s14+$0xFFFFFFC0]  }
0x21e: {  	v0 =	vmul.f32 v48, v0;
	[tilespmem:s12+$0xFFFFFEB0] =	vst v27  }
0x21f: {  	[tilespmem:s6+$0xF0] =	vst v4;
	v16 =	vld [tilespmem:s13+$0xFFFFFEE0];
	v13 =	vmul.f32 v23, v11  }
0x220: {  	v28 =	vld [tilespmem:s13+$0xD0];
	[tilespmem:s7+$0xF0] =	vst v0;
	v63 =	vmul.f32 v26, v53  }
0x221: {  	v12 =	vmul.f32 v12, v9;
	v26 =	vld [tilespmem:s13+$0xFFFFFFD0];
	[tilespmem:s15+$0xFFFFFEA0] =	vst v13  }
0x222: {  	v13 =	vld [tilespmem:s14+$0xFFFFFED0];
	[tilespmem:s15+$0x1E0] =	vst v63;
	v14 =	vmul.f32 v24, v10  }
0x223: {  	[tilespmem:s15+$0xC0] =	vst v12;
	v25 =	vld [tilespmem:s14+$0x1E0]  }
0x224: {  	v34 =	vmul.f32 v16, v6;
	v33 =	vld [tilespmem:s14+$0xD0];
	[tilespmem:s15+$0xFFFFFFB0] =	vst v14  }
0x225: {  	[tilespmem:s12+$0x200] =	vst v59;
	v32 =	vmul.f32 v28, v7;
	v31 =	vld [tilespmem:s14+$0xFFFFFFD0]  }
0x226: {  	v38 =	vld [tilespmem:s11+$0xFFFFFEF0];
	[tilespmem:s12+$0xFFFFFEC0] =	vst v34;
	v30 =	vmul.f32 v26, v5  }
0x227: {  	v36 =	vld [tilespmem:s11+$0xE0];
	[tilespmem:s12+$0xD0] =	vst v32;
	v37 =	vmul.f32 v13, v11  }
0x228: {  	v46 =	vld [tilespmem:s13+$0xE0];
	[tilespmem:s12+$0xFFFFFFC0] =	vst v30;
	v29 =	vmul.f32 v25, v53  }
0x229: {  	v41 =	vmul.f32 v33, v9;
	v35 =	vld [tilespmem:s13+$0xFFFFFFE0];
	[tilespmem:s15+$0xFFFFFEB0] =	vst v37  }
0x22a: {  	v42 =	vld [tilespmem:s14+$0xFFFFFEE0];
	[tilespmem:s15+$0x1F0] =	vst v29;
	v39 =	vmul.f32 v31, v10  }
0x22b: {  	v3 =	vmul.f32 v38, v3;
	[tilespmem:s15+$0xD0] =	vst v41;
	v18 =	vld [tilespmem:s14+$0x1F0]  }
0x22c: {  	v45 =	vmul.f32 v36, v1;
	v47 =	vld [tilespmem:s14+$0xE0];
	[tilespmem:s15+$0xFFFFFFC0] =	vst v39  }
0x22d: {  	[tilespmem:s10+$0xFFFFFED0] =	vst v3;
	v52 =	vmul.f32 v46, v7;
	v44 =	vld [tilespmem:s14+$0xFFFFFFE0]  }
0x22e: {  	v40 =	vld [tilespmem:s11+$0xFFFFFFF0];
	[tilespmem:s10+$0xE0] =	vst v45;
	v43 =	vmul.f32 v35, v5  }
0x22f: {  	[tilespmem:s12+$0xE0] =	vst v52;
	v49 =	vld [tilespmem:s13+$0xFFFFFEF0];
	v50 =	vmul.f32 v42, v11  }
0x230: {  	v56 =	vld [tilespmem:s13+$0xF0];
	[tilespmem:s12+$0xFFFFFFD0] =	vst v43;
	v8 =	vmul.f32 v18, v53  }
0x231: {  	v4 =	vmul.f32 v47, v9;
	v51 =	vld [tilespmem:s13+$0xFFFFFFF0];
	[tilespmem:s15+$0xFFFFFEC0] =	vst v50  }
0x232: {  	v53 =	vld [tilespmem:s11+$0xF0];
	[tilespmem:s15+$0x200] =	vst v8;
	v8 =	vmul.f32 v44, v10  }
0x233: {  	v2 =	vmul.f32 v40, v2;
	v54 =	vld [tilespmem:s14+$0xFFFFFEF0];
	[tilespmem:s15+$0xE0] =	vst v4  }
0x234: {  	v3 =	vmul.f32 v49, v6;
	v58 =	vld [tilespmem:s14+$0xF0];
	[tilespmem:s15+$0xFFFFFFD0] =	vst v8  }
0x235: {  	[tilespmem:s10+$0xFFFFFFE0] =	vst v2;
	v62 =	vmul.f32 v56, v7;
	v55 =	vld [tilespmem:s14+$0xFFFFFFF0]  }
0x236: {  	[tilespmem:s12+$0xFFFFFED0] =	vst v3;
	v57 =	vmul.f32 v51, v5  }
0x237: {  	[tilespmem:s12+$0xF0] =	vst v62;
	v59 =	vmul.f32 v53, v1  }
0x238: {  	v60 =	vmul.f32 v54, v11;
	[tilespmem:s12+$0xFFFFFFE0] =	vst v57  }
0x239: {  	[tilespmem:s10+$0xF0] =	vst v59;
	v63 =	vmul.f32 v58, v9  }
0x23a: {  	s5 =	sadd.s32 $0x1, s5;
	[tilespmem:s15+$0xFFFFFED0] =	vst v60;
	v61 =	vmul.f32 v55, v10  }
0x23b: {  	p0 =	sne.s32 s5, $0x10;
	[tilespmem:s15+$0xF0] =	vst v63  }
.Ltmp1:
0x23c: {  	[tilespmem:s15+$0xFFFFFFE0] =	vst v61;
	(pc) =	sbr.rel @p0 .LBB2_2-.Ltmp1, $4  }
0x23d: {  	[spmem:s1] =	stream.indirect.scatter.add.f32 [tilespmem:s30], [sflag:$0x4], $0x110, s21, s22, $0xb8;
	[tilespmem:$0x1AC00] =	vst v63  }
0x23e: {  	_ =	swait.ge [sflag:s31], $0x4400  }
0x23f: {  	[sflag:s31] =	ssyncset.done $0x0  }
0x240: {  	[sflag:s31] =	ssyncadd.s32 $0xFFFFBC00  }
0x241: {  	[bflag:$0x0] =	sbarrier.arrive $0xFFFF  }
0x242: {  	s5 =	rddreg [dreg:$0xd]  }
0x243: {  	s6 =	rddreg [dreg:$0xf]  }
0x244: {  	[hbm:s5], [sflag:s8] =	dma.local [spmem:s6], $0x1100  }
0x245: {  	_ =	swait.ge [sflag:s17], $0x1100  }
0x246: {  	s0 =	sadd.s32 $0x1, s0;
	s21 =	rddreg [dreg:$0xe]  }
0x247: {  	p0 =	sne.s32 s0, s21  }
.Ltmp2:
0x248: {  	_ = 	snop;
	(pc) =	sbr.rel @p0 .LBB2_1-.Ltmp2, $3  }
0x249: {  	_ =	sdelay $0x1  }
0x24a: {  	[sflag:s17] =	ssyncset.done $0x0  }
0x24b: {  	[sflag:s17] =	ssyncadd.s32 $0xFFFFEF00  }
0x24c: {  	_ =	sfence.sel $0x180000  }
0x24d: {  	[bflag:$0x0] =	sbarrier.arrive $0xFFFF  }
0x24e: {  	_ =	strace $0x9000004D  }
0x24f: {  	s0 =	stileid.u32;
	[bflag:$0x2] =	sbarrier.arrive $0xFFFF  }
0x250: {  	p0 =	sne.s32 s0, $0x0;
	s0 =	rddreg [dreg:$0x6]  }
0x251: {  	s0 =	sadd.s32 @!p0 $0x100000, s0  }
0x252: {  	[sflag:s0] =	ssyncadd.tile.s32 @!p0 $0x1;
	_ =	shalt  }
.Lfunc_end2:
_tile_overlayer_lowered:
.L_overlay_start_2:
0x253: {  	(tag) =	ssettag $0x2  }
0x254: {  	s0 =	rddreg [dreg:$0x0];
	s2 =	stileid.u32  }
0x255: {  	s1 =	rddreg [dreg:$0x1];
	p0 =	sne.s32 s2, $0x0  }
0x256: {  	s3 =	rddreg [dreg:$0x2];
	[bflag:$0x3] =	sbarrier.arrive $0xFFFF;
	s2 =	simm.s32 @!p0 $0x1C05  }
0x257: {  	[timem:s3], [sflag:s2] =	dma.local @!p0 [hbm:s0], s1  }
0x258: {  	s0 =	simm.s32 @!p0 $0x5  }
0x259: {  	_ =	swait.ge @!p0 [sflag:s0], s1  }
0x25a: {  	s1 =	ssub.s32 @!p0 $0x0, s1;
	[sflag:s0] =	ssyncset.done @!p0 $0x0  }
0x25b: {  	[sflag:s0] =	ssyncadd.s32 @!p0 s1  }
0x25c: {  	[bflag:$0x3] =	sbarrier.arrive $0xFFFF  }
0x25d: {  	_ =	shalt  }

// kernel: kernel.26.cloned.1.call-start
scs
__scs_entry_jumppad:
0x0: {  	(pc) =	sbr.rel $0x88, $3  }
0x1: {  	(tag) =	ssettag $0x0;
	lr =	simm.s32 $0x1  }
0x2: {  	[smem:$0x3F90] =	sst lr;
	_ =	strace $0xD0000000  }
0x3: {  	_ = 	snop  }
0x4: {  	_ = 	snop  }
0x5: {  	_ = 	snop  }
0x6: {  	_ = 	snop  }
0x7: {  	_ = 	snop  }
__scs_overlays_trampoline_lowered:
0x8: {  	[smem:$0x3F9F] =	sst s0  }
0x9: {  	[smem:$0x3FA0] =	sst s1  }
0xa: {  	[smem:$0x3FA1] =	sst s2  }
0xb: {  	[smem:$0x3FA2] =	sst s3  }
0xc: {  	[smem:$0x3FA3] =	sst s4  }
0xd: {  	[smem:$0x3FA4] =	sst s5  }
0xe: {  	[smem:$0x3FA5] =	sst s6  }
0xf: {  	[smem:$0x3FA6] =	sst s7  }
0x10: {  	[smem:$0x3FA7] =	sst s8  }
0x11: {  	[smem:$0x3FA8] =	sst s9;
	s0 =	simm.s32 @!p0 $0x0  }
0x12: {  	s1 =	sld [smem:$0x3F8E];
	s0 =	simm.s32 @p0 $0x1  }
0x13: {  	[smem:$0x3FA9] =	sst s0;
	s0 =	simm.s32 @!p1 $0x0  }
0x14: {  	s2 =	sld [smem:$0x3F8D];
	s0 =	simm.s32 @p1 $0x1  }
0x15: {  	[smem:$0x3FAA] =	sst s0;
	s0 =	simm.s32 @!p2 $0x0  }
0x16: {  	s3 =	sld [smem:$0x3FDB];
	s0 =	simm.s32 @p2 $0x1  }
0x17: {  	s4 =	simm.s32 $0x1BF5;
	[smem:$0x3FAC] =	sst s0  }
0x18: {  	s0 =	sld [smem:$0x3F8F];
	_ =	swait.ge [sflag:s4], $0x0  }
0x19: {  	s7 =	sld [smem:$0x3F90]  }
0x1a: {  	s8 =	sadd.s32 $0xFFFFE003, lr  }
0x1b: {  	s9 =	sadd.s32 $0xFFFFFEF7, lr;
	s5 =	simm.s32 $0xFFFFFFFF;
	p2 =	slt.u32 s8, $0xFFFFF086  }
0x1c: {  	p1 =	slt.u32 s9, $0xF7A;
	s5 =	simm.s32 @!p2 $0x0  }
0x1d: {  	s5 =	simm.s32 @p1 $0x1;
	p0 =	seq.s32 s7, s2  }
0x1e: {  	s7 =	smul.u32 @!p0 $0xF7A, s2;
	p2 =	seq.s32 @!p0 s5, $0x0  }
0x1f: {  	s9 =	smul.u32 $0xF7A, s1;
	s8 =	simm.s32 @!p0 $0x1BF5;
	p2 =	por !p2, p0  }
0x20: {  	[sflag:s8] =	ssyncset.s32 @!p0 $0xFFFFF086;
	s6 =	sadd.s32 @!p0 s3, s7;
	s7 =	simm.s32 @!p0 $0x108  }
0x21: {  	s3 =	sadd.s32 s3, s9;
	s6 =	sadd.s32 @!p0 $0x88, s6;
	s7 =	simm.s32 @p2 $0x1082  }
0x22: {  	[simem:s7], [sflag:s8] =	dma.local @!p0 [hbm:s6], $0xF7A  }
0x23: {  	s9 =	sor.u32 $0xD0000000, s2;
	s6 =	simm.s32 $0x108;
	_ =	swait.ge @!p0 [sflag:s8], $0x0  }
0x24: {  	s3 =	sadd.s32 $0x88, s3;
	s6 =	simm.s32 @!p1 $0x1082;
	[sflag:s4] =	ssyncset.s32 $0xFFFFF086  }
0x25: {  	[simem:s6], [sflag:s4] =	dma.local [hbm:s3], $0xF7A  }
0x26: {  	[smem:$0x3F90] =	sst s1;
	(tag) =	ssettag s2;
	_ =	strace s9  }
0x27: {  	s1 =	sld [smem:$0x3FA0]  }
0x28: {  	s2 =	sld [smem:$0x3FA1]  }
0x29: {  	s4 =	sld [smem:$0x3FA3]  }
0x2a: {  	p0 =	seq.s32 s5, $0x0;
	s5 =	sld [smem:$0x3FA4]  }
0x2b: {  	s6 =	sld [smem:$0x3FA5]  }
0x2c: {  	s7 =	sld [smem:$0x3FA6]  }
0x2d: {  	s3 =	simm.s32 $0x108;
	s8 =	sld [smem:$0x3FA7]  }
0x2e: {  	s3 =	simm.s32 @!p0 $0x1082;
	s9 =	sld [smem:$0x3FA8]  }
0x2f: {  	lr =	sadd.s32 s0, s3;
	s0 =	sld [smem:$0x3F9F]  }
0x30: {  	s3 =	sld [smem:$0x3FA2]  }
0x31: {  	[smem:$0x3FAB] =	sst s10  }
0x32: {  	s10 =	sld [smem:$0x3FA9];
	_ =	sdelay $0x3  }
0x33: {  	p0 =	seq.s32 s10, $0x1;
	s10 =	sld [smem:$0x3FAB];
	_ =	sdelay $0x3  }
0x34: {  	[smem:$0x3FAB] =	sst s10  }
0x35: {  	s10 =	sld [smem:$0x3FAA];
	_ =	sdelay $0x3  }
0x36: {  	p1 =	seq.s32 s10, $0x1;
	s10 =	sld [smem:$0x3FAB];
	_ =	sdelay $0x3  }
0x37: {  	[smem:$0x3FAB] =	sst s10  }
0x38: {  	s10 =	sld [smem:$0x3FAC]  }
0x39: {  	_ = 	snop;
	(pc) =	sbr.ind lr, $3  }
0x3a: {  	_ = 	snop  }
0x3b: {  	_ = 	snop  }
0x3c: {  	p2 =	seq.s32 s10, $0x1;
	s10 =	sld [smem:$0x3FAB]  }
0x3d: {  	_ =	shalt  }
0x3e: {  	_ =	shalt  }
0x3f: {  	_ =	shalt  }
0x40: {  	_ =	shalt  }
0x41: {  	_ =	shalt  }
0x42: {  	_ =	shalt  }
0x43: {  	_ =	shalt  }
0x44: {  	_ =	shalt  }
0x45: {  	_ =	shalt  }
0x46: {  	_ =	shalt  }
0x47: {  	_ =	shalt  }
0x48: {  	_ =	shalt  }
0x49: {  	_ =	shalt  }
0x4a: {  	_ =	shalt  }
0x4b: {  	_ =	shalt  }
0x4c: {  	_ =	shalt  }
0x4d: {  	_ =	shalt  }
0x4e: {  	_ =	shalt  }
0x4f: {  	_ =	shalt  }
0x50: {  	_ =	shalt  }
0x51: {  	_ =	shalt  }
0x52: {  	_ =	shalt  }
0x53: {  	_ =	shalt  }
0x54: {  	_ =	shalt  }
0x55: {  	_ =	shalt  }
0x56: {  	_ =	shalt  }
0x57: {  	_ =	shalt  }
0x58: {  	_ =	shalt  }
0x59: {  	_ =	shalt  }
0x5a: {  	_ =	shalt  }
0x5b: {  	_ =	shalt  }
0x5c: {  	_ =	shalt  }
0x5d: {  	_ =	shalt  }
0x5e: {  	_ =	shalt  }
0x5f: {  	_ =	shalt  }
0x60: {  	_ =	shalt  }
0x61: {  	_ =	shalt  }
0x62: {  	_ =	shalt  }
0x63: {  	_ =	shalt  }
0x64: {  	_ =	shalt  }
0x65: {  	_ =	shalt  }
0x66: {  	_ =	shalt  }
0x67: {  	_ =	shalt  }
0x68: {  	_ =	shalt  }
0x69: {  	_ =	shalt  }
0x6a: {  	_ =	shalt  }
0x6b: {  	_ =	shalt  }
0x6c: {  	_ =	shalt  }
0x6d: {  	_ =	shalt  }
0x6e: {  	_ =	shalt  }
0x6f: {  	_ =	shalt  }
0x70: {  	_ =	shalt  }
0x71: {  	_ =	shalt  }
0x72: {  	_ =	shalt  }
0x73: {  	_ =	shalt  }
0x74: {  	_ =	shalt  }
0x75: {  	_ =	shalt  }
0x76: {  	_ =	shalt  }
0x77: {  	_ =	shalt  }
0x78: {  	_ =	shalt  }
0x79: {  	_ =	shalt  }
0x7a: {  	_ =	shalt  }
0x7b: {  	_ =	shalt  }
0x7c: {  	_ =	shalt  }
0x7d: {  	_ =	shalt  }
0x7e: {  	_ =	shalt  }
0x7f: {  	_ =	shalt  }
0x80: {  	_ =	shalt  }
0x81: {  	_ =	shalt  }
0x82: {  	_ =	shalt  }
0x83: {  	_ =	shalt  }
0x84: {  	_ =	shalt  }
0x85: {  	_ =	shalt  }
0x86: {  	_ =	shalt  }
0x87: {  	_ =	shalt  }
.Lfunc_end0:
.L_simem_size_0:
called_computation.4_lowered:
.L_overlay_start_0:
0x88: {  	s2 =	sld [smem:$0x3FD9]  }
0x89: {  	s3 =	sld [smem:$0x3FFE];
	_ =	sdelay $0x1  }
0x8a: {  	s1 =	srdreg.scid  }
0x8b: {  	s0 =	sand.u32 $0x1, s1  }
0x8c: {  	s17 =	sshll.u32 s0, $0xA;
	s2 =	sadd.s32 s3, s2  }
0x8d: {  	s2 =	sadd.s32 s2, s17  }
0x8e: {  	[smem:$0x3FB7] =	sst s2  }
0x8f: {  	_ = 	snop  }
0x90: {  	s18 =	sld [smem:$0x3FD0];
	(tm) =	ssettm $0x1  }
0x91: {  	s19 =	sld [smem:$0x3FFB];
	_ =	sdelay $0x3  }
0x92: {  	_ =	strace s19  }
0x93: {  	s2 =	sld [smem:$0x3FFC];
	_ =	sdelay $0x3  }
0x94: {  	_ =	strace s2  }
0x95: {  	s2 =	sld [smem:$0x3FFD];
	_ =	sdelay $0x3  }
0x96: {  	_ =	strace s2  }
0x97: {  	_ =	strace $0x8FFFFFFF  }
0x98: {  	s20 =	sld [smem:$0x3FDB];
	_ =	sdelay $0x1  }
0x99: {  	s4 =	simm.s32 $_scs_section_size  }
0x9a: {  	s5 =	simm.s32 $_size__tile_overlayer_lowered;
	s6 =	simm.s32 $_tile_overlayer_lowered  }
0x9b: {  	s7 =	simm.s32 $0x1BFF;
	s21 =	sshll.u32 s6, $0x1;
	s4 =	sadd.s32 s4, s20  }
0x9c: {  	s22 =	simm.s32 $0x0;
	s5 =	sshll.u32 s5, $0x1;
	s6 =	sadd.s32 s21, s4  }
0x9d: {  	[timem:s22], [sflag:s7] =	dma.local [hbm:s6], s5  }
0x9e: {  	_ =	swait.ge [sflag:s7], s5  }
0x9f: {  	s5 =	ssub.s32 $0x0, s5;
	[sflag:s7] =	ssyncset.done $0x0  }
0xa0: {  	[sflag:s7] =	ssyncadd.s32 s5;
	_ =	sdelay $0x1  }
0xa1: {  	s23 =	simm.s32 $0x1B8B  }
0xa2: {  	_ =	swait.ge [sflag:s23], $0x1  }
0xa3: {  	[sflag:s23] =	ssyncset.done $0x0  }
0xa4: {  	[sflag:s23] =	ssyncadd.s32 $0xFFFFFFFF  }
0xa5: {  	s5 =	sld [smem:$0x0]  }
0xa6: {  	s6 =	sand.u32 $0xFFFFFFFE, s1  }
0xa7: {  	p0 =	sne.s32 s1, s6  }
0xa8: {  	s6 =	sshll.u32 @p0 s6, $0xE  }
0xa9: {  	s6 =	sadd.s32 @p0 $0x11B8D, s6;
	s7 =	sshll.u32 @p0 s5, $0x11  }
0xaa: {  	s6 =	sor.u32 @p0 s7, s6  }
0xab: {  	[sflag:s6] =	ssyncadd.remote.s32 @p0 $0x1;
	_ =	sdelay $0x1  }
0xac: {  	s6 =	simm.s32 @p0 $0x1B8D  }
0xad: {  	_ =	swait.eq @p0 [sflag:s6], $0x1  }
0xae: {  	[sflag:s6] =	ssyncadd.s32 @p0 $0xFFFFFFFF  }
0xaf: {  	s7 =	sshll.u32 @!p0 s1, $0xE  }
0xb0: {  	s7 =	sor.u32 @!p0 $0x4000, s7;
	s6 =	simm.s32 @!p0 $0x1B8D  }
0xb1: {  	s5 =	sshll.u32 @!p0 s5, $0x11;
	s7 =	sadd.s32 @!p0 $0x11B8D, s7;
	_ =	swait.eq @!p0 [sflag:s6], $0x1  }
0xb2: {  	s5 =	sor.u32 @!p0 s5, s7;
	[sflag:s6] =	ssyncadd.s32 @!p0 $0xFFFFFFFF  }
0xb3: {  	s25 =	simm.s32 $0x1B8E;
	s24 =	sld [smem:$0x3FFE];
	[sflag:s5] =	ssyncadd.remote.s32 @!p0 $0x1  }
0xb4: {  	s26 =	simm.s32 $execute0_lowered;
	[smem:$0x3FD2] =	sst s25  }
0xb5: {  	s6 =	sshll.u32 s26, $0x1;
	_ =	strace $0x80000052;
	[dreg:$0x1] =	wrdreg $0xFFFFFFFF  }
0xb6: {  	s28 =	simm.s32 $_size_execute0_lowered;
	s4 =	sadd.s32 s4, s6;
	[dreg:$0x0] =	wrdreg $0x0  }
0xb7: {  	s6 =	sshll.u32 s28, $0x1;
	[dreg:$0x2] =	wrdreg s4  }
0xb8: {  	[dreg:$0x3] =	wrdreg s6  }
0xb9: {  	[dreg:$0x4] =	wrdreg $0xC0  }
0xba: {  	_ =	task [dreg:s22], $0x5FFFF  }
0xbb: {  	[dreg:$0x1] =	wrdreg $0xFFFFFFFF  }
0xbc: {  	[dreg:$0x0] =	wrdreg $0x60  }
0xbd: {  	[dreg:$0x2] =	wrdreg s18  }
0xbe: {  	[dreg:$0x3] =	wrdreg s24  }
0xbf: {  	[dreg:$0x4] =	wrdreg $0x38000  }
0xc0: {  	[dreg:$0x5] =	wrdreg $0x8000  }
0xc1: {  	[dreg:$0x6] =	wrdreg $0x10000  }
0xc2: {  	[dreg:$0x7] =	wrdreg $0x18000  }
0xc3: {  	[dreg:$0x8] =	wrdreg $0xA  }
0xc4: {  	_ =	task.clear_ibuf [dreg:s22], $0x9FFFF;
	_ =	strace $0x90000052  }
0xc5: {  	s29 =	simm.s32 $0xA;
	_ =	strace $0x80000054  }
0xc6: {  	_ =	swait.ge [sflag:s29], $0x1  }
0xc7: {  	[sflag:s29] =	ssyncadd.s32 $0xFFFFFFFF  }
0xc8: {  	_ =	strace $0x90000054  }
0xc9: {  	_ =	sfence  }
0xca: {  	s30 =	sld [smem:$0x0];
	_ =	sdelay $0x2  }
0xcb: {  	s31 =	sshll.u32 s1, $0xD;
	s1 =	sshrl.u32 s1, $0x2  }
0xcc: {  	s4 =	sand.u32 $0x4000, s31;
	s1 =	sadd.s32 s1, s30  }
0xcd: {  	s0 =	sor.u32 s4, s0;
	s1 =	sshll.u32 s1, $0x11  }
0xce: {  	s0 =	sor.u32 s1, s0  }
0xcf: {  	s0 =	sadd.s32 $0x8F2B, s0  }
0xd0: {  	[sflag:s0] =	ssyncadd.remote.s32 $0x1  }
0xd1: {  	_ =	sfence.sel $0xFFFF  }
0xd2: {  	[dreg:$0x0] =	wrdreg $0xFFFFFFFF;
	(pc) =	sbr.abs _section_cstart, $3  }
0xd3: {  	[dreg:$0x1] =	wrdreg $0xFFFFFFFF  }
0xd4: {  	_ =	task.clear_ibuf [dreg:s22], $0x2FFFF;
	_ =	strace $0x9FFFFFFF  }
0xd5: {  	(tm) =	ssettm $0x7FFFFFFF  }
tec
execute0_lowered:
.L_overlay_start_1:
0x0: {  	(tag) =	ssettag $0x1  }
0x1: {  	s0 =	rddreg [dreg:$0x0]  }
0x2: {  	s5 =	rddreg [dreg:$0x1]  }
0x3: {  	s1 =	rddreg [dreg:$0x2]  }
0x4: {  	s2 =	rddreg [dreg:$0x3]  }
0x5: {  	s3 =	rddreg [dreg:$0x4]  }
0x6: {  	s4 =	rddreg [dreg:$0x5];
	s7 =	simm.s32 $0x0  }
0x7: {  	s6 =	srdreg.scid;
	s15 =	stileid.u32;
	s28 =	simm.s32 $0x2  }
0x8: {  	s29 =	simm.s32 $0x3;
	s30 =	simm.s32 $0x9000;
	s31 =	simm.s32 $0x4  }
0x9: {  	[smem:$0x7FF] =	sst s7;
	s6 =	sand.u32 $0x1, s6;
	s13 =	sshll.u32 s15, $0xA  }
0xa: {  	s9 =	smul.u32 $0x2800, s15;
	s10 =	sshll.u32 s15, $0x8;
	s18 =	sshll.u32 s15, $0x6  }
0xb: {  	s19 =	sshll.u32 s15, $0xB;
	s20 =	sshll.u32 s15, $0xD;
	s8 =	sshll.u32 s6, $0xE  }
0xc: {  	s11 =	smul.u32 $0x28000, s6;
	_ =	strace $0x80000053;
	s12 =	sadd.s32 s10, s5  }
0xd: {  	s7 =	sadd.s32 s13, s5;
	s6 =	ssub.s32 $0x2, s6;
	s0 =	sadd.s32 s0, s10  }
0xe: {  	s21 =	sadd.s32 s19, s3;
	s8 =	sor.u32 s13, s8;
	s16 =	sshrl.u32 s9, $0x3  }
0xf: {  	s17 =	sshrl.u32 s6, $0x1;
	[dreg:$0x8] =	wrdreg s0;
	s22 =	sadd.s32 $0x2D200, s12  }
0x10: {  	s0 =	sadd.s32 s20, s4;
	s7 =	sadd.s32 $0x29200, s7;
	s8 =	sshrl.u32 s8, $0x3  }
0x11: {  	s14 =	sadd.s32 s9, s11;
	s11 =	sadd.s32 s16, s5;
	[dreg:$0x9] =	wrdreg s22  }
0x12: {  	s6 =	ssub.s32 s6, s17;
	s9 =	sadd.s32 s9, s1;
	[dreg:$0xa] =	wrdreg s7  }
0x13: {  	s17 =	simm.s32 $0x5;
	s20 =	sshrl.u32 s0, $0x3;
	s22 =	simm.s32 $0x80  }
0x14: {  	s0 =	simm.s32 $0x0;
	s13 =	sadd.s32 s8, s5;
	s8 =	sshrl.u32 s14, $0x3  }
0x15: {  	s11 =	sadd.s32 $0x16200, s11;
	s14 =	sadd.s32 s19, s2;
	s25 =	smax.u32 s6, $0x1  }
0x16: {  	s16 =	sshrl.u32 s9, $0x3;
	s19 =	sshrl.u32 s21, $0x3;
	[dreg:$0x7] =	wrdreg s11  }
0x17: {  	s5 =	sadd.s32 s8, s5;
	s23 =	sadd.s32 $0x28200, s13;
	[dreg:$0xe] =	wrdreg s25  }
0x18: {  	s8 =	sor.u32 $0x1C05, s18;
	s24 =	sadd.s32 $0x27200, s13;
	[dreg:$0xb] =	wrdreg s23  }
0x19: {  	s26 =	sshrl.u32 s14, $0x3;
	s25 =	simm.s32 $0x7000;
	[dreg:$0xc] =	wrdreg s24  }
0x1a: {  	s5 =	sadd.s32 $0x1B200, s5;
	[dreg:$0xf] =	wrdreg s26;
	s23 =	simm.s32 $0x6000  }
0x1b: {  	s24 =	simm.s32 $0x6800;
	s26 =	simm.s32 $0x1;
	[dreg:$0xd] =	wrdreg s5  }
.LBB2_1:
0x1c: {  	s5 =	rddreg [dreg:$0x7]  }
0x1d: {  	[spmem:s16], [sflag:s8] =	dma.local [hbm:s5], $0x500  }
0x1e: {  	_ =	swait.ge [sflag:s17], $0x500  }
0x1f: {  	[sflag:s17] =	ssyncset.done $0x0;
	s12 =	rddreg [dreg:$0x8]  }
0x20: {  	s6 =	rddreg [dreg:$0xf];
	[sflag:s17] =	ssyncadd.s32 $0xFFFFFB00  }
0x21: {  	[spmem:s6], [sflag:s8] =	dma.local [hbm:s12], $0x100  }
0x22: {  	_ =	swait.ge [sflag:s17], $0x100  }
0x23: {  	[sflag:s17] =	ssyncset.done $0x0  }
0x24: {  	s13 =	rddreg [dreg:$0x9];
	[sflag:s17] =	ssyncadd.s32 $0xFFFFFF00  }
0x25: {  	[spmem:s19], [sflag:s8] =	dma.local [hbm:s13], $0x100  }
0x26: {  	_ =	swait.ge [sflag:s17], $0x100  }
0x27: {  	[sflag:s17] =	ssyncset.done $0x0  }
0x28: {  	s14 =	rddreg [dreg:$0xa];
	[sflag:s17] =	ssyncadd.s32 $0xFFFFFF00  }
0x29: {  	[spmem:s20], [sflag:s8] =	dma.local [hbm:s14], $0x400  }
0x2a: {  	_ =	swait.ge [sflag:s17], $0x400  }
0x2b: {  	[sflag:s17] =	ssyncset.done $0x0  }
0x2c: {  	s15 =	simm.s32 $0x0;
	s18 =	rddreg [dreg:$0xb];
	[sflag:s17] =	ssyncadd.s32 $0xFFFFFC00  }
0x2d: {  	[tilespmem:s15], [sflag:$0x5] =	stream.linear.gather [hbm4b:s18+s15], $0x400, $0x38;
	[tilespmem:$0xB800] =	vst v63  }
0x2e: {  	_ =	swait.ge [sflag:s17], $0x400  }
0x2f: {  	[sflag:s17] =	ssyncset.done $0x0  }
0x30: {  	s7 =	simm.s32 $0x400;
	s21 =	rddreg [dreg:$0xc];
	[sflag:s17] =	ssyncadd.s32 $0xFFFFFC00  }
0x31: {  	[tilespmem:s7], [sflag:$0x5] =	stream.linear.gather [hbm4b:s21+s15], $0x400, $0x38;
	[tilespmem:$0xB800] =	vst v63  }
0x32: {  	_ =	swait.ge [sflag:s17], $0x400  }
0x33: {  	[sflag:s17] =	ssyncset.done $0x0  }
0x34: {  	[sflag:s17] =	ssyncadd.s32 $0xFFFFFC00  }
0x35: {  	s5 =	simm.s32 $0x0;
	[bflag:$0x0] =	sbarrier.arrive $0xFFFF  }
.LBB2_2:
0x36: {  	s6 =	sshll.u32 s5, $0x7  }
0x37: {  	[tilespmem:s23], [sflag:$0x1] =	stream.indirect.gather [spmem:s2], $0x10, s6, s22, $0xb8;
	[tilespmem:$0xB800] =	vst v63  }
0x38: {  	s21 =	sadd.s32 $0x400, s6  }
0x39: {  	[tilespmem:s24], [sflag:$0x2] =	stream.indirect.gather [spmem:s3], $0x10, s21, s22, $0xb8;
	[tilespmem:$0xB800] =	vst v63  }
0x3a: {  	_ = 	snop  }
0x3b: {  	[tilespmem:s25], [sflag:$0x3] =	stream.indirect.gather [spmem:s4], $0x40, s6, s22, $0xb8;
	[tilespmem:$0xB800] =	vst v63  }
0x3c: {  	_ =	swait.ge [sflag:s26], $0x800  }
0x3d: {  	[sflag:s26] =	ssyncset.done $0x0  }
0x3e: {  	[sflag:s26] =	ssyncadd.s32 $0xFFFFF800  }
0x3f: {  	_ =	swait.ge [sflag:s28], $0x800  }
0x40: {  	[sflag:s28] =	ssyncset.done $0x0  }
0x41: {  	[sflag:s28] =	ssyncadd.s32 $0xFFFFF800  }
0x42: {  	_ =	swait.ge [sflag:s29], $0x2000  }
0x43: {  	[sflag:s29] =	ssyncset.done $0x0  }
0x44: {  	s15 =	simm.s32 $0x6020;
	[sflag:s29] =	ssyncadd.s32 $0xFFFFE000  }
0x45: {  	s7 =	simm.s32 $0x6820;
	v0 =	vld [tilespmem:s15+$0x10]  }
0x46: {  	v1 =	vld [tilespmem:s7+$0x10];
	_ =	sdelay $0x4  }
0x47: {  	v2 =	vld [tilespmem:s15+$0xFFFFFFF0];
	v0 =	vadd.f32 v1, v0  }
0x48: {  	v4 =	vld [tilespmem:s7+$0xFFFFFFF0]  }
0x49: {  	v3 =	vmul.f32 $2.000000030e-01, v0  }
0x4a: {  	v5 =	vld [tilespmem:s15+$0xFFFFFFE0];
	vm0 =	vge.f32 v0, $0.0e+00  }
0x4b: {  	v1 =	vld [tilespmem:s7+$0xFFFFFFE0];
	v0 =	vsel vm0, v0, v3  }
0x4c: {  	v0 =	vmul.f32 $1.442695020e+00, v0  }
0x4d: {  	v2 =	vadd.f32 v4, v2;
	v3 =	vld [tilespmem:s15+$0x0]  }
0x4e: {  	(erf) = vpow2.f32 v0;
	v0 =	vld [tilespmem:s7+$0x0]  }
0x4f: {  	v4 =	vmul.f32 $2.000000030e-01, v2  }
0x50: {  	vm15 =	vge.f32 v2, $0.0e+00;
	v1 =	vadd.f32 v1, v5  }
0x51: {  	v2 =	vsel vm15, v2, v4  }
0x52: {  	v2 =	vmul.f32 $1.442695020e+00, v2;
	v5 =	vmul.f32 $2.000000030e-01, v1  }
0x53: {  	s9 =	simm.s32 $0x6860;
	vm1 =	vge.f32 v1, $0.0e+00;
	v0 =	vadd.f32 v0, v3  }
0x54: {  	s18 =	simm.s32 $0x6060;
	(erf) = vpow2.f32 v2;
	v2 =	vld [tilespmem:s9+$0x10];
	v1 =	vsel vm1, v1, v5  }
0x55: {  	v1 =	vmul.f32 $1.442695020e+00, v1;
	v3 =	vld [tilespmem:s18+$0x10];
	v4 =	vmul.f32 $2.000000030e-01, v0  }
0x56: {  	vm4 =	vge.f32 v0, $0.0e+00  }
0x57: {  	v0 =	vsel vm4, v0, v4  }
0x58: {  	v0 =	vmul.f32 $1.442695020e+00, v0  }
0x59: {  	s6 =	simm.s32 $0x90A0;
	v6 =	vld [tilespmem:s9+$0xFFFFFFE0];
	(erf) = vpow2.f32 v1;
	v1 =	vpop (erf)  }
0x5a: {  	s10 =	simm.s32 $0x7080;
	v7 =	vld [tilespmem:s18+$0x0];
	[tilespmem:s6+$0x90] =	vst v1;
	(erf) = vpow2.f32 v0;
	v0 =	vadd.f32 v2, v3  }
0x5b: {  	v4 =	vld [tilespmem:s10+$0x40]  }
0x5c: {  	v10 =	vld [tilespmem:s9+$0x0];
	v3 =	vmul.f32 $2.000000030e-01, v0  }
0x5d: {  	v5 =	vbroadcast v1, $0x0;
	v1 =	vld [tilespmem:s9+$0xFFFFFFF0];
	vm5 =	vge.f32 v0, $0.0e+00  }
0x5e: {  	v2 =	vld [tilespmem:s18+$0xFFFFFFF0];
	v0 =	vsel vm5, v0, v3  }
0x5f: {  	v11 =	vld [tilespmem:s18+$0xFFFFFFE0];
	v0 =	vmul.f32 $1.442695020e+00, v0  }
0x60: {  	v4 =	vmul.f32 v5, v4  }
0x61: {  	s12 =	simm.s32 $0x68A0;
	(erf) = vpow2.f32 v0  }
0x62: {  	v14 =	vld [tilespmem:s12+$0xFFFFFFF0];
	v8 =	vpop (erf);
	[tilespmem:s6+$0x50] =	vst v4  }
0x63: {  	s11 =	simm.s32 $0x60A0;
	v7 =	vadd.f32 v10, v7;
	[tilespmem:s6+$0xFFFFFFF0] =	vst v8;
	v2 =	vadd.f32 v1, v2;
	v3 =	vpop (erf);
	v4 =	vld [tilespmem:s10+$0x50]  }
0x64: {  	v16 =	vld [tilespmem:s11+$0xFFFFFFE0];
	v6 =	vadd.f32 v6, v11;
	v1 =	vbroadcast v8, $0x0;
	[tilespmem:s6+$0xFFFFFFA0] =	vst v3;
	v9 =	vbroadcast v3, $0x0;
	v3 =	vpop (erf)  }
0x65: {  	v8 =	vmul.f32 $2.000000030e-01, v2;
	v0 =	vbroadcast v3, $0x0;
	[tilespmem:s6+$0x40] =	vst v3;
	v3 =	vld [tilespmem:s10+$0xFFFFFFC0]  }
0x66: {  	s14 =	simm.s32 $0x60E0;
	v19 =	vld [tilespmem:s12+$0x0];
	v10 =	vmul.f32 $2.000000030e-01, v7;
	v13 =	vmul.f32 $2.000000030e-01, v6;
	vm6 =	vge.f32 v2, $0.0e+00  }
0x67: {  	v57 =	vld [tilespmem:s14+$0x0];
	vm2 =	vge.f32 v6, $0.0e+00;
	v2 =	vsel vm6, v2, v8  }
0x68: {  	v6 =	vsel vm2, v6, v13;
	v12 =	vld [tilespmem:s10+$0xFFFFFF80];
	v2 =	vmul.f32 $1.442695020e+00, v2;
	v4 =	vmul.f32 v5, v4  }
0x69: {  	vm7 =	vge.f32 v7, $0.0e+00;
	v6 =	vmul.f32 $1.442695020e+00, v6;
	v11 =	vld [tilespmem:s10+$0x0]  }
0x6a: {  	s7 =	simm.s32 $0x91E0;
	(erf) = vpow2.f32 v2;
	v2 =	vld [tilespmem:s11+$0x10];
	[tilespmem:s6+$0x60] =	vst v4;
	v4 =	vsel vm7, v7, v10;
	v3 =	vmul.f32 v1, v3;
	v10 =	vpop (erf)  }
0x6b: {  	s9 =	simm.s32 $0x7180;
	(erf) = vpow2.f32 v6;
	v6 =	vld [tilespmem:s12+$0x10];
	[tilespmem:s7+$0x90] =	vst v10  }
0x6c: {  	[tilespmem:s6+$0xFFFFFFB0] =	vst v3;
	v3 =	vld [tilespmem:s9+$0x40]  }
0x6d: {  	v24 =	vld [tilespmem:s14+$0xFFFFFFE0];
	v4 =	vmul.f32 $1.442695020e+00, v4  }
0x6e: {  	v13 =	vld [tilespmem:s11+$0xFFFFFFF0];
	v12 =	vmul.f32 v9, v12  }
0x6f: {  	v7 =	vld [tilespmem:s10+$0x60];
	(erf) = vpow2.f32 v4;
	v10 =	vbroadcast v10, $0x0  }
0x70: {  	[tilespmem:s6+$0xFFFFFF60] =	vst v12;
	v12 =	vld [tilespmem:s12+$0xFFFFFFE0];
	v11 =	vmul.f32 v0, v11  }
0x71: {  	v8 =	vld [tilespmem:s10+$0xFFFFFF90];
	v2 =	vadd.f32 v6, v2;
	v3 =	vmul.f32 v10, v3  }
0x72: {  	v4 =	vld [tilespmem:s10+$0xFFFFFFD0];
	[tilespmem:s6+$0x0] =	vst v11  }
0x73: {  	v6 =	vld [tilespmem:s11+$0x0];
	v15 =	vpop (erf);
	[tilespmem:s7+$0x50] =	vst v3;
	v3 =	vmul.f32 $2.000000030e-01, v2  }
0x74: {  	s11 =	simm.s32 $0x68E0;
	v11 =	vld [tilespmem:s10+$0x10];
	vm8 =	vge.f32 v2, $0.0e+00;
	v17 =	vpop (erf)  }
0x75: {  	v55 =	vld [tilespmem:s11+$0xFFFFFFE0];
	[tilespmem:s7+$0xFFFFFFA0] =	vst v17;
	v2 =	vsel vm8, v2, v3  }
0x76: {  	v7 =	vmul.f32 v5, v7;
	v20 =	vld [tilespmem:s9+$0xFFFFFF80];
	v21 =	vmul.f32 $1.442695020e+00, v2  }
0x77: {  	[tilespmem:s7+$0xFFFFFFF0] =	vst v15;
	v18 =	vld [tilespmem:s9+$0x50]  }
0x78: {  	v12 =	vadd.f32 v12, v16;
	[tilespmem:s6+$0x70] =	vst v7;
	v23 =	vld [tilespmem:s9+$0xFFFFFFC0];
	v3 =	vmul.f32 v9, v8;
	v8 =	vpop (erf);
	(erf) = vpow2.f32 v21  }
0x79: {  	v56 =	vld [tilespmem:s11+$0xFFFFFFF0];
	v7 =	vadd.f32 v14, v13;
	v22 =	vmul.f32 v1, v4;
	v4 =	vbroadcast v17, $0x0;
	[tilespmem:s7+$0x40] =	vst v8  }
0x7a: {  	vm10 =	vge.f32 v12, $0.0e+00;
	v2 =	vbroadcast v15, $0x0;
	v13 =	vld [tilespmem:s9+$0x0];
	[tilespmem:s6+$0xFFFFFF70] =	vst v3;
	v3 =	vbroadcast v8, $0x0  }
0x7b: {  	v14 =	vld [tilespmem:s10+$0x70];
	v6 =	vadd.f32 v19, v6;
	[tilespmem:s6+$0xFFFFFFC0] =	vst v22;
	v8 =	vmul.f32 $2.000000030e-01, v7;
	v19 =	vmul.f32 v4, v20  }
0x7c: {  	vm9 =	vge.f32 v7, $0.0e+00;
	v17 =	vld [tilespmem:s10+$0xFFFFFFE0];
	v15 =	vmul.f32 v10, v18;
	v18 =	vmul.f32 $2.000000030e-01, v12  }
0x7d: {  	v11 =	vmul.f32 v0, v11;
	v16 =	vld [tilespmem:s10+$0xFFFFFFA0];
	v7 =	vsel vm9, v7, v8;
	v8 =	vmul.f32 v2, v23;
	[tilespmem:s7+$0xFFFFFF60] =	vst v19  }
0x7e: {  	v7 =	vmul.f32 $1.442695020e+00, v7;
	v19 =	vld [tilespmem:s9+$0xFFFFFF90];
	[tilespmem:s7+$0x60] =	vst v15;
	v12 =	vsel vm10, v12, v18;
	v18 =	vmul.f32 $2.000000030e-01, v6  }
0x7f: {  	vm11 =	vge.f32 v6, $0.0e+00;
	[tilespmem:s6+$0x10] =	vst v11;
	v11 =	vld [tilespmem:s9+$0x60];
	v13 =	vmul.f32 v3, v13;
	v12 =	vmul.f32 $1.442695020e+00, v12  }
0x80: {  	[tilespmem:s7+$0xFFFFFFB0] =	vst v8;
	(erf) = vpow2.f32 v7;
	v6 =	vsel vm11, v6, v18;
	v18 =	vld [tilespmem:s11+$0x10]  }
0x81: {  	s12 =	simm.s32 $0x9320;
	[tilespmem:s7+$0x0] =	vst v13;
	(erf) = vpow2.f32 v12;
	v6 =	vmul.f32 $1.442695020e+00, v6;
	v13 =	vld [tilespmem:s14+$0x10];
	v8 =	vpop (erf)  }
0x82: {  	s13 =	simm.s32 $0x7280;
	v7 =	vld [tilespmem:s9+$0xFFFFFFD0];
	[tilespmem:s12+$0x90] =	vst v8  }
0x83: {  	v5 =	vmul.f32 v14, v5;
	(erf) = vpow2.f32 v6;
	v6 =	vld [tilespmem:s13+$0x40]  }
0x84: {  	v14 =	vld [tilespmem:s14+$0xFFFFFFF0];
	v11 =	vmul.f32 v10, v11  }
0x85: {  	[tilespmem:s6+$0x80] =	vst v5;
	v15 =	vld [tilespmem:s10+$0x20];
	v16 =	vmul.f32 v9, v16  }
0x86: {  	v12 =	vld [tilespmem:s9+$0x10];
	v8 =	vbroadcast v8, $0x0;
	[tilespmem:s7+$0x70] =	vst v11;
	v13 =	vadd.f32 v18, v13;
	v18 =	vmul.f32 v4, v19  }
0x87: {  	[tilespmem:s6+$0xFFFFFF80] =	vst v16;
	v19 =	vmul.f32 v2, v7;
	v11 =	vld [tilespmem:s9+$0x70]  }
0x88: {  	v58 =	vld [tilespmem:s11+$0x0];
	[tilespmem:s7+$0xFFFFFF70] =	vst v18;
	v6 =	vmul.f32 v8, v6  }
0x89: {  	v20 =	vadd.f32 v55, v24;
	v5 =	vpop (erf);
	[tilespmem:s7+$0xFFFFFFC0] =	vst v19  }
0x8a: {  	v17 =	vmul.f32 v1, v17;
	v14 =	vadd.f32 v56, v14;
	v62 =	vld [tilespmem:s10+$0xFFFFFFB0];
	v7 =	vmul.f32 $2.000000030e-01, v13;
	v16 =	vpop (erf);
	[tilespmem:s12+$0x50] =	vst v6  }
0x8b: {  	v15 =	vmul.f32 v0, v15;
	v12 =	vmul.f32 v3, v12;
	vm12 =	vge.f32 v13, $0.0e+00;
	[tilespmem:s12+$0xFFFFFFA0] =	vst v16;
	v59 =	vld [tilespmem:s13+$0x50]  }
0x8c: {  	v19 =	vmul.f32 $2.000000030e-01, v14;
	[tilespmem:s12+$0xFFFFFFF0] =	vst v5;
	v13 =	vsel vm12, v13, v7;
	v25 =	vld [tilespmem:s13+$0xFFFFFF80];
	v11 =	vmul.f32 v11, v10;
	v10 =	vpop (erf)  }
0x8d: {  	v60 =	vld [tilespmem:s9+$0xFFFFFFA0];
	v13 =	vmul.f32 $1.442695020e+00, v13;
	[tilespmem:s12+$0x40] =	vst v10;
	v7 =	vbroadcast v10, $0x0;
	v10 =	vadd.f32 v58, v57  }
0x8e: {  	vm15 =	vge.f32 v20, $0.0e+00;
	v6 =	vbroadcast v5, $0x0;
	v5 =	vbroadcast v16, $0x0;
	v16 =	vld [tilespmem:s13+$0xFFFFFFC0]  }
0x8f: {  	vm13 =	vge.f32 v14, $0.0e+00;
	[tilespmem:s7+$0x10] =	vst v12;
	(erf) = vpow2.f32 v13;
	v18 =	vld [tilespmem:s13+$0x0];
	v12 =	vmul.f32 $2.000000030e-01, v10  }
0x90: {  	[tilespmem:s6+$0xFFFFFFD0] =	vst v17;
	v61 =	vld [tilespmem:s9+$0xFFFFFFE0];
	v13 =	vmul.f32 $2.000000030e-01, v20;
	vm14 =	vge.f32 v10, $0.0e+00;
	v17 =	vmul.f32 v8, v59  }
0x91: {  	[tilespmem:s6+$0x20] =	vst v15;
	v14 =	vsel vm13, v14, v19;
	v19 =	vld [tilespmem:s9+$0x20];
	v10 =	vsel vm14, v10, v12;
	v12 =	vmul.f32 v5, v25  }
0x92: {  	v14 =	vmul.f32 $1.442695020e+00, v14;
	v13 =	vsel vm15, v20, v13;
	v15 =	vmul.f32 $1.442695020e+00, v10;
	v10 =	vld [tilespmem:s10+$0xFFFFFFF0];
	[tilespmem:s12+$0x60] =	vst v17  }
0x93: {  	[tilespmem:s12+$0xFFFFFF60] =	vst v12;
	v12 =	vmul.f32 v6, v16;
	v17 =	vmul.f32 $1.442695020e+00, v13;
	v16 =	vld [tilespmem:s13+$0x60]  }
0x94: {  	[tilespmem:s7+$0x80] =	vst v11;
	(erf) = vpow2.f32 v14;
	v18 =	vmul.f32 v7, v18;
	v13 =	vld [tilespmem:s13+$0xFFFFFF90]  }
0x95: {  	v63 =	vmul.f32 v4, v60;
	v11 =	vld [tilespmem:s10+$0x30];
	[tilespmem:s12+$0xFFFFFFB0] =	vst v12;
	(erf) = vpow2.f32 v17  }
0x96: {  	s15 =	simm.s32 $0xC;
	[tilespmem:s12+$0x0] =	vst v18;
	v14 =	vld [tilespmem:s13+$0xFFFFFFD0];
	v17 =	vmul.f32 v2, v61;
	(erf) = vpow2.f32 v15  }
0x97: {  	s18 =	simm.s32 $0x6120;
	s14 =	simm.s32 $0x7280;
	v9 =	vmul.f32 v62, v9;
	[tilespmem:s7+$0xFFFFFF80] =	vst v63;
	s10 =	simm.s32 $0x9320;
	v12 =	vld [tilespmem:s13+$0x10];
	v15 =	vmul.f32 v3, v19  }
.LBB2_3:
0x98: {  	v18 =	vld [tilespmem:s18+$0x10];
	s11 =	sadd.s32 $0x40, s11;
	v19 =	vpop (erf);
	v16 =	vmul.f32 v8, v16;
	s12 =	sadd.s32 $0x140, s12;
	[tilespmem:s7+$0xFFFFFFD0] =	vst v17;
	v10 =	vmul.f32 v10, v1;
	v1 =	vmov v2  }
0x99: {  	s13 =	sadd.s32 $0x100, s13;
	v2 =	vmov v6;
	v17 =	vld [tilespmem:s11+$0x10];
	[tilespmem:s12+$0x90] =	vst v19;
	v13 =	vmul.f32 v5, v13  }
0x9a: {  	v20 =	vld [tilespmem:s13+$0x40];
	[tilespmem:s10+$0x70] =	vst v16;
	v11 =	vmul.f32 v11, v0;
	v0 =	vmov v3;
	v3 =	vmov v7  }
0x9b: {  	[tilespmem:s10+$0xFFFFFF70] =	vst v13;
	v6 =	vmul.f32 v2, v14;
	v13 =	vld [tilespmem:s14+$0x70]  }
0x9c: {  	s15 =	sadd.s32 $0x4, s15;
	v14 =	vld [tilespmem:s11+$0xFFFFFFE0];
	v12 =	vmul.f32 v3, v12;
	[tilespmem:s7+$0x20] =	vst v15  }
0x9d: {  	p0 =	slt.u32 s15, $0x7C;
	v16 =	vbroadcast v19, $0x0;
	v15 =	vld [tilespmem:s18+$0xFFFFFFF0];
	v7 =	vpop (erf);
	[tilespmem:s10+$0xFFFFFFC0] =	vst v6  }
0x9e: {  	v19 =	vld [tilespmem:s11+$0xFFFFFFF0];
	[tilespmem:s12+$0xFFFFFFF0] =	vst v7;
	v6 =	vbroadcast v7, $0x0;
	v7 =	vpop (erf)  }
0x9f: {  	v21 =	vld [tilespmem:s18+$0x0];
	[tilespmem:s12+$0xFFFFFFA0] =	vst v7;
	v22 =	vbroadcast v7, $0x0;
	v20 =	vmul.f32 v16, v20;
	v7 =	vpop (erf)  }
0xa0: {  	v17 =	vadd.f32 v17, v18;
	v23 =	vld [tilespmem:s11+$0x0];
	[tilespmem:s12+$0x40] =	vst v7;
	v7 =	vbroadcast v7, $0x0;
	v13 =	vmul.f32 v13, v8;
	v8 =	vmovc v16  }
0xa1: {  	v16 =	vld [tilespmem:s18+$0xFFFFFFE0];
	[tilespmem:s12+$0x50] =	vst v20  }
0xa2: {  	v18 =	vmul.f32 $2.000000030e-01, v17;
	v20 =	vld [tilespmem:s13+$0xFFFFFF80];
	[tilespmem:s10+$0x80] =	vst v13  }
0xa3: {  	vm0 =	vge.f32 v17, $0.0e+00;
	v13 =	vadd.f32 v19, v15;
	v15 =	vld [tilespmem:s13+$0x50];
	[tilespmem:s10+$0x10] =	vst v12  }
0xa4: {  	v12 =	vsel vm0, v17, v18;
	v17 =	vld [tilespmem:s13+$0xFFFFFFC0];
	[tilespmem:s6+$0xFFFFFF90] =	vst v9  }
0xa5: {  	v12 =	vmul.f32 $1.442695020e+00, v12;
	v9 =	vmul.f32 $2.000000030e-01, v13;
	v18 =	vadd.f32 v23, v21;
	v19 =	vld [tilespmem:s13+$0x0];
	[tilespmem:s6+$0xFFFFFFE0] =	vst v10  }
0xa6: {  	vm0 =	vge.f32 v13, $0.0e+00;
	v10 =	vadd.f32 v14, v16;
	v14 =	vld [tilespmem:s14+$0xFFFFFFA0];
	[tilespmem:s6+$0x30] =	vst v11;
	s6 =	smov.u32 s7;
	s7 =	smov.u32 s10;
	s10 =	smov.u32 s12  }
0xa7: {  	vm1 =	vge.f32 v18, $0.0e+00;
	v11 =	vmul.f32 $2.000000030e-01, v18;
	(erf) = vpow2.f32 v12;
	v12 =	vld [tilespmem:s14+$0xFFFFFFE0]  }
0xa8: {  	vm2 =	vge.f32 v10, $0.0e+00;
	v16 =	vmul.f32 $2.000000030e-01, v10;
	v15 =	vmul.f32 v8, v15;
	v21 =	vld [tilespmem:s14+$0x20]  }
0xa9: {  	v9 =	vsel vm0, v13, v9;
	v13 =	vmul.f32 v22, v20;
	v11 =	vsel vm1, v18, v11;
	v18 =	vld [tilespmem:s9+$0xFFFFFFB0]  }
0xaa: {  	v9 =	vmul.f32 $1.442695020e+00, v9;
	v16 =	vsel vm2, v10, v16;
	v20 =	vmul.f32 $1.442695020e+00, v11;
	[tilespmem:s12+$0x60] =	vst v15;
	v10 =	vld [tilespmem:s9+$0xFFFFFFF0]  }
.Ltmp0:
0xab: {  	v15 =	vmul.f32 v6, v17;
	v11 =	vmul.f32 $1.442695020e+00, v16;
	[tilespmem:s12+$0xFFFFFF60] =	vst v13;
	v16 =	vld [tilespmem:s13+$0x60];
	(pc) =	sbr.rel @p0 .LBB2_3-.Ltmp0, $4  }
0xac: {  	(erf) = vpow2.f32 v9;
	v13 =	vld [tilespmem:s13+$0xFFFFFF90];
	v9 =	vmul.f32 v7, v19  }
0xad: {  	(erf) = vpow2.f32 v11;
	[tilespmem:s12+$0xFFFFFFB0] =	vst v15;
	v15 =	vmul.f32 v5, v14;
	v11 =	vld [tilespmem:s9+$0x30];
	s9 =	smov.u32 s14;
	s14 =	smov.u32 s13  }
0xae: {  	v17 =	vmul.f32 v2, v12;
	(erf) = vpow2.f32 v20;
	v14 =	vld [tilespmem:s13+$0xFFFFFFD0];
	[tilespmem:s12+$0x0] =	vst v9  }
0xaf: {  	s18 =	sadd.s32 $0x40, s18;
	v9 =	vmul.f32 v18, v4;
	v4 =	vmovc v5;
	v5 =	vmov v22;
	v12 =	vld [tilespmem:s13+$0x10];
	[tilespmem:s7+$0xFFFFFF80] =	vst v15;
	v15 =	vmul.f32 v3, v21  }
0xb0: {  	_ =	sdelay $0x1  }
0xb1: {  	v18 =	vpop (erf);
	s11 =	sadd.s32 $0x140, s12;
	[tilespmem:s7+$0xFFFFFFD0] =	vst v17  }
0xb2: {  	[tilespmem:s11+$0x90] =	vst v18  }
0xb3: {  	[tilespmem:s7+$0x20] =	vst v15  }
0xb4: {  	s18 =	sadd.s32 $0x100, s13;
	[tilespmem:s6+$0xFFFFFF90] =	vst v9;
	v25 =	vpop (erf)  }
0xb5: {  	v19 =	vld [tilespmem:s18+$0x40];
	v26 =	vpop (erf);
	[tilespmem:s11+$0xFFFFFFF0] =	vst v25  }
0xb6: {  	v16 =	vmul.f32 v8, v16;
	[tilespmem:s11+$0xFFFFFFA0] =	vst v26;
	v21 =	vpop (erf);
	v23 =	vld [tilespmem:s18+$0xFFFFFFC0]  }
0xb7: {  	v1 =	vmul.f32 v10, v1;
	v22 =	vld [tilespmem:s18+$0xFFFFFF80];
	[tilespmem:s11+$0x40] =	vst v21  }
0xb8: {  	v18 =	vbroadcast v18, $0x0;
	v13 =	vmul.f32 v5, v13;
	[tilespmem:s10+$0x70] =	vst v16;
	v28 =	vld [tilespmem:s18+$0x0]  }
0xb9: {  	v0 =	vmul.f32 v11, v0;
	[tilespmem:s6+$0xFFFFFFE0] =	vst v1;
	v20 =	vld [tilespmem:s14+$0x70];
	v32 =	vbroadcast v25, $0x0  }
0xba: {  	[tilespmem:s10+$0xFFFFFF70] =	vst v13;
	v19 =	vmul.f32 v18, v19;
	v29 =	vbroadcast v26, $0x0  }
0xbb: {  	v45 =	vld [tilespmem:s9+$0xFFFFFFB0];
	[tilespmem:s6+$0x30] =	vst v0;
	v33 =	vbroadcast v21, $0x0;
	v35 =	vmul.f32 v32, v23  }
0xbc: {  	v50 =	vld [tilespmem:s9+$0xFFFFFFF0];
	[tilespmem:s11+$0x50] =	vst v19;
	v34 =	vmul.f32 v29, v22  }
0xbd: {  	v27 =	vmul.f32 v6, v14;
	v19 =	vld [tilespmem:s18+$0x50];
	v14 =	vmul.f32 v33, v28;
	[tilespmem:s11+$0xFFFFFFB0] =	vst v35  }
0xbe: {  	v31 =	vmul.f32 v20, v8;
	[tilespmem:s11+$0xFFFFFF60] =	vst v34;
	v8 =	vld [tilespmem:s18+$0xFFFFFFD0]  }
0xbf: {  	v12 =	vmul.f32 v7, v12;
	v17 =	vld [tilespmem:s18+$0xFFFFFF90];
	[tilespmem:s11+$0x0] =	vst v14  }
0xc0: {  	[tilespmem:s10+$0xFFFFFFC0] =	vst v27;
	v4 =	vmul.f32 v45, v4;
	v37 =	vld [tilespmem:s18+$0x10]  }
0xc1: {  	v52 =	vld [tilespmem:s9+$0x30];
	[tilespmem:s10+$0x10] =	vst v12;
	v2 =	vmul.f32 v50, v2  }
0xc2: {  	v38 =	vld [tilespmem:s14+$0xFFFFFFA0];
	[tilespmem:s7+$0xFFFFFF90] =	vst v4;
	v30 =	vmul.f32 v18, v19  }
0xc3: {  	v40 =	vld [tilespmem:s14+$0xFFFFFFE0];
	[tilespmem:s7+$0xFFFFFFE0] =	vst v2;
	v43 =	vmul.f32 v32, v8  }
0xc4: {  	v41 =	vld [tilespmem:s14+$0x20];
	[tilespmem:s11+$0x60] =	vst v30;
	v42 =	vmul.f32 v29, v17  }
0xc5: {  	v36 =	vld [tilespmem:s18+$0x60];
	v10 =	vmul.f32 v33, v37;
	[tilespmem:s11+$0xFFFFFFC0] =	vst v43  }
0xc6: {  	v3 =	vmul.f32 v52, v3;
	[tilespmem:s11+$0xFFFFFF70] =	vst v42;
	v47 =	vld [tilespmem:s18+$0xFFFFFFE0]  }
0xc7: {  	v9 =	vmul.f32 v5, v38;
	v46 =	vld [tilespmem:s18+$0xFFFFFFA0];
	[tilespmem:s11+$0x10] =	vst v10  }
0xc8: {  	[tilespmem:s7+$0x30] =	vst v3;
	v1 =	vmul.f32 v6, v40;
	v49 =	vld [tilespmem:s18+$0x20]  }
0xc9: {  	[tilespmem:s10+$0xFFFFFF80] =	vst v9;
	v48 =	vmul.f32 v7, v41  }
0xca: {  	v53 =	vld [tilespmem:s14+$0xFFFFFFB0];
	[tilespmem:s10+$0xFFFFFFD0] =	vst v1;
	v39 =	vmul.f32 v18, v36  }
0xcb: {  	[tilespmem:s10+$0x20] =	vst v48;
	v54 =	vld [tilespmem:s14+$0xFFFFFFF0];
	v55 =	vmul.f32 v32, v47  }
0xcc: {  	v56 =	vld [tilespmem:s14+$0x30];
	[tilespmem:s11+$0x70] =	vst v39;
	v0 =	vmul.f32 v29, v46  }
0xcd: {  	v44 =	vld [tilespmem:s18+$0x70];
	v57 =	vmul.f32 v33, v49;
	[tilespmem:s11+$0xFFFFFFD0] =	vst v55  }
0xce: {  	[tilespmem:s11+$0xFFFFFF80] =	vst v0;
	v59 =	vld [tilespmem:s18+$0xFFFFFFF0]  }
0xcf: {  	v1 =	vmul.f32 v53, v5;
	v58 =	vld [tilespmem:s18+$0xFFFFFFB0];
	[tilespmem:s11+$0x20] =	vst v57  }
0xd0: {  	[tilespmem:s10+$0x80] =	vst v31;
	v61 =	vmul.f32 v54, v6;
	v60 =	vld [tilespmem:s18+$0x30]  }
0xd1: {  	[tilespmem:s10+$0xFFFFFF90] =	vst v1;
	v62 =	vmul.f32 v56, v7  }
0xd2: {  	[tilespmem:s10+$0xFFFFFFE0] =	vst v61;
	v51 =	vmul.f32 v44, v18  }
0xd3: {  	[tilespmem:s10+$0x30] =	vst v62;
	v0 =	vmul.f32 v59, v32  }
0xd4: {  	[tilespmem:s11+$0x80] =	vst v51;
	v63 =	vmul.f32 v58, v29  }
0xd5: {  	s5 =	sadd.s32 $0x1, s5;
	v2 =	vmul.f32 v60, v33;
	[tilespmem:s11+$0xFFFFFFE0] =	vst v0  }
0xd6: {  	p0 =	sne.s32 s5, $0x8;
	[tilespmem:s11+$0xFFFFFF90] =	vst v63  }
.Ltmp1:
0xd7: {  	[tilespmem:s11+$0x30] =	vst v2;
	(pc) =	sbr.rel @p0 .LBB2_2-.Ltmp1, $4  }
0xd8: {  	[spmem:s1] =	stream.indirect.scatter.add.f32 [tilespmem:s30], [sflag:$0x4], $0x50, s21, s22, $0xb8;
	[tilespmem:$0xB800] =	vst v63  }
0xd9: {  	_ =	swait.ge [sflag:s31], $0x2800  }
0xda: {  	[sflag:s31] =	ssyncset.done $0x0  }
0xdb: {  	[sflag:s31] =	ssyncadd.s32 $0xFFFFD800  }
0xdc: {  	[bflag:$0x0] =	sbarrier.arrive $0xFFFF  }
0xdd: {  	s5 =	rddreg [dreg:$0xd]  }
0xde: {  	[hbm:s5], [sflag:s8] =	dma.local [spmem:s16], $0x500  }
0xdf: {  	_ =	swait.ge [sflag:s17], $0x500  }
0xe0: {  	s0 =	sadd.s32 $0x1, s0;
	s21 =	rddreg [dreg:$0xe]  }
0xe1: {  	p0 =	sne.s32 s0, s21  }
.Ltmp2:
0xe2: {  	_ = 	snop;
	(pc) =	sbr.rel @p0 .LBB2_1-.Ltmp2, $3  }
0xe3: {  	_ =	sdelay $0x1  }
0xe4: {  	[sflag:s17] =	ssyncset.done $0x0  }
0xe5: {  	[sflag:s17] =	ssyncadd.s32 $0xFFFFFB00  }
0xe6: {  	_ =	sfence.sel $0x180000  }
0xe7: {  	[bflag:$0x0] =	sbarrier.arrive $0xFFFF  }
0xe8: {  	_ =	strace $0x90000053  }
0xe9: {  	s0 =	stileid.u32;
	[bflag:$0x2] =	sbarrier.arrive $0xFFFF  }
0xea: {  	p0 =	sne.s32 s0, $0x0;
	s0 =	rddreg [dreg:$0x6]  }
0xeb: {  	s0 =	sadd.s32 @!p0 $0x100000, s0  }
0xec: {  	[sflag:s0] =	ssyncadd.tile.s32 @!p0 $0x1;
	_ =	shalt  }
.Lfunc_end2:
_tile_overlayer_lowered:
.L_overlay_start_2:
0xed: {  	(tag) =	ssettag $0x2  }
0xee: {  	s0 =	rddreg [dreg:$0x0];
	s2 =	stileid.u32  }
0xef: {  	s1 =	rddreg [dreg:$0x1];
	p0 =	sne.s32 s2, $0x0  }
0xf0: {  	s3 =	rddreg [dreg:$0x2];
	[bflag:$0x3] =	sbarrier.arrive $0xFFFF;
	s2 =	simm.s32 @!p0 $0x1C05  }
0xf1: {  	[timem:s3], [sflag:s2] =	dma.local @!p0 [hbm:s0], s1  }
0xf2: {  	s0 =	simm.s32 @!p0 $0x5  }
0xf3: {  	_ =	swait.ge @!p0 [sflag:s0], s1  }
0xf4: {  	s1 =	ssub.s32 @!p0 $0x0, s1;
	[sflag:s0] =	ssyncset.done @!p0 $0x0  }
0xf5: {  	[sflag:s0] =	ssyncadd.s32 @!p0 s1  }
0xf6: {  	[bflag:$0x3] =	sbarrier.arrive $0xFFFF  }
0xf7: {  	_ =	shalt  }

// kernel: kernel.29.cloned.1.call-start
scs
__scs_entry_jumppad:
0x0: {  	(pc) =	sbr.rel $0x88, $3  }
0x1: {  	(tag) =	ssettag $0x0;
	lr =	simm.s32 $0x1  }
0x2: {  	[smem:$0x3F90] =	sst lr;
	_ =	strace $0xD0000000  }
0x3: {  	_ = 	snop  }
0x4: {  	_ = 	snop  }
0x5: {  	_ = 	snop  }
0x6: {  	_ = 	snop  }
0x7: {  	_ = 	snop  }
__scs_overlays_trampoline_lowered:
0x8: {  	[smem:$0x3F9F] =	sst s0  }
0x9: {  	[smem:$0x3FA0] =	sst s1  }
0xa: {  	[smem:$0x3FA1] =	sst s2  }
0xb: {  	[smem:$0x3FA2] =	sst s3  }
0xc: {  	[smem:$0x3FA3] =	sst s4  }
0xd: {  	[smem:$0x3FA4] =	sst s5  }
0xe: {  	[smem:$0x3FA5] =	sst s6  }
0xf: {  	[smem:$0x3FA6] =	sst s7  }
0x10: {  	[smem:$0x3FA7] =	sst s8  }
0x11: {  	[smem:$0x3FA8] =	sst s9;
	s0 =	simm.s32 @!p0 $0x0  }
0x12: {  	s1 =	sld [smem:$0x3F8E];
	s0 =	simm.s32 @p0 $0x1  }
0x13: {  	[smem:$0x3FA9] =	sst s0;
	s0 =	simm.s32 @!p1 $0x0  }
0x14: {  	s2 =	sld [smem:$0x3F8D];
	s0 =	simm.s32 @p1 $0x1  }
0x15: {  	[smem:$0x3FAA] =	sst s0;
	s0 =	simm.s32 @!p2 $0x0  }
0x16: {  	s3 =	sld [smem:$0x3FDB];
	s0 =	simm.s32 @p2 $0x1  }
0x17: {  	s4 =	simm.s32 $0x1BF5;
	[smem:$0x3FAC] =	sst s0  }
0x18: {  	s0 =	sld [smem:$0x3F8F];
	_ =	swait.ge [sflag:s4], $0x0  }
0x19: {  	s7 =	sld [smem:$0x3F90]  }
0x1a: {  	s8 =	sadd.s32 $0xFFFFE003, lr  }
0x1b: {  	s9 =	sadd.s32 $0xFFFFFEF7, lr;
	s5 =	simm.s32 $0xFFFFFFFF;
	p2 =	slt.u32 s8, $0xFFFFF086  }
0x1c: {  	p1 =	slt.u32 s9, $0xF7A;
	s5 =	simm.s32 @!p2 $0x0  }
0x1d: {  	s5 =	simm.s32 @p1 $0x1;
	p0 =	seq.s32 s7, s2  }
0x1e: {  	s7 =	smul.u32 @!p0 $0xF7A, s2;
	p2 =	seq.s32 @!p0 s5, $0x0  }
0x1f: {  	s9 =	smul.u32 $0xF7A, s1;
	s8 =	simm.s32 @!p0 $0x1BF5;
	p2 =	por !p2, p0  }
0x20: {  	[sflag:s8] =	ssyncset.s32 @!p0 $0xFFFFF086;
	s6 =	sadd.s32 @!p0 s3, s7;
	s7 =	simm.s32 @!p0 $0x108  }
0x21: {  	s3 =	sadd.s32 s3, s9;
	s6 =	sadd.s32 @!p0 $0x88, s6;
	s7 =	simm.s32 @p2 $0x1082  }
0x22: {  	[simem:s7], [sflag:s8] =	dma.local @!p0 [hbm:s6], $0xF7A  }
0x23: {  	s9 =	sor.u32 $0xD0000000, s2;
	s6 =	simm.s32 $0x108;
	_ =	swait.ge @!p0 [sflag:s8], $0x0  }
0x24: {  	s3 =	sadd.s32 $0x88, s3;
	s6 =	simm.s32 @!p1 $0x1082;
	[sflag:s4] =	ssyncset.s32 $0xFFFFF086  }
0x25: {  	[simem:s6], [sflag:s4] =	dma.local [hbm:s3], $0xF7A  }
0x26: {  	[smem:$0x3F90] =	sst s1;
	(tag) =	ssettag s2;
	_ =	strace s9  }
0x27: {  	s1 =	sld [smem:$0x3FA0]  }
0x28: {  	s2 =	sld [smem:$0x3FA1]  }
0x29: {  	s4 =	sld [smem:$0x3FA3]  }
0x2a: {  	p0 =	seq.s32 s5, $0x0;
	s5 =	sld [smem:$0x3FA4]  }
0x2b: {  	s6 =	sld [smem:$0x3FA5]  }
0x2c: {  	s7 =	sld [smem:$0x3FA6]  }
0x2d: {  	s3 =	simm.s32 $0x108;
	s8 =	sld [smem:$0x3FA7]  }
0x2e: {  	s3 =	simm.s32 @!p0 $0x1082;
	s9 =	sld [smem:$0x3FA8]  }
0x2f: {  	lr =	sadd.s32 s0, s3;
	s0 =	sld [smem:$0x3F9F]  }
0x30: {  	s3 =	sld [smem:$0x3FA2]  }
0x31: {  	[smem:$0x3FAB] =	sst s10  }
0x32: {  	s10 =	sld [smem:$0x3FA9];
	_ =	sdelay $0x3  }
0x33: {  	p0 =	seq.s32 s10, $0x1;
	s10 =	sld [smem:$0x3FAB];
	_ =	sdelay $0x3  }
0x34: {  	[smem:$0x3FAB] =	sst s10  }
0x35: {  	s10 =	sld [smem:$0x3FAA];
	_ =	sdelay $0x3  }
0x36: {  	p1 =	seq.s32 s10, $0x1;
	s10 =	sld [smem:$0x3FAB];
	_ =	sdelay $0x3  }
0x37: {  	[smem:$0x3FAB] =	sst s10  }
0x38: {  	s10 =	sld [smem:$0x3FAC]  }
0x39: {  	_ = 	snop;
	(pc) =	sbr.ind lr, $3  }
0x3a: {  	_ = 	snop  }
0x3b: {  	_ = 	snop  }
0x3c: {  	p2 =	seq.s32 s10, $0x1;
	s10 =	sld [smem:$0x3FAB]  }
0x3d: {  	_ =	shalt  }
0x3e: {  	_ =	shalt  }
0x3f: {  	_ =	shalt  }
0x40: {  	_ =	shalt  }
0x41: {  	_ =	shalt  }
0x42: {  	_ =	shalt  }
0x43: {  	_ =	shalt  }
0x44: {  	_ =	shalt  }
0x45: {  	_ =	shalt  }
0x46: {  	_ =	shalt  }
0x47: {  	_ =	shalt  }
0x48: {  	_ =	shalt  }
0x49: {  	_ =	shalt  }
0x4a: {  	_ =	shalt  }
0x4b: {  	_ =	shalt  }
0x4c: {  	_ =	shalt  }
0x4d: {  	_ =	shalt  }
0x4e: {  	_ =	shalt  }
0x4f: {  	_ =	shalt  }
0x50: {  	_ =	shalt  }
0x51: {  	_ =	shalt  }
0x52: {  	_ =	shalt  }
0x53: {  	_ =	shalt  }
0x54: {  	_ =	shalt  }
0x55: {  	_ =	shalt  }
0x56: {  	_ =	shalt  }
0x57: {  	_ =	shalt  }
0x58: {  	_ =	shalt  }
0x59: {  	_ =	shalt  }
0x5a: {  	_ =	shalt  }
0x5b: {  	_ =	shalt  }
0x5c: {  	_ =	shalt  }
0x5d: {  	_ =	shalt  }
0x5e: {  	_ =	shalt  }
0x5f: {  	_ =	shalt  }
0x60: {  	_ =	shalt  }
0x61: {  	_ =	shalt  }
0x62: {  	_ =	shalt  }
0x63: {  	_ =	shalt  }
0x64: {  	_ =	shalt  }
0x65: {  	_ =	shalt  }
0x66: {  	_ =	shalt  }
0x67: {  	_ =	shalt  }
0x68: {  	_ =	shalt  }
0x69: {  	_ =	shalt  }
0x6a: {  	_ =	shalt  }
0x6b: {  	_ =	shalt  }
0x6c: {  	_ =	shalt  }
0x6d: {  	_ =	shalt  }
0x6e: {  	_ =	shalt  }
0x6f: {  	_ =	shalt  }
0x70: {  	_ =	shalt  }
0x71: {  	_ =	shalt  }
0x72: {  	_ =	shalt  }
0x73: {  	_ =	shalt  }
0x74: {  	_ =	shalt  }
0x75: {  	_ =	shalt  }
0x76: {  	_ =	shalt  }
0x77: {  	_ =	shalt  }
0x78: {  	_ =	shalt  }
0x79: {  	_ =	shalt  }
0x7a: {  	_ =	shalt  }
0x7b: {  	_ =	shalt  }
0x7c: {  	_ =	shalt  }
0x7d: {  	_ =	shalt  }
0x7e: {  	_ =	shalt  }
0x7f: {  	_ =	shalt  }
0x80: {  	_ =	shalt  }
0x81: {  	_ =	shalt  }
0x82: {  	_ =	shalt  }
0x83: {  	_ =	shalt  }
0x84: {  	_ =	shalt  }
0x85: {  	_ =	shalt  }
0x86: {  	_ =	shalt  }
0x87: {  	_ =	shalt  }
.Lfunc_end0:
.L_simem_size_0:
called_computation.5_lowered:
.L_overlay_start_0:
0x88: {  	s2 =	sld [smem:$0x3FD9]  }
0x89: {  	s3 =	sld [smem:$0x3FFE];
	_ =	sdelay $0x1  }
0x8a: {  	s1 =	srdreg.scid  }
0x8b: {  	s0 =	sand.u32 $0x1, s1  }
0x8c: {  	s17 =	sshll.u32 s0, $0xA;
	s2 =	sadd.s32 s3, s2  }
0x8d: {  	s2 =	sadd.s32 s2, s17  }
0x8e: {  	[smem:$0x3FB7] =	sst s2  }
0x8f: {  	_ = 	snop  }
0x90: {  	(tm) =	ssettm $0x1  }
0x91: {  	s18 =	sld [smem:$0x3FFB];
	_ =	sdelay $0x3  }
0x92: {  	_ =	strace s18  }
0x93: {  	s2 =	sld [smem:$0x3FFC];
	_ =	sdelay $0x3  }
0x94: {  	_ =	strace s2  }
0x95: {  	s2 =	sld [smem:$0x3FFD];
	_ =	sdelay $0x3  }
0x96: {  	_ =	strace s2  }
0x97: {  	_ =	strace $0x8FFFFFFF  }
0x98: {  	s19 =	sld [smem:$0x3FDB];
	_ =	sdelay $0x1  }
0x99: {  	s20 =	simm.s32 $_scs_section_size  }
0x9a: {  	s4 =	simm.s32 $_size__tile_overlayer_lowered;
	s5 =	simm.s32 $_tile_overlayer_lowered  }
0x9b: {  	s6 =	simm.s32 $0x1BFF;
	s21 =	sshll.u32 s5, $0x1;
	s3 =	sadd.s32 s20, s19  }
0x9c: {  	s22 =	simm.s32 $0x0;
	s4 =	sshll.u32 s4, $0x1;
	s5 =	sadd.s32 s21, s3  }
0x9d: {  	[timem:s22], [sflag:s6] =	dma.local [hbm:s5], s4  }
0x9e: {  	_ =	swait.ge [sflag:s6], s4  }
0x9f: {  	s4 =	ssub.s32 $0x0, s4;
	[sflag:s6] =	ssyncset.done $0x0  }
0xa0: {  	[sflag:s6] =	ssyncadd.s32 s4;
	_ =	sdelay $0x1  }
0xa1: {  	s23 =	simm.s32 $0x1B8B  }
0xa2: {  	_ =	swait.ge [sflag:s23], $0x1  }
0xa3: {  	[sflag:s23] =	ssyncset.done $0x0  }
0xa4: {  	[sflag:s23] =	ssyncadd.s32 $0xFFFFFFFF  }
0xa5: {  	s4 =	sld [smem:$0x0]  }
0xa6: {  	s5 =	sand.u32 $0xFFFFFFFE, s1  }
0xa7: {  	p0 =	sne.s32 s1, s5  }
0xa8: {  	s5 =	sshll.u32 @p0 s5, $0xE  }
0xa9: {  	s5 =	sadd.s32 @p0 $0x11B8D, s5;
	s6 =	sshll.u32 @p0 s4, $0x11  }
0xaa: {  	s5 =	sor.u32 @p0 s6, s5  }
0xab: {  	[sflag:s5] =	ssyncadd.remote.s32 @p0 $0x1;
	_ =	sdelay $0x1  }
0xac: {  	s5 =	simm.s32 @p0 $0x1B8D  }
0xad: {  	_ =	swait.eq @p0 [sflag:s5], $0x1  }
0xae: {  	[sflag:s5] =	ssyncadd.s32 @p0 $0xFFFFFFFF  }
0xaf: {  	s6 =	sshll.u32 @!p0 s1, $0xE  }
0xb0: {  	s6 =	sor.u32 @!p0 $0x4000, s6;
	s5 =	simm.s32 @!p0 $0x1B8D  }
0xb1: {  	s4 =	sshll.u32 @!p0 s4, $0x11;
	s6 =	sadd.s32 @!p0 $0x11B8D, s6;
	_ =	swait.eq @!p0 [sflag:s5], $0x1  }
0xb2: {  	s4 =	sor.u32 @!p0 s4, s6;
	[sflag:s5] =	ssyncadd.s32 @!p0 $0xFFFFFFFF  }
0xb3: {  	s25 =	simm.s32 $0x1B8E;
	s24 =	sld [smem:$0x3FFE];
	[sflag:s4] =	ssyncadd.remote.s32 @!p0 $0x1  }
0xb4: {  	s26 =	simm.s32 $execute0_lowered;
	[smem:$0x3FD2] =	sst s25  }
0xb5: {  	s5 =	sshll.u32 s26, $0x1;
	_ =	strace $0x80000055;
	[dreg:$0x1] =	wrdreg $0xFFFFFFFF  }
0xb6: {  	s28 =	simm.s32 $_size_execute0_lowered;
	s3 =	sadd.s32 s3, s5;
	[dreg:$0x0] =	wrdreg $0x0  }
0xb7: {  	s5 =	sshll.u32 s28, $0x1;
	[dreg:$0x2] =	wrdreg s3  }
0xb8: {  	[dreg:$0x3] =	wrdreg s5  }
0xb9: {  	[dreg:$0x4] =	wrdreg $0xC0  }
0xba: {  	_ =	task [dreg:s22], $0x5FFFF  }
0xbb: {  	[dreg:$0x1] =	wrdreg $0xFFFFFFFF  }
0xbc: {  	[dreg:$0x0] =	wrdreg $0x60  }
0xbd: {  	[dreg:$0x2] =	wrdreg s24  }
0xbe: {  	[dreg:$0x3] =	wrdreg $0x0  }
0xbf: {  	[dreg:$0x4] =	wrdreg $0x9  }
0xc0: {  	_ =	task.clear_ibuf [dreg:s22], $0x5FFFF;
	_ =	strace $0x90000055  }
0xc1: {  	s29 =	simm.s32 $0x9;
	_ =	strace $0x80000057  }
0xc2: {  	_ =	swait.ge [sflag:s29], $0x1  }
0xc3: {  	[sflag:s29] =	ssyncadd.s32 $0xFFFFFFFF  }
0xc4: {  	_ =	strace $0x90000057  }
0xc5: {  	_ =	sfence  }
0xc6: {  	s30 =	sld [smem:$0x0];
	_ =	sdelay $0x2  }
0xc7: {  	s31 =	sshll.u32 s1, $0xD;
	s1 =	sshrl.u32 s1, $0x2  }
0xc8: {  	s4 =	sand.u32 $0x4000, s31;
	s1 =	sadd.s32 s1, s30  }
0xc9: {  	s0 =	sor.u32 s4, s0;
	s1 =	sshll.u32 s1, $0x11  }
0xca: {  	s0 =	sor.u32 s1, s0  }
0xcb: {  	s0 =	sadd.s32 $0x8F2B, s0  }
0xcc: {  	[sflag:s0] =	ssyncadd.remote.s32 $0x1  }
0xcd: {  	_ =	sfence.sel $0xFFFF  }
0xce: {  	[dreg:$0x0] =	wrdreg $0xFFFFFFFF;
	(pc) =	sbr.abs _section_cstart, $3  }
0xcf: {  	[dreg:$0x1] =	wrdreg $0xFFFFFFFF  }
0xd0: {  	_ =	task.clear_ibuf [dreg:s22], $0x2FFFF;
	_ =	strace $0x9FFFFFFF  }
0xd1: {  	(tm) =	ssettm $0x7FFFFFFF  }
tec
execute0_lowered:
.L_overlay_start_1:
0x0: {  	(tag) =	ssettag $0x1  }
0x1: {  	s13 =	rddreg [dreg:$0x0]  }
0x2: {  	s2 =	rddreg [dreg:$0x1]  }
0x3: {  	s0 =	stileid.u32;
	s1 =	rddreg [dreg:$0x2]  }
0x4: {  	s3 =	simm.s32 $0x0;
	s5 =	srdreg.scid;
	s4 =	smul.u32 $0x9E00, s0  }
0x5: {  	s7 =	simm.s32 $0x3;
	[smem:$0x7FF] =	sst s3;
	s10 =	sand.u32 $0x1, s5  }
0x6: {  	s9 =	sshll.u32 s0, $0x6;
	_ =	strace $0x80000056;
	s6 =	sshrl.u32 s4, $0x3  }
0x7: {  	s8 =	sshll.u32 s10, $0xA;
	s30 =	sadd.s32 s4, s2;
	s29 =	sadd.s32 s6, s13  }
0x8: {  	s5 =	sor.u32 $0x1C03, s9;
	s6 =	sshrl.u32 s30, $0x3;
	s4 =	sadd.s32 $0x2600, s29  }
0x9: {  	[spmem:s6], [sflag:s5] =	dma.local [hbm:s4], $0x13C0  }
0xa: {  	s12 =	simm.s32 $0x1;
	s11 =	sor.u32 s9, s8;
	_ =	swait.ge [sflag:s7], $0x13C0  }
0xb: {  	s15 =	ssub.s32 $0x2, s10;
	s8 =	sshrl.u32 s11, $0x3;
	[sflag:s7] =	ssyncset.done $0x0  }
0xc: {  	s10 =	simm.s32 $0x40;
	s8 =	sadd.s32 s8, s13;
	[sflag:s7] =	ssyncadd.s32 $0xFFFFEC40  }
0xd: {  	s9 =	simm.s32 $0x9E00;
	s8 =	sadd.s32 $0x2E200, s8;
	[bflag:$0x0] =	sbarrier.arrive $0xFFFF  }
0xe: {  	[tilespmem:s9], [sflag:$0x3] =	stream.linear.gather [hbm4b:s8+s3], $0x40, $0x38;
	[tilespmem:$0xAE40] =	vst v63  }
0xf: {  	s31 =	sshrl.u32 s15, $0x1;
	s14 =	sshll.u32 s11, $0x3;
	_ =	swait.ge [sflag:s7], $0x40  }
0x10: {  	s13 =	sadd.s32 s14, s13;
	s14 =	ssub.s32 s15, s31;
	[sflag:s7] =	ssyncset.done $0x0  }
0x11: {  	s11 =	simm.s32 $0x9E40;
	s15 =	smax.u32 s14, $0x1;
	[sflag:s7] =	ssyncadd.s32 $0xFFFFFFC0  }
0x12: {  	[tilespmem:s11], [sflag:$0x1] =	stream.indirect.gather [spmem:s2], $0x40, s9, s10, $0xb8;
	[tilespmem:$0xAE40] =	vst v63  }
0x13: {  	p0 =	sne.s32 s15, $0x1;
	_ =	swait.ge [sflag:s12], $0x1000  }
.Ltmp0:
0x14: {  	[sflag:s12] =	ssyncset.done $0x0;
	(pc) =	sbr.rel @!p0 .LBB2_2-.Ltmp0, $4  }
0x15: {  	s13 =	sadd.s32 $0x2E400, s13;
	s14 =	simm.s32 $0x2;
	[sflag:s12] =	ssyncadd.s32 $0xFFFFF000  }
0x16: {  	[hbm4b:s13+s3] =	stream.linear.scatter [tilespmem:s11], [sflag:$0x2], $0x1000, $0x38;
	[tilespmem:$0xAE40] =	vst v63  }
0x17: {  	_ =	swait.ge [sflag:s14], $0x1000  }
0x18: {  	s15 =	sadd.s32 $0xFFFFFFFF, s15;
	[sflag:s14] =	ssyncset.done $0x0  }
.LBB2_1:
0x19: {  	p0 =	sne.s32 s15, $0x1;
	s15 =	sadd.s32 $0xFFFFFFFF, s15;
	[sflag:s14] =	ssyncadd.s32 $0xFFFFF000  }
0x1a: {  	[spmem:s6], [sflag:s5] =	dma.local [hbm:s4], $0x13C0  }
0x1b: {  	_ =	swait.ge [sflag:s7], $0x13C0  }
0x1c: {  	[sflag:s7] =	ssyncset.done $0x0  }
0x1d: {  	[sflag:s7] =	ssyncadd.s32 $0xFFFFEC40  }
0x1e: {  	[bflag:$0x0] =	sbarrier.arrive $0xFFFF  }
0x1f: {  	[tilespmem:s9], [sflag:$0x3] =	stream.linear.gather [hbm4b:s8+s3], $0x40, $0x38;
	[tilespmem:$0xAE40] =	vst v63  }
0x20: {  	_ =	swait.ge [sflag:s7], $0x40  }
0x21: {  	[sflag:s7] =	ssyncset.done $0x0  }
0x22: {  	[sflag:s7] =	ssyncadd.s32 $0xFFFFFFC0  }
0x23: {  	[tilespmem:s11], [sflag:$0x1] =	stream.indirect.gather [spmem:s2], $0x40, s9, s10, $0xb8;
	[tilespmem:$0xAE40] =	vst v63  }
0x24: {  	_ =	swait.ge [sflag:s12], $0x1000  }
.Ltmp1:
0x25: {  	[sflag:s12] =	ssyncset.done $0x0;
	(pc) =	sbr.rel @p0 .LBB2_1-.Ltmp1, $4  }
0x26: {  	[sflag:s12] =	ssyncadd.s32 $0xFFFFF000  }
0x27: {  	[hbm4b:s13+s3] =	stream.linear.scatter [tilespmem:s11], [sflag:$0x2], $0x1000, $0x38;
	[tilespmem:$0xAE40] =	vst v63  }
0x28: {  	_ =	swait.ge [sflag:s14], $0x1000  }
0x29: {  	[sflag:s14] =	ssyncset.done $0x0  }
.LBB2_2:
0x2a: {  	[sflag:s14] =	ssyncadd.s32 $0xFFFFF000  }
0x2b: {  	_ =	sfence.sel $0x180000  }
0x2c: {  	[bflag:$0x0] =	sbarrier.arrive $0xFFFF  }
0x2d: {  	p0 =	sne.s32 s0, $0x0;
	_ =	strace $0x90000056  }
0x2e: {  	s0 =	sadd.s32 @!p0 $0x100000, s1;
	[bflag:$0x2] =	sbarrier.arrive $0xFFFF  }
0x2f: {  	[sflag:s0] =	ssyncadd.tile.s32 @!p0 $0x1;
	_ =	shalt  }
.Lfunc_end2:
_tile_overlayer_lowered:
.L_overlay_start_2:
0x30: {  	(tag) =	ssettag $0x2  }
0x31: {  	s0 =	rddreg [dreg:$0x0];
	s2 =	stileid.u32  }
0x32: {  	s1 =	rddreg [dreg:$0x1];
	p0 =	sne.s32 s2, $0x0  }
0x33: {  	s3 =	rddreg [dreg:$0x2];
	[bflag:$0x3] =	sbarrier.arrive $0xFFFF;
	s2 =	simm.s32 @!p0 $0x1C03  }
0x34: {  	[timem:s3], [sflag:s2] =	dma.local @!p0 [hbm:s0], s1  }
0x35: {  	s0 =	simm.s32 @!p0 $0x3  }
0x36: {  	_ =	swait.ge @!p0 [sflag:s0], s1  }
0x37: {  	s1 =	ssub.s32 @!p0 $0x0, s1;
	[sflag:s0] =	ssyncset.done @!p0 $0x0  }
0x38: {  	[sflag:s0] =	ssyncadd.s32 @!p0 s1  }
0x39: {  	[bflag:$0x3] =	sbarrier.arrive $0xFFFF  }
0x3a: {  	_ =	shalt  }

</sc_bundles>
